<compile_context>
chip_gen: v7x
topology: tpu7x:2x2x1
jax: 0.10.2.dev20260603
libtpu: 0.0.44.dev20260713+nightly
codegen_flags: <defaults>
</compile_context>

<pallas_src>
import functools

import jax
import jax.numpy as jnp
from jax import lax
from jax.experimental import pallas as pl
from jax.experimental.pallas import tpu as pltpu
from jax.experimental.pallas import tpu_sc as plsc

N = 16384
C = 1000
NT = 16
B = N // NT
NCHUNK = 8
CHUNK = B // NCHUNK
L = 16


@functools.partial(
    pl.kernel,
    mesh=plsc.VectorSubcoreMesh(core_axis_name="c", subcore_axis_name="s",
                                num_cores=1),
    out_type=jax.ShapeDtypeStruct((NT, L), jnp.float32),
    scratch_types=[
        pltpu.VMEM((NCHUNK, CHUNK), jnp.int32),
        pltpu.VMEM((NCHUNK, CHUNK), jnp.float32),
        pltpu.VMEM((B,), jnp.int32),
        pltpu.VMEM((B,), jnp.float32),
        pltpu.VMEM((L,), jnp.float32),
        pltpu.SemaphoreType.DMA,
    ],
)
def _gan_loss_sc(prob_hbm, target_hbm, reward_hbm, out_hbm,
                 idx_v, vals_v, tgt_v, rew_v, part_v, sem):
    sid = lax.axis_index("s")
    base = sid * B

    cp_t = pltpu.async_copy(target_hbm.at[pl.ds(base, B)], tgt_v, sem)
    cp_r = pltpu.async_copy(reward_hbm.at[pl.ds(base, B)], rew_v, sem)
    cp_t.wait()
    cp_r.wait()

    for r in range(NCHUNK):
        for k in range(CHUNK // L):
            off = r * CHUNK + k * L
            t = tgt_v[pl.ds(off, L)]
            n = (base + off) + lax.iota(jnp.int32, L)
            idx = (((t >> 3) << 17) + ((n >> 7) << 10)
                   + ((t & 7) << 7) + (n & 127))
            idx_v[r, pl.ds(k * L, L)] = idx

    copies = [
        pltpu.async_copy(prob_hbm.at[idx_v.at[r]], vals_v.at[r], sem)
        for r in range(NCHUNK)
    ]
    for cp in copies:
        cp.wait()

    acc = jnp.zeros((L,), jnp.float32)
    for r in range(NCHUNK):
        for k in range(CHUNK // L):
            off = r * CHUNK + k * L
            acc = acc + vals_v[r, pl.ds(k * L, L)] * rew_v[pl.ds(off, L)]

    part_v[...] = acc
    pltpu.sync_copy(part_v, out_hbm.at[sid])


def _reduce_tc_body(parts_hbm, out_ref, parts_v, sem):
    pltpu.make_async_copy(parts_hbm, parts_v, sem).start()
    pltpu.make_async_copy(parts_hbm, parts_v, sem).wait()
    out_ref[0, 0] = -jnp.sum(parts_v[...])


_reduce_tc = pl.pallas_call(
    _reduce_tc_body,
    out_shape=jax.ShapeDtypeStruct((1, 1), jnp.float32),
    in_specs=[pl.BlockSpec(memory_space=pl.ANY)],
    out_specs=pl.BlockSpec(memory_space=pltpu.SMEM),
    scratch_shapes=[
        pltpu.VMEM((NT, L), jnp.float32),
        pltpu.SemaphoreType.DMA,
    ],
)


def kernel(prob, target, reward):
    flat = (prob.T.reshape(C // 8, 8, N // 128, 128)
            .transpose(0, 2, 1, 3)
            .reshape(N * C))
    parts = _gan_loss_sc(flat, target, reward)
    return jnp.reshape(_reduce_tc(parts), ())

# --- scband reference (transcript-rebuilt; emitter-appended) ---
"""Pipeline reference for scband-ganloss-79319456023015 (READ-ONLY COPY).

The authoritative reference and input builder live on the scoring server;
editing this copy changes nothing except your own understanding.
"""

import jax, jax.numpy as jnp
import numpy as np


def setup_inputs(seed: int = 0) -> dict:
    key = jax.random.key(seed)
    k1, k2, k3 = jax.random.split(key, 3)
    prob = jax.random.normal(k1, (16384, 1000), dtype=jnp.float32)
    target = jax.random.randint(k2, (16384,), 0, 1000, dtype=jnp.int64 if jax.config.read('jax_enable_x64') else jnp.int32).astype(jnp.int32)
    reward = jax.random.uniform(k3, (16384,), dtype=jnp.float32)
    return {"prob": prob, "target": target, "reward": reward}


def reference(prob, target, reward):
    # GANLoss.forward_reinforce: one_hot scatter + masked_select == gather of
    # prob at the target index per row, weighted by per-sample reward,
    # negated and summed (REINFORCE NLL loss for SeqGAN generator).
    selected = jnp.take_along_axis(prob, target[:, None].astype(jnp.int32), axis=1)[:, 0]
    loss = selected * reward
    loss = -jnp.sum(loss)
    return loss

if __name__ == "__main__":
    import jax
    _d = setup_inputs()
    print(jax.jit(kernel)(*tuple(_d.values())))

</pallas_src>

<mosaic_0001>
#map = affine_map<(d0, d1) -> (0)>
#map1 = affine_map<(d0, d1) -> (0, 0)>
module attributes {stable_mosaic.version = 14 : i64} {
  func.func @_gan_loss_sc(%arg0: i32, %arg1: i32, %arg2: memref<16384000xf32, #tpu.memory_space<hbm>>, %arg3: memref<16384xi32, #tpu.memory_space<hbm>>, %arg4: memref<16384xf32, #tpu.memory_space<hbm>>, %arg5: memref<16x16xf32, #tpu.memory_space<hbm>>, %arg6: memref<8x128xi32, #tpu.memory_space<vmem>>, %arg7: memref<8x128xf32, #tpu.memory_space<vmem>>, %arg8: memref<1024xi32, #tpu.memory_space<vmem>>, %arg9: memref<1024xf32, #tpu.memory_space<vmem>>, %arg10: memref<16xf32, #tpu.memory_space<vmem>>, %arg11: memref<!tpu.dma_semaphore, #tpu.memory_space<semaphore_mem>>) attributes {dimension_semantics = [#tpu.dimension_semantics<core_parallel>, #tpu.dimension_semantics<subcore_parallel>], iteration_bounds = array<i64: 1, 16>, scalar_prefetch = 0 : i64, scratch_operands = 6 : i64, tpu.core_type = #tpu.core_type<sc_vector_subcore>, window_params = [{transform_indices = #map}, {transform_indices = #map}, {transform_indices = #map}, {transform_indices = #map1}]} {
    %mul3A = arith.constant 1024 : i32
    %mul3A_0 = arith.muli %arg1, %mul3A : i32
    %dma_start3A = tpu.memref_slice %arg3[%mul3A_0] : memref<16384xi32, #tpu.memory_space<hbm>> -> memref<1024xi32, #tpu.memory_space<hbm>>
    %dma_start3A_1 = tpu.memref_slice %arg3[%mul3A_0] : memref<16384xi32, #tpu.memory_space<hbm>> -> memref<1024xi32, #tpu.memory_space<hbm>>
    tpu.enqueue_dma source(%dma_start3A_1 : memref<1024xi32, #tpu.memory_space<hbm>>) target(%arg8 : memref<1024xi32, #tpu.memory_space<vmem>>) target_semaphore(%arg11 : memref<!tpu.dma_semaphore, #tpu.memory_space<semaphore_mem>>)
    %dma_start3A_2 = tpu.memref_slice %arg4[%mul3A_0] : memref<16384xf32, #tpu.memory_space<hbm>> -> memref<1024xf32, #tpu.memory_space<hbm>>
    %dma_start3A_3 = tpu.memref_slice %arg4[%mul3A_0] : memref<16384xf32, #tpu.memory_space<hbm>> -> memref<1024xf32, #tpu.memory_space<hbm>>
    tpu.enqueue_dma source(%dma_start3A_3 : memref<1024xf32, #tpu.memory_space<hbm>>) target(%arg9 : memref<1024xf32, #tpu.memory_space<vmem>>) target_semaphore(%arg11 : memref<!tpu.dma_semaphore, #tpu.memory_space<semaphore_mem>>)
    %dma_wait3A = tpu.memref_slice %arg3[%mul3A_0] : memref<16384xi32, #tpu.memory_space<hbm>> -> memref<1024xi32, #tpu.memory_space<hbm>>
    %dma_wait3A_4 = tpu.memref_slice %arg3[%mul3A_0] : memref<16384xi32, #tpu.memory_space<hbm>> -> memref<1024xi32, #tpu.memory_space<hbm>>
    tpu.wait_dma2 semaphore(%arg11 : memref<!tpu.dma_semaphore, #tpu.memory_space<semaphore_mem>>) src(%dma_wait3A_4 : memref<1024xi32, #tpu.memory_space<hbm>>) dst(%arg8 : memref<1024xi32, #tpu.memory_space<vmem>>)
    %dma_wait3A_5 = tpu.memref_slice %arg4[%mul3A_0] : memref<16384xf32, #tpu.memory_space<hbm>> -> memref<1024xf32, #tpu.memory_space<hbm>>
    %dma_wait3A_6 = tpu.memref_slice %arg4[%mul3A_0] : memref<16384xf32, #tpu.memory_space<hbm>> -> memref<1024xf32, #tpu.memory_space<hbm>>
    tpu.wait_dma2 semaphore(%arg11 : memref<!tpu.dma_semaphore, #tpu.memory_space<semaphore_mem>>) src(%dma_wait3A_6 : memref<1024xf32, #tpu.memory_space<hbm>>) dst(%arg9 : memref<1024xf32, #tpu.memory_space<vmem>>)
    %get3A = arith.constant 0 : index
    %get3A_7 = tpu.vector_load %arg8[%get3A] {strides = array<i32>} : memref<1024xi32, #tpu.memory_space<vmem>>, vector<16xi32>,
    %get3A_8 = vector.shape_cast %get3A_7 : vector<16xi32> to vector<16xi32>
    %add3A = arith.constant 0 : i32
    %add3A_9 = arith.addi %mul3A_0, %add3A : i32
    %iota3A = tpu.iota {dimensions = array<i32: 0>} : vector<16xi32>
    %add3A_10 = vector.broadcast %add3A_9 : i32 to vector<16xi32>
    %add3A_11 = arith.addi %add3A_10, %iota3A : vector<16xi32>
    %shift_right_arithmetic3A = arith.constant 3 : i32
    %shift_right_arithmetic3A_12 = vector.broadcast %shift_right_arithmetic3A : i32 to vector<16xi32>
    %shift_right_arithmetic3A_13 = arith.shrsi %get3A_8, %shift_right_arithmetic3A_12 : vector<16xi32>
    %shift_left3A = arith.constant 17 : i32
    %shift_left3A_14 = vector.broadcast %shift_left3A : i32 to vector<16xi32>
    %shift_left3A_15 = arith.shli %shift_right_arithmetic3A_13, %shift_left3A_14 : vector<16xi32>
    %shift_right_arithmetic3A_16 = arith.constant 7 : i32
    %shift_right_arithmetic3A_17 = vector.broadcast %shift_right_arithmetic3A_16 : i32 to vector<16xi32>
    %shift_right_arithmetic3A_18 = arith.shrsi %add3A_11, %shift_right_arithmetic3A_17 : vector<16xi32>
    %shift_left3A_19 = arith.constant 10 : i32
    %shift_left3A_20 = vector.broadcast %shift_left3A_19 : i32 to vector<16xi32>
    %shift_left3A_21 = arith.shli %shift_right_arithmetic3A_18, %shift_left3A_20 : vector<16xi32>
    %add3A_22 = arith.addi %shift_left3A_15, %shift_left3A_21 : vector<16xi32>
    %and3A = arith.constant 7 : i32
    %and3A_23 = vector.broadcast %and3A : i32 to vector<16xi32>
    %and3A_24 = arith.andi %get3A_8, %and3A_23 : vector<16xi32>
    %shift_left3A_25 = arith.constant 7 : i32
    %shift_left3A_26 = vector.broadcast %shift_left3A_25 : i32 to vector<16xi32>
    %shift_left3A_27 = arith.shli %and3A_24, %shift_left3A_26 : vector<16xi32>
    %add3A_28 = arith.addi %add3A_22, %shift_left3A_27 : vector<16xi32>
    %and3A_29 = arith.constant 127 : i32
    %and3A_30 = vector.broadcast %and3A_29 : i32 to vector<16xi32>
    %and3A_31 = arith.andi %add3A_11, %and3A_30 : vector<16xi32>
    %add3A_32 = arith.addi %add3A_28, %and3A_31 : vector<16xi32>
    %swap3A = arith.constant 0 : i32
    %swap3A_33 = arith.index_cast %swap3A : i32 to index
    %swap3A_34 = arith.constant 0 : index
    %swap3A_35 = tpu.vector_load %arg6[%swap3A_33, %swap3A_34] {strides = array<i32>} : memref<8x128xi32, #tpu.memory_space<vmem>>, vector<1x16xi32>,
    %swap3A_36 = vector.shape_cast %swap3A_35 : vector<1x16xi32> to vector<16xi32>
    %swap3A_37 = vector.shape_cast %add3A_32 : vector<16xi32> to vector<1x16xi32>
    tpu.vector_store %arg6[%swap3A_33, %swap3A_34], %swap3A_37 {strides = array<i32>} : memref<8x128xi32, #tpu.memory_space<vmem>>, vector<1x16xi32>,
    %get3A_38 = arith.constant 16 : index
    %get3A_39 = tpu.vector_load %arg8[%get3A_38] {strides = array<i32>} : memref<1024xi32, #tpu.memory_space<vmem>>, vector<16xi32>,
    %get3A_40 = vector.shape_cast %get3A_39 : vector<16xi32> to vector<16xi32>
    %add3A_41 = arith.constant 16 : i32
    %add3A_42 = arith.addi %mul3A_0, %add3A_41 : i32
    %iota3A_43 = tpu.iota {dimensions = array<i32: 0>} : vector<16xi32>
    %add3A_44 = vector.broadcast %add3A_42 : i32 to vector<16xi32>
    %add3A_45 = arith.addi %add3A_44, %iota3A_43 : vector<16xi32>
    %shift_right_arithmetic3A_46 = arith.constant 3 : i32
    %shift_right_arithmetic3A_47 = vector.broadcast %shift_right_arithmetic3A_46 : i32 to vector<16xi32>
    %shift_right_arithmetic3A_48 = arith.shrsi %get3A_40, %shift_right_arithmetic3A_47 : vector<16xi32>
    %shift_left3A_49 = arith.constant 17 : i32
    %shift_left3A_50 = vector.broadcast %shift_left3A_49 : i32 to vector<16xi32>
    %shift_left3A_51 = arith.shli %shift_right_arithmetic3A_48, %shift_left3A_50 : vector<16xi32>
    %shift_right_arithmetic3A_52 = arith.constant 7 : i32
    %shift_right_arithmetic3A_53 = vector.broadcast %shift_right_arithmetic3A_52 : i32 to vector<16xi32>
    %shift_right_arithmetic3A_54 = arith.shrsi %add3A_45, %shift_right_arithmetic3A_53 : vector<16xi32>
    %shift_left3A_55 = arith.constant 10 : i32
    %shift_left3A_56 = vector.broadcast %shift_left3A_55 : i32 to vector<16xi32>
    %shift_left3A_57 = arith.shli %shift_right_arithmetic3A_54, %shift_left3A_56 : vector<16xi32>
    %add3A_58 = arith.addi %shift_left3A_51, %shift_left3A_57 : vector<16xi32>
    %and3A_59 = arith.constant 7 : i32
    %and3A_60 = vector.broadcast %and3A_59 : i32 to vector<16xi32>
    %and3A_61 = arith.andi %get3A_40, %and3A_60 : vector<16xi32>
    %shift_left3A_62 = arith.constant 7 : i32
    %shift_left3A_63 = vector.broadcast %shift_left3A_62 : i32 to vector<16xi32>
    %shift_left3A_64 = arith.shli %and3A_61, %shift_left3A_63 : vector<16xi32>
    %add3A_65 = arith.addi %add3A_58, %shift_left3A_64 : vector<16xi32>
    %and3A_66 = arith.constant 127 : i32
    %and3A_67 = vector.broadcast %and3A_66 : i32 to vector<16xi32>
    %and3A_68 = arith.andi %add3A_45, %and3A_67 : vector<16xi32>
    %add3A_69 = arith.addi %add3A_65, %and3A_68 : vector<16xi32>
    %swap3A_70 = arith.constant 0 : i32
    %swap3A_71 = arith.index_cast %swap3A_70 : i32 to index
    %swap3A_72 = arith.constant 16 : index
    %swap3A_73 = tpu.vector_load %arg6[%swap3A_71, %swap3A_72] {strides = array<i32>} : memref<8x128xi32, #tpu.memory_space<vmem>>, vector<1x16xi32>,
    %swap3A_74 = vector.shape_cast %swap3A_73 : vector<1x16xi32> to vector<16xi32>
    %swap3A_75 = vector.shape_cast %add3A_69 : vector<16xi32> to vector<1x16xi32>
    tpu.vector_store %arg6[%swap3A_71, %swap3A_72], %swap3A_75 {strides = array<i32>} : memref<8x128xi32, #tpu.memory_space<vmem>>, vector<1x16xi32>,
    %get3A_76 = arith.constant 32 : index
    %get3A_77 = tpu.vector_load %arg8[%get3A_76] {strides = array<i32>} : memref<1024xi32, #tpu.memory_space<vmem>>, vector<16xi32>,
    %get3A_78 = vector.shape_cast %get3A_77 : vector<16xi32> to vector<16xi32>
    %add3A_79 = arith.constant 32 : i32
    %add3A_80 = arith.addi %mul3A_0, %add3A_79 : i32
    %iota3A_81 = tpu.iota {dimensions = array<i32: 0>} : vector<16xi32>
    %add3A_82 = vector.broadcast %add3A_80 : i32 to vector<16xi32>
    %add3A_83 = arith.addi %add3A_82, %iota3A_81 : vector<16xi32>
    %shift_right_arithmetic3A_84 = arith.constant 3 : i32
    %shift_right_arithmetic3A_85 = vector.broadcast %shift_right_arithmetic3A_84 : i32 to vector<16xi32>
    %shift_right_arithmetic3A_86 = arith.shrsi %get3A_78, %shift_right_arithmetic3A_85 : vector<16xi32>
    %shift_left3A_87 = arith.constant 17 : i32
    %shift_left3A_88 = vector.broadcast %shift_left3A_87 : i32 to vector<16xi32>
    %shift_left3A_89 = arith.shli %shift_right_arithmetic3A_86, %shift_left3A_88 : vector<16xi32>
    %shift_right_arithmetic3A_90 = arith.constant 7 : i32
    %shift_right_arithmetic3A_91 = vector.broadcast %shift_right_arithmetic3A_90 : i32 to vector<16xi32>
    %shift_right_arithmetic3A_92 = arith.shrsi %add3A_83, %shift_right_arithmetic3A_91 : vector<16xi32>
    %shift_left3A_93 = arith.constant 10 : i32
    %shift_left3A_94 = vector.broadcast %shift_left3A_93 : i32 to vector<16xi32>
    %shift_left3A_95 = arith.shli %shift_right_arithmetic3A_92, %shift_left3A_94 : vector<16xi32>
    %add3A_96 = arith.addi %shift_left3A_89, %shift_left3A_95 : vector<16xi32>
    %and3A_97 = arith.constant 7 : i32
    %and3A_98 = vector.broadcast %and3A_97 : i32 to vector<16xi32>
    %and3A_99 = arith.andi %get3A_78, %and3A_98 : vector<16xi32>
    %shift_left3A_100 = arith.constant 7 : i32
    %shift_left3A_101 = vector.broadcast %shift_left3A_100 : i32 to vector<16xi32>
    %shift_left3A_102 = arith.shli %and3A_99, %shift_left3A_101 : vector<16xi32>
    %add3A_103 = arith.addi %add3A_96, %shift_left3A_102 : vector<16xi32>
    %and3A_104 = arith.constant 127 : i32
    %and3A_105 = vector.broadcast %and3A_104 : i32 to vector<16xi32>
    %and3A_106 = arith.andi %add3A_83, %and3A_105 : vector<16xi32>
    %add3A_107 = arith.addi %add3A_103, %and3A_106 : vector<16xi32>
    %swap3A_108 = arith.constant 0 : i32
    %swap3A_109 = arith.index_cast %swap3A_108 : i32 to index
    %swap3A_110 = arith.constant 32 : index
    %swap3A_111 = tpu.vector_load %arg6[%swap3A_109, %swap3A_110] {strides = array<i32>} : memref<8x128xi32, #tpu.memory_space<vmem>>, vector<1x16xi32>,
    %swap3A_112 = vector.shape_cast %swap3A_111 : vector<1x16xi32> to vector<16xi32>
    %swap3A_113 = vector.shape_cast %add3A_107 : vector<16xi32> to vector<1x16xi32>
    tpu.vector_store %arg6[%swap3A_109, %swap3A_110], %swap3A_113 {strides = array<i32>} : memref<8x128xi32, #tpu.memory_space<vmem>>, vector<1x16xi32>,
    %get3A_114 = arith.constant 48 : index
    %get3A_115 = tpu.vector_load %arg8[%get3A_114] {strides = array<i32>} : memref<1024xi32, #tpu.memory_space<vmem>>, vector<16xi32>,
    %get3A_116 = vector.shape_cast %get3A_115 : vector<16xi32> to vector<16xi32>
    %add3A_117 = arith.constant 48 : i32
    %add3A_118 = arith.addi %mul3A_0, %add3A_117 : i32
    %iota3A_119 = tpu.iota {dimensions = array<i32: 0>} : vector<16xi32>
    %add3A_120 = vector.broadcast %add3A_118 : i32 to vector<16xi32>
    %add3A_121 = arith.addi %add3A_120, %iota3A_119 : vector<16xi32>
    %shift_right_arithmetic3A_122 = arith.constant 3 : i32
    %shift_right_arithmetic3A_123 = vector.broadcast %shift_right_arithmetic3A_122 : i32 to vector<16xi32>
    %shift_right_arithmetic3A_124 = arith.shrsi %get3A_116, %shift_right_arithmetic3A_123 : vector<16xi32>
    %shift_left3A_125 = arith.constant 17 : i32
    %shift_left3A_126 = vector.broadcast %shift_left3A_125 : i32 to vector<16xi32>
    %shift_left3A_127 = arith.shli %shift_right_arithmetic3A_124, %shift_left3A_126 : vector<16xi32>
    %shift_right_arithmetic3A_128 = arith.constant 7 : i32
    %shift_right_arithmetic3A_129 = vector.broadcast %shift_right_arithmetic3A_128 : i32 to vector<16xi32>
    %shift_right_arithmetic3A_130 = arith.shrsi %add3A_121, %shift_right_arithmetic3A_129 : vector<16xi32>
    %shift_left3A_131 = arith.constant 10 : i32
    %shift_left3A_132 = vector.broadcast %shift_left3A_131 : i32 to vector<16xi32>
    %shift_left3A_133 = arith.shli %shift_right_arithmetic3A_130, %shift_left3A_132 : vector<16xi32>
    %add3A_134 = arith.addi %shift_left3A_127, %shift_left3A_133 : vector<16xi32>
    %and3A_135 = arith.constant 7 : i32
    %and3A_136 = vector.broadcast %and3A_135 : i32 to vector<16xi32>
    %and3A_137 = arith.andi %get3A_116, %and3A_136 : vector<16xi32>
    %shift_left3A_138 = arith.constant 7 : i32
    %shift_left3A_139 = vector.broadcast %shift_left3A_138 : i32 to vector<16xi32>
    %shift_left3A_140 = arith.shli %and3A_137, %shift_left3A_139 : vector<16xi32>
    %add3A_141 = arith.addi %add3A_134, %shift_left3A_140 : vector<16xi32>
    %and3A_142 = arith.constant 127 : i32
    %and3A_143 = vector.broadcast %and3A_142 : i32 to vector<16xi32>
    %and3A_144 = arith.andi %add3A_121, %and3A_143 : vector<16xi32>
    %add3A_145 = arith.addi %add3A_141, %and3A_144 : vector<16xi32>
    %swap3A_146 = arith.constant 0 : i32
    %swap3A_147 = arith.index_cast %swap3A_146 : i32 to index
    %swap3A_148 = arith.constant 48 : index
    %swap3A_149 = tpu.vector_load %arg6[%swap3A_147, %swap3A_148] {strides = array<i32>} : memref<8x128xi32, #tpu.memory_space<vmem>>, vector<1x16xi32>,
    %swap3A_150 = vector.shape_cast %swap3A_149 : vector<1x16xi32> to vector<16xi32>
    %swap3A_151 = vector.shape_cast %add3A_145 : vector<16xi32> to vector<1x16xi32>
    tpu.vector_store %arg6[%swap3A_147, %swap3A_148], %swap3A_151 {strides = array<i32>} : memref<8x128xi32, #tpu.memory_space<vmem>>, vector<1x16xi32>,
    %get3A_152 = arith.constant 64 : index
    %get3A_153 = tpu.vector_load %arg8[%get3A_152] {strides = array<i32>} : memref<1024xi32, #tpu.memory_space<vmem>>, vector<16xi32>,
    %get3A_154 = vector.shape_cast %get3A_153 : vector<16xi32> to vector<16xi32>
    %add3A_155 = arith.constant 64 : i32
    %add3A_156 = arith.addi %mul3A_0, %add3A_155 : i32
    %iota3A_157 = tpu.iota {dimensions = array<i32: 0>} : vector<16xi32>
    %add3A_158 = vector.broadcast %add3A_156 : i32 to vector<16xi32>
    %add3A_159 = arith.addi %add3A_158, %iota3A_157 : vector<16xi32>
    %shift_right_arithmetic3A_160 = arith.constant 3 : i32
    %shift_right_arithmetic3A_161 = vector.broadcast %shift_right_arithmetic3A_160 : i32 to vector<16xi32>
    %shift_right_arithmetic3A_162 = arith.shrsi %get3A_154, %shift_right_arithmetic3A_161 : vector<16xi32>
    %shift_left3A_163 = arith.constant 17 : i32
    %shift_left3A_164 = vector.broadcast %shift_left3A_163 : i32 to vector<16xi32>
    %shift_left3A_165 = arith.shli %shift_right_arithmetic3A_162, %shift_left3A_164 : vector<16xi32>
    %shift_right_arithmetic3A_166 = arith.constant 7 : i32
    %shift_right_arithmetic3A_167 = vector.broadcast %shift_right_arithmetic3A_166 : i32 to vector<16xi32>
    %shift_right_arithmetic3A_168 = arith.shrsi %add3A_159, %shift_right_arithmetic3A_167 : vector<16xi32>
    %shift_left3A_169 = arith.constant 10 : i32
    %shift_left3A_170 = vector.broadcast %shift_left3A_169 : i32 to vector<16xi32>
    %shift_left3A_171 = arith.shli %shift_right_arithmetic3A_168, %shift_left3A_170 : vector<16xi32>
    %add3A_172 = arith.addi %shift_left3A_165, %shift_left3A_171 : vector<16xi32>
    %and3A_173 = arith.constant 7 : i32
    %and3A_174 = vector.broadcast %and3A_173 : i32 to vector<16xi32>
    %and3A_175 = arith.andi %get3A_154, %and3A_174 : vector<16xi32>
    %shift_left3A_176 = arith.constant 7 : i32
    %shift_left3A_177 = vector.broadcast %shift_left3A_176 : i32 to vector<16xi32>
    %shift_left3A_178 = arith.shli %and3A_175, %shift_left3A_177 : vector<16xi32>
    %add3A_179 = arith.addi %add3A_172, %shift_left3A_178 : vector<16xi32>
    %and3A_180 = arith.constant 127 : i32
    %and3A_181 = vector.broadcast %and3A_180 : i32 to vector<16xi32>
    %and3A_182 = arith.andi %add3A_159, %and3A_181 : vector<16xi32>
    %add3A_183 = arith.addi %add3A_179, %and3A_182 : vector<16xi32>
    %swap3A_184 = arith.constant 0 : i32
    %swap3A_185 = arith.index_cast %swap3A_184 : i32 to index
    %swap3A_186 = arith.constant 64 : index
    %swap3A_187 = tpu.vector_load %arg6[%swap3A_185, %swap3A_186] {strides = array<i32>} : memref<8x128xi32, #tpu.memory_space<vmem>>, vector<1x16xi32>,
    %swap3A_188 = vector.shape_cast %swap3A_187 : vector<1x16xi32> to vector<16xi32>
    %swap3A_189 = vector.shape_cast %add3A_183 : vector<16xi32> to vector<1x16xi32>
    tpu.vector_store %arg6[%swap3A_185, %swap3A_186], %swap3A_189 {strides = array<i32>} : memref<8x128xi32, #tpu.memory_space<vmem>>, vector<1x16xi32>,
    %get3A_190 = arith.constant 80 : index
    %get3A_191 = tpu.vector_load %arg8[%get3A_190] {strides = array<i32>} : memref<1024xi32, #tpu.memory_space<vmem>>, vector<16xi32>,
    %get3A_192 = vector.shape_cast %get3A_191 : vector<16xi32> to vector<16xi32>
    %add3A_193 = arith.constant 80 : i32
    %add3A_194 = arith.addi %mul3A_0, %add3A_193 : i32
    %iota3A_195 = tpu.iota {dimensions = array<i32: 0>} : vector<16xi32>
    %add3A_196 = vector.broadcast %add3A_194 : i32 to vector<16xi32>
    %add3A_197 = arith.addi %add3A_196, %iota3A_195 : vector<16xi32>
    %shift_right_arithmetic3A_198 = arith.constant 3 : i32
    %shift_right_arithmetic3A_199 = vector.broadcast %shift_right_arithmetic3A_198 : i32 to vector<16xi32>
    %shift_right_arithmetic3A_200 = arith.shrsi %get3A_192, %shift_right_arithmetic3A_199 : vector<16xi32>
    %shift_left3A_201 = arith.constant 17 : i32
    %shift_left3A_202 = vector.broadcast %shift_left3A_201 : i32 to vector<16xi32>
    %shift_left3A_203 = arith.shli %shift_right_arithmetic3A_200, %shift_left3A_202 : vector<16xi32>
    %shift_right_arithmetic3A_204 = arith.constant 7 : i32
    %shift_right_arithmetic3A_205 = vector.broadcast %shift_right_arithmetic3A_204 : i32 to vector<16xi32>
    %shift_right_arithmetic3A_206 = arith.shrsi %add3A_197, %shift_right_arithmetic3A_205 : vector<16xi32>
    %shift_left3A_207 = arith.constant 10 : i32
    %shift_left3A_208 = vector.broadcast %shift_left3A_207 : i32 to vector<16xi32>
    %shift_left3A_209 = arith.shli %shift_right_arithmetic3A_206, %shift_left3A_208 : vector<16xi32>
    %add3A_210 = arith.addi %shift_left3A_203, %shift_left3A_209 : vector<16xi32>
    %and3A_211 = arith.constant 7 : i32
    %and3A_212 = vector.broadcast %and3A_211 : i32 to vector<16xi32>
    %and3A_213 = arith.andi %get3A_192, %and3A_212 : vector<16xi32>
    %shift_left3A_214 = arith.constant 7 : i32
    %shift_left3A_215 = vector.broadcast %shift_left3A_214 : i32 to vector<16xi32>
    %shift_left3A_216 = arith.shli %and3A_213, %shift_left3A_215 : vector<16xi32>
    %add3A_217 = arith.addi %add3A_210, %shift_left3A_216 : vector<16xi32>
    %and3A_218 = arith.constant 127 : i32
    %and3A_219 = vector.broadcast %and3A_218 : i32 to vector<16xi32>
    %and3A_220 = arith.andi %add3A_197, %and3A_219 : vector<16xi32>
    %add3A_221 = arith.addi %add3A_217, %and3A_220 : vector<16xi32>
    %swap3A_222 = arith.constant 0 : i32
    %swap3A_223 = arith.index_cast %swap3A_222 : i32 to index
    %swap3A_224 = arith.constant 80 : index
    %swap3A_225 = tpu.vector_load %arg6[%swap3A_223, %swap3A_224] {strides = array<i32>} : memref<8x128xi32, #tpu.memory_space<vmem>>, vector<1x16xi32>,
    %swap3A_226 = vector.shape_cast %swap3A_225 : vector<1x16xi32> to vector<16xi32>
    %swap3A_227 = vector.shape_cast %add3A_221 : vector<16xi32> to vector<1x16xi32>
    tpu.vector_store %arg6[%swap3A_223, %swap3A_224], %swap3A_227 {strides = array<i32>} : memref<8x128xi32, #tpu.memory_space<vmem>>, vector<1x16xi32>,
    %get3A_228 = arith.constant 96 : index
    %get3A_229 = tpu.vector_load %arg8[%get3A_228] {strides = array<i32>} : memref<1024xi32, #tpu.memory_space<vmem>>, vector<16xi32>,
    %get3A_230 = vector.shape_cast %get3A_229 : vector<16xi32> to vector<16xi32>
    %add3A_231 = arith.constant 96 : i32
    %add3A_232 = arith.addi %mul3A_0, %add3A_231 : i32
    %iota3A_233 = tpu.iota {dimensions = array<i32: 0>} : vector<16xi32>
    %add3A_234 = vector.broadcast %add3A_232 : i32 to vector<16xi32>
    %add3A_235 = arith.addi %add3A_234, %iota3A_233 : vector<16xi32>
    %shift_right_arithmetic3A_236 = arith.constant 3 : i32
    %shift_right_arithmetic3A_237 = vector.broadcast %shift_right_arithmetic3A_236 : i32 to vector<16xi32>
    %shift_right_arithmetic3A_238 = arith.shrsi %get3A_230, %shift_right_arithmetic3A_237 : vector<16xi32>
    %shift_left3A_239 = arith.constant 17 : i32
    %shift_left3A_240 = vector.broadcast %shift_left3A_239 : i32 to vector<16xi32>
    %shift_left3A_241 = arith.shli %shift_right_arithmetic3A_238, %shift_left3A_240 : vector<16xi32>
    %shift_right_arithmetic3A_242 = arith.constant 7 : i32
    %shift_right_arithmetic3A_243 = vector.broadcast %shift_right_arithmetic3A_242 : i32 to vector<16xi32>
    %shift_right_arithmetic3A_244 = arith.shrsi %add3A_235, %shift_right_arithmetic3A_243 : vector<16xi32>
    %shift_left3A_245 = arith.constant 10 : i32
    %shift_left3A_246 = vector.broadcast %shift_left3A_245 : i32 to vector<16xi32>
    %shift_left3A_247 = arith.shli %shift_right_arithmetic3A_244, %shift_left3A_246 : vector<16xi32>
    %add3A_248 = arith.addi %shift_left3A_241, %shift_left3A_247 : vector<16xi32>
    %and3A_249 = arith.constant 7 : i32
    %and3A_250 = vector.broadcast %and3A_249 : i32 to vector<16xi32>
    %and3A_251 = arith.andi %get3A_230, %and3A_250 : vector<16xi32>
    %shift_left3A_252 = arith.constant 7 : i32
    %shift_left3A_253 = vector.broadcast %shift_left3A_252 : i32 to vector<16xi32>
    %shift_left3A_254 = arith.shli %and3A_251, %shift_left3A_253 : vector<16xi32>
    %add3A_255 = arith.addi %add3A_248, %shift_left3A_254 : vector<16xi32>
    %and3A_256 = arith.constant 127 : i32
    %and3A_257 = vector.broadcast %and3A_256 : i32 to vector<16xi32>
    %and3A_258 = arith.andi %add3A_235, %and3A_257 : vector<16xi32>
    %add3A_259 = arith.addi %add3A_255, %and3A_258 : vector<16xi32>
    %swap3A_260 = arith.constant 0 : i32
    %swap3A_261 = arith.index_cast %swap3A_260 : i32 to index
    %swap3A_262 = arith.constant 96 : index
    %swap3A_263 = tpu.vector_load %arg6[%swap3A_261, %swap3A_262] {strides = array<i32>} : memref<8x128xi32, #tpu.memory_space<vmem>>, vector<1x16xi32>,
    %swap3A_264 = vector.shape_cast %swap3A_263 : vector<1x16xi32> to vector<16xi32>
    %swap3A_265 = vector.shape_cast %add3A_259 : vector<16xi32> to vector<1x16xi32>
    tpu.vector_store %arg6[%swap3A_261, %swap3A_262], %swap3A_265 {strides = array<i32>} : memref<8x128xi32, #tpu.memory_space<vmem>>, vector<1x16xi32>,
    %get3A_266 = arith.constant 112 : index
    %get3A_267 = tpu.vector_load %arg8[%get3A_266] {strides = array<i32>} : memref<1024xi32, #tpu.memory_space<vmem>>, vector<16xi32>,
    %get3A_268 = vector.shape_cast %get3A_267 : vector<16xi32> to vector<16xi32>
    %add3A_269 = arith.constant 112 : i32
    %add3A_270 = arith.addi %mul3A_0, %add3A_269 : i32
    %iota3A_271 = tpu.iota {dimensions = array<i32: 0>} : vector<16xi32>
    %add3A_272 = vector.broadcast %add3A_270 : i32 to vector<16xi32>
    %add3A_273 = arith.addi %add3A_272, %iota3A_271 : vector<16xi32>
    %shift_right_arithmetic3A_274 = arith.constant 3 : i32
    %shift_right_arithmetic3A_275 = vector.broadcast %shift_right_arithmetic3A_274 : i32 to vector<16xi32>
    %shift_right_arithmetic3A_276 = arith.shrsi %get3A_268, %shift_right_arithmetic3A_275 : vector<16xi32>
    %shift_left3A_277 = arith.constant 17 : i32
    %shift_left3A_278 = vector.broadcast %shift_left3A_277 : i32 to vector<16xi32>
    %shift_left3A_279 = arith.shli %shift_right_arithmetic3A_276, %shift_left3A_278 : vector<16xi32>
    %shift_right_arithmetic3A_280 = arith.constant 7 : i32
    %shift_right_arithmetic3A_281 = vector.broadcast %shift_right_arithmetic3A_280 : i32 to vector<16xi32>
    %shift_right_arithmetic3A_282 = arith.shrsi %add3A_273, %shift_right_arithmetic3A_281 : vector<16xi32>
    %shift_left3A_283 = arith.constant 10 : i32
    %shift_left3A_284 = vector.broadcast %shift_left3A_283 : i32 to vector<16xi32>
    %shift_left3A_285 = arith.shli %shift_right_arithmetic3A_282, %shift_left3A_284 : vector<16xi32>
    %add3A_286 = arith.addi %shift_left3A_279, %shift_left3A_285 : vector<16xi32>
    %and3A_287 = arith.constant 7 : i32
    %and3A_288 = vector.broadcast %and3A_287 : i32 to vector<16xi32>
    %and3A_289 = arith.andi %get3A_268, %and3A_288 : vector<16xi32>
    %shift_left3A_290 = arith.constant 7 : i32
    %shift_left3A_291 = vector.broadcast %shift_left3A_290 : i32 to vector<16xi32>
    %shift_left3A_292 = arith.shli %and3A_289, %shift_left3A_291 : vector<16xi32>
    %add3A_293 = arith.addi %add3A_286, %shift_left3A_292 : vector<16xi32>
    %and3A_294 = arith.constant 127 : i32
    %and3A_295 = vector.broadcast %and3A_294 : i32 to vector<16xi32>
    %and3A_296 = arith.andi %add3A_273, %and3A_295 : vector<16xi32>
    %add3A_297 = arith.addi %add3A_293, %and3A_296 : vector<16xi32>
    %swap3A_298 = arith.constant 0 : i32
    %swap3A_299 = arith.index_cast %swap3A_298 : i32 to index
    %swap3A_300 = arith.constant 112 : index
    %swap3A_301 = tpu.vector_load %arg6[%swap3A_299, %swap3A_300] {strides = array<i32>} : memref<8x128xi32, #tpu.memory_space<vmem>>, vector<1x16xi32>,
    %swap3A_302 = vector.shape_cast %swap3A_301 : vector<1x16xi32> to vector<16xi32>
    %swap3A_303 = vector.shape_cast %add3A_297 : vector<16xi32> to vector<1x16xi32>
    tpu.vector_store %arg6[%swap3A_299, %swap3A_300], %swap3A_303 {strides = array<i32>} : memref<8x128xi32, #tpu.memory_space<vmem>>, vector<1x16xi32>,
    %get3A_304 = arith.constant 128 : index
    %get3A_305 = tpu.vector_load %arg8[%get3A_304] {strides = array<i32>} : memref<1024xi32, #tpu.memory_space<vmem>>, vector<16xi32>,
    %get3A_306 = vector.shape_cast %get3A_305 : vector<16xi32> to vector<16xi32>
    %add3A_307 = arith.constant 128 : i32
    %add3A_308 = arith.addi %mul3A_0, %add3A_307 : i32
    %iota3A_309 = tpu.iota {dimensions = array<i32: 0>} : vector<16xi32>
    %add3A_310 = vector.broadcast %add3A_308 : i32 to vector<16xi32>
    %add3A_311 = arith.addi %add3A_310, %iota3A_309 : vector<16xi32>
    %shift_right_arithmetic3A_312 = arith.constant 3 : i32
    %shift_right_arithmetic3A_313 = vector.broadcast %shift_right_arithmetic3A_312 : i32 to vector<16xi32>
    %shift_right_arithmetic3A_314 = arith.shrsi %get3A_306, %shift_right_arithmetic3A_313 : vector<16xi32>
    %shift_left3A_315 = arith.constant 17 : i32
    %shift_left3A_316 = vector.broadcast %shift_left3A_315 : i32 to vector<16xi32>
    %shift_left3A_317 = arith.shli %shift_right_arithmetic3A_314, %shift_left3A_316 : vector<16xi32>
    %shift_right_arithmetic3A_318 = arith.constant 7 : i32
    %shift_right_arithmetic3A_319 = vector.broadcast %shift_right_arithmetic3A_318 : i32 to vector<16xi32>
    %shift_right_arithmetic3A_320 = arith.shrsi %add3A_311, %shift_right_arithmetic3A_319 : vector<16xi32>
    %shift_left3A_321 = arith.constant 10 : i32
    %shift_left3A_322 = vector.broadcast %shift_left3A_321 : i32 to vector<16xi32>
    %shift_left3A_323 = arith.shli %shift_right_arithmetic3A_320, %shift_left3A_322 : vector<16xi32>
    %add3A_324 = arith.addi %shift_left3A_317, %shift_left3A_323 : vector<16xi32>
    %and3A_325 = arith.constant 7 : i32
    %and3A_326 = vector.broadcast %and3A_325 : i32 to vector<16xi32>
    %and3A_327 = arith.andi %get3A_306, %and3A_326 : vector<16xi32>
    %shift_left3A_328 = arith.constant 7 : i32
    %shift_left3A_329 = vector.broadcast %shift_left3A_328 : i32 to vector<16xi32>
    %shift_left3A_330 = arith.shli %and3A_327, %shift_left3A_329 : vector<16xi32>
    %add3A_331 = arith.addi %add3A_324, %shift_left3A_330 : vector<16xi32>
    %and3A_332 = arith.constant 127 : i32
    %and3A_333 = vector.broadcast %and3A_332 : i32 to vector<16xi32>
    %and3A_334 = arith.andi %add3A_311, %and3A_333 : vector<16xi32>
    %add3A_335 = arith.addi %add3A_331, %and3A_334 : vector<16xi32>
    %swap3A_336 = arith.constant 1 : i32
    %swap3A_337 = arith.index_cast %swap3A_336 : i32 to index
    %swap3A_338 = arith.constant 0 : index
    %swap3A_339 = tpu.vector_load %arg6[%swap3A_337, %swap3A_338] {strides = array<i32>} : memref<8x128xi32, #tpu.memory_space<vmem>>, vector<1x16xi32>,
    %swap3A_340 = vector.shape_cast %swap3A_339 : vector<1x16xi32> to vector<16xi32>
    %swap3A_341 = vector.shape_cast %add3A_335 : vector<16xi32> to vector<1x16xi32>
    tpu.vector_store %arg6[%swap3A_337, %swap3A_338], %swap3A_341 {strides = array<i32>} : memref<8x128xi32, #tpu.memory_space<vmem>>, vector<1x16xi32>,
    %get3A_342 = arith.constant 144 : index
    %get3A_343 = tpu.vector_load %arg8[%get3A_342] {strides = array<i32>} : memref<1024xi32, #tpu.memory_space<vmem>>, vector<16xi32>,
    %get3A_344 = vector.shape_cast %get3A_343 : vector<16xi32> to vector<16xi32>
    %add3A_345 = arith.constant 144 : i32
    %add3A_346 = arith.addi %mul3A_0, %add3A_345 : i32
    %iota3A_347 = tpu.iota {dimensions = array<i32: 0>} : vector<16xi32>
    %add3A_348 = vector.broadcast %add3A_346 : i32 to vector<16xi32>
    %add3A_349 = arith.addi %add3A_348, %iota3A_347 : vector<16xi32>
    %shift_right_arithmetic3A_350 = arith.constant 3 : i32
    %shift_right_arithmetic3A_351 = vector.broadcast %shift_right_arithmetic3A_350 : i32 to vector<16xi32>
    %shift_right_arithmetic3A_352 = arith.shrsi %get3A_344, %shift_right_arithmetic3A_351 : vector<16xi32>
    %shift_left3A_353 = arith.constant 17 : i32
    %shift_left3A_354 = vector.broadcast %shift_left3A_353 : i32 to vector<16xi32>
    %shift_left3A_355 = arith.shli %shift_right_arithmetic3A_352, %shift_left3A_354 : vector<16xi32>
    %shift_right_arithmetic3A_356 = arith.constant 7 : i32
    %shift_right_arithmetic3A_357 = vector.broadcast %shift_right_arithmetic3A_356 : i32 to vector<16xi32>
    %shift_right_arithmetic3A_358 = arith.shrsi %add3A_349, %shift_right_arithmetic3A_357 : vector<16xi32>
    %shift_left3A_359 = arith.constant 10 : i32
    %shift_left3A_360 = vector.broadcast %shift_left3A_359 : i32 to vector<16xi32>
    %shift_left3A_361 = arith.shli %shift_right_arithmetic3A_358, %shift_left3A_360 : vector<16xi32>
    %add3A_362 = arith.addi %shift_left3A_355, %shift_left3A_361 : vector<16xi32>
    %and3A_363 = arith.constant 7 : i32
    %and3A_364 = vector.broadcast %and3A_363 : i32 to vector<16xi32>
    %and3A_365 = arith.andi %get3A_344, %and3A_364 : vector<16xi32>
    %shift_left3A_366 = arith.constant 7 : i32
    %shift_left3A_367 = vector.broadcast %shift_left3A_366 : i32 to vector<16xi32>
    %shift_left3A_368 = arith.shli %and3A_365, %shift_left3A_367 : vector<16xi32>
    %add3A_369 = arith.addi %add3A_362, %shift_left3A_368 : vector<16xi32>
    %and3A_370 = arith.constant 127 : i32
    %and3A_371 = vector.broadcast %and3A_370 : i32 to vector<16xi32>
    %and3A_372 = arith.andi %add3A_349, %and3A_371 : vector<16xi32>
    %add3A_373 = arith.addi %add3A_369, %and3A_372 : vector<16xi32>
    %swap3A_374 = arith.constant 1 : i32
    %swap3A_375 = arith.index_cast %swap3A_374 : i32 to index
    %swap3A_376 = arith.constant 16 : index
    %swap3A_377 = tpu.vector_load %arg6[%swap3A_375, %swap3A_376] {strides = array<i32>} : memref<8x128xi32, #tpu.memory_space<vmem>>, vector<1x16xi32>,
    %swap3A_378 = vector.shape_cast %swap3A_377 : vector<1x16xi32> to vector<16xi32>
    %swap3A_379 = vector.shape_cast %add3A_373 : vector<16xi32> to vector<1x16xi32>
    tpu.vector_store %arg6[%swap3A_375, %swap3A_376], %swap3A_379 {strides = array<i32>} : memref<8x128xi32, #tpu.memory_space<vmem>>, vector<1x16xi32>,
    %get3A_380 = arith.constant 160 : index
    %get3A_381 = tpu.vector_load %arg8[%get3A_380] {strides = array<i32>} : memref<1024xi32, #tpu.memory_space<vmem>>, vector<16xi32>,
    %get3A_382 = vector.shape_cast %get3A_381 : vector<16xi32> to vector<16xi32>
    %add3A_383 = arith.constant 160 : i32
    %add3A_384 = arith.addi %mul3A_0, %add3A_383 : i32
    %iota3A_385 = tpu.iota {dimensions = array<i32: 0>} : vector<16xi32>
    %add3A_386 = vector.broadcast %add3A_384 : i32 to vector<16xi32>
    %add3A_387 = arith.addi %add3A_386, %iota3A_385 : vector<16xi32>
    %shift_right_arithmetic3A_388 = arith.constant 3 : i32
    %shift_right_arithmetic3A_389 = vector.broadcast %shift_right_arithmetic3A_388 : i32 to vector<16xi32>
    %shift_right_arithmetic3A_390 = arith.shrsi %get3A_382, %shift_right_arithmetic3A_389 : vector<16xi32>
    %shift_left3A_391 = arith.constant 17 : i32
    %shift_left3A_392 = vector.broadcast %shift_left3A_391 : i32 to vector<16xi32>
    %shift_left3A_393 = arith.shli %shift_right_arithmetic3A_390, %shift_left3A_392 : vector<16xi32>
    %shift_right_arithmetic3A_394 = arith.constant 7 : i32
    %shift_right_arithmetic3A_395 = vector.broadcast %shift_right_arithmetic3A_394 : i32 to vector<16xi32>
    %shift_right_arithmetic3A_396 = arith.shrsi %add3A_387, %shift_right_arithmetic3A_395 : vector<16xi32>
    %shift_left3A_397 = arith.constant 10 : i32
    %shift_left3A_398 = vector.broadcast %shift_left3A_397 : i32 to vector<16xi32>
    %shift_left3A_399 = arith.shli %shift_right_arithmetic3A_396, %shift_left3A_398 : vector<16xi32>
    %add3A_400 = arith.addi %shift_left3A_393, %shift_left3A_399 : vector<16xi32>
    %and3A_401 = arith.constant 7 : i32
    %and3A_402 = vector.broadcast %and3A_401 : i32 to vector<16xi32>
    %and3A_403 = arith.andi %get3A_382, %and3A_402 : vector<16xi32>
    %shift_left3A_404 = arith.constant 7 : i32
    %shift_left3A_405 = vector.broadcast %shift_left3A_404 : i32 to vector<16xi32>
    %shift_left3A_406 = arith.shli %and3A_403, %shift_left3A_405 : vector<16xi32>
    %add3A_407 = arith.addi %add3A_400, %shift_left3A_406 : vector<16xi32>
    %and3A_408 = arith.constant 127 : i32
    %and3A_409 = vector.broadcast %and3A_408 : i32 to vector<16xi32>
    %and3A_410 = arith.andi %add3A_387, %and3A_409 : vector<16xi32>
    %add3A_411 = arith.addi %add3A_407, %and3A_410 : vector<16xi32>
    %swap3A_412 = arith.constant 1 : i32
    %swap3A_413 = arith.index_cast %swap3A_412 : i32 to index
    %swap3A_414 = arith.constant 32 : index
    %swap3A_415 = tpu.vector_load %arg6[%swap3A_413, %swap3A_414] {strides = array<i32>} : memref<8x128xi32, #tpu.memory_space<vmem>>, vector<1x16xi32>,
    %swap3A_416 = vector.shape_cast %swap3A_415 : vector<1x16xi32> to vector<16xi32>
    %swap3A_417 = vector.shape_cast %add3A_411 : vector<16xi32> to vector<1x16xi32>
    tpu.vector_store %arg6[%swap3A_413, %swap3A_414], %swap3A_417 {strides = array<i32>} : memref<8x128xi32, #tpu.memory_space<vmem>>, vector<1x16xi32>,
    %get3A_418 = arith.constant 176 : index
    %get3A_419 = tpu.vector_load %arg8[%get3A_418] {strides = array<i32>} : memref<1024xi32, #tpu.memory_space<vmem>>, vector<16xi32>,
    %get3A_420 = vector.shape_cast %get3A_419 : vector<16xi32> to vector<16xi32>
    %add3A_421 = arith.constant 176 : i32
    %add3A_422 = arith.addi %mul3A_0, %add3A_421 : i32
    %iota3A_423 = tpu.iota {dimensions = array<i32: 0>} : vector<16xi32>
    %add3A_424 = vector.broadcast %add3A_422 : i32 to vector<16xi32>
    %add3A_425 = arith.addi %add3A_424, %iota3A_423 : vector<16xi32>
    %shift_right_arithmetic3A_426 = arith.constant 3 : i32
    %shift_right_arithmetic3A_427 = vector.broadcast %shift_right_arithmetic3A_426 : i32 to vector<16xi32>
    %shift_right_arithmetic3A_428 = arith.shrsi %get3A_420, %shift_right_arithmetic3A_427 : vector<16xi32>
    %shift_left3A_429 = arith.constant 17 : i32
    %shift_left3A_430 = vector.broadcast %shift_left3A_429 : i32 to vector<16xi32>
    %shift_left3A_431 = arith.shli %shift_right_arithmetic3A_428, %shift_left3A_430 : vector<16xi32>
    %shift_right_arithmetic3A_432 = arith.constant 7 : i32
    %shift_right_arithmetic3A_433 = vector.broadcast %shift_right_arithmetic3A_432 : i32 to vector<16xi32>
    %shift_right_arithmetic3A_434 = arith.shrsi %add3A_425, %shift_right_arithmetic3A_433 : vector<16xi32>
    %shift_left3A_435 = arith.constant 10 : i32
    %shift_left3A_436 = vector.broadcast %shift_left3A_435 : i32 to vector<16xi32>
    %shift_left3A_437 = arith.shli %shift_right_arithmetic3A_434, %shift_left3A_436 : vector<16xi32>
    %add3A_438 = arith.addi %shift_left3A_431, %shift_left3A_437 : vector<16xi32>
    %and3A_439 = arith.constant 7 : i32
    %and3A_440 = vector.broadcast %and3A_439 : i32 to vector<16xi32>
    %and3A_441 = arith.andi %get3A_420, %and3A_440 : vector<16xi32>
    %shift_left3A_442 = arith.constant 7 : i32
    %shift_left3A_443 = vector.broadcast %shift_left3A_442 : i32 to vector<16xi32>
    %shift_left3A_444 = arith.shli %and3A_441, %shift_left3A_443 : vector<16xi32>
    %add3A_445 = arith.addi %add3A_438, %shift_left3A_444 : vector<16xi32>
    %and3A_446 = arith.constant 127 : i32
    %and3A_447 = vector.broadcast %and3A_446 : i32 to vector<16xi32>
    %and3A_448 = arith.andi %add3A_425, %and3A_447 : vector<16xi32>
    %add3A_449 = arith.addi %add3A_445, %and3A_448 : vector<16xi32>
    %swap3A_450 = arith.constant 1 : i32
    %swap3A_451 = arith.index_cast %swap3A_450 : i32 to index
    %swap3A_452 = arith.constant 48 : index
    %swap3A_453 = tpu.vector_load %arg6[%swap3A_451, %swap3A_452] {strides = array<i32>} : memref<8x128xi32, #tpu.memory_space<vmem>>, vector<1x16xi32>,
    %swap3A_454 = vector.shape_cast %swap3A_453 : vector<1x16xi32> to vector<16xi32>
    %swap3A_455 = vector.shape_cast %add3A_449 : vector<16xi32> to vector<1x16xi32>
    tpu.vector_store %arg6[%swap3A_451, %swap3A_452], %swap3A_455 {strides = array<i32>} : memref<8x128xi32, #tpu.memory_space<vmem>>, vector<1x16xi32>,
    %get3A_456 = arith.constant 192 : index
    %get3A_457 = tpu.vector_load %arg8[%get3A_456] {strides = array<i32>} : memref<1024xi32, #tpu.memory_space<vmem>>, vector<16xi32>,
    %get3A_458 = vector.shape_cast %get3A_457 : vector<16xi32> to vector<16xi32>
    %add3A_459 = arith.constant 192 : i32
    %add3A_460 = arith.addi %mul3A_0, %add3A_459 : i32
    %iota3A_461 = tpu.iota {dimensions = array<i32: 0>} : vector<16xi32>
    %add3A_462 = vector.broadcast %add3A_460 : i32 to vector<16xi32>
    %add3A_463 = arith.addi %add3A_462, %iota3A_461 : vector<16xi32>
    %shift_right_arithmetic3A_464 = arith.constant 3 : i32
    %shift_right_arithmetic3A_465 = vector.broadcast %shift_right_arithmetic3A_464 : i32 to vector<16xi32>
    %shift_right_arithmetic3A_466 = arith.shrsi %get3A_458, %shift_right_arithmetic3A_465 : vector<16xi32>
    %shift_left3A_467 = arith.constant 17 : i32
    %shift_left3A_468 = vector.broadcast %shift_left3A_467 : i32 to vector<16xi32>
    %shift_left3A_469 = arith.shli %shift_right_arithmetic3A_466, %shift_left3A_468 : vector<16xi32>
    %shift_right_arithmetic3A_470 = arith.constant 7 : i32
    %shift_right_arithmetic3A_471 = vector.broadcast %shift_right_arithmetic3A_470 : i32 to vector<16xi32>
    %shift_right_arithmetic3A_472 = arith.shrsi %add3A_463, %shift_right_arithmetic3A_471 : vector<16xi32>
    %shift_left3A_473 = arith.constant 10 : i32
    %shift_left3A_474 = vector.broadcast %shift_left3A_473 : i32 to vector<16xi32>
    %shift_left3A_475 = arith.shli %shift_right_arithmetic3A_472, %shift_left3A_474 : vector<16xi32>
    %add3A_476 = arith.addi %shift_left3A_469, %shift_left3A_475 : vector<16xi32>
    %and3A_477 = arith.constant 7 : i32
    %and3A_478 = vector.broadcast %and3A_477 : i32 to vector<16xi32>
    %and3A_479 = arith.andi %get3A_458, %and3A_478 : vector<16xi32>
    %shift_left3A_480 = arith.constant 7 : i32
    %shift_left3A_481 = vector.broadcast %shift_left3A_480 : i32 to vector<16xi32>
    %shift_left3A_482 = arith.shli %and3A_479, %shift_left3A_481 : vector<16xi32>
    %add3A_483 = arith.addi %add3A_476, %shift_left3A_482 : vector<16xi32>
    %and3A_484 = arith.constant 127 : i32
    %and3A_485 = vector.broadcast %and3A_484 : i32 to vector<16xi32>
    %and3A_486 = arith.andi %add3A_463, %and3A_485 : vector<16xi32>
    %add3A_487 = arith.addi %add3A_483, %and3A_486 : vector<16xi32>
    %swap3A_488 = arith.constant 1 : i32
    %swap3A_489 = arith.index_cast %swap3A_488 : i32 to index
    %swap3A_490 = arith.constant 64 : index
    %swap3A_491 = tpu.vector_load %arg6[%swap3A_489, %swap3A_490] {strides = array<i32>} : memref<8x128xi32, #tpu.memory_space<vmem>>, vector<1x16xi32>,
    %swap3A_492 = vector.shape_cast %swap3A_491 : vector<1x16xi32> to vector<16xi32>
    %swap3A_493 = vector.shape_cast %add3A_487 : vector<16xi32> to vector<1x16xi32>
    tpu.vector_store %arg6[%swap3A_489, %swap3A_490], %swap3A_493 {strides = array<i32>} : memref<8x128xi32, #tpu.memory_space<vmem>>, vector<1x16xi32>,
    %get3A_494 = arith.constant 208 : index
    %get3A_495 = tpu.vector_load %arg8[%get3A_494] {strides = array<i32>} : memref<1024xi32, #tpu.memory_space<vmem>>, vector<16xi32>,
    %get3A_496 = vector.shape_cast %get3A_495 : vector<16xi32> to vector<16xi32>
    %add3A_497 = arith.constant 208 : i32
    %add3A_498 = arith.addi %mul3A_0, %add3A_497 : i32
    %iota3A_499 = tpu.iota {dimensions = array<i32: 0>} : vector<16xi32>
    %add3A_500 = vector.broadcast %add3A_498 : i32 to vector<16xi32>
    %add3A_501 = arith.addi %add3A_500, %iota3A_499 : vector<16xi32>
    %shift_right_arithmetic3A_502 = arith.constant 3 : i32
    %shift_right_arithmetic3A_503 = vector.broadcast %shift_right_arithmetic3A_502 : i32 to vector<16xi32>
    %shift_right_arithmetic3A_504 = arith.shrsi %get3A_496, %shift_right_arithmetic3A_503 : vector<16xi32>
    %shift_left3A_505 = arith.constant 17 : i32
    %shift_left3A_506 = vector.broadcast %shift_left3A_505 : i32 to vector<16xi32>
    %shift_left3A_507 = arith.shli %shift_right_arithmetic3A_504, %shift_left3A_506 : vector<16xi32>
    %shift_right_arithmetic3A_508 = arith.constant 7 : i32
    %shift_right_arithmetic3A_509 = vector.broadcast %shift_right_arithmetic3A_508 : i32 to vector<16xi32>
    %shift_right_arithmetic3A_510 = arith.shrsi %add3A_501, %shift_right_arithmetic3A_509 : vector<16xi32>
    %shift_left3A_511 = arith.constant 10 : i32
    %shift_left3A_512 = vector.broadcast %shift_left3A_511 : i32 to vector<16xi32>
    %shift_left3A_513 = arith.shli %shift_right_arithmetic3A_510, %shift_left3A_512 : vector<16xi32>
    %add3A_514 = arith.addi %shift_left3A_507, %shift_left3A_513 : vector<16xi32>
    %and3A_515 = arith.constant 7 : i32
    %and3A_516 = vector.broadcast %and3A_515 : i32 to vector<16xi32>
    %and3A_517 = arith.andi %get3A_496, %and3A_516 : vector<16xi32>
    %shift_left3A_518 = arith.constant 7 : i32
    %shift_left3A_519 = vector.broadcast %shift_left3A_518 : i32 to vector<16xi32>
    %shift_left3A_520 = arith.shli %and3A_517, %shift_left3A_519 : vector<16xi32>
    %add3A_521 = arith.addi %add3A_514, %shift_left3A_520 : vector<16xi32>
    %and3A_522 = arith.constant 127 : i32
    %and3A_523 = vector.broadcast %and3A_522 : i32 to vector<16xi32>
    %and3A_524 = arith.andi %add3A_501, %and3A_523 : vector<16xi32>
    %add3A_525 = arith.addi %add3A_521, %and3A_524 : vector<16xi32>
    %swap3A_526 = arith.constant 1 : i32
    %swap3A_527 = arith.index_cast %swap3A_526 : i32 to index
    %swap3A_528 = arith.constant 80 : index
    %swap3A_529 = tpu.vector_load %arg6[%swap3A_527, %swap3A_528] {strides = array<i32>} : memref<8x128xi32, #tpu.memory_space<vmem>>, vector<1x16xi32>,
    %swap3A_530 = vector.shape_cast %swap3A_529 : vector<1x16xi32> to vector<16xi32>
    %swap3A_531 = vector.shape_cast %add3A_525 : vector<16xi32> to vector<1x16xi32>
    tpu.vector_store %arg6[%swap3A_527, %swap3A_528], %swap3A_531 {strides = array<i32>} : memref<8x128xi32, #tpu.memory_space<vmem>>, vector<1x16xi32>,
    %get3A_532 = arith.constant 224 : index
    %get3A_533 = tpu.vector_load %arg8[%get3A_532] {strides = array<i32>} : memref<1024xi32, #tpu.memory_space<vmem>>, vector<16xi32>,
    %get3A_534 = vector.shape_cast %get3A_533 : vector<16xi32> to vector<16xi32>
    %add3A_535 = arith.constant 224 : i32
    %add3A_536 = arith.addi %mul3A_0, %add3A_535 : i32
    %iota3A_537 = tpu.iota {dimensions = array<i32: 0>} : vector<16xi32>
    %add3A_538 = vector.broadcast %add3A_536 : i32 to vector<16xi32>
    %add3A_539 = arith.addi %add3A_538, %iota3A_537 : vector<16xi32>
    %shift_right_arithmetic3A_540 = arith.constant 3 : i32
    %shift_right_arithmetic3A_541 = vector.broadcast %shift_right_arithmetic3A_540 : i32 to vector<16xi32>
    %shift_right_arithmetic3A_542 = arith.shrsi %get3A_534, %shift_right_arithmetic3A_541 : vector<16xi32>
    %shift_left3A_543 = arith.constant 17 : i32
    %shift_left3A_544 = vector.broadcast %shift_left3A_543 : i32 to vector<16xi32>
    %shift_left3A_545 = arith.shli %shift_right_arithmetic3A_542, %shift_left3A_544 : vector<16xi32>
    %shift_right_arithmetic3A_546 = arith.constant 7 : i32
    %shift_right_arithmetic3A_547 = vector.broadcast %shift_right_arithmetic3A_546 : i32 to vector<16xi32>
    %shift_right_arithmetic3A_548 = arith.shrsi %add3A_539, %shift_right_arithmetic3A_547 : vector<16xi32>
    %shift_left3A_549 = arith.constant 10 : i32
    %shift_left3A_550 = vector.broadcast %shift_left3A_549 : i32 to vector<16xi32>
    %shift_left3A_551 = arith.shli %shift_right_arithmetic3A_548, %shift_left3A_550 : vector<16xi32>
    %add3A_552 = arith.addi %shift_left3A_545, %shift_left3A_551 : vector<16xi32>
    %and3A_553 = arith.constant 7 : i32
    %and3A_554 = vector.broadcast %and3A_553 : i32 to vector<16xi32>
    %and3A_555 = arith.andi %get3A_534, %and3A_554 : vector<16xi32>
    %shift_left3A_556 = arith.constant 7 : i32
    %shift_left3A_557 = vector.broadcast %shift_left3A_556 : i32 to vector<16xi32>
    %shift_left3A_558 = arith.shli %and3A_555, %shift_left3A_557 : vector<16xi32>
    %add3A_559 = arith.addi %add3A_552, %shift_left3A_558 : vector<16xi32>
    %and3A_560 = arith.constant 127 : i32
    %and3A_561 = vector.broadcast %and3A_560 : i32 to vector<16xi32>
    %and3A_562 = arith.andi %add3A_539, %and3A_561 : vector<16xi32>
    %add3A_563 = arith.addi %add3A_559, %and3A_562 : vector<16xi32>
    %swap3A_564 = arith.constant 1 : i32
    %swap3A_565 = arith.index_cast %swap3A_564 : i32 to index
    %swap3A_566 = arith.constant 96 : index
    %swap3A_567 = tpu.vector_load %arg6[%swap3A_565, %swap3A_566] {strides = array<i32>} : memref<8x128xi32, #tpu.memory_space<vmem>>, vector<1x16xi32>,
    %swap3A_568 = vector.shape_cast %swap3A_567 : vector<1x16xi32> to vector<16xi32>
    %swap3A_569 = vector.shape_cast %add3A_563 : vector<16xi32> to vector<1x16xi32>
    tpu.vector_store %arg6[%swap3A_565, %swap3A_566], %swap3A_569 {strides = array<i32>} : memref<8x128xi32, #tpu.memory_space<vmem>>, vector<1x16xi32>,
    %get3A_570 = arith.constant 240 : index
    %get3A_571 = tpu.vector_load %arg8[%get3A_570] {strides = array<i32>} : memref<1024xi32, #tpu.memory_space<vmem>>, vector<16xi32>,
    %get3A_572 = vector.shape_cast %get3A_571 : vector<16xi32> to vector<16xi32>
    %add3A_573 = arith.constant 240 : i32
    %add3A_574 = arith.addi %mul3A_0, %add3A_573 : i32
    %iota3A_575 = tpu.iota {dimensions = array<i32: 0>} : vector<16xi32>
    %add3A_576 = vector.broadcast %add3A_574 : i32 to vector<16xi32>
    %add3A_577 = arith.addi %add3A_576, %iota3A_575 : vector<16xi32>
    %shift_right_arithmetic3A_578 = arith.constant 3 : i32
    %shift_right_arithmetic3A_579 = vector.broadcast %shift_right_arithmetic3A_578 : i32 to vector<16xi32>
    %shift_right_arithmetic3A_580 = arith.shrsi %get3A_572, %shift_right_arithmetic3A_579 : vector<16xi32>
    %shift_left3A_581 = arith.constant 17 : i32
    %shift_left3A_582 = vector.broadcast %shift_left3A_581 : i32 to vector<16xi32>
    %shift_left3A_583 = arith.shli %shift_right_arithmetic3A_580, %shift_left3A_582 : vector<16xi32>
    %shift_right_arithmetic3A_584 = arith.constant 7 : i32
    %shift_right_arithmetic3A_585 = vector.broadcast %shift_right_arithmetic3A_584 : i32 to vector<16xi32>
    %shift_right_arithmetic3A_586 = arith.shrsi %add3A_577, %shift_right_arithmetic3A_585 : vector<16xi32>
    %shift_left3A_587 = arith.constant 10 : i32
    %shift_left3A_588 = vector.broadcast %shift_left3A_587 : i32 to vector<16xi32>
    %shift_left3A_589 = arith.shli %shift_right_arithmetic3A_586, %shift_left3A_588 : vector<16xi32>
    %add3A_590 = arith.addi %shift_left3A_583, %shift_left3A_589 : vector<16xi32>
    %and3A_591 = arith.constant 7 : i32
    %and3A_592 = vector.broadcast %and3A_591 : i32 to vector<16xi32>
    %and3A_593 = arith.andi %get3A_572, %and3A_592 : vector<16xi32>
    %shift_left3A_594 = arith.constant 7 : i32
    %shift_left3A_595 = vector.broadcast %shift_left3A_594 : i32 to vector<16xi32>
    %shift_left3A_596 = arith.shli %and3A_593, %shift_left3A_595 : vector<16xi32>
    %add3A_597 = arith.addi %add3A_590, %shift_left3A_596 : vector<16xi32>
    %and3A_598 = arith.constant 127 : i32
    %and3A_599 = vector.broadcast %and3A_598 : i32 to vector<16xi32>
    %and3A_600 = arith.andi %add3A_577, %and3A_599 : vector<16xi32>
    %add3A_601 = arith.addi %add3A_597, %and3A_600 : vector<16xi32>
    %swap3A_602 = arith.constant 1 : i32
    %swap3A_603 = arith.index_cast %swap3A_602 : i32 to index
    %swap3A_604 = arith.constant 112 : index
    %swap3A_605 = tpu.vector_load %arg6[%swap3A_603, %swap3A_604] {strides = array<i32>} : memref<8x128xi32, #tpu.memory_space<vmem>>, vector<1x16xi32>,
    %swap3A_606 = vector.shape_cast %swap3A_605 : vector<1x16xi32> to vector<16xi32>
    %swap3A_607 = vector.shape_cast %add3A_601 : vector<16xi32> to vector<1x16xi32>
    tpu.vector_store %arg6[%swap3A_603, %swap3A_604], %swap3A_607 {strides = array<i32>} : memref<8x128xi32, #tpu.memory_space<vmem>>, vector<1x16xi32>,
    %get3A_608 = arith.constant 256 : index
    %get3A_609 = tpu.vector_load %arg8[%get3A_608] {strides = array<i32>} : memref<1024xi32, #tpu.memory_space<vmem>>, vector<16xi32>,
    %get3A_610 = vector.shape_cast %get3A_609 : vector<16xi32> to vector<16xi32>
    %add3A_611 = arith.constant 256 : i32
    %add3A_612 = arith.addi %mul3A_0, %add3A_611 : i32
    %iota3A_613 = tpu.iota {dimensions = array<i32: 0>} : vector<16xi32>
    %add3A_614 = vector.broadcast %add3A_612 : i32 to vector<16xi32>
    %add3A_615 = arith.addi %add3A_614, %iota3A_613 : vector<16xi32>
    %shift_right_arithmetic3A_616 = arith.constant 3 : i32
    %shift_right_arithmetic3A_617 = vector.broadcast %shift_right_arithmetic3A_616 : i32 to vector<16xi32>
    %shift_right_arithmetic3A_618 = arith.shrsi %get3A_610, %shift_right_arithmetic3A_617 : vector<16xi32>
    %shift_left3A_619 = arith.constant 17 : i32
    %shift_left3A_620 = vector.broadcast %shift_left3A_619 : i32 to vector<16xi32>
    %shift_left3A_621 = arith.shli %shift_right_arithmetic3A_618, %shift_left3A_620 : vector<16xi32>
    %shift_right_arithmetic3A_622 = arith.constant 7 : i32
    %shift_right_arithmetic3A_623 = vector.broadcast %shift_right_arithmetic3A_622 : i32 to vector<16xi32>
    %shift_right_arithmetic3A_624 = arith.shrsi %add3A_615, %shift_right_arithmetic3A_623 : vector<16xi32>
    %shift_left3A_625 = arith.constant 10 : i32
    %shift_left3A_626 = vector.broadcast %shift_left3A_625 : i32 to vector<16xi32>
    %shift_left3A_627 = arith.shli %shift_right_arithmetic3A_624, %shift_left3A_626 : vector<16xi32>
    %add3A_628 = arith.addi %shift_left3A_621, %shift_left3A_627 : vector<16xi32>
    %and3A_629 = arith.constant 7 : i32
    %and3A_630 = vector.broadcast %and3A_629 : i32 to vector<16xi32>
    %and3A_631 = arith.andi %get3A_610, %and3A_630 : vector<16xi32>
    %shift_left3A_632 = arith.constant 7 : i32
    %shift_left3A_633 = vector.broadcast %shift_left3A_632 : i32 to vector<16xi32>
    %shift_left3A_634 = arith.shli %and3A_631, %shift_left3A_633 : vector<16xi32>
    %add3A_635 = arith.addi %add3A_628, %shift_left3A_634 : vector<16xi32>
    %and3A_636 = arith.constant 127 : i32
    %and3A_637 = vector.broadcast %and3A_636 : i32 to vector<16xi32>
    %and3A_638 = arith.andi %add3A_615, %and3A_637 : vector<16xi32>
    %add3A_639 = arith.addi %add3A_635, %and3A_638 : vector<16xi32>
    %swap3A_640 = arith.constant 2 : i32
    %swap3A_641 = arith.index_cast %swap3A_640 : i32 to index
    %swap3A_642 = arith.constant 0 : index
    %swap3A_643 = tpu.vector_load %arg6[%swap3A_641, %swap3A_642] {strides = array<i32>} : memref<8x128xi32, #tpu.memory_space<vmem>>, vector<1x16xi32>,
    %swap3A_644 = vector.shape_cast %swap3A_643 : vector<1x16xi32> to vector<16xi32>
    %swap3A_645 = vector.shape_cast %add3A_639 : vector<16xi32> to vector<1x16xi32>
    tpu.vector_store %arg6[%swap3A_641, %swap3A_642], %swap3A_645 {strides = array<i32>} : memref<8x128xi32, #tpu.memory_space<vmem>>, vector<1x16xi32>,
    %get3A_646 = arith.constant 272 : index
    %get3A_647 = tpu.vector_load %arg8[%get3A_646] {strides = array<i32>} : memref<1024xi32, #tpu.memory_space<vmem>>, vector<16xi32>,
    %get3A_648 = vector.shape_cast %get3A_647 : vector<16xi32> to vector<16xi32>
    %add3A_649 = arith.constant 272 : i32
    %add3A_650 = arith.addi %mul3A_0, %add3A_649 : i32
    %iota3A_651 = tpu.iota {dimensions = array<i32: 0>} : vector<16xi32>
    %add3A_652 = vector.broadcast %add3A_650 : i32 to vector<16xi32>
    %add3A_653 = arith.addi %add3A_652, %iota3A_651 : vector<16xi32>
    %shift_right_arithmetic3A_654 = arith.constant 3 : i32
    %shift_right_arithmetic3A_655 = vector.broadcast %shift_right_arithmetic3A_654 : i32 to vector<16xi32>
    %shift_right_arithmetic3A_656 = arith.shrsi %get3A_648, %shift_right_arithmetic3A_655 : vector<16xi32>
    %shift_left3A_657 = arith.constant 17 : i32
    %shift_left3A_658 = vector.broadcast %shift_left3A_657 : i32 to vector<16xi32>
    %shift_left3A_659 = arith.shli %shift_right_arithmetic3A_656, %shift_left3A_658 : vector<16xi32>
    %shift_right_arithmetic3A_660 = arith.constant 7 : i32
    %shift_right_arithmetic3A_661 = vector.broadcast %shift_right_arithmetic3A_660 : i32 to vector<16xi32>
    %shift_right_arithmetic3A_662 = arith.shrsi %add3A_653, %shift_right_arithmetic3A_661 : vector<16xi32>
    %shift_left3A_663 = arith.constant 10 : i32
    %shift_left3A_664 = vector.broadcast %shift_left3A_663 : i32 to vector<16xi32>
    %shift_left3A_665 = arith.shli %shift_right_arithmetic3A_662, %shift_left3A_664 : vector<16xi32>
    %add3A_666 = arith.addi %shift_left3A_659, %shift_left3A_665 : vector<16xi32>
    %and3A_667 = arith.constant 7 : i32
    %and3A_668 = vector.broadcast %and3A_667 : i32 to vector<16xi32>
    %and3A_669 = arith.andi %get3A_648, %and3A_668 : vector<16xi32>
    %shift_left3A_670 = arith.constant 7 : i32
    %shift_left3A_671 = vector.broadcast %shift_left3A_670 : i32 to vector<16xi32>
    %shift_left3A_672 = arith.shli %and3A_669, %shift_left3A_671 : vector<16xi32>
    %add3A_673 = arith.addi %add3A_666, %shift_left3A_672 : vector<16xi32>
    %and3A_674 = arith.constant 127 : i32
    %and3A_675 = vector.broadcast %and3A_674 : i32 to vector<16xi32>
    %and3A_676 = arith.andi %add3A_653, %and3A_675 : vector<16xi32>
    %add3A_677 = arith.addi %add3A_673, %and3A_676 : vector<16xi32>
    %swap3A_678 = arith.constant 2 : i32
    %swap3A_679 = arith.index_cast %swap3A_678 : i32 to index
    %swap3A_680 = arith.constant 16 : index
    %swap3A_681 = tpu.vector_load %arg6[%swap3A_679, %swap3A_680] {strides = array<i32>} : memref<8x128xi32, #tpu.memory_space<vmem>>, vector<1x16xi32>,
    %swap3A_682 = vector.shape_cast %swap3A_681 : vector<1x16xi32> to vector<16xi32>
    %swap3A_683 = vector.shape_cast %add3A_677 : vector<16xi32> to vector<1x16xi32>
    tpu.vector_store %arg6[%swap3A_679, %swap3A_680], %swap3A_683 {strides = array<i32>} : memref<8x128xi32, #tpu.memory_space<vmem>>, vector<1x16xi32>,
    %get3A_684 = arith.constant 288 : index
    %get3A_685 = tpu.vector_load %arg8[%get3A_684] {strides = array<i32>} : memref<1024xi32, #tpu.memory_space<vmem>>, vector<16xi32>,
    %get3A_686 = vector.shape_cast %get3A_685 : vector<16xi32> to vector<16xi32>
    %add3A_687 = arith.constant 288 : i32
    %add3A_688 = arith.addi %mul3A_0, %add3A_687 : i32
    %iota3A_689 = tpu.iota {dimensions = array<i32: 0>} : vector<16xi32>
    %add3A_690 = vector.broadcast %add3A_688 : i32 to vector<16xi32>
    %add3A_691 = arith.addi %add3A_690, %iota3A_689 : vector<16xi32>
    %shift_right_arithmetic3A_692 = arith.constant 3 : i32
    %shift_right_arithmetic3A_693 = vector.broadcast %shift_right_arithmetic3A_692 : i32 to vector<16xi32>
    %shift_right_arithmetic3A_694 = arith.shrsi %get3A_686, %shift_right_arithmetic3A_693 : vector<16xi32>
    %shift_left3A_695 = arith.constant 17 : i32
    %shift_left3A_696 = vector.broadcast %shift_left3A_695 : i32 to vector<16xi32>
    %shift_left3A_697 = arith.shli %shift_right_arithmetic3A_694, %shift_left3A_696 : vector<16xi32>
    %shift_right_arithmetic3A_698 = arith.constant 7 : i32
    %shift_right_arithmetic3A_699 = vector.broadcast %shift_right_arithmetic3A_698 : i32 to vector<16xi32>
    %shift_right_arithmetic3A_700 = arith.shrsi %add3A_691, %shift_right_arithmetic3A_699 : vector<16xi32>
    %shift_left3A_701 = arith.constant 10 : i32
    %shift_left3A_702 = vector.broadcast %shift_left3A_701 : i32 to vector<16xi32>
    %shift_left3A_703 = arith.shli %shift_right_arithmetic3A_700, %shift_left3A_702 : vector<16xi32>
    %add3A_704 = arith.addi %shift_left3A_697, %shift_left3A_703 : vector<16xi32>
    %and3A_705 = arith.constant 7 : i32
    %and3A_706 = vector.broadcast %and3A_705 : i32 to vector<16xi32>
    %and3A_707 = arith.andi %get3A_686, %and3A_706 : vector<16xi32>
    %shift_left3A_708 = arith.constant 7 : i32
    %shift_left3A_709 = vector.broadcast %shift_left3A_708 : i32 to vector<16xi32>
    %shift_left3A_710 = arith.shli %and3A_707, %shift_left3A_709 : vector<16xi32>
    %add3A_711 = arith.addi %add3A_704, %shift_left3A_710 : vector<16xi32>
    %and3A_712 = arith.constant 127 : i32
    %and3A_713 = vector.broadcast %and3A_712 : i32 to vector<16xi32>
    %and3A_714 = arith.andi %add3A_691, %and3A_713 : vector<16xi32>
    %add3A_715 = arith.addi %add3A_711, %and3A_714 : vector<16xi32>
    %swap3A_716 = arith.constant 2 : i32
    %swap3A_717 = arith.index_cast %swap3A_716 : i32 to index
    %swap3A_718 = arith.constant 32 : index
    %swap3A_719 = tpu.vector_load %arg6[%swap3A_717, %swap3A_718] {strides = array<i32>} : memref<8x128xi32, #tpu.memory_space<vmem>>, vector<1x16xi32>,
    %swap3A_720 = vector.shape_cast %swap3A_719 : vector<1x16xi32> to vector<16xi32>
    %swap3A_721 = vector.shape_cast %add3A_715 : vector<16xi32> to vector<1x16xi32>
    tpu.vector_store %arg6[%swap3A_717, %swap3A_718], %swap3A_721 {strides = array<i32>} : memref<8x128xi32, #tpu.memory_space<vmem>>, vector<1x16xi32>,
    %get3A_722 = arith.constant 304 : index
    %get3A_723 = tpu.vector_load %arg8[%get3A_722] {strides = array<i32>} : memref<1024xi32, #tpu.memory_space<vmem>>, vector<16xi32>,
    %get3A_724 = vector.shape_cast %get3A_723 : vector<16xi32> to vector<16xi32>
    %add3A_725 = arith.constant 304 : i32
    %add3A_726 = arith.addi %mul3A_0, %add3A_725 : i32
    %iota3A_727 = tpu.iota {dimensions = array<i32: 0>} : vector<16xi32>
    %add3A_728 = vector.broadcast %add3A_726 : i32 to vector<16xi32>
    %add3A_729 = arith.addi %add3A_728, %iota3A_727 : vector<16xi32>
    %shift_right_arithmetic3A_730 = arith.constant 3 : i32
    %shift_right_arithmetic3A_731 = vector.broadcast %shift_right_arithmetic3A_730 : i32 to vector<16xi32>
    %shift_right_arithmetic3A_732 = arith.shrsi %get3A_724, %shift_right_arithmetic3A_731 : vector<16xi32>
    %shift_left3A_733 = arith.constant 17 : i32
    %shift_left3A_734 = vector.broadcast %shift_left3A_733 : i32 to vector<16xi32>
    %shift_left3A_735 = arith.shli %shift_right_arithmetic3A_732, %shift_left3A_734 : vector<16xi32>
    %shift_right_arithmetic3A_736 = arith.constant 7 : i32
    %shift_right_arithmetic3A_737 = vector.broadcast %shift_right_arithmetic3A_736 : i32 to vector<16xi32>
    %shift_right_arithmetic3A_738 = arith.shrsi %add3A_729, %shift_right_arithmetic3A_737 : vector<16xi32>
    %shift_left3A_739 = arith.constant 10 : i32
    %shift_left3A_740 = vector.broadcast %shift_left3A_739 : i32 to vector<16xi32>
    %shift_left3A_741 = arith.shli %shift_right_arithmetic3A_738, %shift_left3A_740 : vector<16xi32>
    %add3A_742 = arith.addi %shift_left3A_735, %shift_left3A_741 : vector<16xi32>
    %and3A_743 = arith.constant 7 : i32
    %and3A_744 = vector.broadcast %and3A_743 : i32 to vector<16xi32>
    %and3A_745 = arith.andi %get3A_724, %and3A_744 : vector<16xi32>
    %shift_left3A_746 = arith.constant 7 : i32
    %shift_left3A_747 = vector.broadcast %shift_left3A_746 : i32 to vector<16xi32>
    %shift_left3A_748 = arith.shli %and3A_745, %shift_left3A_747 : vector<16xi32>
    %add3A_749 = arith.addi %add3A_742, %shift_left3A_748 : vector<16xi32>
    %and3A_750 = arith.constant 127 : i32
    %and3A_751 = vector.broadcast %and3A_750 : i32 to vector<16xi32>
    %and3A_752 = arith.andi %add3A_729, %and3A_751 : vector<16xi32>
    %add3A_753 = arith.addi %add3A_749, %and3A_752 : vector<16xi32>
    %swap3A_754 = arith.constant 2 : i32
    %swap3A_755 = arith.index_cast %swap3A_754 : i32 to index
    %swap3A_756 = arith.constant 48 : index
    %swap3A_757 = tpu.vector_load %arg6[%swap3A_755, %swap3A_756] {strides = array<i32>} : memref<8x128xi32, #tpu.memory_space<vmem>>, vector<1x16xi32>,
    %swap3A_758 = vector.shape_cast %swap3A_757 : vector<1x16xi32> to vector<16xi32>
    %swap3A_759 = vector.shape_cast %add3A_753 : vector<16xi32> to vector<1x16xi32>
    tpu.vector_store %arg6[%swap3A_755, %swap3A_756], %swap3A_759 {strides = array<i32>} : memref<8x128xi32, #tpu.memory_space<vmem>>, vector<1x16xi32>,
    %get3A_760 = arith.constant 320 : index
    %get3A_761 = tpu.vector_load %arg8[%get3A_760] {strides = array<i32>} : memref<1024xi32, #tpu.memory_space<vmem>>, vector<16xi32>,
    %get3A_762 = vector.shape_cast %get3A_761 : vector<16xi32> to vector<16xi32>
    %add3A_763 = arith.constant 320 : i32
    %add3A_764 = arith.addi %mul3A_0, %add3A_763 : i32
    %iota3A_765 = tpu.iota {dimensions = array<i32: 0>} : vector<16xi32>
    %add3A_766 = vector.broadcast %add3A_764 : i32 to vector<16xi32>
    %add3A_767 = arith.addi %add3A_766, %iota3A_765 : vector<16xi32>
    %shift_right_arithmetic3A_768 = arith.constant 3 : i32
    %shift_right_arithmetic3A_769 = vector.broadcast %shift_right_arithmetic3A_768 : i32 to vector<16xi32>
    %shift_right_arithmetic3A_770 = arith.shrsi %get3A_762, %shift_right_arithmetic3A_769 : vector<16xi32>
    %shift_left3A_771 = arith.constant 17 : i32
    %shift_left3A_772 = vector.broadcast %shift_left3A_771 : i32 to vector<16xi32>
    %shift_left3A_773 = arith.shli %shift_right_arithmetic3A_770, %shift_left3A_772 : vector<16xi32>
    %shift_right_arithmetic3A_774 = arith.constant 7 : i32
    %shift_right_arithmetic3A_775 = vector.broadcast %shift_right_arithmetic3A_774 : i32 to vector<16xi32>
    %shift_right_arithmetic3A_776 = arith.shrsi %add3A_767, %shift_right_arithmetic3A_775 : vector<16xi32>
    %shift_left3A_777 = arith.constant 10 : i32
    %shift_left3A_778 = vector.broadcast %shift_left3A_777 : i32 to vector<16xi32>
    %shift_left3A_779 = arith.shli %shift_right_arithmetic3A_776, %shift_left3A_778 : vector<16xi32>
    %add3A_780 = arith.addi %shift_left3A_773, %shift_left3A_779 : vector<16xi32>
    %and3A_781 = arith.constant 7 : i32
    %and3A_782 = vector.broadcast %and3A_781 : i32 to vector<16xi32>
    %and3A_783 = arith.andi %get3A_762, %and3A_782 : vector<16xi32>
    %shift_left3A_784 = arith.constant 7 : i32
    %shift_left3A_785 = vector.broadcast %shift_left3A_784 : i32 to vector<16xi32>
    %shift_left3A_786 = arith.shli %and3A_783, %shift_left3A_785 : vector<16xi32>
    %add3A_787 = arith.addi %add3A_780, %shift_left3A_786 : vector<16xi32>
    %and3A_788 = arith.constant 127 : i32
    %and3A_789 = vector.broadcast %and3A_788 : i32 to vector<16xi32>
    %and3A_790 = arith.andi %add3A_767, %and3A_789 : vector<16xi32>
    %add3A_791 = arith.addi %add3A_787, %and3A_790 : vector<16xi32>
    %swap3A_792 = arith.constant 2 : i32
    %swap3A_793 = arith.index_cast %swap3A_792 : i32 to index
    %swap3A_794 = arith.constant 64 : index
    %swap3A_795 = tpu.vector_load %arg6[%swap3A_793, %swap3A_794] {strides = array<i32>} : memref<8x128xi32, #tpu.memory_space<vmem>>, vector<1x16xi32>,
    %swap3A_796 = vector.shape_cast %swap3A_795 : vector<1x16xi32> to vector<16xi32>
    %swap3A_797 = vector.shape_cast %add3A_791 : vector<16xi32> to vector<1x16xi32>
    tpu.vector_store %arg6[%swap3A_793, %swap3A_794], %swap3A_797 {strides = array<i32>} : memref<8x128xi32, #tpu.memory_space<vmem>>, vector<1x16xi32>,
    %get3A_798 = arith.constant 336 : index
    %get3A_799 = tpu.vector_load %arg8[%get3A_798] {strides = array<i32>} : memref<1024xi32, #tpu.memory_space<vmem>>, vector<16xi32>,
    %get3A_800 = vector.shape_cast %get3A_799 : vector<16xi32> to vector<16xi32>
    %add3A_801 = arith.constant 336 : i32
    %add3A_802 = arith.addi %mul3A_0, %add3A_801 : i32
    %iota3A_803 = tpu.iota {dimensions = array<i32: 0>} : vector<16xi32>
    %add3A_804 = vector.broadcast %add3A_802 : i32 to vector<16xi32>
    %add3A_805 = arith.addi %add3A_804, %iota3A_803 : vector<16xi32>
    %shift_right_arithmetic3A_806 = arith.constant 3 : i32
    %shift_right_arithmetic3A_807 = vector.broadcast %shift_right_arithmetic3A_806 : i32 to vector<16xi32>
    %shift_right_arithmetic3A_808 = arith.shrsi %get3A_800, %shift_right_arithmetic3A_807 : vector<16xi32>
    %shift_left3A_809 = arith.constant 17 : i32
    %shift_left3A_810 = vector.broadcast %shift_left3A_809 : i32 to vector<16xi32>
    %shift_left3A_811 = arith.shli %shift_right_arithmetic3A_808, %shift_left3A_810 : vector<16xi32>
    %shift_right_arithmetic3A_812 = arith.constant 7 : i32
    %shift_right_arithmetic3A_813 = vector.broadcast %shift_right_arithmetic3A_812 : i32 to vector<16xi32>
    %shift_right_arithmetic3A_814 = arith.shrsi %add3A_805, %shift_right_arithmetic3A_813 : vector<16xi32>
    %shift_left3A_815 = arith.constant 10 : i32
    %shift_left3A_816 = vector.broadcast %shift_left3A_815 : i32 to vector<16xi32>
    %shift_left3A_817 = arith.shli %shift_right_arithmetic3A_814, %shift_left3A_816 : vector<16xi32>
    %add3A_818 = arith.addi %shift_left3A_811, %shift_left3A_817 : vector<16xi32>
    %and3A_819 = arith.constant 7 : i32
    %and3A_820 = vector.broadcast %and3A_819 : i32 to vector<16xi32>
    %and3A_821 = arith.andi %get3A_800, %and3A_820 : vector<16xi32>
    %shift_left3A_822 = arith.constant 7 : i32
    %shift_left3A_823 = vector.broadcast %shift_left3A_822 : i32 to vector<16xi32>
    %shift_left3A_824 = arith.shli %and3A_821, %shift_left3A_823 : vector<16xi32>
    %add3A_825 = arith.addi %add3A_818, %shift_left3A_824 : vector<16xi32>
    %and3A_826 = arith.constant 127 : i32
    %and3A_827 = vector.broadcast %and3A_826 : i32 to vector<16xi32>
    %and3A_828 = arith.andi %add3A_805, %and3A_827 : vector<16xi32>
    %add3A_829 = arith.addi %add3A_825, %and3A_828 : vector<16xi32>
    %swap3A_830 = arith.constant 2 : i32
    %swap3A_831 = arith.index_cast %swap3A_830 : i32 to index
    %swap3A_832 = arith.constant 80 : index
    %swap3A_833 = tpu.vector_load %arg6[%swap3A_831, %swap3A_832] {strides = array<i32>} : memref<8x128xi32, #tpu.memory_space<vmem>>, vector<1x16xi32>,
    %swap3A_834 = vector.shape_cast %swap3A_833 : vector<1x16xi32> to vector<16xi32>
    %swap3A_835 = vector.shape_cast %add3A_829 : vector<16xi32> to vector<1x16xi32>
    tpu.vector_store %arg6[%swap3A_831, %swap3A_832], %swap3A_835 {strides = array<i32>} : memref<8x128xi32, #tpu.memory_space<vmem>>, vector<1x16xi32>,
    %get3A_836 = arith.constant 352 : index
    %get3A_837 = tpu.vector_load %arg8[%get3A_836] {strides = array<i32>} : memref<1024xi32, #tpu.memory_space<vmem>>, vector<16xi32>,
    %get3A_838 = vector.shape_cast %get3A_837 : vector<16xi32> to vector<16xi32>
    %add3A_839 = arith.constant 352 : i32
    %add3A_840 = arith.addi %mul3A_0, %add3A_839 : i32
    %iota3A_841 = tpu.iota {dimensions = array<i32: 0>} : vector<16xi32>
    %add3A_842 = vector.broadcast %add3A_840 : i32 to vector<16xi32>
    %add3A_843 = arith.addi %add3A_842, %iota3A_841 : vector<16xi32>
    %shift_right_arithmetic3A_844 = arith.constant 3 : i32
    %shift_right_arithmetic3A_845 = vector.broadcast %shift_right_arithmetic3A_844 : i32 to vector<16xi32>
    %shift_right_arithmetic3A_846 = arith.shrsi %get3A_838, %shift_right_arithmetic3A_845 : vector<16xi32>
    %shift_left3A_847 = arith.constant 17 : i32
    %shift_left3A_848 = vector.broadcast %shift_left3A_847 : i32 to vector<16xi32>
    %shift_left3A_849 = arith.shli %shift_right_arithmetic3A_846, %shift_left3A_848 : vector<16xi32>
    %shift_right_arithmetic3A_850 = arith.constant 7 : i32
    %shift_right_arithmetic3A_851 = vector.broadcast %shift_right_arithmetic3A_850 : i32 to vector<16xi32>
    %shift_right_arithmetic3A_852 = arith.shrsi %add3A_843, %shift_right_arithmetic3A_851 : vector<16xi32>
    %shift_left3A_853 = arith.constant 10 : i32
    %shift_left3A_854 = vector.broadcast %shift_left3A_853 : i32 to vector<16xi32>
    %shift_left3A_855 = arith.shli %shift_right_arithmetic3A_852, %shift_left3A_854 : vector<16xi32>
    %add3A_856 = arith.addi %shift_left3A_849, %shift_left3A_855 : vector<16xi32>
    %and3A_857 = arith.constant 7 : i32
    %and3A_858 = vector.broadcast %and3A_857 : i32 to vector<16xi32>
    %and3A_859 = arith.andi %get3A_838, %and3A_858 : vector<16xi32>
    %shift_left3A_860 = arith.constant 7 : i32
    %shift_left3A_861 = vector.broadcast %shift_left3A_860 : i32 to vector<16xi32>
    %shift_left3A_862 = arith.shli %and3A_859, %shift_left3A_861 : vector<16xi32>
    %add3A_863 = arith.addi %add3A_856, %shift_left3A_862 : vector<16xi32>
    %and3A_864 = arith.constant 127 : i32
    %and3A_865 = vector.broadcast %and3A_864 : i32 to vector<16xi32>
    %and3A_866 = arith.andi %add3A_843, %and3A_865 : vector<16xi32>
    %add3A_867 = arith.addi %add3A_863, %and3A_866 : vector<16xi32>
    %swap3A_868 = arith.constant 2 : i32
    %swap3A_869 = arith.index_cast %swap3A_868 : i32 to index
    %swap3A_870 = arith.constant 96 : index
    %swap3A_871 = tpu.vector_load %arg6[%swap3A_869, %swap3A_870] {strides = array<i32>} : memref<8x128xi32, #tpu.memory_space<vmem>>, vector<1x16xi32>,
    %swap3A_872 = vector.shape_cast %swap3A_871 : vector<1x16xi32> to vector<16xi32>
    %swap3A_873 = vector.shape_cast %add3A_867 : vector<16xi32> to vector<1x16xi32>
    tpu.vector_store %arg6[%swap3A_869, %swap3A_870], %swap3A_873 {strides = array<i32>} : memref<8x128xi32, #tpu.memory_space<vmem>>, vector<1x16xi32>,
    %get3A_874 = arith.constant 368 : index
    %get3A_875 = tpu.vector_load %arg8[%get3A_874] {strides = array<i32>} : memref<1024xi32, #tpu.memory_space<vmem>>, vector<16xi32>,
    %get3A_876 = vector.shape_cast %get3A_875 : vector<16xi32> to vector<16xi32>
    %add3A_877 = arith.constant 368 : i32
    %add3A_878 = arith.addi %mul3A_0, %add3A_877 : i32
    %iota3A_879 = tpu.iota {dimensions = array<i32: 0>} : vector<16xi32>
    %add3A_880 = vector.broadcast %add3A_878 : i32 to vector<16xi32>
    %add3A_881 = arith.addi %add3A_880, %iota3A_879 : vector<16xi32>
    %shift_right_arithmetic3A_882 = arith.constant 3 : i32
    %shift_right_arithmetic3A_883 = vector.broadcast %shift_right_arithmetic3A_882 : i32 to vector<16xi32>
    %shift_right_arithmetic3A_884 = arith.shrsi %get3A_876, %shift_right_arithmetic3A_883 : vector<16xi32>
    %shift_left3A_885 = arith.constant 17 : i32
    %shift_left3A_886 = vector.broadcast %shift_left3A_885 : i32 to vector<16xi32>
    %shift_left3A_887 = arith.shli %shift_right_arithmetic3A_884, %shift_left3A_886 : vector<16xi32>
    %shift_right_arithmetic3A_888 = arith.constant 7 : i32
    %shift_right_arithmetic3A_889 = vector.broadcast %shift_right_arithmetic3A_888 : i32 to vector<16xi32>
    %shift_right_arithmetic3A_890 = arith.shrsi %add3A_881, %shift_right_arithmetic3A_889 : vector<16xi32>
    %shift_left3A_891 = arith.constant 10 : i32
    %shift_left3A_892 = vector.broadcast %shift_left3A_891 : i32 to vector<16xi32>
    %shift_left3A_893 = arith.shli %shift_right_arithmetic3A_890, %shift_left3A_892 : vector<16xi32>
    %add3A_894 = arith.addi %shift_left3A_887, %shift_left3A_893 : vector<16xi32>
    %and3A_895 = arith.constant 7 : i32
    %and3A_896 = vector.broadcast %and3A_895 : i32 to vector<16xi32>
    %and3A_897 = arith.andi %get3A_876, %and3A_896 : vector<16xi32>
    %shift_left3A_898 = arith.constant 7 : i32
    %shift_left3A_899 = vector.broadcast %shift_left3A_898 : i32 to vector<16xi32>
    %shift_left3A_900 = arith.shli %and3A_897, %shift_left3A_899 : vector<16xi32>
    %add3A_901 = arith.addi %add3A_894, %shift_left3A_900 : vector<16xi32>
    %and3A_902 = arith.constant 127 : i32
    %and3A_903 = vector.broadcast %and3A_902 : i32 to vector<16xi32>
    %and3A_904 = arith.andi %add3A_881, %and3A_903 : vector<16xi32>
    %add3A_905 = arith.addi %add3A_901, %and3A_904 : vector<16xi32>
    %swap3A_906 = arith.constant 2 : i32
    %swap3A_907 = arith.index_cast %swap3A_906 : i32 to index
    %swap3A_908 = arith.constant 112 : index
    %swap3A_909 = tpu.vector_load %arg6[%swap3A_907, %swap3A_908] {strides = array<i32>} : memref<8x128xi32, #tpu.memory_space<vmem>>, vector<1x16xi32>,
    %swap3A_910 = vector.shape_cast %swap3A_909 : vector<1x16xi32> to vector<16xi32>
    %swap3A_911 = vector.shape_cast %add3A_905 : vector<16xi32> to vector<1x16xi32>
    tpu.vector_store %arg6[%swap3A_907, %swap3A_908], %swap3A_911 {strides = array<i32>} : memref<8x128xi32, #tpu.memory_space<vmem>>, vector<1x16xi32>,
    %get3A_912 = arith.constant 384 : index
    %get3A_913 = tpu.vector_load %arg8[%get3A_912] {strides = array<i32>} : memref<1024xi32, #tpu.memory_space<vmem>>, vector<16xi32>,
    %get3A_914 = vector.shape_cast %get3A_913 : vector<16xi32> to vector<16xi32>
    %add3A_915 = arith.constant 384 : i32
    %add3A_916 = arith.addi %mul3A_0, %add3A_915 : i32
    %iota3A_917 = tpu.iota {dimensions = array<i32: 0>} : vector<16xi32>
    %add3A_918 = vector.broadcast %add3A_916 : i32 to vector<16xi32>
    %add3A_919 = arith.addi %add3A_918, %iota3A_917 : vector<16xi32>
    %shift_right_arithmetic3A_920 = arith.constant 3 : i32
    %shift_right_arithmetic3A_921 = vector.broadcast %shift_right_arithmetic3A_920 : i32 to vector<16xi32>
    %shift_right_arithmetic3A_922 = arith.shrsi %get3A_914, %shift_right_arithmetic3A_921 : vector<16xi32>
    %shift_left3A_923 = arith.constant 17 : i32
    %shift_left3A_924 = vector.broadcast %shift_left3A_923 : i32 to vector<16xi32>
    %shift_left3A_925 = arith.shli %shift_right_arithmetic3A_922, %shift_left3A_924 : vector<16xi32>
    %shift_right_arithmetic3A_926 = arith.constant 7 : i32
    %shift_right_arithmetic3A_927 = vector.broadcast %shift_right_arithmetic3A_926 : i32 to vector<16xi32>
    %shift_right_arithmetic3A_928 = arith.shrsi %add3A_919, %shift_right_arithmetic3A_927 : vector<16xi32>
    %shift_left3A_929 = arith.constant 10 : i32
    %shift_left3A_930 = vector.broadcast %shift_left3A_929 : i32 to vector<16xi32>
    %shift_left3A_931 = arith.shli %shift_right_arithmetic3A_928, %shift_left3A_930 : vector<16xi32>
    %add3A_932 = arith.addi %shift_left3A_925, %shift_left3A_931 : vector<16xi32>
    %and3A_933 = arith.constant 7 : i32
    %and3A_934 = vector.broadcast %and3A_933 : i32 to vector<16xi32>
    %and3A_935 = arith.andi %get3A_914, %and3A_934 : vector<16xi32>
    %shift_left3A_936 = arith.constant 7 : i32
    %shift_left3A_937 = vector.broadcast %shift_left3A_936 : i32 to vector<16xi32>
    %shift_left3A_938 = arith.shli %and3A_935, %shift_left3A_937 : vector<16xi32>
    %add3A_939 = arith.addi %add3A_932, %shift_left3A_938 : vector<16xi32>
    %and3A_940 = arith.constant 127 : i32
    %and3A_941 = vector.broadcast %and3A_940 : i32 to vector<16xi32>
    %and3A_942 = arith.andi %add3A_919, %and3A_941 : vector<16xi32>
    %add3A_943 = arith.addi %add3A_939, %and3A_942 : vector<16xi32>
    %swap3A_944 = arith.constant 3 : i32
    %swap3A_945 = arith.index_cast %swap3A_944 : i32 to index
    %swap3A_946 = arith.constant 0 : index
    %swap3A_947 = tpu.vector_load %arg6[%swap3A_945, %swap3A_946] {strides = array<i32>} : memref<8x128xi32, #tpu.memory_space<vmem>>, vector<1x16xi32>,
    %swap3A_948 = vector.shape_cast %swap3A_947 : vector<1x16xi32> to vector<16xi32>
    %swap3A_949 = vector.shape_cast %add3A_943 : vector<16xi32> to vector<1x16xi32>
    tpu.vector_store %arg6[%swap3A_945, %swap3A_946], %swap3A_949 {strides = array<i32>} : memref<8x128xi32, #tpu.memory_space<vmem>>, vector<1x16xi32>,
    %get3A_950 = arith.constant 400 : index
    %get3A_951 = tpu.vector_load %arg8[%get3A_950] {strides = array<i32>} : memref<1024xi32, #tpu.memory_space<vmem>>, vector<16xi32>,
    %get3A_952 = vector.shape_cast %get3A_951 : vector<16xi32> to vector<16xi32>
    %add3A_953 = arith.constant 400 : i32
    %add3A_954 = arith.addi %mul3A_0, %add3A_953 : i32
    %iota3A_955 = tpu.iota {dimensions = array<i32: 0>} : vector<16xi32>
    %add3A_956 = vector.broadcast %add3A_954 : i32 to vector<16xi32>
    %add3A_957 = arith.addi %add3A_956, %iota3A_955 : vector<16xi32>
    %shift_right_arithmetic3A_958 = arith.constant 3 : i32
    %shift_right_arithmetic3A_959 = vector.broadcast %shift_right_arithmetic3A_958 : i32 to vector<16xi32>
    %shift_right_arithmetic3A_960 = arith.shrsi %get3A_952, %shift_right_arithmetic3A_959 : vector<16xi32>
    %shift_left3A_961 = arith.constant 17 : i32
    %shift_left3A_962 = vector.broadcast %shift_left3A_961 : i32 to vector<16xi32>
    %shift_left3A_963 = arith.shli %shift_right_arithmetic3A_960, %shift_left3A_962 : vector<16xi32>
    %shift_right_arithmetic3A_964 = arith.constant 7 : i32
    %shift_right_arithmetic3A_965 = vector.broadcast %shift_right_arithmetic3A_964 : i32 to vector<16xi32>
    %shift_right_arithmetic3A_966 = arith.shrsi %add3A_957, %shift_right_arithmetic3A_965 : vector<16xi32>
    %shift_left3A_967 = arith.constant 10 : i32
    %shift_left3A_968 = vector.broadcast %shift_left3A_967 : i32 to vector<16xi32>
    %shift_left3A_969 = arith.shli %shift_right_arithmetic3A_966, %shift_left3A_968 : vector<16xi32>
    %add3A_970 = arith.addi %shift_left3A_963, %shift_left3A_969 : vector<16xi32>
    %and3A_971 = arith.constant 7 : i32
    %and3A_972 = vector.broadcast %and3A_971 : i32 to vector<16xi32>
    %and3A_973 = arith.andi %get3A_952, %and3A_972 : vector<16xi32>
    %shift_left3A_974 = arith.constant 7 : i32
    %shift_left3A_975 = vector.broadcast %shift_left3A_974 : i32 to vector<16xi32>
    %shift_left3A_976 = arith.shli %and3A_973, %shift_left3A_975 : vector<16xi32>
    %add3A_977 = arith.addi %add3A_970, %shift_left3A_976 : vector<16xi32>
    %and3A_978 = arith.constant 127 : i32
    %and3A_979 = vector.broadcast %and3A_978 : i32 to vector<16xi32>
    %and3A_980 = arith.andi %add3A_957, %and3A_979 : vector<16xi32>
    %add3A_981 = arith.addi %add3A_977, %and3A_980 : vector<16xi32>
    %swap3A_982 = arith.constant 3 : i32
    %swap3A_983 = arith.index_cast %swap3A_982 : i32 to index
    %swap3A_984 = arith.constant 16 : index
    %swap3A_985 = tpu.vector_load %arg6[%swap3A_983, %swap3A_984] {strides = array<i32>} : memref<8x128xi32, #tpu.memory_space<vmem>>, vector<1x16xi32>,
    %swap3A_986 = vector.shape_cast %swap3A_985 : vector<1x16xi32> to vector<16xi32>
    %swap3A_987 = vector.shape_cast %add3A_981 : vector<16xi32> to vector<1x16xi32>
    tpu.vector_store %arg6[%swap3A_983, %swap3A_984], %swap3A_987 {strides = array<i32>} : memref<8x128xi32, #tpu.memory_space<vmem>>, vector<1x16xi32>,
    %get3A_988 = arith.constant 416 : index
    %get3A_989 = tpu.vector_load %arg8[%get3A_988] {strides = array<i32>} : memref<1024xi32, #tpu.memory_space<vmem>>, vector<16xi32>,
    %get3A_990 = vector.shape_cast %get3A_989 : vector<16xi32> to vector<16xi32>
    %add3A_991 = arith.constant 416 : i32
    %add3A_992 = arith.addi %mul3A_0, %add3A_991 : i32
    %iota3A_993 = tpu.iota {dimensions = array<i32: 0>} : vector<16xi32>
    %add3A_994 = vector.broadcast %add3A_992 : i32 to vector<16xi32>
    %add3A_995 = arith.addi %add3A_994, %iota3A_993 : vector<16xi32>
    %shift_right_arithmetic3A_996 = arith.constant 3 : i32
    %shift_right_arithmetic3A_997 = vector.broadcast %shift_right_arithmetic3A_996 : i32 to vector<16xi32>
    %shift_right_arithmetic3A_998 = arith.shrsi %get3A_990, %shift_right_arithmetic3A_997 : vector<16xi32>
    %shift_left3A_999 = arith.constant 17 : i32
    %shift_left3A_1000 = vector.broadcast %shift_left3A_999 : i32 to vector<16xi32>
    %shift_left3A_1001 = arith.shli %shift_right_arithmetic3A_998, %shift_left3A_1000 : vector<16xi32>
    %shift_right_arithmetic3A_1002 = arith.constant 7 : i32
    %shift_right_arithmetic3A_1003 = vector.broadcast %shift_right_arithmetic3A_1002 : i32 to vector<16xi32>
    %shift_right_arithmetic3A_1004 = arith.shrsi %add3A_995, %shift_right_arithmetic3A_1003 : vector<16xi32>
    %shift_left3A_1005 = arith.constant 10 : i32
    %shift_left3A_1006 = vector.broadcast %shift_left3A_1005 : i32 to vector<16xi32>
    %shift_left3A_1007 = arith.shli %shift_right_arithmetic3A_1004, %shift_left3A_1006 : vector<16xi32>
    %add3A_1008 = arith.addi %shift_left3A_1001, %shift_left3A_1007 : vector<16xi32>
    %and3A_1009 = arith.constant 7 : i32
    %and3A_1010 = vector.broadcast %and3A_1009 : i32 to vector<16xi32>
    %and3A_1011 = arith.andi %get3A_990, %and3A_1010 : vector<16xi32>
    %shift_left3A_1012 = arith.constant 7 : i32
    %shift_left3A_1013 = vector.broadcast %shift_left3A_1012 : i32 to vector<16xi32>
    %shift_left3A_1014 = arith.shli %and3A_1011, %shift_left3A_1013 : vector<16xi32>
    %add3A_1015 = arith.addi %add3A_1008, %shift_left3A_1014 : vector<16xi32>
    %and3A_1016 = arith.constant 127 : i32
    %and3A_1017 = vector.broadcast %and3A_1016 : i32 to vector<16xi32>
    %and3A_1018 = arith.andi %add3A_995, %and3A_1017 : vector<16xi32>
    %add3A_1019 = arith.addi %add3A_1015, %and3A_1018 : vector<16xi32>
    %swap3A_1020 = arith.constant 3 : i32
    %swap3A_1021 = arith.index_cast %swap3A_1020 : i32 to index
    %swap3A_1022 = arith.constant 32 : index
    %swap3A_1023 = tpu.vector_load %arg6[%swap3A_1021, %swap3A_1022] {strides = array<i32>} : memref<8x128xi32, #tpu.memory_space<vmem>>, vector<1x16xi32>,
    %swap3A_1024 = vector.shape_cast %swap3A_1023 : vector<1x16xi32> to vector<16xi32>
    %swap3A_1025 = vector.shape_cast %add3A_1019 : vector<16xi32> to vector<1x16xi32>
    tpu.vector_store %arg6[%swap3A_1021, %swap3A_1022], %swap3A_1025 {strides = array<i32>} : memref<8x128xi32, #tpu.memory_space<vmem>>, vector<1x16xi32>,
    %get3A_1026 = arith.constant 432 : index
    %get3A_1027 = tpu.vector_load %arg8[%get3A_1026] {strides = array<i32>} : memref<1024xi32, #tpu.memory_space<vmem>>, vector<16xi32>,
    %get3A_1028 = vector.shape_cast %get3A_1027 : vector<16xi32> to vector<16xi32>
    %add3A_1029 = arith.constant 432 : i32
    %add3A_1030 = arith.addi %mul3A_0, %add3A_1029 : i32
    %iota3A_1031 = tpu.iota {dimensions = array<i32: 0>} : vector<16xi32>
    %add3A_1032 = vector.broadcast %add3A_1030 : i32 to vector<16xi32>
    %add3A_1033 = arith.addi %add3A_1032, %iota3A_1031 : vector<16xi32>
    %shift_right_arithmetic3A_1034 = arith.constant 3 : i32
    %shift_right_arithmetic3A_1035 = vector.broadcast %shift_right_arithmetic3A_1034 : i32 to vector<16xi32>
    %shift_right_arithmetic3A_1036 = arith.shrsi %get3A_1028, %shift_right_arithmetic3A_1035 : vector<16xi32>
    %shift_left3A_1037 = arith.constant 17 : i32
    %shift_left3A_1038 = vector.broadcast %shift_left3A_1037 : i32 to vector<16xi32>
    %shift_left3A_1039 = arith.shli %shift_right_arithmetic3A_1036, %shift_left3A_1038 : vector<16xi32>
    %shift_right_arithmetic3A_1040 = arith.constant 7 : i32
    %shift_right_arithmetic3A_1041 = vector.broadcast %shift_right_arithmetic3A_1040 : i32 to vector<16xi32>
    %shift_right_arithmetic3A_1042 = arith.shrsi %add3A_1033, %shift_right_arithmetic3A_1041 : vector<16xi32>
    %shift_left3A_1043 = arith.constant 10 : i32
    %shift_left3A_1044 = vector.broadcast %shift_left3A_1043 : i32 to vector<16xi32>
    %shift_left3A_1045 = arith.shli %shift_right_arithmetic3A_1042, %shift_left3A_1044 : vector<16xi32>
    %add3A_1046 = arith.addi %shift_left3A_1039, %shift_left3A_1045 : vector<16xi32>
    %and3A_1047 = arith.constant 7 : i32
    %and3A_1048 = vector.broadcast %and3A_1047 : i32 to vector<16xi32>
    %and3A_1049 = arith.andi %get3A_1028, %and3A_1048 : vector<16xi32>
    %shift_left3A_1050 = arith.constant 7 : i32
    %shift_left3A_1051 = vector.broadcast %shift_left3A_1050 : i32 to vector<16xi32>
    %shift_left3A_1052 = arith.shli %and3A_1049, %shift_left3A_1051 : vector<16xi32>
    %add3A_1053 = arith.addi %add3A_1046, %shift_left3A_1052 : vector<16xi32>
    %and3A_1054 = arith.constant 127 : i32
    %and3A_1055 = vector.broadcast %and3A_1054 : i32 to vector<16xi32>
    %and3A_1056 = arith.andi %add3A_1033, %and3A_1055 : vector<16xi32>
    %add3A_1057 = arith.addi %add3A_1053, %and3A_1056 : vector<16xi32>
    %swap3A_1058 = arith.constant 3 : i32
    %swap3A_1059 = arith.index_cast %swap3A_1058 : i32 to index
    %swap3A_1060 = arith.constant 48 : index
    %swap3A_1061 = tpu.vector_load %arg6[%swap3A_1059, %swap3A_1060] {strides = array<i32>} : memref<8x128xi32, #tpu.memory_space<vmem>>, vector<1x16xi32>,
    %swap3A_1062 = vector.shape_cast %swap3A_1061 : vector<1x16xi32> to vector<16xi32>
    %swap3A_1063 = vector.shape_cast %add3A_1057 : vector<16xi32> to vector<1x16xi32>
    tpu.vector_store %arg6[%swap3A_1059, %swap3A_1060], %swap3A_1063 {strides = array<i32>} : memref<8x128xi32, #tpu.memory_space<vmem>>, vector<1x16xi32>,
    %get3A_1064 = arith.constant 448 : index
    %get3A_1065 = tpu.vector_load %arg8[%get3A_1064] {strides = array<i32>} : memref<1024xi32, #tpu.memory_space<vmem>>, vector<16xi32>,
    %get3A_1066 = vector.shape_cast %get3A_1065 : vector<16xi32> to vector<16xi32>
    %add3A_1067 = arith.constant 448 : i32
    %add3A_1068 = arith.addi %mul3A_0, %add3A_1067 : i32
    %iota3A_1069 = tpu.iota {dimensions = array<i32: 0>} : vector<16xi32>
    %add3A_1070 = vector.broadcast %add3A_1068 : i32 to vector<16xi32>
    %add3A_1071 = arith.addi %add3A_1070, %iota3A_1069 : vector<16xi32>
    %shift_right_arithmetic3A_1072 = arith.constant 3 : i32
    %shift_right_arithmetic3A_1073 = vector.broadcast %shift_right_arithmetic3A_1072 : i32 to vector<16xi32>
    %shift_right_arithmetic3A_1074 = arith.shrsi %get3A_1066, %shift_right_arithmetic3A_1073 : vector<16xi32>
    %shift_left3A_1075 = arith.constant 17 : i32
    %shift_left3A_1076 = vector.broadcast %shift_left3A_1075 : i32 to vector<16xi32>
    %shift_left3A_1077 = arith.shli %shift_right_arithmetic3A_1074, %shift_left3A_1076 : vector<16xi32>
    %shift_right_arithmetic3A_1078 = arith.constant 7 : i32
    %shift_right_arithmetic3A_1079 = vector.broadcast %shift_right_arithmetic3A_1078 : i32 to vector<16xi32>
    %shift_right_arithmetic3A_1080 = arith.shrsi %add3A_1071, %shift_right_arithmetic3A_1079 : vector<16xi32>
    %shift_left3A_1081 = arith.constant 10 : i32
    %shift_left3A_1082 = vector.broadcast %shift_left3A_1081 : i32 to vector<16xi32>
    %shift_left3A_1083 = arith.shli %shift_right_arithmetic3A_1080, %shift_left3A_1082 : vector<16xi32>
    %add3A_1084 = arith.addi %shift_left3A_1077, %shift_left3A_1083 : vector<16xi32>
    %and3A_1085 = arith.constant 7 : i32
    %and3A_1086 = vector.broadcast %and3A_1085 : i32 to vector<16xi32>
    %and3A_1087 = arith.andi %get3A_1066, %and3A_1086 : vector<16xi32>
    %shift_left3A_1088 = arith.constant 7 : i32
    %shift_left3A_1089 = vector.broadcast %shift_left3A_1088 : i32 to vector<16xi32>
    %shift_left3A_1090 = arith.shli %and3A_1087, %shift_left3A_1089 : vector<16xi32>
    %add3A_1091 = arith.addi %add3A_1084, %shift_left3A_1090 : vector<16xi32>
    %and3A_1092 = arith.constant 127 : i32
    %and3A_1093 = vector.broadcast %and3A_1092 : i32 to vector<16xi32>
    %and3A_1094 = arith.andi %add3A_1071, %and3A_1093 : vector<16xi32>
    %add3A_1095 = arith.addi %add3A_1091, %and3A_1094 : vector<16xi32>
    %swap3A_1096 = arith.constant 3 : i32
    %swap3A_1097 = arith.index_cast %swap3A_1096 : i32 to index
    %swap3A_1098 = arith.constant 64 : index
    %swap3A_1099 = tpu.vector_load %arg6[%swap3A_1097, %swap3A_1098] {strides = array<i32>} : memref<8x128xi32, #tpu.memory_space<vmem>>, vector<1x16xi32>,
    %swap3A_1100 = vector.shape_cast %swap3A_1099 : vector<1x16xi32> to vector<16xi32>
    %swap3A_1101 = vector.shape_cast %add3A_1095 : vector<16xi32> to vector<1x16xi32>
    tpu.vector_store %arg6[%swap3A_1097, %swap3A_1098], %swap3A_1101 {strides = array<i32>} : memref<8x128xi32, #tpu.memory_space<vmem>>, vector<1x16xi32>,
    %get3A_1102 = arith.constant 464 : index
    %get3A_1103 = tpu.vector_load %arg8[%get3A_1102] {strides = array<i32>} : memref<1024xi32, #tpu.memory_space<vmem>>, vector<16xi32>,
    %get3A_1104 = vector.shape_cast %get3A_1103 : vector<16xi32> to vector<16xi32>
    %add3A_1105 = arith.constant 464 : i32
    %add3A_1106 = arith.addi %mul3A_0, %add3A_1105 : i32
    %iota3A_1107 = tpu.iota {dimensions = array<i32: 0>} : vector<16xi32>
    %add3A_1108 = vector.broadcast %add3A_1106 : i32 to vector<16xi32>
    %add3A_1109 = arith.addi %add3A_1108, %iota3A_1107 : vector<16xi32>
    %shift_right_arithmetic3A_1110 = arith.constant 3 : i32
    %shift_right_arithmetic3A_1111 = vector.broadcast %shift_right_arithmetic3A_1110 : i32 to vector<16xi32>
    %shift_right_arithmetic3A_1112 = arith.shrsi %get3A_1104, %shift_right_arithmetic3A_1111 : vector<16xi32>
    %shift_left3A_1113 = arith.constant 17 : i32
    %shift_left3A_1114 = vector.broadcast %shift_left3A_1113 : i32 to vector<16xi32>
    %shift_left3A_1115 = arith.shli %shift_right_arithmetic3A_1112, %shift_left3A_1114 : vector<16xi32>
    %shift_right_arithmetic3A_1116 = arith.constant 7 : i32
    %shift_right_arithmetic3A_1117 = vector.broadcast %shift_right_arithmetic3A_1116 : i32 to vector<16xi32>
    %shift_right_arithmetic3A_1118 = arith.shrsi %add3A_1109, %shift_right_arithmetic3A_1117 : vector<16xi32>
    %shift_left3A_1119 = arith.constant 10 : i32
    %shift_left3A_1120 = vector.broadcast %shift_left3A_1119 : i32 to vector<16xi32>
    %shift_left3A_1121 = arith.shli %shift_right_arithmetic3A_1118, %shift_left3A_1120 : vector<16xi32>
    %add3A_1122 = arith.addi %shift_left3A_1115, %shift_left3A_1121 : vector<16xi32>
    %and3A_1123 = arith.constant 7 : i32
    %and3A_1124 = vector.broadcast %and3A_1123 : i32 to vector<16xi32>
    %and3A_1125 = arith.andi %get3A_1104, %and3A_1124 : vector<16xi32>
    %shift_left3A_1126 = arith.constant 7 : i32
    %shift_left3A_1127 = vector.broadcast %shift_left3A_1126 : i32 to vector<16xi32>
    %shift_left3A_1128 = arith.shli %and3A_1125, %shift_left3A_1127 : vector<16xi32>
    %add3A_1129 = arith.addi %add3A_1122, %shift_left3A_1128 : vector<16xi32>
    %and3A_1130 = arith.constant 127 : i32
    %and3A_1131 = vector.broadcast %and3A_1130 : i32 to vector<16xi32>
    %and3A_1132 = arith.andi %add3A_1109, %and3A_1131 : vector<16xi32>
    %add3A_1133 = arith.addi %add3A_1129, %and3A_1132 : vector<16xi32>
    %swap3A_1134 = arith.constant 3 : i32
    %swap3A_1135 = arith.index_cast %swap3A_1134 : i32 to index
    %swap3A_1136 = arith.constant 80 : index
    %swap3A_1137 = tpu.vector_load %arg6[%swap3A_1135, %swap3A_1136] {strides = array<i32>} : memref<8x128xi32, #tpu.memory_space<vmem>>, vector<1x16xi32>,
    %swap3A_1138 = vector.shape_cast %swap3A_1137 : vector<1x16xi32> to vector<16xi32>
    %swap3A_1139 = vector.shape_cast %add3A_1133 : vector<16xi32> to vector<1x16xi32>
    tpu.vector_store %arg6[%swap3A_1135, %swap3A_1136], %swap3A_1139 {strides = array<i32>} : memref<8x128xi32, #tpu.memory_space<vmem>>, vector<1x16xi32>,
    %get3A_1140 = arith.constant 480 : index
    %get3A_1141 = tpu.vector_load %arg8[%get3A_1140] {strides = array<i32>} : memref<1024xi32, #tpu.memory_space<vmem>>, vector<16xi32>,
    %get3A_1142 = vector.shape_cast %get3A_1141 : vector<16xi32> to vector<16xi32>
    %add3A_1143 = arith.constant 480 : i32
    %add3A_1144 = arith.addi %mul3A_0, %add3A_1143 : i32
    %iota3A_1145 = tpu.iota {dimensions = array<i32: 0>} : vector<16xi32>
    %add3A_1146 = vector.broadcast %add3A_1144 : i32 to vector<16xi32>
    %add3A_1147 = arith.addi %add3A_1146, %iota3A_1145 : vector<16xi32>
    %shift_right_arithmetic3A_1148 = arith.constant 3 : i32
    %shift_right_arithmetic3A_1149 = vector.broadcast %shift_right_arithmetic3A_1148 : i32 to vector<16xi32>
    %shift_right_arithmetic3A_1150 = arith.shrsi %get3A_1142, %shift_right_arithmetic3A_1149 : vector<16xi32>
    %shift_left3A_1151 = arith.constant 17 : i32
    %shift_left3A_1152 = vector.broadcast %shift_left3A_1151 : i32 to vector<16xi32>
    %shift_left3A_1153 = arith.shli %shift_right_arithmetic3A_1150, %shift_left3A_1152 : vector<16xi32>
    %shift_right_arithmetic3A_1154 = arith.constant 7 : i32
    %shift_right_arithmetic3A_1155 = vector.broadcast %shift_right_arithmetic3A_1154 : i32 to vector<16xi32>
    %shift_right_arithmetic3A_1156 = arith.shrsi %add3A_1147, %shift_right_arithmetic3A_1155 : vector<16xi32>
    %shift_left3A_1157 = arith.constant 10 : i32
    %shift_left3A_1158 = vector.broadcast %shift_left3A_1157 : i32 to vector<16xi32>
    %shift_left3A_1159 = arith.shli %shift_right_arithmetic3A_1156, %shift_left3A_1158 : vector<16xi32>
    %add3A_1160 = arith.addi %shift_left3A_1153, %shift_left3A_1159 : vector<16xi32>
    %and3A_1161 = arith.constant 7 : i32
    %and3A_1162 = vector.broadcast %and3A_1161 : i32 to vector<16xi32>
    %and3A_1163 = arith.andi %get3A_1142, %and3A_1162 : vector<16xi32>
    %shift_left3A_1164 = arith.constant 7 : i32
    %shift_left3A_1165 = vector.broadcast %shift_left3A_1164 : i32 to vector<16xi32>
    %shift_left3A_1166 = arith.shli %and3A_1163, %shift_left3A_1165 : vector<16xi32>
    %add3A_1167 = arith.addi %add3A_1160, %shift_left3A_1166 : vector<16xi32>
    %and3A_1168 = arith.constant 127 : i32
    %and3A_1169 = vector.broadcast %and3A_1168 : i32 to vector<16xi32>
    %and3A_1170 = arith.andi %add3A_1147, %and3A_1169 : vector<16xi32>
    %add3A_1171 = arith.addi %add3A_1167, %and3A_1170 : vector<16xi32>
    %swap3A_1172 = arith.constant 3 : i32
    %swap3A_1173 = arith.index_cast %swap3A_1172 : i32 to index
    %swap3A_1174 = arith.constant 96 : index
    %swap3A_1175 = tpu.vector_load %arg6[%swap3A_1173, %swap3A_1174] {strides = array<i32>} : memref<8x128xi32, #tpu.memory_space<vmem>>, vector<1x16xi32>,
    %swap3A_1176 = vector.shape_cast %swap3A_1175 : vector<1x16xi32> to vector<16xi32>
    %swap3A_1177 = vector.shape_cast %add3A_1171 : vector<16xi32> to vector<1x16xi32>
    tpu.vector_store %arg6[%swap3A_1173, %swap3A_1174], %swap3A_1177 {strides = array<i32>} : memref<8x128xi32, #tpu.memory_space<vmem>>, vector<1x16xi32>,
    %get3A_1178 = arith.constant 496 : index
    %get3A_1179 = tpu.vector_load %arg8[%get3A_1178] {strides = array<i32>} : memref<1024xi32, #tpu.memory_space<vmem>>, vector<16xi32>,
    %get3A_1180 = vector.shape_cast %get3A_1179 : vector<16xi32> to vector<16xi32>
    %add3A_1181 = arith.constant 496 : i32
    %add3A_1182 = arith.addi %mul3A_0, %add3A_1181 : i32
    %iota3A_1183 = tpu.iota {dimensions = array<i32: 0>} : vector<16xi32>
    %add3A_1184 = vector.broadcast %add3A_1182 : i32 to vector<16xi32>
    %add3A_1185 = arith.addi %add3A_1184, %iota3A_1183 : vector<16xi32>
    %shift_right_arithmetic3A_1186 = arith.constant 3 : i32
    %shift_right_arithmetic3A_1187 = vector.broadcast %shift_right_arithmetic3A_1186 : i32 to vector<16xi32>
    %shift_right_arithmetic3A_1188 = arith.shrsi %get3A_1180, %shift_right_arithmetic3A_1187 : vector<16xi32>
    %shift_left3A_1189 = arith.constant 17 : i32
    %shift_left3A_1190 = vector.broadcast %shift_left3A_1189 : i32 to vector<16xi32>
    %shift_left3A_1191 = arith.shli %shift_right_arithmetic3A_1188, %shift_left3A_1190 : vector<16xi32>
    %shift_right_arithmetic3A_1192 = arith.constant 7 : i32
    %shift_right_arithmetic3A_1193 = vector.broadcast %shift_right_arithmetic3A_1192 : i32 to vector<16xi32>
    %shift_right_arithmetic3A_1194 = arith.shrsi %add3A_1185, %shift_right_arithmetic3A_1193 : vector<16xi32>
    %shift_left3A_1195 = arith.constant 10 : i32
    %shift_left3A_1196 = vector.broadcast %shift_left3A_1195 : i32 to vector<16xi32>
    %shift_left3A_1197 = arith.shli %shift_right_arithmetic3A_1194, %shift_left3A_1196 : vector<16xi32>
    %add3A_1198 = arith.addi %shift_left3A_1191, %shift_left3A_1197 : vector<16xi32>
    %and3A_1199 = arith.constant 7 : i32
    %and3A_1200 = vector.broadcast %and3A_1199 : i32 to vector<16xi32>
    %and3A_1201 = arith.andi %get3A_1180, %and3A_1200 : vector<16xi32>
    %shift_left3A_1202 = arith.constant 7 : i32
    %shift_left3A_1203 = vector.broadcast %shift_left3A_1202 : i32 to vector<16xi32>
    %shift_left3A_1204 = arith.shli %and3A_1201, %shift_left3A_1203 : vector<16xi32>
    %add3A_1205 = arith.addi %add3A_1198, %shift_left3A_1204 : vector<16xi32>
    %and3A_1206 = arith.constant 127 : i32
    %and3A_1207 = vector.broadcast %and3A_1206 : i32 to vector<16xi32>
    %and3A_1208 = arith.andi %add3A_1185, %and3A_1207 : vector<16xi32>
    %add3A_1209 = arith.addi %add3A_1205, %and3A_1208 : vector<16xi32>
    %swap3A_1210 = arith.constant 3 : i32
    %swap3A_1211 = arith.index_cast %swap3A_1210 : i32 to index
    %swap3A_1212 = arith.constant 112 : index
    %swap3A_1213 = tpu.vector_load %arg6[%swap3A_1211, %swap3A_1212] {strides = array<i32>} : memref<8x128xi32, #tpu.memory_space<vmem>>, vector<1x16xi32>,
    %swap3A_1214 = vector.shape_cast %swap3A_1213 : vector<1x16xi32> to vector<16xi32>
    %swap3A_1215 = vector.shape_cast %add3A_1209 : vector<16xi32> to vector<1x16xi32>
    tpu.vector_store %arg6[%swap3A_1211, %swap3A_1212], %swap3A_1215 {strides = array<i32>} : memref<8x128xi32, #tpu.memory_space<vmem>>, vector<1x16xi32>,
    %get3A_1216 = arith.constant 512 : index
    %get3A_1217 = tpu.vector_load %arg8[%get3A_1216] {strides = array<i32>} : memref<1024xi32, #tpu.memory_space<vmem>>, vector<16xi32>,
    %get3A_1218 = vector.shape_cast %get3A_1217 : vector<16xi32> to vector<16xi32>
    %add3A_1219 = arith.constant 512 : i32
    %add3A_1220 = arith.addi %mul3A_0, %add3A_1219 : i32
    %iota3A_1221 = tpu.iota {dimensions = array<i32: 0>} : vector<16xi32>
    %add3A_1222 = vector.broadcast %add3A_1220 : i32 to vector<16xi32>
    %add3A_1223 = arith.addi %add3A_1222, %iota3A_1221 : vector<16xi32>
    %shift_right_arithmetic3A_1224 = arith.constant 3 : i32
    %shift_right_arithmetic3A_1225 = vector.broadcast %shift_right_arithmetic3A_1224 : i32 to vector<16xi32>
    %shift_right_arithmetic3A_1226 = arith.shrsi %get3A_1218, %shift_right_arithmetic3A_1225 : vector<16xi32>
    %shift_left3A_1227 = arith.constant 17 : i32
    %shift_left3A_1228 = vector.broadcast %shift_left3A_1227 : i32 to vector<16xi32>
    %shift_left3A_1229 = arith.shli %shift_right_arithmetic3A_1226, %shift_left3A_1228 : vector<16xi32>
    %shift_right_arithmetic3A_1230 = arith.constant 7 : i32
    %shift_right_arithmetic3A_1231 = vector.broadcast %shift_right_arithmetic3A_1230 : i32 to vector<16xi32>
    %shift_right_arithmetic3A_1232 = arith.shrsi %add3A_1223, %shift_right_arithmetic3A_1231 : vector<16xi32>
    %shift_left3A_1233 = arith.constant 10 : i32
    %shift_left3A_1234 = vector.broadcast %shift_left3A_1233 : i32 to vector<16xi32>
    %shift_left3A_1235 = arith.shli %shift_right_arithmetic3A_1232, %shift_left3A_1234 : vector<16xi32>
    %add3A_1236 = arith.addi %shift_left3A_1229, %shift_left3A_1235 : vector<16xi32>
    %and3A_1237 = arith.constant 7 : i32
    %and3A_1238 = vector.broadcast %and3A_1237 : i32 to vector<16xi32>
    %and3A_1239 = arith.andi %get3A_1218, %and3A_1238 : vector<16xi32>
    %shift_left3A_1240 = arith.constant 7 : i32
    %shift_left3A_1241 = vector.broadcast %shift_left3A_1240 : i32 to vector<16xi32>
    %shift_left3A_1242 = arith.shli %and3A_1239, %shift_left3A_1241 : vector<16xi32>
    %add3A_1243 = arith.addi %add3A_1236, %shift_left3A_1242 : vector<16xi32>
    %and3A_1244 = arith.constant 127 : i32
    %and3A_1245 = vector.broadcast %and3A_1244 : i32 to vector<16xi32>
    %and3A_1246 = arith.andi %add3A_1223, %and3A_1245 : vector<16xi32>
    %add3A_1247 = arith.addi %add3A_1243, %and3A_1246 : vector<16xi32>
    %swap3A_1248 = arith.constant 4 : i32
    %swap3A_1249 = arith.index_cast %swap3A_1248 : i32 to index
    %swap3A_1250 = arith.constant 0 : index
    %swap3A_1251 = tpu.vector_load %arg6[%swap3A_1249, %swap3A_1250] {strides = array<i32>} : memref<8x128xi32, #tpu.memory_space<vmem>>, vector<1x16xi32>,
    %swap3A_1252 = vector.shape_cast %swap3A_1251 : vector<1x16xi32> to vector<16xi32>
    %swap3A_1253 = vector.shape_cast %add3A_1247 : vector<16xi32> to vector<1x16xi32>
    tpu.vector_store %arg6[%swap3A_1249, %swap3A_1250], %swap3A_1253 {strides = array<i32>} : memref<8x128xi32, #tpu.memory_space<vmem>>, vector<1x16xi32>,
    %get3A_1254 = arith.constant 528 : index
    %get3A_1255 = tpu.vector_load %arg8[%get3A_1254] {strides = array<i32>} : memref<1024xi32, #tpu.memory_space<vmem>>, vector<16xi32>,
    %get3A_1256 = vector.shape_cast %get3A_1255 : vector<16xi32> to vector<16xi32>
    %add3A_1257 = arith.constant 528 : i32
    %add3A_1258 = arith.addi %mul3A_0, %add3A_1257 : i32
    %iota3A_1259 = tpu.iota {dimensions = array<i32: 0>} : vector<16xi32>
    %add3A_1260 = vector.broadcast %add3A_1258 : i32 to vector<16xi32>
    %add3A_1261 = arith.addi %add3A_1260, %iota3A_1259 : vector<16xi32>
    %shift_right_arithmetic3A_1262 = arith.constant 3 : i32
    %shift_right_arithmetic3A_1263 = vector.broadcast %shift_right_arithmetic3A_1262 : i32 to vector<16xi32>
    %shift_right_arithmetic3A_1264 = arith.shrsi %get3A_1256, %shift_right_arithmetic3A_1263 : vector<16xi32>
    %shift_left3A_1265 = arith.constant 17 : i32
    %shift_left3A_1266 = vector.broadcast %shift_left3A_1265 : i32 to vector<16xi32>
    %shift_left3A_1267 = arith.shli %shift_right_arithmetic3A_1264, %shift_left3A_1266 : vector<16xi32>
    %shift_right_arithmetic3A_1268 = arith.constant 7 : i32
    %shift_right_arithmetic3A_1269 = vector.broadcast %shift_right_arithmetic3A_1268 : i32 to vector<16xi32>
    %shift_right_arithmetic3A_1270 = arith.shrsi %add3A_1261, %shift_right_arithmetic3A_1269 : vector<16xi32>
    %shift_left3A_1271 = arith.constant 10 : i32
    %shift_left3A_1272 = vector.broadcast %shift_left3A_1271 : i32 to vector<16xi32>
    %shift_left3A_1273 = arith.shli %shift_right_arithmetic3A_1270, %shift_left3A_1272 : vector<16xi32>
    %add3A_1274 = arith.addi %shift_left3A_1267, %shift_left3A_1273 : vector<16xi32>
    %and3A_1275 = arith.constant 7 : i32
    %and3A_1276 = vector.broadcast %and3A_1275 : i32 to vector<16xi32>
    %and3A_1277 = arith.andi %get3A_1256, %and3A_1276 : vector<16xi32>
    %shift_left3A_1278 = arith.constant 7 : i32
    %shift_left3A_1279 = vector.broadcast %shift_left3A_1278 : i32 to vector<16xi32>
    %shift_left3A_1280 = arith.shli %and3A_1277, %shift_left3A_1279 : vector<16xi32>
    %add3A_1281 = arith.addi %add3A_1274, %shift_left3A_1280 : vector<16xi32>
    %and3A_1282 = arith.constant 127 : i32
    %and3A_1283 = vector.broadcast %and3A_1282 : i32 to vector<16xi32>
    %and3A_1284 = arith.andi %add3A_1261, %and3A_1283 : vector<16xi32>
    %add3A_1285 = arith.addi %add3A_1281, %and3A_1284 : vector<16xi32>
    %swap3A_1286 = arith.constant 4 : i32
    %swap3A_1287 = arith.index_cast %swap3A_1286 : i32 to index
    %swap3A_1288 = arith.constant 16 : index
    %swap3A_1289 = tpu.vector_load %arg6[%swap3A_1287, %swap3A_1288] {strides = array<i32>} : memref<8x128xi32, #tpu.memory_space<vmem>>, vector<1x16xi32>,
    %swap3A_1290 = vector.shape_cast %swap3A_1289 : vector<1x16xi32> to vector<16xi32>
    %swap3A_1291 = vector.shape_cast %add3A_1285 : vector<16xi32> to vector<1x16xi32>
    tpu.vector_store %arg6[%swap3A_1287, %swap3A_1288], %swap3A_1291 {strides = array<i32>} : memref<8x128xi32, #tpu.memory_space<vmem>>, vector<1x16xi32>,
    %get3A_1292 = arith.constant 544 : index
    %get3A_1293 = tpu.vector_load %arg8[%get3A_1292] {strides = array<i32>} : memref<1024xi32, #tpu.memory_space<vmem>>, vector<16xi32>,
    %get3A_1294 = vector.shape_cast %get3A_1293 : vector<16xi32> to vector<16xi32>
    %add3A_1295 = arith.constant 544 : i32
    %add3A_1296 = arith.addi %mul3A_0, %add3A_1295 : i32
    %iota3A_1297 = tpu.iota {dimensions = array<i32: 0>} : vector<16xi32>
    %add3A_1298 = vector.broadcast %add3A_1296 : i32 to vector<16xi32>
    %add3A_1299 = arith.addi %add3A_1298, %iota3A_1297 : vector<16xi32>
    %shift_right_arithmetic3A_1300 = arith.constant 3 : i32
    %shift_right_arithmetic3A_1301 = vector.broadcast %shift_right_arithmetic3A_1300 : i32 to vector<16xi32>
    %shift_right_arithmetic3A_1302 = arith.shrsi %get3A_1294, %shift_right_arithmetic3A_1301 : vector<16xi32>
    %shift_left3A_1303 = arith.constant 17 : i32
    %shift_left3A_1304 = vector.broadcast %shift_left3A_1303 : i32 to vector<16xi32>
    %shift_left3A_1305 = arith.shli %shift_right_arithmetic3A_1302, %shift_left3A_1304 : vector<16xi32>
    %shift_right_arithmetic3A_1306 = arith.constant 7 : i32
    %shift_right_arithmetic3A_1307 = vector.broadcast %shift_right_arithmetic3A_1306 : i32 to vector<16xi32>
    %shift_right_arithmetic3A_1308 = arith.shrsi %add3A_1299, %shift_right_arithmetic3A_1307 : vector<16xi32>
    %shift_left3A_1309 = arith.constant 10 : i32
    %shift_left3A_1310 = vector.broadcast %shift_left3A_1309 : i32 to vector<16xi32>
    %shift_left3A_1311 = arith.shli %shift_right_arithmetic3A_1308, %shift_left3A_1310 : vector<16xi32>
    %add3A_1312 = arith.addi %shift_left3A_1305, %shift_left3A_1311 : vector<16xi32>
    %and3A_1313 = arith.constant 7 : i32
    %and3A_1314 = vector.broadcast %and3A_1313 : i32 to vector<16xi32>
    %and3A_1315 = arith.andi %get3A_1294, %and3A_1314 : vector<16xi32>
    %shift_left3A_1316 = arith.constant 7 : i32
    %shift_left3A_1317 = vector.broadcast %shift_left3A_1316 : i32 to vector<16xi32>
    %shift_left3A_1318 = arith.shli %and3A_1315, %shift_left3A_1317 : vector<16xi32>
    %add3A_1319 = arith.addi %add3A_1312, %shift_left3A_1318 : vector<16xi32>
    %and3A_1320 = arith.constant 127 : i32
    %and3A_1321 = vector.broadcast %and3A_1320 : i32 to vector<16xi32>
    %and3A_1322 = arith.andi %add3A_1299, %and3A_1321 : vector<16xi32>
    %add3A_1323 = arith.addi %add3A_1319, %and3A_1322 : vector<16xi32>
    %swap3A_1324 = arith.constant 4 : i32
    %swap3A_1325 = arith.index_cast %swap3A_1324 : i32 to index
    %swap3A_1326 = arith.constant 32 : index
    %swap3A_1327 = tpu.vector_load %arg6[%swap3A_1325, %swap3A_1326] {strides = array<i32>} : memref<8x128xi32, #tpu.memory_space<vmem>>, vector<1x16xi32>,
    %swap3A_1328 = vector.shape_cast %swap3A_1327 : vector<1x16xi32> to vector<16xi32>
    %swap3A_1329 = vector.shape_cast %add3A_1323 : vector<16xi32> to vector<1x16xi32>
    tpu.vector_store %arg6[%swap3A_1325, %swap3A_1326], %swap3A_1329 {strides = array<i32>} : memref<8x128xi32, #tpu.memory_space<vmem>>, vector<1x16xi32>,
    %get3A_1330 = arith.constant 560 : index
    %get3A_1331 = tpu.vector_load %arg8[%get3A_1330] {strides = array<i32>} : memref<1024xi32, #tpu.memory_space<vmem>>, vector<16xi32>,
    %get3A_1332 = vector.shape_cast %get3A_1331 : vector<16xi32> to vector<16xi32>
    %add3A_1333 = arith.constant 560 : i32
    %add3A_1334 = arith.addi %mul3A_0, %add3A_1333 : i32
    %iota3A_1335 = tpu.iota {dimensions = array<i32: 0>} : vector<16xi32>
    %add3A_1336 = vector.broadcast %add3A_1334 : i32 to vector<16xi32>
    %add3A_1337 = arith.addi %add3A_1336, %iota3A_1335 : vector<16xi32>
    %shift_right_arithmetic3A_1338 = arith.constant 3 : i32
    %shift_right_arithmetic3A_1339 = vector.broadcast %shift_right_arithmetic3A_1338 : i32 to vector<16xi32>
    %shift_right_arithmetic3A_1340 = arith.shrsi %get3A_1332, %shift_right_arithmetic3A_1339 : vector<16xi32>
    %shift_left3A_1341 = arith.constant 17 : i32
    %shift_left3A_1342 = vector.broadcast %shift_left3A_1341 : i32 to vector<16xi32>
    %shift_left3A_1343 = arith.shli %shift_right_arithmetic3A_1340, %shift_left3A_1342 : vector<16xi32>
    %shift_right_arithmetic3A_1344 = arith.constant 7 : i32
    %shift_right_arithmetic3A_1345 = vector.broadcast %shift_right_arithmetic3A_1344 : i32 to vector<16xi32>
    %shift_right_arithmetic3A_1346 = arith.shrsi %add3A_1337, %shift_right_arithmetic3A_1345 : vector<16xi32>
    %shift_left3A_1347 = arith.constant 10 : i32
    %shift_left3A_1348 = vector.broadcast %shift_left3A_1347 : i32 to vector<16xi32>
    %shift_left3A_1349 = arith.shli %shift_right_arithmetic3A_1346, %shift_left3A_1348 : vector<16xi32>
    %add3A_1350 = arith.addi %shift_left3A_1343, %shift_left3A_1349 : vector<16xi32>
    %and3A_1351 = arith.constant 7 : i32
    %and3A_1352 = vector.broadcast %and3A_1351 : i32 to vector<16xi32>
    %and3A_1353 = arith.andi %get3A_1332, %and3A_1352 : vector<16xi32>
    %shift_left3A_1354 = arith.constant 7 : i32
    %shift_left3A_1355 = vector.broadcast %shift_left3A_1354 : i32 to vector<16xi32>
    %shift_left3A_1356 = arith.shli %and3A_1353, %shift_left3A_1355 : vector<16xi32>
    %add3A_1357 = arith.addi %add3A_1350, %shift_left3A_1356 : vector<16xi32>
    %and3A_1358 = arith.constant 127 : i32
    %and3A_1359 = vector.broadcast %and3A_1358 : i32 to vector<16xi32>
    %and3A_1360 = arith.andi %add3A_1337, %and3A_1359 : vector<16xi32>
    %add3A_1361 = arith.addi %add3A_1357, %and3A_1360 : vector<16xi32>
    %swap3A_1362 = arith.constant 4 : i32
    %swap3A_1363 = arith.index_cast %swap3A_1362 : i32 to index
    %swap3A_1364 = arith.constant 48 : index
    %swap3A_1365 = tpu.vector_load %arg6[%swap3A_1363, %swap3A_1364] {strides = array<i32>} : memref<8x128xi32, #tpu.memory_space<vmem>>, vector<1x16xi32>,
    %swap3A_1366 = vector.shape_cast %swap3A_1365 : vector<1x16xi32> to vector<16xi32>
    %swap3A_1367 = vector.shape_cast %add3A_1361 : vector<16xi32> to vector<1x16xi32>
    tpu.vector_store %arg6[%swap3A_1363, %swap3A_1364], %swap3A_1367 {strides = array<i32>} : memref<8x128xi32, #tpu.memory_space<vmem>>, vector<1x16xi32>,
    %get3A_1368 = arith.constant 576 : index
    %get3A_1369 = tpu.vector_load %arg8[%get3A_1368] {strides = array<i32>} : memref<1024xi32, #tpu.memory_space<vmem>>, vector<16xi32>,
    %get3A_1370 = vector.shape_cast %get3A_1369 : vector<16xi32> to vector<16xi32>
    %add3A_1371 = arith.constant 576 : i32
    %add3A_1372 = arith.addi %mul3A_0, %add3A_1371 : i32
    %iota3A_1373 = tpu.iota {dimensions = array<i32: 0>} : vector<16xi32>
    %add3A_1374 = vector.broadcast %add3A_1372 : i32 to vector<16xi32>
    %add3A_1375 = arith.addi %add3A_1374, %iota3A_1373 : vector<16xi32>
    %shift_right_arithmetic3A_1376 = arith.constant 3 : i32
    %shift_right_arithmetic3A_1377 = vector.broadcast %shift_right_arithmetic3A_1376 : i32 to vector<16xi32>
    %shift_right_arithmetic3A_1378 = arith.shrsi %get3A_1370, %shift_right_arithmetic3A_1377 : vector<16xi32>
    %shift_left3A_1379 = arith.constant 17 : i32
    %shift_left3A_1380 = vector.broadcast %shift_left3A_1379 : i32 to vector<16xi32>
    %shift_left3A_1381 = arith.shli %shift_right_arithmetic3A_1378, %shift_left3A_1380 : vector<16xi32>
    %shift_right_arithmetic3A_1382 = arith.constant 7 : i32
    %shift_right_arithmetic3A_1383 = vector.broadcast %shift_right_arithmetic3A_1382 : i32 to vector<16xi32>
    %shift_right_arithmetic3A_1384 = arith.shrsi %add3A_1375, %shift_right_arithmetic3A_1383 : vector<16xi32>
    %shift_left3A_1385 = arith.constant 10 : i32
    %shift_left3A_1386 = vector.broadcast %shift_left3A_1385 : i32 to vector<16xi32>
    %shift_left3A_1387 = arith.shli %shift_right_arithmetic3A_1384, %shift_left3A_1386 : vector<16xi32>
    %add3A_1388 = arith.addi %shift_left3A_1381, %shift_left3A_1387 : vector<16xi32>
    %and3A_1389 = arith.constant 7 : i32
    %and3A_1390 = vector.broadcast %and3A_1389 : i32 to vector<16xi32>
    %and3A_1391 = arith.andi %get3A_1370, %and3A_1390 : vector<16xi32>
    %shift_left3A_1392 = arith.constant 7 : i32
    %shift_left3A_1393 = vector.broadcast %shift_left3A_1392 : i32 to vector<16xi32>
    %shift_left3A_1394 = arith.shli %and3A_1391, %shift_left3A_1393 : vector<16xi32>
    %add3A_1395 = arith.addi %add3A_1388, %shift_left3A_1394 : vector<16xi32>
    %and3A_1396 = arith.constant 127 : i32
    %and3A_1397 = vector.broadcast %and3A_1396 : i32 to vector<16xi32>
    %and3A_1398 = arith.andi %add3A_1375, %and3A_1397 : vector<16xi32>
    %add3A_1399 = arith.addi %add3A_1395, %and3A_1398 : vector<16xi32>
    %swap3A_1400 = arith.constant 4 : i32
    %swap3A_1401 = arith.index_cast %swap3A_1400 : i32 to index
    %swap3A_1402 = arith.constant 64 : index
    %swap3A_1403 = tpu.vector_load %arg6[%swap3A_1401, %swap3A_1402] {strides = array<i32>} : memref<8x128xi32, #tpu.memory_space<vmem>>, vector<1x16xi32>,
    %swap3A_1404 = vector.shape_cast %swap3A_1403 : vector<1x16xi32> to vector<16xi32>
    %swap3A_1405 = vector.shape_cast %add3A_1399 : vector<16xi32> to vector<1x16xi32>
    tpu.vector_store %arg6[%swap3A_1401, %swap3A_1402], %swap3A_1405 {strides = array<i32>} : memref<8x128xi32, #tpu.memory_space<vmem>>, vector<1x16xi32>,
    %get3A_1406 = arith.constant 592 : index
    %get3A_1407 = tpu.vector_load %arg8[%get3A_1406] {strides = array<i32>} : memref<1024xi32, #tpu.memory_space<vmem>>, vector<16xi32>,
    %get3A_1408 = vector.shape_cast %get3A_1407 : vector<16xi32> to vector<16xi32>
    %add3A_1409 = arith.constant 592 : i32
    %add3A_1410 = arith.addi %mul3A_0, %add3A_1409 : i32
    %iota3A_1411 = tpu.iota {dimensions = array<i32: 0>} : vector<16xi32>
    %add3A_1412 = vector.broadcast %add3A_1410 : i32 to vector<16xi32>
    %add3A_1413 = arith.addi %add3A_1412, %iota3A_1411 : vector<16xi32>
    %shift_right_arithmetic3A_1414 = arith.constant 3 : i32
    %shift_right_arithmetic3A_1415 = vector.broadcast %shift_right_arithmetic3A_1414 : i32 to vector<16xi32>
    %shift_right_arithmetic3A_1416 = arith.shrsi %get3A_1408, %shift_right_arithmetic3A_1415 : vector<16xi32>
    %shift_left3A_1417 = arith.constant 17 : i32
    %shift_left3A_1418 = vector.broadcast %shift_left3A_1417 : i32 to vector<16xi32>
    %shift_left3A_1419 = arith.shli %shift_right_arithmetic3A_1416, %shift_left3A_1418 : vector<16xi32>
    %shift_right_arithmetic3A_1420 = arith.constant 7 : i32
    %shift_right_arithmetic3A_1421 = vector.broadcast %shift_right_arithmetic3A_1420 : i32 to vector<16xi32>
    %shift_right_arithmetic3A_1422 = arith.shrsi %add3A_1413, %shift_right_arithmetic3A_1421 : vector<16xi32>
    %shift_left3A_1423 = arith.constant 10 : i32
    %shift_left3A_1424 = vector.broadcast %shift_left3A_1423 : i32 to vector<16xi32>
    %shift_left3A_1425 = arith.shli %shift_right_arithmetic3A_1422, %shift_left3A_1424 : vector<16xi32>
    %add3A_1426 = arith.addi %shift_left3A_1419, %shift_left3A_1425 : vector<16xi32>
    %and3A_1427 = arith.constant 7 : i32
    %and3A_1428 = vector.broadcast %and3A_1427 : i32 to vector<16xi32>
    %and3A_1429 = arith.andi %get3A_1408, %and3A_1428 : vector<16xi32>
    %shift_left3A_1430 = arith.constant 7 : i32
    %shift_left3A_1431 = vector.broadcast %shift_left3A_1430 : i32 to vector<16xi32>
    %shift_left3A_1432 = arith.shli %and3A_1429, %shift_left3A_1431 : vector<16xi32>
    %add3A_1433 = arith.addi %add3A_1426, %shift_left3A_1432 : vector<16xi32>
    %and3A_1434 = arith.constant 127 : i32
    %and3A_1435 = vector.broadcast %and3A_1434 : i32 to vector<16xi32>
    %and3A_1436 = arith.andi %add3A_1413, %and3A_1435 : vector<16xi32>
    %add3A_1437 = arith.addi %add3A_1433, %and3A_1436 : vector<16xi32>
    %swap3A_1438 = arith.constant 4 : i32
    %swap3A_1439 = arith.index_cast %swap3A_1438 : i32 to index
    %swap3A_1440 = arith.constant 80 : index
    %swap3A_1441 = tpu.vector_load %arg6[%swap3A_1439, %swap3A_1440] {strides = array<i32>} : memref<8x128xi32, #tpu.memory_space<vmem>>, vector<1x16xi32>,
    %swap3A_1442 = vector.shape_cast %swap3A_1441 : vector<1x16xi32> to vector<16xi32>
    %swap3A_1443 = vector.shape_cast %add3A_1437 : vector<16xi32> to vector<1x16xi32>
    tpu.vector_store %arg6[%swap3A_1439, %swap3A_1440], %swap3A_1443 {strides = array<i32>} : memref<8x128xi32, #tpu.memory_space<vmem>>, vector<1x16xi32>,
    %get3A_1444 = arith.constant 608 : index
    %get3A_1445 = tpu.vector_load %arg8[%get3A_1444] {strides = array<i32>} : memref<1024xi32, #tpu.memory_space<vmem>>, vector<16xi32>,
    %get3A_1446 = vector.shape_cast %get3A_1445 : vector<16xi32> to vector<16xi32>
    %add3A_1447 = arith.constant 608 : i32
    %add3A_1448 = arith.addi %mul3A_0, %add3A_1447 : i32
    %iota3A_1449 = tpu.iota {dimensions = array<i32: 0>} : vector<16xi32>
    %add3A_1450 = vector.broadcast %add3A_1448 : i32 to vector<16xi32>
    %add3A_1451 = arith.addi %add3A_1450, %iota3A_1449 : vector<16xi32>
    %shift_right_arithmetic3A_1452 = arith.constant 3 : i32
    %shift_right_arithmetic3A_1453 = vector.broadcast %shift_right_arithmetic3A_1452 : i32 to vector<16xi32>
    %shift_right_arithmetic3A_1454 = arith.shrsi %get3A_1446, %shift_right_arithmetic3A_1453 : vector<16xi32>
    %shift_left3A_1455 = arith.constant 17 : i32
    %shift_left3A_1456 = vector.broadcast %shift_left3A_1455 : i32 to vector<16xi32>
    %shift_left3A_1457 = arith.shli %shift_right_arithmetic3A_1454, %shift_left3A_1456 : vector<16xi32>
    %shift_right_arithmetic3A_1458 = arith.constant 7 : i32
    %shift_right_arithmetic3A_1459 = vector.broadcast %shift_right_arithmetic3A_1458 : i32 to vector<16xi32>
    %shift_right_arithmetic3A_1460 = arith.shrsi %add3A_1451, %shift_right_arithmetic3A_1459 : vector<16xi32>
    %shift_left3A_1461 = arith.constant 10 : i32
    %shift_left3A_1462 = vector.broadcast %shift_left3A_1461 : i32 to vector<16xi32>
    %shift_left3A_1463 = arith.shli %shift_right_arithmetic3A_1460, %shift_left3A_1462 : vector<16xi32>
    %add3A_1464 = arith.addi %shift_left3A_1457, %shift_left3A_1463 : vector<16xi32>
    %and3A_1465 = arith.constant 7 : i32
    %and3A_1466 = vector.broadcast %and3A_1465 : i32 to vector<16xi32>
    %and3A_1467 = arith.andi %get3A_1446, %and3A_1466 : vector<16xi32>
    %shift_left3A_1468 = arith.constant 7 : i32
    %shift_left3A_1469 = vector.broadcast %shift_left3A_1468 : i32 to vector<16xi32>
    %shift_left3A_1470 = arith.shli %and3A_1467, %shift_left3A_1469 : vector<16xi32>
    %add3A_1471 = arith.addi %add3A_1464, %shift_left3A_1470 : vector<16xi32>
    %and3A_1472 = arith.constant 127 : i32
    %and3A_1473 = vector.broadcast %and3A_1472 : i32 to vector<16xi32>
    %and3A_1474 = arith.andi %add3A_1451, %and3A_1473 : vector<16xi32>
    %add3A_1475 = arith.addi %add3A_1471, %and3A_1474 : vector<16xi32>
    %swap3A_1476 = arith.constant 4 : i32
    %swap3A_1477 = arith.index_cast %swap3A_1476 : i32 to index
    %swap3A_1478 = arith.constant 96 : index
    %swap3A_1479 = tpu.vector_load %arg6[%swap3A_1477, %swap3A_1478] {strides = array<i32>} : memref<8x128xi32, #tpu.memory_space<vmem>>, vector<1x16xi32>,
    %swap3A_1480 = vector.shape_cast %swap3A_1479 : vector<1x16xi32> to vector<16xi32>
    %swap3A_1481 = vector.shape_cast %add3A_1475 : vector<16xi32> to vector<1x16xi32>
    tpu.vector_store %arg6[%swap3A_1477, %swap3A_1478], %swap3A_1481 {strides = array<i32>} : memref<8x128xi32, #tpu.memory_space<vmem>>, vector<1x16xi32>,
    %get3A_1482 = arith.constant 624 : index
    %get3A_1483 = tpu.vector_load %arg8[%get3A_1482] {strides = array<i32>} : memref<1024xi32, #tpu.memory_space<vmem>>, vector<16xi32>,
    %get3A_1484 = vector.shape_cast %get3A_1483 : vector<16xi32> to vector<16xi32>
    %add3A_1485 = arith.constant 624 : i32
    %add3A_1486 = arith.addi %mul3A_0, %add3A_1485 : i32
    %iota3A_1487 = tpu.iota {dimensions = array<i32: 0>} : vector<16xi32>
    %add3A_1488 = vector.broadcast %add3A_1486 : i32 to vector<16xi32>
    %add3A_1489 = arith.addi %add3A_1488, %iota3A_1487 : vector<16xi32>
    %shift_right_arithmetic3A_1490 = arith.constant 3 : i32
    %shift_right_arithmetic3A_1491 = vector.broadcast %shift_right_arithmetic3A_1490 : i32 to vector<16xi32>
    %shift_right_arithmetic3A_1492 = arith.shrsi %get3A_1484, %shift_right_arithmetic3A_1491 : vector<16xi32>
    %shift_left3A_1493 = arith.constant 17 : i32
    %shift_left3A_1494 = vector.broadcast %shift_left3A_1493 : i32 to vector<16xi32>
    %shift_left3A_1495 = arith.shli %shift_right_arithmetic3A_1492, %shift_left3A_1494 : vector<16xi32>
    %shift_right_arithmetic3A_1496 = arith.constant 7 : i32
    %shift_right_arithmetic3A_1497 = vector.broadcast %shift_right_arithmetic3A_1496 : i32 to vector<16xi32>
    %shift_right_arithmetic3A_1498 = arith.shrsi %add3A_1489, %shift_right_arithmetic3A_1497 : vector<16xi32>
    %shift_left3A_1499 = arith.constant 10 : i32
    %shift_left3A_1500 = vector.broadcast %shift_left3A_1499 : i32 to vector<16xi32>
    %shift_left3A_1501 = arith.shli %shift_right_arithmetic3A_1498, %shift_left3A_1500 : vector<16xi32>
    %add3A_1502 = arith.addi %shift_left3A_1495, %shift_left3A_1501 : vector<16xi32>
    %and3A_1503 = arith.constant 7 : i32
    %and3A_1504 = vector.broadcast %and3A_1503 : i32 to vector<16xi32>
    %and3A_1505 = arith.andi %get3A_1484, %and3A_1504 : vector<16xi32>
    %shift_left3A_1506 = arith.constant 7 : i32
    %shift_left3A_1507 = vector.broadcast %shift_left3A_1506 : i32 to vector<16xi32>
    %shift_left3A_1508 = arith.shli %and3A_1505, %shift_left3A_1507 : vector<16xi32>
    %add3A_1509 = arith.addi %add3A_1502, %shift_left3A_1508 : vector<16xi32>
    %and3A_1510 = arith.constant 127 : i32
    %and3A_1511 = vector.broadcast %and3A_1510 : i32 to vector<16xi32>
    %and3A_1512 = arith.andi %add3A_1489, %and3A_1511 : vector<16xi32>
    %add3A_1513 = arith.addi %add3A_1509, %and3A_1512 : vector<16xi32>
    %swap3A_1514 = arith.constant 4 : i32
    %swap3A_1515 = arith.index_cast %swap3A_1514 : i32 to index
    %swap3A_1516 = arith.constant 112 : index
    %swap3A_1517 = tpu.vector_load %arg6[%swap3A_1515, %swap3A_1516] {strides = array<i32>} : memref<8x128xi32, #tpu.memory_space<vmem>>, vector<1x16xi32>,
    %swap3A_1518 = vector.shape_cast %swap3A_1517 : vector<1x16xi32> to vector<16xi32>
    %swap3A_1519 = vector.shape_cast %add3A_1513 : vector<16xi32> to vector<1x16xi32>
    tpu.vector_store %arg6[%swap3A_1515, %swap3A_1516], %swap3A_1519 {strides = array<i32>} : memref<8x128xi32, #tpu.memory_space<vmem>>, vector<1x16xi32>,
    %get3A_1520 = arith.constant 640 : index
    %get3A_1521 = tpu.vector_load %arg8[%get3A_1520] {strides = array<i32>} : memref<1024xi32, #tpu.memory_space<vmem>>, vector<16xi32>,
    %get3A_1522 = vector.shape_cast %get3A_1521 : vector<16xi32> to vector<16xi32>
    %add3A_1523 = arith.constant 640 : i32
    %add3A_1524 = arith.addi %mul3A_0, %add3A_1523 : i32
    %iota3A_1525 = tpu.iota {dimensions = array<i32: 0>} : vector<16xi32>
    %add3A_1526 = vector.broadcast %add3A_1524 : i32 to vector<16xi32>
    %add3A_1527 = arith.addi %add3A_1526, %iota3A_1525 : vector<16xi32>
    %shift_right_arithmetic3A_1528 = arith.constant 3 : i32
    %shift_right_arithmetic3A_1529 = vector.broadcast %shift_right_arithmetic3A_1528 : i32 to vector<16xi32>
    %shift_right_arithmetic3A_1530 = arith.shrsi %get3A_1522, %shift_right_arithmetic3A_1529 : vector<16xi32>
    %shift_left3A_1531 = arith.constant 17 : i32
    %shift_left3A_1532 = vector.broadcast %shift_left3A_1531 : i32 to vector<16xi32>
    %shift_left3A_1533 = arith.shli %shift_right_arithmetic3A_1530, %shift_left3A_1532 : vector<16xi32>
    %shift_right_arithmetic3A_1534 = arith.constant 7 : i32
    %shift_right_arithmetic3A_1535 = vector.broadcast %shift_right_arithmetic3A_1534 : i32 to vector<16xi32>
    %shift_right_arithmetic3A_1536 = arith.shrsi %add3A_1527, %shift_right_arithmetic3A_1535 : vector<16xi32>
    %shift_left3A_1537 = arith.constant 10 : i32
    %shift_left3A_1538 = vector.broadcast %shift_left3A_1537 : i32 to vector<16xi32>
    %shift_left3A_1539 = arith.shli %shift_right_arithmetic3A_1536, %shift_left3A_1538 : vector<16xi32>
    %add3A_1540 = arith.addi %shift_left3A_1533, %shift_left3A_1539 : vector<16xi32>
    %and3A_1541 = arith.constant 7 : i32
    %and3A_1542 = vector.broadcast %and3A_1541 : i32 to vector<16xi32>
    %and3A_1543 = arith.andi %get3A_1522, %and3A_1542 : vector<16xi32>
    %shift_left3A_1544 = arith.constant 7 : i32
    %shift_left3A_1545 = vector.broadcast %shift_left3A_1544 : i32 to vector<16xi32>
    %shift_left3A_1546 = arith.shli %and3A_1543, %shift_left3A_1545 : vector<16xi32>
    %add3A_1547 = arith.addi %add3A_1540, %shift_left3A_1546 : vector<16xi32>
    %and3A_1548 = arith.constant 127 : i32
    %and3A_1549 = vector.broadcast %and3A_1548 : i32 to vector<16xi32>
    %and3A_1550 = arith.andi %add3A_1527, %and3A_1549 : vector<16xi32>
    %add3A_1551 = arith.addi %add3A_1547, %and3A_1550 : vector<16xi32>
    %swap3A_1552 = arith.constant 5 : i32
    %swap3A_1553 = arith.index_cast %swap3A_1552 : i32 to index
    %swap3A_1554 = arith.constant 0 : index
    %swap3A_1555 = tpu.vector_load %arg6[%swap3A_1553, %swap3A_1554] {strides = array<i32>} : memref<8x128xi32, #tpu.memory_space<vmem>>, vector<1x16xi32>,
    %swap3A_1556 = vector.shape_cast %swap3A_1555 : vector<1x16xi32> to vector<16xi32>
    %swap3A_1557 = vector.shape_cast %add3A_1551 : vector<16xi32> to vector<1x16xi32>
    tpu.vector_store %arg6[%swap3A_1553, %swap3A_1554], %swap3A_1557 {strides = array<i32>} : memref<8x128xi32, #tpu.memory_space<vmem>>, vector<1x16xi32>,
    %get3A_1558 = arith.constant 656 : index
    %get3A_1559 = tpu.vector_load %arg8[%get3A_1558] {strides = array<i32>} : memref<1024xi32, #tpu.memory_space<vmem>>, vector<16xi32>,
    %get3A_1560 = vector.shape_cast %get3A_1559 : vector<16xi32> to vector<16xi32>
    %add3A_1561 = arith.constant 656 : i32
    %add3A_1562 = arith.addi %mul3A_0, %add3A_1561 : i32
    %iota3A_1563 = tpu.iota {dimensions = array<i32: 0>} : vector<16xi32>
    %add3A_1564 = vector.broadcast %add3A_1562 : i32 to vector<16xi32>
    %add3A_1565 = arith.addi %add3A_1564, %iota3A_1563 : vector<16xi32>
    %shift_right_arithmetic3A_1566 = arith.constant 3 : i32
    %shift_right_arithmetic3A_1567 = vector.broadcast %shift_right_arithmetic3A_1566 : i32 to vector<16xi32>
    %shift_right_arithmetic3A_1568 = arith.shrsi %get3A_1560, %shift_right_arithmetic3A_1567 : vector<16xi32>
    %shift_left3A_1569 = arith.constant 17 : i32
    %shift_left3A_1570 = vector.broadcast %shift_left3A_1569 : i32 to vector<16xi32>
    %shift_left3A_1571 = arith.shli %shift_right_arithmetic3A_1568, %shift_left3A_1570 : vector<16xi32>
    %shift_right_arithmetic3A_1572 = arith.constant 7 : i32
    %shift_right_arithmetic3A_1573 = vector.broadcast %shift_right_arithmetic3A_1572 : i32 to vector<16xi32>
    %shift_right_arithmetic3A_1574 = arith.shrsi %add3A_1565, %shift_right_arithmetic3A_1573 : vector<16xi32>
    %shift_left3A_1575 = arith.constant 10 : i32
    %shift_left3A_1576 = vector.broadcast %shift_left3A_1575 : i32 to vector<16xi32>
    %shift_left3A_1577 = arith.shli %shift_right_arithmetic3A_1574, %shift_left3A_1576 : vector<16xi32>
    %add3A_1578 = arith.addi %shift_left3A_1571, %shift_left3A_1577 : vector<16xi32>
    %and3A_1579 = arith.constant 7 : i32
    %and3A_1580 = vector.broadcast %and3A_1579 : i32 to vector<16xi32>
    %and3A_1581 = arith.andi %get3A_1560, %and3A_1580 : vector<16xi32>
    %shift_left3A_1582 = arith.constant 7 : i32
    %shift_left3A_1583 = vector.broadcast %shift_left3A_1582 : i32 to vector<16xi32>
    %shift_left3A_1584 = arith.shli %and3A_1581, %shift_left3A_1583 : vector<16xi32>
    %add3A_1585 = arith.addi %add3A_1578, %shift_left3A_1584 : vector<16xi32>
    %and3A_1586 = arith.constant 127 : i32
    %and3A_1587 = vector.broadcast %and3A_1586 : i32 to vector<16xi32>
    %and3A_1588 = arith.andi %add3A_1565, %and3A_1587 : vector<16xi32>
    %add3A_1589 = arith.addi %add3A_1585, %and3A_1588 : vector<16xi32>
    %swap3A_1590 = arith.constant 5 : i32
    %swap3A_1591 = arith.index_cast %swap3A_1590 : i32 to index
    %swap3A_1592 = arith.constant 16 : index
    %swap3A_1593 = tpu.vector_load %arg6[%swap3A_1591, %swap3A_1592] {strides = array<i32>} : memref<8x128xi32, #tpu.memory_space<vmem>>, vector<1x16xi32>,
    %swap3A_1594 = vector.shape_cast %swap3A_1593 : vector<1x16xi32> to vector<16xi32>
    %swap3A_1595 = vector.shape_cast %add3A_1589 : vector<16xi32> to vector<1x16xi32>
    tpu.vector_store %arg6[%swap3A_1591, %swap3A_1592], %swap3A_1595 {strides = array<i32>} : memref<8x128xi32, #tpu.memory_space<vmem>>, vector<1x16xi32>,
    %get3A_1596 = arith.constant 672 : index
    %get3A_1597 = tpu.vector_load %arg8[%get3A_1596] {strides = array<i32>} : memref<1024xi32, #tpu.memory_space<vmem>>, vector<16xi32>,
    %get3A_1598 = vector.shape_cast %get3A_1597 : vector<16xi32> to vector<16xi32>
    %add3A_1599 = arith.constant 672 : i32
    %add3A_1600 = arith.addi %mul3A_0, %add3A_1599 : i32
    %iota3A_1601 = tpu.iota {dimensions = array<i32: 0>} : vector<16xi32>
    %add3A_1602 = vector.broadcast %add3A_1600 : i32 to vector<16xi32>
    %add3A_1603 = arith.addi %add3A_1602, %iota3A_1601 : vector<16xi32>
    %shift_right_arithmetic3A_1604 = arith.constant 3 : i32
    %shift_right_arithmetic3A_1605 = vector.broadcast %shift_right_arithmetic3A_1604 : i32 to vector<16xi32>
    %shift_right_arithmetic3A_1606 = arith.shrsi %get3A_1598, %shift_right_arithmetic3A_1605 : vector<16xi32>
    %shift_left3A_1607 = arith.constant 17 : i32
    %shift_left3A_1608 = vector.broadcast %shift_left3A_1607 : i32 to vector<16xi32>
    %shift_left3A_1609 = arith.shli %shift_right_arithmetic3A_1606, %shift_left3A_1608 : vector<16xi32>
    %shift_right_arithmetic3A_1610 = arith.constant 7 : i32
    %shift_right_arithmetic3A_1611 = vector.broadcast %shift_right_arithmetic3A_1610 : i32 to vector<16xi32>
    %shift_right_arithmetic3A_1612 = arith.shrsi %add3A_1603, %shift_right_arithmetic3A_1611 : vector<16xi32>
    %shift_left3A_1613 = arith.constant 10 : i32
    %shift_left3A_1614 = vector.broadcast %shift_left3A_1613 : i32 to vector<16xi32>
    %shift_left3A_1615 = arith.shli %shift_right_arithmetic3A_1612, %shift_left3A_1614 : vector<16xi32>
    %add3A_1616 = arith.addi %shift_left3A_1609, %shift_left3A_1615 : vector<16xi32>
    %and3A_1617 = arith.constant 7 : i32
    %and3A_1618 = vector.broadcast %and3A_1617 : i32 to vector<16xi32>
    %and3A_1619 = arith.andi %get3A_1598, %and3A_1618 : vector<16xi32>
    %shift_left3A_1620 = arith.constant 7 : i32
    %shift_left3A_1621 = vector.broadcast %shift_left3A_1620 : i32 to vector<16xi32>
    %shift_left3A_1622 = arith.shli %and3A_1619, %shift_left3A_1621 : vector<16xi32>
    %add3A_1623 = arith.addi %add3A_1616, %shift_left3A_1622 : vector<16xi32>
    %and3A_1624 = arith.constant 127 : i32
    %and3A_1625 = vector.broadcast %and3A_1624 : i32 to vector<16xi32>
    %and3A_1626 = arith.andi %add3A_1603, %and3A_1625 : vector<16xi32>
    %add3A_1627 = arith.addi %add3A_1623, %and3A_1626 : vector<16xi32>
    %swap3A_1628 = arith.constant 5 : i32
    %swap3A_1629 = arith.index_cast %swap3A_1628 : i32 to index
    %swap3A_1630 = arith.constant 32 : index
    %swap3A_1631 = tpu.vector_load %arg6[%swap3A_1629, %swap3A_1630] {strides = array<i32>} : memref<8x128xi32, #tpu.memory_space<vmem>>, vector<1x16xi32>,
    %swap3A_1632 = vector.shape_cast %swap3A_1631 : vector<1x16xi32> to vector<16xi32>
    %swap3A_1633 = vector.shape_cast %add3A_1627 : vector<16xi32> to vector<1x16xi32>
    tpu.vector_store %arg6[%swap3A_1629, %swap3A_1630], %swap3A_1633 {strides = array<i32>} : memref<8x128xi32, #tpu.memory_space<vmem>>, vector<1x16xi32>,
    %get3A_1634 = arith.constant 688 : index
    %get3A_1635 = tpu.vector_load %arg8[%get3A_1634] {strides = array<i32>} : memref<1024xi32, #tpu.memory_space<vmem>>, vector<16xi32>,
    %get3A_1636 = vector.shape_cast %get3A_1635 : vector<16xi32> to vector<16xi32>
    %add3A_1637 = arith.constant 688 : i32
    %add3A_1638 = arith.addi %mul3A_0, %add3A_1637 : i32
    %iota3A_1639 = tpu.iota {dimensions = array<i32: 0>} : vector<16xi32>
    %add3A_1640 = vector.broadcast %add3A_1638 : i32 to vector<16xi32>
    %add3A_1641 = arith.addi %add3A_1640, %iota3A_1639 : vector<16xi32>
    %shift_right_arithmetic3A_1642 = arith.constant 3 : i32
    %shift_right_arithmetic3A_1643 = vector.broadcast %shift_right_arithmetic3A_1642 : i32 to vector<16xi32>
    %shift_right_arithmetic3A_1644 = arith.shrsi %get3A_1636, %shift_right_arithmetic3A_1643 : vector<16xi32>
    %shift_left3A_1645 = arith.constant 17 : i32
    %shift_left3A_1646 = vector.broadcast %shift_left3A_1645 : i32 to vector<16xi32>
    %shift_left3A_1647 = arith.shli %shift_right_arithmetic3A_1644, %shift_left3A_1646 : vector<16xi32>
    %shift_right_arithmetic3A_1648 = arith.constant 7 : i32
    %shift_right_arithmetic3A_1649 = vector.broadcast %shift_right_arithmetic3A_1648 : i32 to vector<16xi32>
    %shift_right_arithmetic3A_1650 = arith.shrsi %add3A_1641, %shift_right_arithmetic3A_1649 : vector<16xi32>
    %shift_left3A_1651 = arith.constant 10 : i32
    %shift_left3A_1652 = vector.broadcast %shift_left3A_1651 : i32 to vector<16xi32>
    %shift_left3A_1653 = arith.shli %shift_right_arithmetic3A_1650, %shift_left3A_1652 : vector<16xi32>
    %add3A_1654 = arith.addi %shift_left3A_1647, %shift_left3A_1653 : vector<16xi32>
    %and3A_1655 = arith.constant 7 : i32
    %and3A_1656 = vector.broadcast %and3A_1655 : i32 to vector<16xi32>
    %and3A_1657 = arith.andi %get3A_1636, %and3A_1656 : vector<16xi32>
    %shift_left3A_1658 = arith.constant 7 : i32
    %shift_left3A_1659 = vector.broadcast %shift_left3A_1658 : i32 to vector<16xi32>
    %shift_left3A_1660 = arith.shli %and3A_1657, %shift_left3A_1659 : vector<16xi32>
    %add3A_1661 = arith.addi %add3A_1654, %shift_left3A_1660 : vector<16xi32>
    %and3A_1662 = arith.constant 127 : i32
    %and3A_1663 = vector.broadcast %and3A_1662 : i32 to vector<16xi32>
    %and3A_1664 = arith.andi %add3A_1641, %and3A_1663 : vector<16xi32>
    %add3A_1665 = arith.addi %add3A_1661, %and3A_1664 : vector<16xi32>
    %swap3A_1666 = arith.constant 5 : i32
    %swap3A_1667 = arith.index_cast %swap3A_1666 : i32 to index
    %swap3A_1668 = arith.constant 48 : index
    %swap3A_1669 = tpu.vector_load %arg6[%swap3A_1667, %swap3A_1668] {strides = array<i32>} : memref<8x128xi32, #tpu.memory_space<vmem>>, vector<1x16xi32>,
    %swap3A_1670 = vector.shape_cast %swap3A_1669 : vector<1x16xi32> to vector<16xi32>
    %swap3A_1671 = vector.shape_cast %add3A_1665 : vector<16xi32> to vector<1x16xi32>
    tpu.vector_store %arg6[%swap3A_1667, %swap3A_1668], %swap3A_1671 {strides = array<i32>} : memref<8x128xi32, #tpu.memory_space<vmem>>, vector<1x16xi32>,
    %get3A_1672 = arith.constant 704 : index
    %get3A_1673 = tpu.vector_load %arg8[%get3A_1672] {strides = array<i32>} : memref<1024xi32, #tpu.memory_space<vmem>>, vector<16xi32>,
    %get3A_1674 = vector.shape_cast %get3A_1673 : vector<16xi32> to vector<16xi32>
    %add3A_1675 = arith.constant 704 : i32
    %add3A_1676 = arith.addi %mul3A_0, %add3A_1675 : i32
    %iota3A_1677 = tpu.iota {dimensions = array<i32: 0>} : vector<16xi32>
    %add3A_1678 = vector.broadcast %add3A_1676 : i32 to vector<16xi32>
    %add3A_1679 = arith.addi %add3A_1678, %iota3A_1677 : vector<16xi32>
    %shift_right_arithmetic3A_1680 = arith.constant 3 : i32
    %shift_right_arithmetic3A_1681 = vector.broadcast %shift_right_arithmetic3A_1680 : i32 to vector<16xi32>
    %shift_right_arithmetic3A_1682 = arith.shrsi %get3A_1674, %shift_right_arithmetic3A_1681 : vector<16xi32>
    %shift_left3A_1683 = arith.constant 17 : i32
    %shift_left3A_1684 = vector.broadcast %shift_left3A_1683 : i32 to vector<16xi32>
    %shift_left3A_1685 = arith.shli %shift_right_arithmetic3A_1682, %shift_left3A_1684 : vector<16xi32>
    %shift_right_arithmetic3A_1686 = arith.constant 7 : i32
    %shift_right_arithmetic3A_1687 = vector.broadcast %shift_right_arithmetic3A_1686 : i32 to vector<16xi32>
    %shift_right_arithmetic3A_1688 = arith.shrsi %add3A_1679, %shift_right_arithmetic3A_1687 : vector<16xi32>
    %shift_left3A_1689 = arith.constant 10 : i32
    %shift_left3A_1690 = vector.broadcast %shift_left3A_1689 : i32 to vector<16xi32>
    %shift_left3A_1691 = arith.shli %shift_right_arithmetic3A_1688, %shift_left3A_1690 : vector<16xi32>
    %add3A_1692 = arith.addi %shift_left3A_1685, %shift_left3A_1691 : vector<16xi32>
    %and3A_1693 = arith.constant 7 : i32
    %and3A_1694 = vector.broadcast %and3A_1693 : i32 to vector<16xi32>
    %and3A_1695 = arith.andi %get3A_1674, %and3A_1694 : vector<16xi32>
    %shift_left3A_1696 = arith.constant 7 : i32
    %shift_left3A_1697 = vector.broadcast %shift_left3A_1696 : i32 to vector<16xi32>
    %shift_left3A_1698 = arith.shli %and3A_1695, %shift_left3A_1697 : vector<16xi32>
    %add3A_1699 = arith.addi %add3A_1692, %shift_left3A_1698 : vector<16xi32>
    %and3A_1700 = arith.constant 127 : i32
    %and3A_1701 = vector.broadcast %and3A_1700 : i32 to vector<16xi32>
    %and3A_1702 = arith.andi %add3A_1679, %and3A_1701 : vector<16xi32>
    %add3A_1703 = arith.addi %add3A_1699, %and3A_1702 : vector<16xi32>
    %swap3A_1704 = arith.constant 5 : i32
    %swap3A_1705 = arith.index_cast %swap3A_1704 : i32 to index
    %swap3A_1706 = arith.constant 64 : index
    %swap3A_1707 = tpu.vector_load %arg6[%swap3A_1705, %swap3A_1706] {strides = array<i32>} : memref<8x128xi32, #tpu.memory_space<vmem>>, vector<1x16xi32>,
    %swap3A_1708 = vector.shape_cast %swap3A_1707 : vector<1x16xi32> to vector<16xi32>
    %swap3A_1709 = vector.shape_cast %add3A_1703 : vector<16xi32> to vector<1x16xi32>
    tpu.vector_store %arg6[%swap3A_1705, %swap3A_1706], %swap3A_1709 {strides = array<i32>} : memref<8x128xi32, #tpu.memory_space<vmem>>, vector<1x16xi32>,
    %get3A_1710 = arith.constant 720 : index
    %get3A_1711 = tpu.vector_load %arg8[%get3A_1710] {strides = array<i32>} : memref<1024xi32, #tpu.memory_space<vmem>>, vector<16xi32>,
    %get3A_1712 = vector.shape_cast %get3A_1711 : vector<16xi32> to vector<16xi32>
    %add3A_1713 = arith.constant 720 : i32
    %add3A_1714 = arith.addi %mul3A_0, %add3A_1713 : i32
    %iota3A_1715 = tpu.iota {dimensions = array<i32: 0>} : vector<16xi32>
    %add3A_1716 = vector.broadcast %add3A_1714 : i32 to vector<16xi32>
    %add3A_1717 = arith.addi %add3A_1716, %iota3A_1715 : vector<16xi32>
    %shift_right_arithmetic3A_1718 = arith.constant 3 : i32
    %shift_right_arithmetic3A_1719 = vector.broadcast %shift_right_arithmetic3A_1718 : i32 to vector<16xi32>
    %shift_right_arithmetic3A_1720 = arith.shrsi %get3A_1712, %shift_right_arithmetic3A_1719 : vector<16xi32>
    %shift_left3A_1721 = arith.constant 17 : i32
    %shift_left3A_1722 = vector.broadcast %shift_left3A_1721 : i32 to vector<16xi32>
    %shift_left3A_1723 = arith.shli %shift_right_arithmetic3A_1720, %shift_left3A_1722 : vector<16xi32>
    %shift_right_arithmetic3A_1724 = arith.constant 7 : i32
    %shift_right_arithmetic3A_1725 = vector.broadcast %shift_right_arithmetic3A_1724 : i32 to vector<16xi32>
    %shift_right_arithmetic3A_1726 = arith.shrsi %add3A_1717, %shift_right_arithmetic3A_1725 : vector<16xi32>
    %shift_left3A_1727 = arith.constant 10 : i32
    %shift_left3A_1728 = vector.broadcast %shift_left3A_1727 : i32 to vector<16xi32>
    %shift_left3A_1729 = arith.shli %shift_right_arithmetic3A_1726, %shift_left3A_1728 : vector<16xi32>
    %add3A_1730 = arith.addi %shift_left3A_1723, %shift_left3A_1729 : vector<16xi32>
    %and3A_1731 = arith.constant 7 : i32
    %and3A_1732 = vector.broadcast %and3A_1731 : i32 to vector<16xi32>
    %and3A_1733 = arith.andi %get3A_1712, %and3A_1732 : vector<16xi32>
    %shift_left3A_1734 = arith.constant 7 : i32
    %shift_left3A_1735 = vector.broadcast %shift_left3A_1734 : i32 to vector<16xi32>
    %shift_left3A_1736 = arith.shli %and3A_1733, %shift_left3A_1735 : vector<16xi32>
    %add3A_1737 = arith.addi %add3A_1730, %shift_left3A_1736 : vector<16xi32>
    %and3A_1738 = arith.constant 127 : i32
    %and3A_1739 = vector.broadcast %and3A_1738 : i32 to vector<16xi32>
    %and3A_1740 = arith.andi %add3A_1717, %and3A_1739 : vector<16xi32>
    %add3A_1741 = arith.addi %add3A_1737, %and3A_1740 : vector<16xi32>
    %swap3A_1742 = arith.constant 5 : i32
    %swap3A_1743 = arith.index_cast %swap3A_1742 : i32 to index
    %swap3A_1744 = arith.constant 80 : index
    %swap3A_1745 = tpu.vector_load %arg6[%swap3A_1743, %swap3A_1744] {strides = array<i32>} : memref<8x128xi32, #tpu.memory_space<vmem>>, vector<1x16xi32>,
    %swap3A_1746 = vector.shape_cast %swap3A_1745 : vector<1x16xi32> to vector<16xi32>
    %swap3A_1747 = vector.shape_cast %add3A_1741 : vector<16xi32> to vector<1x16xi32>
    tpu.vector_store %arg6[%swap3A_1743, %swap3A_1744], %swap3A_1747 {strides = array<i32>} : memref<8x128xi32, #tpu.memory_space<vmem>>, vector<1x16xi32>,
    %get3A_1748 = arith.constant 736 : index
    %get3A_1749 = tpu.vector_load %arg8[%get3A_1748] {strides = array<i32>} : memref<1024xi32, #tpu.memory_space<vmem>>, vector<16xi32>,
    %get3A_1750 = vector.shape_cast %get3A_1749 : vector<16xi32> to vector<16xi32>
    %add3A_1751 = arith.constant 736 : i32
    %add3A_1752 = arith.addi %mul3A_0, %add3A_1751 : i32
    %iota3A_1753 = tpu.iota {dimensions = array<i32: 0>} : vector<16xi32>
    %add3A_1754 = vector.broadcast %add3A_1752 : i32 to vector<16xi32>
    %add3A_1755 = arith.addi %add3A_1754, %iota3A_1753 : vector<16xi32>
    %shift_right_arithmetic3A_1756 = arith.constant 3 : i32
    %shift_right_arithmetic3A_1757 = vector.broadcast %shift_right_arithmetic3A_1756 : i32 to vector<16xi32>
    %shift_right_arithmetic3A_1758 = arith.shrsi %get3A_1750, %shift_right_arithmetic3A_1757 : vector<16xi32>
    %shift_left3A_1759 = arith.constant 17 : i32
    %shift_left3A_1760 = vector.broadcast %shift_left3A_1759 : i32 to vector<16xi32>
    %shift_left3A_1761 = arith.shli %shift_right_arithmetic3A_1758, %shift_left3A_1760 : vector<16xi32>
    %shift_right_arithmetic3A_1762 = arith.constant 7 : i32
    %shift_right_arithmetic3A_1763 = vector.broadcast %shift_right_arithmetic3A_1762 : i32 to vector<16xi32>
    %shift_right_arithmetic3A_1764 = arith.shrsi %add3A_1755, %shift_right_arithmetic3A_1763 : vector<16xi32>
    %shift_left3A_1765 = arith.constant 10 : i32
    %shift_left3A_1766 = vector.broadcast %shift_left3A_1765 : i32 to vector<16xi32>
    %shift_left3A_1767 = arith.shli %shift_right_arithmetic3A_1764, %shift_left3A_1766 : vector<16xi32>
    %add3A_1768 = arith.addi %shift_left3A_1761, %shift_left3A_1767 : vector<16xi32>
    %and3A_1769 = arith.constant 7 : i32
    %and3A_1770 = vector.broadcast %and3A_1769 : i32 to vector<16xi32>
    %and3A_1771 = arith.andi %get3A_1750, %and3A_1770 : vector<16xi32>
    %shift_left3A_1772 = arith.constant 7 : i32
    %shift_left3A_1773 = vector.broadcast %shift_left3A_1772 : i32 to vector<16xi32>
    %shift_left3A_1774 = arith.shli %and3A_1771, %shift_left3A_1773 : vector<16xi32>
    %add3A_1775 = arith.addi %add3A_1768, %shift_left3A_1774 : vector<16xi32>
    %and3A_1776 = arith.constant 127 : i32
    %and3A_1777 = vector.broadcast %and3A_1776 : i32 to vector<16xi32>
    %and3A_1778 = arith.andi %add3A_1755, %and3A_1777 : vector<16xi32>
    %add3A_1779 = arith.addi %add3A_1775, %and3A_1778 : vector<16xi32>
    %swap3A_1780 = arith.constant 5 : i32
    %swap3A_1781 = arith.index_cast %swap3A_1780 : i32 to index
    %swap3A_1782 = arith.constant 96 : index
    %swap3A_1783 = tpu.vector_load %arg6[%swap3A_1781, %swap3A_1782] {strides = array<i32>} : memref<8x128xi32, #tpu.memory_space<vmem>>, vector<1x16xi32>,
    %swap3A_1784 = vector.shape_cast %swap3A_1783 : vector<1x16xi32> to vector<16xi32>
    %swap3A_1785 = vector.shape_cast %add3A_1779 : vector<16xi32> to vector<1x16xi32>
    tpu.vector_store %arg6[%swap3A_1781, %swap3A_1782], %swap3A_1785 {strides = array<i32>} : memref<8x128xi32, #tpu.memory_space<vmem>>, vector<1x16xi32>,
    %get3A_1786 = arith.constant 752 : index
    %get3A_1787 = tpu.vector_load %arg8[%get3A_1786] {strides = array<i32>} : memref<1024xi32, #tpu.memory_space<vmem>>, vector<16xi32>,
    %get3A_1788 = vector.shape_cast %get3A_1787 : vector<16xi32> to vector<16xi32>
    %add3A_1789 = arith.constant 752 : i32
    %add3A_1790 = arith.addi %mul3A_0, %add3A_1789 : i32
    %iota3A_1791 = tpu.iota {dimensions = array<i32: 0>} : vector<16xi32>
    %add3A_1792 = vector.broadcast %add3A_1790 : i32 to vector<16xi32>
    %add3A_1793 = arith.addi %add3A_1792, %iota3A_1791 : vector<16xi32>
    %shift_right_arithmetic3A_1794 = arith.constant 3 : i32
    %shift_right_arithmetic3A_1795 = vector.broadcast %shift_right_arithmetic3A_1794 : i32 to vector<16xi32>
    %shift_right_arithmetic3A_1796 = arith.shrsi %get3A_1788, %shift_right_arithmetic3A_1795 : vector<16xi32>
    %shift_left3A_1797 = arith.constant 17 : i32
    %shift_left3A_1798 = vector.broadcast %shift_left3A_1797 : i32 to vector<16xi32>
    %shift_left3A_1799 = arith.shli %shift_right_arithmetic3A_1796, %shift_left3A_1798 : vector<16xi32>
    %shift_right_arithmetic3A_1800 = arith.constant 7 : i32
    %shift_right_arithmetic3A_1801 = vector.broadcast %shift_right_arithmetic3A_1800 : i32 to vector<16xi32>
    %shift_right_arithmetic3A_1802 = arith.shrsi %add3A_1793, %shift_right_arithmetic3A_1801 : vector<16xi32>
    %shift_left3A_1803 = arith.constant 10 : i32
    %shift_left3A_1804 = vector.broadcast %shift_left3A_1803 : i32 to vector<16xi32>
    %shift_left3A_1805 = arith.shli %shift_right_arithmetic3A_1802, %shift_left3A_1804 : vector<16xi32>
    %add3A_1806 = arith.addi %shift_left3A_1799, %shift_left3A_1805 : vector<16xi32>
    %and3A_1807 = arith.constant 7 : i32
    %and3A_1808 = vector.broadcast %and3A_1807 : i32 to vector<16xi32>
    %and3A_1809 = arith.andi %get3A_1788, %and3A_1808 : vector<16xi32>
    %shift_left3A_1810 = arith.constant 7 : i32
    %shift_left3A_1811 = vector.broadcast %shift_left3A_1810 : i32 to vector<16xi32>
    %shift_left3A_1812 = arith.shli %and3A_1809, %shift_left3A_1811 : vector<16xi32>
    %add3A_1813 = arith.addi %add3A_1806, %shift_left3A_1812 : vector<16xi32>
    %and3A_1814 = arith.constant 127 : i32
    %and3A_1815 = vector.broadcast %and3A_1814 : i32 to vector<16xi32>
    %and3A_1816 = arith.andi %add3A_1793, %and3A_1815 : vector<16xi32>
    %add3A_1817 = arith.addi %add3A_1813, %and3A_1816 : vector<16xi32>
    %swap3A_1818 = arith.constant 5 : i32
    %swap3A_1819 = arith.index_cast %swap3A_1818 : i32 to index
    %swap3A_1820 = arith.constant 112 : index
    %swap3A_1821 = tpu.vector_load %arg6[%swap3A_1819, %swap3A_1820] {strides = array<i32>} : memref<8x128xi32, #tpu.memory_space<vmem>>, vector<1x16xi32>,
    %swap3A_1822 = vector.shape_cast %swap3A_1821 : vector<1x16xi32> to vector<16xi32>
    %swap3A_1823 = vector.shape_cast %add3A_1817 : vector<16xi32> to vector<1x16xi32>
    tpu.vector_store %arg6[%swap3A_1819, %swap3A_1820], %swap3A_1823 {strides = array<i32>} : memref<8x128xi32, #tpu.memory_space<vmem>>, vector<1x16xi32>,
    %get3A_1824 = arith.constant 768 : index
    %get3A_1825 = tpu.vector_load %arg8[%get3A_1824] {strides = array<i32>} : memref<1024xi32, #tpu.memory_space<vmem>>, vector<16xi32>,
    %get3A_1826 = vector.shape_cast %get3A_1825 : vector<16xi32> to vector<16xi32>
    %add3A_1827 = arith.constant 768 : i32
    %add3A_1828 = arith.addi %mul3A_0, %add3A_1827 : i32
    %iota3A_1829 = tpu.iota {dimensions = array<i32: 0>} : vector<16xi32>
    %add3A_1830 = vector.broadcast %add3A_1828 : i32 to vector<16xi32>
    %add3A_1831 = arith.addi %add3A_1830, %iota3A_1829 : vector<16xi32>
    %shift_right_arithmetic3A_1832 = arith.constant 3 : i32
    %shift_right_arithmetic3A_1833 = vector.broadcast %shift_right_arithmetic3A_1832 : i32 to vector<16xi32>
    %shift_right_arithmetic3A_1834 = arith.shrsi %get3A_1826, %shift_right_arithmetic3A_1833 : vector<16xi32>
    %shift_left3A_1835 = arith.constant 17 : i32
    %shift_left3A_1836 = vector.broadcast %shift_left3A_1835 : i32 to vector<16xi32>
    %shift_left3A_1837 = arith.shli %shift_right_arithmetic3A_1834, %shift_left3A_1836 : vector<16xi32>
    %shift_right_arithmetic3A_1838 = arith.constant 7 : i32
    %shift_right_arithmetic3A_1839 = vector.broadcast %shift_right_arithmetic3A_1838 : i32 to vector<16xi32>
    %shift_right_arithmetic3A_1840 = arith.shrsi %add3A_1831, %shift_right_arithmetic3A_1839 : vector<16xi32>
    %shift_left3A_1841 = arith.constant 10 : i32
    %shift_left3A_1842 = vector.broadcast %shift_left3A_1841 : i32 to vector<16xi32>
    %shift_left3A_1843 = arith.shli %shift_right_arithmetic3A_1840, %shift_left3A_1842 : vector<16xi32>
    %add3A_1844 = arith.addi %shift_left3A_1837, %shift_left3A_1843 : vector<16xi32>
    %and3A_1845 = arith.constant 7 : i32
    %and3A_1846 = vector.broadcast %and3A_1845 : i32 to vector<16xi32>
    %and3A_1847 = arith.andi %get3A_1826, %and3A_1846 : vector<16xi32>
    %shift_left3A_1848 = arith.constant 7 : i32
    %shift_left3A_1849 = vector.broadcast %shift_left3A_1848 : i32 to vector<16xi32>
    %shift_left3A_1850 = arith.shli %and3A_1847, %shift_left3A_1849 : vector<16xi32>
    %add3A_1851 = arith.addi %add3A_1844, %shift_left3A_1850 : vector<16xi32>
    %and3A_1852 = arith.constant 127 : i32
    %and3A_1853 = vector.broadcast %and3A_1852 : i32 to vector<16xi32>
    %and3A_1854 = arith.andi %add3A_1831, %and3A_1853 : vector<16xi32>
    %add3A_1855 = arith.addi %add3A_1851, %and3A_1854 : vector<16xi32>
    %swap3A_1856 = arith.constant 6 : i32
    %swap3A_1857 = arith.index_cast %swap3A_1856 : i32 to index
    %swap3A_1858 = arith.constant 0 : index
    %swap3A_1859 = tpu.vector_load %arg6[%swap3A_1857, %swap3A_1858] {strides = array<i32>} : memref<8x128xi32, #tpu.memory_space<vmem>>, vector<1x16xi32>,
    %swap3A_1860 = vector.shape_cast %swap3A_1859 : vector<1x16xi32> to vector<16xi32>
    %swap3A_1861 = vector.shape_cast %add3A_1855 : vector<16xi32> to vector<1x16xi32>
    tpu.vector_store %arg6[%swap3A_1857, %swap3A_1858], %swap3A_1861 {strides = array<i32>} : memref<8x128xi32, #tpu.memory_space<vmem>>, vector<1x16xi32>,
    %get3A_1862 = arith.constant 784 : index
    %get3A_1863 = tpu.vector_load %arg8[%get3A_1862] {strides = array<i32>} : memref<1024xi32, #tpu.memory_space<vmem>>, vector<16xi32>,
    %get3A_1864 = vector.shape_cast %get3A_1863 : vector<16xi32> to vector<16xi32>
    %add3A_1865 = arith.constant 784 : i32
    %add3A_1866 = arith.addi %mul3A_0, %add3A_1865 : i32
    %iota3A_1867 = tpu.iota {dimensions = array<i32: 0>} : vector<16xi32>
    %add3A_1868 = vector.broadcast %add3A_1866 : i32 to vector<16xi32>
    %add3A_1869 = arith.addi %add3A_1868, %iota3A_1867 : vector<16xi32>
    %shift_right_arithmetic3A_1870 = arith.constant 3 : i32
    %shift_right_arithmetic3A_1871 = vector.broadcast %shift_right_arithmetic3A_1870 : i32 to vector<16xi32>
    %shift_right_arithmetic3A_1872 = arith.shrsi %get3A_1864, %shift_right_arithmetic3A_1871 : vector<16xi32>
    %shift_left3A_1873 = arith.constant 17 : i32
    %shift_left3A_1874 = vector.broadcast %shift_left3A_1873 : i32 to vector<16xi32>
    %shift_left3A_1875 = arith.shli %shift_right_arithmetic3A_1872, %shift_left3A_1874 : vector<16xi32>
    %shift_right_arithmetic3A_1876 = arith.constant 7 : i32
    %shift_right_arithmetic3A_1877 = vector.broadcast %shift_right_arithmetic3A_1876 : i32 to vector<16xi32>
    %shift_right_arithmetic3A_1878 = arith.shrsi %add3A_1869, %shift_right_arithmetic3A_1877 : vector<16xi32>
    %shift_left3A_1879 = arith.constant 10 : i32
    %shift_left3A_1880 = vector.broadcast %shift_left3A_1879 : i32 to vector<16xi32>
    %shift_left3A_1881 = arith.shli %shift_right_arithmetic3A_1878, %shift_left3A_1880 : vector<16xi32>
    %add3A_1882 = arith.addi %shift_left3A_1875, %shift_left3A_1881 : vector<16xi32>
    %and3A_1883 = arith.constant 7 : i32
    %and3A_1884 = vector.broadcast %and3A_1883 : i32 to vector<16xi32>
    %and3A_1885 = arith.andi %get3A_1864, %and3A_1884 : vector<16xi32>
    %shift_left3A_1886 = arith.constant 7 : i32
    %shift_left3A_1887 = vector.broadcast %shift_left3A_1886 : i32 to vector<16xi32>
    %shift_left3A_1888 = arith.shli %and3A_1885, %shift_left3A_1887 : vector<16xi32>
    %add3A_1889 = arith.addi %add3A_1882, %shift_left3A_1888 : vector<16xi32>
    %and3A_1890 = arith.constant 127 : i32
    %and3A_1891 = vector.broadcast %and3A_1890 : i32 to vector<16xi32>
    %and3A_1892 = arith.andi %add3A_1869, %and3A_1891 : vector<16xi32>
    %add3A_1893 = arith.addi %add3A_1889, %and3A_1892 : vector<16xi32>
    %swap3A_1894 = arith.constant 6 : i32
    %swap3A_1895 = arith.index_cast %swap3A_1894 : i32 to index
    %swap3A_1896 = arith.constant 16 : index
    %swap3A_1897 = tpu.vector_load %arg6[%swap3A_1895, %swap3A_1896] {strides = array<i32>} : memref<8x128xi32, #tpu.memory_space<vmem>>, vector<1x16xi32>,
    %swap3A_1898 = vector.shape_cast %swap3A_1897 : vector<1x16xi32> to vector<16xi32>
    %swap3A_1899 = vector.shape_cast %add3A_1893 : vector<16xi32> to vector<1x16xi32>
    tpu.vector_store %arg6[%swap3A_1895, %swap3A_1896], %swap3A_1899 {strides = array<i32>} : memref<8x128xi32, #tpu.memory_space<vmem>>, vector<1x16xi32>,
    %get3A_1900 = arith.constant 800 : index
    %get3A_1901 = tpu.vector_load %arg8[%get3A_1900] {strides = array<i32>} : memref<1024xi32, #tpu.memory_space<vmem>>, vector<16xi32>,
    %get3A_1902 = vector.shape_cast %get3A_1901 : vector<16xi32> to vector<16xi32>
    %add3A_1903 = arith.constant 800 : i32
    %add3A_1904 = arith.addi %mul3A_0, %add3A_1903 : i32
    %iota3A_1905 = tpu.iota {dimensions = array<i32: 0>} : vector<16xi32>
    %add3A_1906 = vector.broadcast %add3A_1904 : i32 to vector<16xi32>
    %add3A_1907 = arith.addi %add3A_1906, %iota3A_1905 : vector<16xi32>
    %shift_right_arithmetic3A_1908 = arith.constant 3 : i32
    %shift_right_arithmetic3A_1909 = vector.broadcast %shift_right_arithmetic3A_1908 : i32 to vector<16xi32>
    %shift_right_arithmetic3A_1910 = arith.shrsi %get3A_1902, %shift_right_arithmetic3A_1909 : vector<16xi32>
    %shift_left3A_1911 = arith.constant 17 : i32
    %shift_left3A_1912 = vector.broadcast %shift_left3A_1911 : i32 to vector<16xi32>
    %shift_left3A_1913 = arith.shli %shift_right_arithmetic3A_1910, %shift_left3A_1912 : vector<16xi32>
    %shift_right_arithmetic3A_1914 = arith.constant 7 : i32
    %shift_right_arithmetic3A_1915 = vector.broadcast %shift_right_arithmetic3A_1914 : i32 to vector<16xi32>
    %shift_right_arithmetic3A_1916 = arith.shrsi %add3A_1907, %shift_right_arithmetic3A_1915 : vector<16xi32>
    %shift_left3A_1917 = arith.constant 10 : i32
    %shift_left3A_1918 = vector.broadcast %shift_left3A_1917 : i32 to vector<16xi32>
    %shift_left3A_1919 = arith.shli %shift_right_arithmetic3A_1916, %shift_left3A_1918 : vector<16xi32>
    %add3A_1920 = arith.addi %shift_left3A_1913, %shift_left3A_1919 : vector<16xi32>
    %and3A_1921 = arith.constant 7 : i32
    %and3A_1922 = vector.broadcast %and3A_1921 : i32 to vector<16xi32>
    %and3A_1923 = arith.andi %get3A_1902, %and3A_1922 : vector<16xi32>
    %shift_left3A_1924 = arith.constant 7 : i32
    %shift_left3A_1925 = vector.broadcast %shift_left3A_1924 : i32 to vector<16xi32>
    %shift_left3A_1926 = arith.shli %and3A_1923, %shift_left3A_1925 : vector<16xi32>
    %add3A_1927 = arith.addi %add3A_1920, %shift_left3A_1926 : vector<16xi32>
    %and3A_1928 = arith.constant 127 : i32
    %and3A_1929 = vector.broadcast %and3A_1928 : i32 to vector<16xi32>
    %and3A_1930 = arith.andi %add3A_1907, %and3A_1929 : vector<16xi32>
    %add3A_1931 = arith.addi %add3A_1927, %and3A_1930 : vector<16xi32>
    %swap3A_1932 = arith.constant 6 : i32
    %swap3A_1933 = arith.index_cast %swap3A_1932 : i32 to index
    %swap3A_1934 = arith.constant 32 : index
    %swap3A_1935 = tpu.vector_load %arg6[%swap3A_1933, %swap3A_1934] {strides = array<i32>} : memref<8x128xi32, #tpu.memory_space<vmem>>, vector<1x16xi32>,
    %swap3A_1936 = vector.shape_cast %swap3A_1935 : vector<1x16xi32> to vector<16xi32>
    %swap3A_1937 = vector.shape_cast %add3A_1931 : vector<16xi32> to vector<1x16xi32>
    tpu.vector_store %arg6[%swap3A_1933, %swap3A_1934], %swap3A_1937 {strides = array<i32>} : memref<8x128xi32, #tpu.memory_space<vmem>>, vector<1x16xi32>,
    %get3A_1938 = arith.constant 816 : index
    %get3A_1939 = tpu.vector_load %arg8[%get3A_1938] {strides = array<i32>} : memref<1024xi32, #tpu.memory_space<vmem>>, vector<16xi32>,
    %get3A_1940 = vector.shape_cast %get3A_1939 : vector<16xi32> to vector<16xi32>
    %add3A_1941 = arith.constant 816 : i32
    %add3A_1942 = arith.addi %mul3A_0, %add3A_1941 : i32
    %iota3A_1943 = tpu.iota {dimensions = array<i32: 0>} : vector<16xi32>
    %add3A_1944 = vector.broadcast %add3A_1942 : i32 to vector<16xi32>
    %add3A_1945 = arith.addi %add3A_1944, %iota3A_1943 : vector<16xi32>
    %shift_right_arithmetic3A_1946 = arith.constant 3 : i32
    %shift_right_arithmetic3A_1947 = vector.broadcast %shift_right_arithmetic3A_1946 : i32 to vector<16xi32>
    %shift_right_arithmetic3A_1948 = arith.shrsi %get3A_1940, %shift_right_arithmetic3A_1947 : vector<16xi32>
    %shift_left3A_1949 = arith.constant 17 : i32
    %shift_left3A_1950 = vector.broadcast %shift_left3A_1949 : i32 to vector<16xi32>
    %shift_left3A_1951 = arith.shli %shift_right_arithmetic3A_1948, %shift_left3A_1950 : vector<16xi32>
    %shift_right_arithmetic3A_1952 = arith.constant 7 : i32
    %shift_right_arithmetic3A_1953 = vector.broadcast %shift_right_arithmetic3A_1952 : i32 to vector<16xi32>
    %shift_right_arithmetic3A_1954 = arith.shrsi %add3A_1945, %shift_right_arithmetic3A_1953 : vector<16xi32>
    %shift_left3A_1955 = arith.constant 10 : i32
    %shift_left3A_1956 = vector.broadcast %shift_left3A_1955 : i32 to vector<16xi32>
    %shift_left3A_1957 = arith.shli %shift_right_arithmetic3A_1954, %shift_left3A_1956 : vector<16xi32>
    %add3A_1958 = arith.addi %shift_left3A_1951, %shift_left3A_1957 : vector<16xi32>
    %and3A_1959 = arith.constant 7 : i32
    %and3A_1960 = vector.broadcast %and3A_1959 : i32 to vector<16xi32>
    %and3A_1961 = arith.andi %get3A_1940, %and3A_1960 : vector<16xi32>
    %shift_left3A_1962 = arith.constant 7 : i32
    %shift_left3A_1963 = vector.broadcast %shift_left3A_1962 : i32 to vector<16xi32>
    %shift_left3A_1964 = arith.shli %and3A_1961, %shift_left3A_1963 : vector<16xi32>
    %add3A_1965 = arith.addi %add3A_1958, %shift_left3A_1964 : vector<16xi32>
    %and3A_1966 = arith.constant 127 : i32
    %and3A_1967 = vector.broadcast %and3A_1966 : i32 to vector<16xi32>
    %and3A_1968 = arith.andi %add3A_1945, %and3A_1967 : vector<16xi32>
    %add3A_1969 = arith.addi %add3A_1965, %and3A_1968 : vector<16xi32>
    %swap3A_1970 = arith.constant 6 : i32
    %swap3A_1971 = arith.index_cast %swap3A_1970 : i32 to index
    %swap3A_1972 = arith.constant 48 : index
    %swap3A_1973 = tpu.vector_load %arg6[%swap3A_1971, %swap3A_1972] {strides = array<i32>} : memref<8x128xi32, #tpu.memory_space<vmem>>, vector<1x16xi32>,
    %swap3A_1974 = vector.shape_cast %swap3A_1973 : vector<1x16xi32> to vector<16xi32>
    %swap3A_1975 = vector.shape_cast %add3A_1969 : vector<16xi32> to vector<1x16xi32>
    tpu.vector_store %arg6[%swap3A_1971, %swap3A_1972], %swap3A_1975 {strides = array<i32>} : memref<8x128xi32, #tpu.memory_space<vmem>>, vector<1x16xi32>,
    %get3A_1976 = arith.constant 832 : index
    %get3A_1977 = tpu.vector_load %arg8[%get3A_1976] {strides = array<i32>} : memref<1024xi32, #tpu.memory_space<vmem>>, vector<16xi32>,
    %get3A_1978 = vector.shape_cast %get3A_1977 : vector<16xi32> to vector<16xi32>
    %add3A_1979 = arith.constant 832 : i32
    %add3A_1980 = arith.addi %mul3A_0, %add3A_1979 : i32
    %iota3A_1981 = tpu.iota {dimensions = array<i32: 0>} : vector<16xi32>
    %add3A_1982 = vector.broadcast %add3A_1980 : i32 to vector<16xi32>
    %add3A_1983 = arith.addi %add3A_1982, %iota3A_1981 : vector<16xi32>
    %shift_right_arithmetic3A_1984 = arith.constant 3 : i32
    %shift_right_arithmetic3A_1985 = vector.broadcast %shift_right_arithmetic3A_1984 : i32 to vector<16xi32>
    %shift_right_arithmetic3A_1986 = arith.shrsi %get3A_1978, %shift_right_arithmetic3A_1985 : vector<16xi32>
    %shift_left3A_1987 = arith.constant 17 : i32
    %shift_left3A_1988 = vector.broadcast %shift_left3A_1987 : i32 to vector<16xi32>
    %shift_left3A_1989 = arith.shli %shift_right_arithmetic3A_1986, %shift_left3A_1988 : vector<16xi32>
    %shift_right_arithmetic3A_1990 = arith.constant 7 : i32
    %shift_right_arithmetic3A_1991 = vector.broadcast %shift_right_arithmetic3A_1990 : i32 to vector<16xi32>
    %shift_right_arithmetic3A_1992 = arith.shrsi %add3A_1983, %shift_right_arithmetic3A_1991 : vector<16xi32>
    %shift_left3A_1993 = arith.constant 10 : i32
    %shift_left3A_1994 = vector.broadcast %shift_left3A_1993 : i32 to vector<16xi32>
    %shift_left3A_1995 = arith.shli %shift_right_arithmetic3A_1992, %shift_left3A_1994 : vector<16xi32>
    %add3A_1996 = arith.addi %shift_left3A_1989, %shift_left3A_1995 : vector<16xi32>
    %and3A_1997 = arith.constant 7 : i32
    %and3A_1998 = vector.broadcast %and3A_1997 : i32 to vector<16xi32>
    %and3A_1999 = arith.andi %get3A_1978, %and3A_1998 : vector<16xi32>
    %shift_left3A_2000 = arith.constant 7 : i32
    %shift_left3A_2001 = vector.broadcast %shift_left3A_2000 : i32 to vector<16xi32>
    %shift_left3A_2002 = arith.shli %and3A_1999, %shift_left3A_2001 : vector<16xi32>
    %add3A_2003 = arith.addi %add3A_1996, %shift_left3A_2002 : vector<16xi32>
    %and3A_2004 = arith.constant 127 : i32
    %and3A_2005 = vector.broadcast %and3A_2004 : i32 to vector<16xi32>
    %and3A_2006 = arith.andi %add3A_1983, %and3A_2005 : vector<16xi32>
    %add3A_2007 = arith.addi %add3A_2003, %and3A_2006 : vector<16xi32>
    %swap3A_2008 = arith.constant 6 : i32
    %swap3A_2009 = arith.index_cast %swap3A_2008 : i32 to index
    %swap3A_2010 = arith.constant 64 : index
    %swap3A_2011 = tpu.vector_load %arg6[%swap3A_2009, %swap3A_2010] {strides = array<i32>} : memref<8x128xi32, #tpu.memory_space<vmem>>, vector<1x16xi32>,
    %swap3A_2012 = vector.shape_cast %swap3A_2011 : vector<1x16xi32> to vector<16xi32>
    %swap3A_2013 = vector.shape_cast %add3A_2007 : vector<16xi32> to vector<1x16xi32>
    tpu.vector_store %arg6[%swap3A_2009, %swap3A_2010], %swap3A_2013 {strides = array<i32>} : memref<8x128xi32, #tpu.memory_space<vmem>>, vector<1x16xi32>,
    %get3A_2014 = arith.constant 848 : index
    %get3A_2015 = tpu.vector_load %arg8[%get3A_2014] {strides = array<i32>} : memref<1024xi32, #tpu.memory_space<vmem>>, vector<16xi32>,
    %get3A_2016 = vector.shape_cast %get3A_2015 : vector<16xi32> to vector<16xi32>
    %add3A_2017 = arith.constant 848 : i32
    %add3A_2018 = arith.addi %mul3A_0, %add3A_2017 : i32
    %iota3A_2019 = tpu.iota {dimensions = array<i32: 0>} : vector<16xi32>
    %add3A_2020 = vector.broadcast %add3A_2018 : i32 to vector<16xi32>
    %add3A_2021 = arith.addi %add3A_2020, %iota3A_2019 : vector<16xi32>
    %shift_right_arithmetic3A_2022 = arith.constant 3 : i32
    %shift_right_arithmetic3A_2023 = vector.broadcast %shift_right_arithmetic3A_2022 : i32 to vector<16xi32>
    %shift_right_arithmetic3A_2024 = arith.shrsi %get3A_2016, %shift_right_arithmetic3A_2023 : vector<16xi32>
    %shift_left3A_2025 = arith.constant 17 : i32
    %shift_left3A_2026 = vector.broadcast %shift_left3A_2025 : i32 to vector<16xi32>
    %shift_left3A_2027 = arith.shli %shift_right_arithmetic3A_2024, %shift_left3A_2026 : vector<16xi32>
    %shift_right_arithmetic3A_2028 = arith.constant 7 : i32
    %shift_right_arithmetic3A_2029 = vector.broadcast %shift_right_arithmetic3A_2028 : i32 to vector<16xi32>
    %shift_right_arithmetic3A_2030 = arith.shrsi %add3A_2021, %shift_right_arithmetic3A_2029 : vector<16xi32>
    %shift_left3A_2031 = arith.constant 10 : i32
    %shift_left3A_2032 = vector.broadcast %shift_left3A_2031 : i32 to vector<16xi32>
    %shift_left3A_2033 = arith.shli %shift_right_arithmetic3A_2030, %shift_left3A_2032 : vector<16xi32>
    %add3A_2034 = arith.addi %shift_left3A_2027, %shift_left3A_2033 : vector<16xi32>
    %and3A_2035 = arith.constant 7 : i32
    %and3A_2036 = vector.broadcast %and3A_2035 : i32 to vector<16xi32>
    %and3A_2037 = arith.andi %get3A_2016, %and3A_2036 : vector<16xi32>
    %shift_left3A_2038 = arith.constant 7 : i32
    %shift_left3A_2039 = vector.broadcast %shift_left3A_2038 : i32 to vector<16xi32>
    %shift_left3A_2040 = arith.shli %and3A_2037, %shift_left3A_2039 : vector<16xi32>
    %add3A_2041 = arith.addi %add3A_2034, %shift_left3A_2040 : vector<16xi32>
    %and3A_2042 = arith.constant 127 : i32
    %and3A_2043 = vector.broadcast %and3A_2042 : i32 to vector<16xi32>
    %and3A_2044 = arith.andi %add3A_2021, %and3A_2043 : vector<16xi32>
    %add3A_2045 = arith.addi %add3A_2041, %and3A_2044 : vector<16xi32>
    %swap3A_2046 = arith.constant 6 : i32
    %swap3A_2047 = arith.index_cast %swap3A_2046 : i32 to index
    %swap3A_2048 = arith.constant 80 : index
    %swap3A_2049 = tpu.vector_load %arg6[%swap3A_2047, %swap3A_2048] {strides = array<i32>} : memref<8x128xi32, #tpu.memory_space<vmem>>, vector<1x16xi32>,
    %swap3A_2050 = vector.shape_cast %swap3A_2049 : vector<1x16xi32> to vector<16xi32>
    %swap3A_2051 = vector.shape_cast %add3A_2045 : vector<16xi32> to vector<1x16xi32>
    tpu.vector_store %arg6[%swap3A_2047, %swap3A_2048], %swap3A_2051 {strides = array<i32>} : memref<8x128xi32, #tpu.memory_space<vmem>>, vector<1x16xi32>,
    %get3A_2052 = arith.constant 864 : index
    %get3A_2053 = tpu.vector_load %arg8[%get3A_2052] {strides = array<i32>} : memref<1024xi32, #tpu.memory_space<vmem>>, vector<16xi32>,
    %get3A_2054 = vector.shape_cast %get3A_2053 : vector<16xi32> to vector<16xi32>
    %add3A_2055 = arith.constant 864 : i32
    %add3A_2056 = arith.addi %mul3A_0, %add3A_2055 : i32
    %iota3A_2057 = tpu.iota {dimensions = array<i32: 0>} : vector<16xi32>
    %add3A_2058 = vector.broadcast %add3A_2056 : i32 to vector<16xi32>
    %add3A_2059 = arith.addi %add3A_2058, %iota3A_2057 : vector<16xi32>
    %shift_right_arithmetic3A_2060 = arith.constant 3 : i32
    %shift_right_arithmetic3A_2061 = vector.broadcast %shift_right_arithmetic3A_2060 : i32 to vector<16xi32>
    %shift_right_arithmetic3A_2062 = arith.shrsi %get3A_2054, %shift_right_arithmetic3A_2061 : vector<16xi32>
    %shift_left3A_2063 = arith.constant 17 : i32
    %shift_left3A_2064 = vector.broadcast %shift_left3A_2063 : i32 to vector<16xi32>
    %shift_left3A_2065 = arith.shli %shift_right_arithmetic3A_2062, %shift_left3A_2064 : vector<16xi32>
    %shift_right_arithmetic3A_2066 = arith.constant 7 : i32
    %shift_right_arithmetic3A_2067 = vector.broadcast %shift_right_arithmetic3A_2066 : i32 to vector<16xi32>
    %shift_right_arithmetic3A_2068 = arith.shrsi %add3A_2059, %shift_right_arithmetic3A_2067 : vector<16xi32>
    %shift_left3A_2069 = arith.constant 10 : i32
    %shift_left3A_2070 = vector.broadcast %shift_left3A_2069 : i32 to vector<16xi32>
    %shift_left3A_2071 = arith.shli %shift_right_arithmetic3A_2068, %shift_left3A_2070 : vector<16xi32>
    %add3A_2072 = arith.addi %shift_left3A_2065, %shift_left3A_2071 : vector<16xi32>
    %and3A_2073 = arith.constant 7 : i32
    %and3A_2074 = vector.broadcast %and3A_2073 : i32 to vector<16xi32>
    %and3A_2075 = arith.andi %get3A_2054, %and3A_2074 : vector<16xi32>
    %shift_left3A_2076 = arith.constant 7 : i32
    %shift_left3A_2077 = vector.broadcast %shift_left3A_2076 : i32 to vector<16xi32>
    %shift_left3A_2078 = arith.shli %and3A_2075, %shift_left3A_2077 : vector<16xi32>
    %add3A_2079 = arith.addi %add3A_2072, %shift_left3A_2078 : vector<16xi32>
    %and3A_2080 = arith.constant 127 : i32
    %and3A_2081 = vector.broadcast %and3A_2080 : i32 to vector<16xi32>
    %and3A_2082 = arith.andi %add3A_2059, %and3A_2081 : vector<16xi32>
    %add3A_2083 = arith.addi %add3A_2079, %and3A_2082 : vector<16xi32>
    %swap3A_2084 = arith.constant 6 : i32
    %swap3A_2085 = arith.index_cast %swap3A_2084 : i32 to index
    %swap3A_2086 = arith.constant 96 : index
    %swap3A_2087 = tpu.vector_load %arg6[%swap3A_2085, %swap3A_2086] {strides = array<i32>} : memref<8x128xi32, #tpu.memory_space<vmem>>, vector<1x16xi32>,
    %swap3A_2088 = vector.shape_cast %swap3A_2087 : vector<1x16xi32> to vector<16xi32>
    %swap3A_2089 = vector.shape_cast %add3A_2083 : vector<16xi32> to vector<1x16xi32>
    tpu.vector_store %arg6[%swap3A_2085, %swap3A_2086], %swap3A_2089 {strides = array<i32>} : memref<8x128xi32, #tpu.memory_space<vmem>>, vector<1x16xi32>,
    %get3A_2090 = arith.constant 880 : index
    %get3A_2091 = tpu.vector_load %arg8[%get3A_2090] {strides = array<i32>} : memref<1024xi32, #tpu.memory_space<vmem>>, vector<16xi32>,
    %get3A_2092 = vector.shape_cast %get3A_2091 : vector<16xi32> to vector<16xi32>
    %add3A_2093 = arith.constant 880 : i32
    %add3A_2094 = arith.addi %mul3A_0, %add3A_2093 : i32
    %iota3A_2095 = tpu.iota {dimensions = array<i32: 0>} : vector<16xi32>
    %add3A_2096 = vector.broadcast %add3A_2094 : i32 to vector<16xi32>
    %add3A_2097 = arith.addi %add3A_2096, %iota3A_2095 : vector<16xi32>
    %shift_right_arithmetic3A_2098 = arith.constant 3 : i32
    %shift_right_arithmetic3A_2099 = vector.broadcast %shift_right_arithmetic3A_2098 : i32 to vector<16xi32>
    %shift_right_arithmetic3A_2100 = arith.shrsi %get3A_2092, %shift_right_arithmetic3A_2099 : vector<16xi32>
    %shift_left3A_2101 = arith.constant 17 : i32
    %shift_left3A_2102 = vector.broadcast %shift_left3A_2101 : i32 to vector<16xi32>
    %shift_left3A_2103 = arith.shli %shift_right_arithmetic3A_2100, %shift_left3A_2102 : vector<16xi32>
    %shift_right_arithmetic3A_2104 = arith.constant 7 : i32
    %shift_right_arithmetic3A_2105 = vector.broadcast %shift_right_arithmetic3A_2104 : i32 to vector<16xi32>
    %shift_right_arithmetic3A_2106 = arith.shrsi %add3A_2097, %shift_right_arithmetic3A_2105 : vector<16xi32>
    %shift_left3A_2107 = arith.constant 10 : i32
    %shift_left3A_2108 = vector.broadcast %shift_left3A_2107 : i32 to vector<16xi32>
    %shift_left3A_2109 = arith.shli %shift_right_arithmetic3A_2106, %shift_left3A_2108 : vector<16xi32>
    %add3A_2110 = arith.addi %shift_left3A_2103, %shift_left3A_2109 : vector<16xi32>
    %and3A_2111 = arith.constant 7 : i32
    %and3A_2112 = vector.broadcast %and3A_2111 : i32 to vector<16xi32>
    %and3A_2113 = arith.andi %get3A_2092, %and3A_2112 : vector<16xi32>
    %shift_left3A_2114 = arith.constant 7 : i32
    %shift_left3A_2115 = vector.broadcast %shift_left3A_2114 : i32 to vector<16xi32>
    %shift_left3A_2116 = arith.shli %and3A_2113, %shift_left3A_2115 : vector<16xi32>
    %add3A_2117 = arith.addi %add3A_2110, %shift_left3A_2116 : vector<16xi32>
    %and3A_2118 = arith.constant 127 : i32
    %and3A_2119 = vector.broadcast %and3A_2118 : i32 to vector<16xi32>
    %and3A_2120 = arith.andi %add3A_2097, %and3A_2119 : vector<16xi32>
    %add3A_2121 = arith.addi %add3A_2117, %and3A_2120 : vector<16xi32>
    %swap3A_2122 = arith.constant 6 : i32
    %swap3A_2123 = arith.index_cast %swap3A_2122 : i32 to index
    %swap3A_2124 = arith.constant 112 : index
    %swap3A_2125 = tpu.vector_load %arg6[%swap3A_2123, %swap3A_2124] {strides = array<i32>} : memref<8x128xi32, #tpu.memory_space<vmem>>, vector<1x16xi32>,
    %swap3A_2126 = vector.shape_cast %swap3A_2125 : vector<1x16xi32> to vector<16xi32>
    %swap3A_2127 = vector.shape_cast %add3A_2121 : vector<16xi32> to vector<1x16xi32>
    tpu.vector_store %arg6[%swap3A_2123, %swap3A_2124], %swap3A_2127 {strides = array<i32>} : memref<8x128xi32, #tpu.memory_space<vmem>>, vector<1x16xi32>,
    %get3A_2128 = arith.constant 896 : index
    %get3A_2129 = tpu.vector_load %arg8[%get3A_2128] {strides = array<i32>} : memref<1024xi32, #tpu.memory_space<vmem>>, vector<16xi32>,
    %get3A_2130 = vector.shape_cast %get3A_2129 : vector<16xi32> to vector<16xi32>
    %add3A_2131 = arith.constant 896 : i32
    %add3A_2132 = arith.addi %mul3A_0, %add3A_2131 : i32
    %iota3A_2133 = tpu.iota {dimensions = array<i32: 0>} : vector<16xi32>
    %add3A_2134 = vector.broadcast %add3A_2132 : i32 to vector<16xi32>
    %add3A_2135 = arith.addi %add3A_2134, %iota3A_2133 : vector<16xi32>
    %shift_right_arithmetic3A_2136 = arith.constant 3 : i32
    %shift_right_arithmetic3A_2137 = vector.broadcast %shift_right_arithmetic3A_2136 : i32 to vector<16xi32>
    %shift_right_arithmetic3A_2138 = arith.shrsi %get3A_2130, %shift_right_arithmetic3A_2137 : vector<16xi32>
    %shift_left3A_2139 = arith.constant 17 : i32
    %shift_left3A_2140 = vector.broadcast %shift_left3A_2139 : i32 to vector<16xi32>
    %shift_left3A_2141 = arith.shli %shift_right_arithmetic3A_2138, %shift_left3A_2140 : vector<16xi32>
    %shift_right_arithmetic3A_2142 = arith.constant 7 : i32
    %shift_right_arithmetic3A_2143 = vector.broadcast %shift_right_arithmetic3A_2142 : i32 to vector<16xi32>
    %shift_right_arithmetic3A_2144 = arith.shrsi %add3A_2135, %shift_right_arithmetic3A_2143 : vector<16xi32>
    %shift_left3A_2145 = arith.constant 10 : i32
    %shift_left3A_2146 = vector.broadcast %shift_left3A_2145 : i32 to vector<16xi32>
    %shift_left3A_2147 = arith.shli %shift_right_arithmetic3A_2144, %shift_left3A_2146 : vector<16xi32>
    %add3A_2148 = arith.addi %shift_left3A_2141, %shift_left3A_2147 : vector<16xi32>
    %and3A_2149 = arith.constant 7 : i32
    %and3A_2150 = vector.broadcast %and3A_2149 : i32 to vector<16xi32>
    %and3A_2151 = arith.andi %get3A_2130, %and3A_2150 : vector<16xi32>
    %shift_left3A_2152 = arith.constant 7 : i32
    %shift_left3A_2153 = vector.broadcast %shift_left3A_2152 : i32 to vector<16xi32>
    %shift_left3A_2154 = arith.shli %and3A_2151, %shift_left3A_2153 : vector<16xi32>
    %add3A_2155 = arith.addi %add3A_2148, %shift_left3A_2154 : vector<16xi32>
    %and3A_2156 = arith.constant 127 : i32
    %and3A_2157 = vector.broadcast %and3A_2156 : i32 to vector<16xi32>
    %and3A_2158 = arith.andi %add3A_2135, %and3A_2157 : vector<16xi32>
    %add3A_2159 = arith.addi %add3A_2155, %and3A_2158 : vector<16xi32>
    %swap3A_2160 = arith.constant 7 : i32
    %swap3A_2161 = arith.index_cast %swap3A_2160 : i32 to index
    %swap3A_2162 = arith.constant 0 : index
    %swap3A_2163 = tpu.vector_load %arg6[%swap3A_2161, %swap3A_2162] {strides = array<i32>} : memref<8x128xi32, #tpu.memory_space<vmem>>, vector<1x16xi32>,
    %swap3A_2164 = vector.shape_cast %swap3A_2163 : vector<1x16xi32> to vector<16xi32>
    %swap3A_2165 = vector.shape_cast %add3A_2159 : vector<16xi32> to vector<1x16xi32>
    tpu.vector_store %arg6[%swap3A_2161, %swap3A_2162], %swap3A_2165 {strides = array<i32>} : memref<8x128xi32, #tpu.memory_space<vmem>>, vector<1x16xi32>,
    %get3A_2166 = arith.constant 912 : index
    %get3A_2167 = tpu.vector_load %arg8[%get3A_2166] {strides = array<i32>} : memref<1024xi32, #tpu.memory_space<vmem>>, vector<16xi32>,
    %get3A_2168 = vector.shape_cast %get3A_2167 : vector<16xi32> to vector<16xi32>
    %add3A_2169 = arith.constant 912 : i32
    %add3A_2170 = arith.addi %mul3A_0, %add3A_2169 : i32
    %iota3A_2171 = tpu.iota {dimensions = array<i32: 0>} : vector<16xi32>
    %add3A_2172 = vector.broadcast %add3A_2170 : i32 to vector<16xi32>
    %add3A_2173 = arith.addi %add3A_2172, %iota3A_2171 : vector<16xi32>
    %shift_right_arithmetic3A_2174 = arith.constant 3 : i32
    %shift_right_arithmetic3A_2175 = vector.broadcast %shift_right_arithmetic3A_2174 : i32 to vector<16xi32>
    %shift_right_arithmetic3A_2176 = arith.shrsi %get3A_2168, %shift_right_arithmetic3A_2175 : vector<16xi32>
    %shift_left3A_2177 = arith.constant 17 : i32
    %shift_left3A_2178 = vector.broadcast %shift_left3A_2177 : i32 to vector<16xi32>
    %shift_left3A_2179 = arith.shli %shift_right_arithmetic3A_2176, %shift_left3A_2178 : vector<16xi32>
    %shift_right_arithmetic3A_2180 = arith.constant 7 : i32
    %shift_right_arithmetic3A_2181 = vector.broadcast %shift_right_arithmetic3A_2180 : i32 to vector<16xi32>
    %shift_right_arithmetic3A_2182 = arith.shrsi %add3A_2173, %shift_right_arithmetic3A_2181 : vector<16xi32>
    %shift_left3A_2183 = arith.constant 10 : i32
    %shift_left3A_2184 = vector.broadcast %shift_left3A_2183 : i32 to vector<16xi32>
    %shift_left3A_2185 = arith.shli %shift_right_arithmetic3A_2182, %shift_left3A_2184 : vector<16xi32>
    %add3A_2186 = arith.addi %shift_left3A_2179, %shift_left3A_2185 : vector<16xi32>
    %and3A_2187 = arith.constant 7 : i32
    %and3A_2188 = vector.broadcast %and3A_2187 : i32 to vector<16xi32>
    %and3A_2189 = arith.andi %get3A_2168, %and3A_2188 : vector<16xi32>
    %shift_left3A_2190 = arith.constant 7 : i32
    %shift_left3A_2191 = vector.broadcast %shift_left3A_2190 : i32 to vector<16xi32>
    %shift_left3A_2192 = arith.shli %and3A_2189, %shift_left3A_2191 : vector<16xi32>
    %add3A_2193 = arith.addi %add3A_2186, %shift_left3A_2192 : vector<16xi32>
    %and3A_2194 = arith.constant 127 : i32
    %and3A_2195 = vector.broadcast %and3A_2194 : i32 to vector<16xi32>
    %and3A_2196 = arith.andi %add3A_2173, %and3A_2195 : vector<16xi32>
    %add3A_2197 = arith.addi %add3A_2193, %and3A_2196 : vector<16xi32>
    %swap3A_2198 = arith.constant 7 : i32
    %swap3A_2199 = arith.index_cast %swap3A_2198 : i32 to index
    %swap3A_2200 = arith.constant 16 : index
    %swap3A_2201 = tpu.vector_load %arg6[%swap3A_2199, %swap3A_2200] {strides = array<i32>} : memref<8x128xi32, #tpu.memory_space<vmem>>, vector<1x16xi32>,
    %swap3A_2202 = vector.shape_cast %swap3A_2201 : vector<1x16xi32> to vector<16xi32>
    %swap3A_2203 = vector.shape_cast %add3A_2197 : vector<16xi32> to vector<1x16xi32>
    tpu.vector_store %arg6[%swap3A_2199, %swap3A_2200], %swap3A_2203 {strides = array<i32>} : memref<8x128xi32, #tpu.memory_space<vmem>>, vector<1x16xi32>,
    %get3A_2204 = arith.constant 928 : index
    %get3A_2205 = tpu.vector_load %arg8[%get3A_2204] {strides = array<i32>} : memref<1024xi32, #tpu.memory_space<vmem>>, vector<16xi32>,
    %get3A_2206 = vector.shape_cast %get3A_2205 : vector<16xi32> to vector<16xi32>
    %add3A_2207 = arith.constant 928 : i32
    %add3A_2208 = arith.addi %mul3A_0, %add3A_2207 : i32
    %iota3A_2209 = tpu.iota {dimensions = array<i32: 0>} : vector<16xi32>
    %add3A_2210 = vector.broadcast %add3A_2208 : i32 to vector<16xi32>
    %add3A_2211 = arith.addi %add3A_2210, %iota3A_2209 : vector<16xi32>
    %shift_right_arithmetic3A_2212 = arith.constant 3 : i32
    %shift_right_arithmetic3A_2213 = vector.broadcast %shift_right_arithmetic3A_2212 : i32 to vector<16xi32>
    %shift_right_arithmetic3A_2214 = arith.shrsi %get3A_2206, %shift_right_arithmetic3A_2213 : vector<16xi32>
    %shift_left3A_2215 = arith.constant 17 : i32
    %shift_left3A_2216 = vector.broadcast %shift_left3A_2215 : i32 to vector<16xi32>
    %shift_left3A_2217 = arith.shli %shift_right_arithmetic3A_2214, %shift_left3A_2216 : vector<16xi32>
    %shift_right_arithmetic3A_2218 = arith.constant 7 : i32
    %shift_right_arithmetic3A_2219 = vector.broadcast %shift_right_arithmetic3A_2218 : i32 to vector<16xi32>
    %shift_right_arithmetic3A_2220 = arith.shrsi %add3A_2211, %shift_right_arithmetic3A_2219 : vector<16xi32>
    %shift_left3A_2221 = arith.constant 10 : i32
    %shift_left3A_2222 = vector.broadcast %shift_left3A_2221 : i32 to vector<16xi32>
    %shift_left3A_2223 = arith.shli %shift_right_arithmetic3A_2220, %shift_left3A_2222 : vector<16xi32>
    %add3A_2224 = arith.addi %shift_left3A_2217, %shift_left3A_2223 : vector<16xi32>
    %and3A_2225 = arith.constant 7 : i32
    %and3A_2226 = vector.broadcast %and3A_2225 : i32 to vector<16xi32>
    %and3A_2227 = arith.andi %get3A_2206, %and3A_2226 : vector<16xi32>
    %shift_left3A_2228 = arith.constant 7 : i32
    %shift_left3A_2229 = vector.broadcast %shift_left3A_2228 : i32 to vector<16xi32>
    %shift_left3A_2230 = arith.shli %and3A_2227, %shift_left3A_2229 : vector<16xi32>
    %add3A_2231 = arith.addi %add3A_2224, %shift_left3A_2230 : vector<16xi32>
    %and3A_2232 = arith.constant 127 : i32
    %and3A_2233 = vector.broadcast %and3A_2232 : i32 to vector<16xi32>
    %and3A_2234 = arith.andi %add3A_2211, %and3A_2233 : vector<16xi32>
    %add3A_2235 = arith.addi %add3A_2231, %and3A_2234 : vector<16xi32>
    %swap3A_2236 = arith.constant 7 : i32
    %swap3A_2237 = arith.index_cast %swap3A_2236 : i32 to index
    %swap3A_2238 = arith.constant 32 : index
    %swap3A_2239 = tpu.vector_load %arg6[%swap3A_2237, %swap3A_2238] {strides = array<i32>} : memref<8x128xi32, #tpu.memory_space<vmem>>, vector<1x16xi32>,
    %swap3A_2240 = vector.shape_cast %swap3A_2239 : vector<1x16xi32> to vector<16xi32>
    %swap3A_2241 = vector.shape_cast %add3A_2235 : vector<16xi32> to vector<1x16xi32>
    tpu.vector_store %arg6[%swap3A_2237, %swap3A_2238], %swap3A_2241 {strides = array<i32>} : memref<8x128xi32, #tpu.memory_space<vmem>>, vector<1x16xi32>,
    %get3A_2242 = arith.constant 944 : index
    %get3A_2243 = tpu.vector_load %arg8[%get3A_2242] {strides = array<i32>} : memref<1024xi32, #tpu.memory_space<vmem>>, vector<16xi32>,
    %get3A_2244 = vector.shape_cast %get3A_2243 : vector<16xi32> to vector<16xi32>
    %add3A_2245 = arith.constant 944 : i32
    %add3A_2246 = arith.addi %mul3A_0, %add3A_2245 : i32
    %iota3A_2247 = tpu.iota {dimensions = array<i32: 0>} : vector<16xi32>
    %add3A_2248 = vector.broadcast %add3A_2246 : i32 to vector<16xi32>
    %add3A_2249 = arith.addi %add3A_2248, %iota3A_2247 : vector<16xi32>
    %shift_right_arithmetic3A_2250 = arith.constant 3 : i32
    %shift_right_arithmetic3A_2251 = vector.broadcast %shift_right_arithmetic3A_2250 : i32 to vector<16xi32>
    %shift_right_arithmetic3A_2252 = arith.shrsi %get3A_2244, %shift_right_arithmetic3A_2251 : vector<16xi32>
    %shift_left3A_2253 = arith.constant 17 : i32
    %shift_left3A_2254 = vector.broadcast %shift_left3A_2253 : i32 to vector<16xi32>
    %shift_left3A_2255 = arith.shli %shift_right_arithmetic3A_2252, %shift_left3A_2254 : vector<16xi32>
    %shift_right_arithmetic3A_2256 = arith.constant 7 : i32
    %shift_right_arithmetic3A_2257 = vector.broadcast %shift_right_arithmetic3A_2256 : i32 to vector<16xi32>
    %shift_right_arithmetic3A_2258 = arith.shrsi %add3A_2249, %shift_right_arithmetic3A_2257 : vector<16xi32>
    %shift_left3A_2259 = arith.constant 10 : i32
    %shift_left3A_2260 = vector.broadcast %shift_left3A_2259 : i32 to vector<16xi32>
    %shift_left3A_2261 = arith.shli %shift_right_arithmetic3A_2258, %shift_left3A_2260 : vector<16xi32>
    %add3A_2262 = arith.addi %shift_left3A_2255, %shift_left3A_2261 : vector<16xi32>
    %and3A_2263 = arith.constant 7 : i32
    %and3A_2264 = vector.broadcast %and3A_2263 : i32 to vector<16xi32>
    %and3A_2265 = arith.andi %get3A_2244, %and3A_2264 : vector<16xi32>
    %shift_left3A_2266 = arith.constant 7 : i32
    %shift_left3A_2267 = vector.broadcast %shift_left3A_2266 : i32 to vector<16xi32>
    %shift_left3A_2268 = arith.shli %and3A_2265, %shift_left3A_2267 : vector<16xi32>
    %add3A_2269 = arith.addi %add3A_2262, %shift_left3A_2268 : vector<16xi32>
    %and3A_2270 = arith.constant 127 : i32
    %and3A_2271 = vector.broadcast %and3A_2270 : i32 to vector<16xi32>
    %and3A_2272 = arith.andi %add3A_2249, %and3A_2271 : vector<16xi32>
    %add3A_2273 = arith.addi %add3A_2269, %and3A_2272 : vector<16xi32>
    %swap3A_2274 = arith.constant 7 : i32
    %swap3A_2275 = arith.index_cast %swap3A_2274 : i32 to index
    %swap3A_2276 = arith.constant 48 : index
    %swap3A_2277 = tpu.vector_load %arg6[%swap3A_2275, %swap3A_2276] {strides = array<i32>} : memref<8x128xi32, #tpu.memory_space<vmem>>, vector<1x16xi32>,
    %swap3A_2278 = vector.shape_cast %swap3A_2277 : vector<1x16xi32> to vector<16xi32>
    %swap3A_2279 = vector.shape_cast %add3A_2273 : vector<16xi32> to vector<1x16xi32>
    tpu.vector_store %arg6[%swap3A_2275, %swap3A_2276], %swap3A_2279 {strides = array<i32>} : memref<8x128xi32, #tpu.memory_space<vmem>>, vector<1x16xi32>,
    %get3A_2280 = arith.constant 960 : index
    %get3A_2281 = tpu.vector_load %arg8[%get3A_2280] {strides = array<i32>} : memref<1024xi32, #tpu.memory_space<vmem>>, vector<16xi32>,
    %get3A_2282 = vector.shape_cast %get3A_2281 : vector<16xi32> to vector<16xi32>
    %add3A_2283 = arith.constant 960 : i32
    %add3A_2284 = arith.addi %mul3A_0, %add3A_2283 : i32
    %iota3A_2285 = tpu.iota {dimensions = array<i32: 0>} : vector<16xi32>
    %add3A_2286 = vector.broadcast %add3A_2284 : i32 to vector<16xi32>
    %add3A_2287 = arith.addi %add3A_2286, %iota3A_2285 : vector<16xi32>
    %shift_right_arithmetic3A_2288 = arith.constant 3 : i32
    %shift_right_arithmetic3A_2289 = vector.broadcast %shift_right_arithmetic3A_2288 : i32 to vector<16xi32>
    %shift_right_arithmetic3A_2290 = arith.shrsi %get3A_2282, %shift_right_arithmetic3A_2289 : vector<16xi32>
    %shift_left3A_2291 = arith.constant 17 : i32
    %shift_left3A_2292 = vector.broadcast %shift_left3A_2291 : i32 to vector<16xi32>
    %shift_left3A_2293 = arith.shli %shift_right_arithmetic3A_2290, %shift_left3A_2292 : vector<16xi32>
    %shift_right_arithmetic3A_2294 = arith.constant 7 : i32
    %shift_right_arithmetic3A_2295 = vector.broadcast %shift_right_arithmetic3A_2294 : i32 to vector<16xi32>
    %shift_right_arithmetic3A_2296 = arith.shrsi %add3A_2287, %shift_right_arithmetic3A_2295 : vector<16xi32>
    %shift_left3A_2297 = arith.constant 10 : i32
    %shift_left3A_2298 = vector.broadcast %shift_left3A_2297 : i32 to vector<16xi32>
    %shift_left3A_2299 = arith.shli %shift_right_arithmetic3A_2296, %shift_left3A_2298 : vector<16xi32>
    %add3A_2300 = arith.addi %shift_left3A_2293, %shift_left3A_2299 : vector<16xi32>
    %and3A_2301 = arith.constant 7 : i32
    %and3A_2302 = vector.broadcast %and3A_2301 : i32 to vector<16xi32>
    %and3A_2303 = arith.andi %get3A_2282, %and3A_2302 : vector<16xi32>
    %shift_left3A_2304 = arith.constant 7 : i32
    %shift_left3A_2305 = vector.broadcast %shift_left3A_2304 : i32 to vector<16xi32>
    %shift_left3A_2306 = arith.shli %and3A_2303, %shift_left3A_2305 : vector<16xi32>
    %add3A_2307 = arith.addi %add3A_2300, %shift_left3A_2306 : vector<16xi32>
    %and3A_2308 = arith.constant 127 : i32
    %and3A_2309 = vector.broadcast %and3A_2308 : i32 to vector<16xi32>
    %and3A_2310 = arith.andi %add3A_2287, %and3A_2309 : vector<16xi32>
    %add3A_2311 = arith.addi %add3A_2307, %and3A_2310 : vector<16xi32>
    %swap3A_2312 = arith.constant 7 : i32
    %swap3A_2313 = arith.index_cast %swap3A_2312 : i32 to index
    %swap3A_2314 = arith.constant 64 : index
    %swap3A_2315 = tpu.vector_load %arg6[%swap3A_2313, %swap3A_2314] {strides = array<i32>} : memref<8x128xi32, #tpu.memory_space<vmem>>, vector<1x16xi32>,
    %swap3A_2316 = vector.shape_cast %swap3A_2315 : vector<1x16xi32> to vector<16xi32>
    %swap3A_2317 = vector.shape_cast %add3A_2311 : vector<16xi32> to vector<1x16xi32>
    tpu.vector_store %arg6[%swap3A_2313, %swap3A_2314], %swap3A_2317 {strides = array<i32>} : memref<8x128xi32, #tpu.memory_space<vmem>>, vector<1x16xi32>,
    %get3A_2318 = arith.constant 976 : index
    %get3A_2319 = tpu.vector_load %arg8[%get3A_2318] {strides = array<i32>} : memref<1024xi32, #tpu.memory_space<vmem>>, vector<16xi32>,
    %get3A_2320 = vector.shape_cast %get3A_2319 : vector<16xi32> to vector<16xi32>
    %add3A_2321 = arith.constant 976 : i32
    %add3A_2322 = arith.addi %mul3A_0, %add3A_2321 : i32
    %iota3A_2323 = tpu.iota {dimensions = array<i32: 0>} : vector<16xi32>
    %add3A_2324 = vector.broadcast %add3A_2322 : i32 to vector<16xi32>
    %add3A_2325 = arith.addi %add3A_2324, %iota3A_2323 : vector<16xi32>
    %shift_right_arithmetic3A_2326 = arith.constant 3 : i32
    %shift_right_arithmetic3A_2327 = vector.broadcast %shift_right_arithmetic3A_2326 : i32 to vector<16xi32>
    %shift_right_arithmetic3A_2328 = arith.shrsi %get3A_2320, %shift_right_arithmetic3A_2327 : vector<16xi32>
    %shift_left3A_2329 = arith.constant 17 : i32
    %shift_left3A_2330 = vector.broadcast %shift_left3A_2329 : i32 to vector<16xi32>
    %shift_left3A_2331 = arith.shli %shift_right_arithmetic3A_2328, %shift_left3A_2330 : vector<16xi32>
    %shift_right_arithmetic3A_2332 = arith.constant 7 : i32
    %shift_right_arithmetic3A_2333 = vector.broadcast %shift_right_arithmetic3A_2332 : i32 to vector<16xi32>
    %shift_right_arithmetic3A_2334 = arith.shrsi %add3A_2325, %shift_right_arithmetic3A_2333 : vector<16xi32>
    %shift_left3A_2335 = arith.constant 10 : i32
    %shift_left3A_2336 = vector.broadcast %shift_left3A_2335 : i32 to vector<16xi32>
    %shift_left3A_2337 = arith.shli %shift_right_arithmetic3A_2334, %shift_left3A_2336 : vector<16xi32>
    %add3A_2338 = arith.addi %shift_left3A_2331, %shift_left3A_2337 : vector<16xi32>
    %and3A_2339 = arith.constant 7 : i32
    %and3A_2340 = vector.broadcast %and3A_2339 : i32 to vector<16xi32>
    %and3A_2341 = arith.andi %get3A_2320, %and3A_2340 : vector<16xi32>
    %shift_left3A_2342 = arith.constant 7 : i32
    %shift_left3A_2343 = vector.broadcast %shift_left3A_2342 : i32 to vector<16xi32>
    %shift_left3A_2344 = arith.shli %and3A_2341, %shift_left3A_2343 : vector<16xi32>
    %add3A_2345 = arith.addi %add3A_2338, %shift_left3A_2344 : vector<16xi32>
    %and3A_2346 = arith.constant 127 : i32
    %and3A_2347 = vector.broadcast %and3A_2346 : i32 to vector<16xi32>
    %and3A_2348 = arith.andi %add3A_2325, %and3A_2347 : vector<16xi32>
    %add3A_2349 = arith.addi %add3A_2345, %and3A_2348 : vector<16xi32>
    %swap3A_2350 = arith.constant 7 : i32
    %swap3A_2351 = arith.index_cast %swap3A_2350 : i32 to index
    %swap3A_2352 = arith.constant 80 : index
    %swap3A_2353 = tpu.vector_load %arg6[%swap3A_2351, %swap3A_2352] {strides = array<i32>} : memref<8x128xi32, #tpu.memory_space<vmem>>, vector<1x16xi32>,
    %swap3A_2354 = vector.shape_cast %swap3A_2353 : vector<1x16xi32> to vector<16xi32>
    %swap3A_2355 = vector.shape_cast %add3A_2349 : vector<16xi32> to vector<1x16xi32>
    tpu.vector_store %arg6[%swap3A_2351, %swap3A_2352], %swap3A_2355 {strides = array<i32>} : memref<8x128xi32, #tpu.memory_space<vmem>>, vector<1x16xi32>,
    %get3A_2356 = arith.constant 992 : index
    %get3A_2357 = tpu.vector_load %arg8[%get3A_2356] {strides = array<i32>} : memref<1024xi32, #tpu.memory_space<vmem>>, vector<16xi32>,
    %get3A_2358 = vector.shape_cast %get3A_2357 : vector<16xi32> to vector<16xi32>
    %add3A_2359 = arith.constant 992 : i32
    %add3A_2360 = arith.addi %mul3A_0, %add3A_2359 : i32
    %iota3A_2361 = tpu.iota {dimensions = array<i32: 0>} : vector<16xi32>
    %add3A_2362 = vector.broadcast %add3A_2360 : i32 to vector<16xi32>
    %add3A_2363 = arith.addi %add3A_2362, %iota3A_2361 : vector<16xi32>
    %shift_right_arithmetic3A_2364 = arith.constant 3 : i32
    %shift_right_arithmetic3A_2365 = vector.broadcast %shift_right_arithmetic3A_2364 : i32 to vector<16xi32>
    %shift_right_arithmetic3A_2366 = arith.shrsi %get3A_2358, %shift_right_arithmetic3A_2365 : vector<16xi32>
    %shift_left3A_2367 = arith.constant 17 : i32
    %shift_left3A_2368 = vector.broadcast %shift_left3A_2367 : i32 to vector<16xi32>
    %shift_left3A_2369 = arith.shli %shift_right_arithmetic3A_2366, %shift_left3A_2368 : vector<16xi32>
    %shift_right_arithmetic3A_2370 = arith.constant 7 : i32
    %shift_right_arithmetic3A_2371 = vector.broadcast %shift_right_arithmetic3A_2370 : i32 to vector<16xi32>
    %shift_right_arithmetic3A_2372 = arith.shrsi %add3A_2363, %shift_right_arithmetic3A_2371 : vector<16xi32>
    %shift_left3A_2373 = arith.constant 10 : i32
    %shift_left3A_2374 = vector.broadcast %shift_left3A_2373 : i32 to vector<16xi32>
    %shift_left3A_2375 = arith.shli %shift_right_arithmetic3A_2372, %shift_left3A_2374 : vector<16xi32>
    %add3A_2376 = arith.addi %shift_left3A_2369, %shift_left3A_2375 : vector<16xi32>
    %and3A_2377 = arith.constant 7 : i32
    %and3A_2378 = vector.broadcast %and3A_2377 : i32 to vector<16xi32>
    %and3A_2379 = arith.andi %get3A_2358, %and3A_2378 : vector<16xi32>
    %shift_left3A_2380 = arith.constant 7 : i32
    %shift_left3A_2381 = vector.broadcast %shift_left3A_2380 : i32 to vector<16xi32>
    %shift_left3A_2382 = arith.shli %and3A_2379, %shift_left3A_2381 : vector<16xi32>
    %add3A_2383 = arith.addi %add3A_2376, %shift_left3A_2382 : vector<16xi32>
    %and3A_2384 = arith.constant 127 : i32
    %and3A_2385 = vector.broadcast %and3A_2384 : i32 to vector<16xi32>
    %and3A_2386 = arith.andi %add3A_2363, %and3A_2385 : vector<16xi32>
    %add3A_2387 = arith.addi %add3A_2383, %and3A_2386 : vector<16xi32>
    %swap3A_2388 = arith.constant 7 : i32
    %swap3A_2389 = arith.index_cast %swap3A_2388 : i32 to index
    %swap3A_2390 = arith.constant 96 : index
    %swap3A_2391 = tpu.vector_load %arg6[%swap3A_2389, %swap3A_2390] {strides = array<i32>} : memref<8x128xi32, #tpu.memory_space<vmem>>, vector<1x16xi32>,
    %swap3A_2392 = vector.shape_cast %swap3A_2391 : vector<1x16xi32> to vector<16xi32>
    %swap3A_2393 = vector.shape_cast %add3A_2387 : vector<16xi32> to vector<1x16xi32>
    tpu.vector_store %arg6[%swap3A_2389, %swap3A_2390], %swap3A_2393 {strides = array<i32>} : memref<8x128xi32, #tpu.memory_space<vmem>>, vector<1x16xi32>,
    %get3A_2394 = arith.constant 1008 : index
    %get3A_2395 = tpu.vector_load %arg8[%get3A_2394] {strides = array<i32>} : memref<1024xi32, #tpu.memory_space<vmem>>, vector<16xi32>,
    %get3A_2396 = vector.shape_cast %get3A_2395 : vector<16xi32> to vector<16xi32>
    %add3A_2397 = arith.constant 1008 : i32
    %add3A_2398 = arith.addi %mul3A_0, %add3A_2397 : i32
    %iota3A_2399 = tpu.iota {dimensions = array<i32: 0>} : vector<16xi32>
    %add3A_2400 = vector.broadcast %add3A_2398 : i32 to vector<16xi32>
    %add3A_2401 = arith.addi %add3A_2400, %iota3A_2399 : vector<16xi32>
    %shift_right_arithmetic3A_2402 = arith.constant 3 : i32
    %shift_right_arithmetic3A_2403 = vector.broadcast %shift_right_arithmetic3A_2402 : i32 to vector<16xi32>
    %shift_right_arithmetic3A_2404 = arith.shrsi %get3A_2396, %shift_right_arithmetic3A_2403 : vector<16xi32>
    %shift_left3A_2405 = arith.constant 17 : i32
    %shift_left3A_2406 = vector.broadcast %shift_left3A_2405 : i32 to vector<16xi32>
    %shift_left3A_2407 = arith.shli %shift_right_arithmetic3A_2404, %shift_left3A_2406 : vector<16xi32>
    %shift_right_arithmetic3A_2408 = arith.constant 7 : i32
    %shift_right_arithmetic3A_2409 = vector.broadcast %shift_right_arithmetic3A_2408 : i32 to vector<16xi32>
    %shift_right_arithmetic3A_2410 = arith.shrsi %add3A_2401, %shift_right_arithmetic3A_2409 : vector<16xi32>
    %shift_left3A_2411 = arith.constant 10 : i32
    %shift_left3A_2412 = vector.broadcast %shift_left3A_2411 : i32 to vector<16xi32>
    %shift_left3A_2413 = arith.shli %shift_right_arithmetic3A_2410, %shift_left3A_2412 : vector<16xi32>
    %add3A_2414 = arith.addi %shift_left3A_2407, %shift_left3A_2413 : vector<16xi32>
    %and3A_2415 = arith.constant 7 : i32
    %and3A_2416 = vector.broadcast %and3A_2415 : i32 to vector<16xi32>
    %and3A_2417 = arith.andi %get3A_2396, %and3A_2416 : vector<16xi32>
    %shift_left3A_2418 = arith.constant 7 : i32
    %shift_left3A_2419 = vector.broadcast %shift_left3A_2418 : i32 to vector<16xi32>
    %shift_left3A_2420 = arith.shli %and3A_2417, %shift_left3A_2419 : vector<16xi32>
    %add3A_2421 = arith.addi %add3A_2414, %shift_left3A_2420 : vector<16xi32>
    %and3A_2422 = arith.constant 127 : i32
    %and3A_2423 = vector.broadcast %and3A_2422 : i32 to vector<16xi32>
    %and3A_2424 = arith.andi %add3A_2401, %and3A_2423 : vector<16xi32>
    %add3A_2425 = arith.addi %add3A_2421, %and3A_2424 : vector<16xi32>
    %swap3A_2426 = arith.constant 7 : i32
    %swap3A_2427 = arith.index_cast %swap3A_2426 : i32 to index
    %swap3A_2428 = arith.constant 112 : index
    %swap3A_2429 = tpu.vector_load %arg6[%swap3A_2427, %swap3A_2428] {strides = array<i32>} : memref<8x128xi32, #tpu.memory_space<vmem>>, vector<1x16xi32>,
    %swap3A_2430 = vector.shape_cast %swap3A_2429 : vector<1x16xi32> to vector<16xi32>
    %swap3A_2431 = vector.shape_cast %add3A_2425 : vector<16xi32> to vector<1x16xi32>
    tpu.vector_store %arg6[%swap3A_2427, %swap3A_2428], %swap3A_2431 {strides = array<i32>} : memref<8x128xi32, #tpu.memory_space<vmem>>, vector<1x16xi32>,
    %dma_start3A_2432 = arith.constant 0 : i32
    %dma_start3A_2433 = arith.constant 0 : i32
    %dma_start3A_2434 = arith.constant 0 : i32
    %dma_start3A_2435 = tpu.memref_slice %arg7[%dma_start3A_2433, %dma_start3A_2434] : memref<8x128xf32, #tpu.memory_space<vmem>> -> memref<1x128xf32, #tpu.memory_space<vmem>>
    %dma_start3A_2436 = tpu.memref_squeeze %dma_start3A_2435 : memref<1x128xf32, #tpu.memory_space<vmem>> -> memref<128xf32, #tpu.memory_space<vmem>>
    %dma_start3A_2437 = arith.constant 0 : i32
    %dma_start3A_2438 = tpu.memref_slice %arg6[%dma_start3A_2432, %dma_start3A_2437] : memref<8x128xi32, #tpu.memory_space<vmem>> -> memref<1x128xi32, #tpu.memory_space<vmem>>
    %dma_start3A_2439 = tpu.memref_squeeze %dma_start3A_2438 : memref<1x128xi32, #tpu.memory_space<vmem>> -> memref<128xi32, #tpu.memory_space<vmem>>
    %dma_start3A_2440 = arith.constant 0 : i32
    %dma_start3A_2441 = tpu.memref_slice %arg2[%dma_start3A_2440] : memref<16384000xf32, #tpu.memory_space<hbm>> -> memref<16384000xf32, #tpu.memory_space<hbm>>
    tpu.enqueue_indirect_dma source(%dma_start3A_2441 : memref<16384000xf32, #tpu.memory_space<hbm>>) target(%dma_start3A_2436 : memref<128xf32, #tpu.memory_space<vmem>>) offsets(%dma_start3A_2439 : memref<128xi32, #tpu.memory_space<vmem>>) semaphore(%arg11 : memref<!tpu.dma_semaphore, #tpu.memory_space<semaphore_mem>>)
    %dma_start3A_2442 = arith.constant 1 : i32
    %dma_start3A_2443 = arith.constant 1 : i32
    %dma_start3A_2444 = arith.constant 0 : i32
    %dma_start3A_2445 = tpu.memref_slice %arg7[%dma_start3A_2443, %dma_start3A_2444] : memref<8x128xf32, #tpu.memory_space<vmem>> -> memref<1x128xf32, #tpu.memory_space<vmem>>
    %dma_start3A_2446 = tpu.memref_squeeze %dma_start3A_2445 : memref<1x128xf32, #tpu.memory_space<vmem>> -> memref<128xf32, #tpu.memory_space<vmem>>
    %dma_start3A_2447 = arith.constant 0 : i32
    %dma_start3A_2448 = tpu.memref_slice %arg6[%dma_start3A_2442, %dma_start3A_2447] : memref<8x128xi32, #tpu.memory_space<vmem>> -> memref<1x128xi32, #tpu.memory_space<vmem>>
    %dma_start3A_2449 = tpu.memref_squeeze %dma_start3A_2448 : memref<1x128xi32, #tpu.memory_space<vmem>> -> memref<128xi32, #tpu.memory_space<vmem>>
    %dma_start3A_2450 = arith.constant 0 : i32
    %dma_start3A_2451 = tpu.memref_slice %arg2[%dma_start3A_2450] : memref<16384000xf32, #tpu.memory_space<hbm>> -> memref<16384000xf32, #tpu.memory_space<hbm>>
    tpu.enqueue_indirect_dma source(%dma_start3A_2451 : memref<16384000xf32, #tpu.memory_space<hbm>>) target(%dma_start3A_2446 : memref<128xf32, #tpu.memory_space<vmem>>) offsets(%dma_start3A_2449 : memref<128xi32, #tpu.memory_space<vmem>>) semaphore(%arg11 : memref<!tpu.dma_semaphore, #tpu.memory_space<semaphore_mem>>)
    %dma_start3A_2452 = arith.constant 2 : i32
    %dma_start3A_2453 = arith.constant 2 : i32
    %dma_start3A_2454 = arith.constant 0 : i32
    %dma_start3A_2455 = tpu.memref_slice %arg7[%dma_start3A_2453, %dma_start3A_2454] : memref<8x128xf32, #tpu.memory_space<vmem>> -> memref<1x128xf32, #tpu.memory_space<vmem>>
    %dma_start3A_2456 = tpu.memref_squeeze %dma_start3A_2455 : memref<1x128xf32, #tpu.memory_space<vmem>> -> memref<128xf32, #tpu.memory_space<vmem>>
    %dma_start3A_2457 = arith.constant 0 : i32
    %dma_start3A_2458 = tpu.memref_slice %arg6[%dma_start3A_2452, %dma_start3A_2457] : memref<8x128xi32, #tpu.memory_space<vmem>> -> memref<1x128xi32, #tpu.memory_space<vmem>>
    %dma_start3A_2459 = tpu.memref_squeeze %dma_start3A_2458 : memref<1x128xi32, #tpu.memory_space<vmem>> -> memref<128xi32, #tpu.memory_space<vmem>>
    %dma_start3A_2460 = arith.constant 0 : i32
    %dma_start3A_2461 = tpu.memref_slice %arg2[%dma_start3A_2460] : memref<16384000xf32, #tpu.memory_space<hbm>> -> memref<16384000xf32, #tpu.memory_space<hbm>>
    tpu.enqueue_indirect_dma source(%dma_start3A_2461 : memref<16384000xf32, #tpu.memory_space<hbm>>) target(%dma_start3A_2456 : memref<128xf32, #tpu.memory_space<vmem>>) offsets(%dma_start3A_2459 : memref<128xi32, #tpu.memory_space<vmem>>) semaphore(%arg11 : memref<!tpu.dma_semaphore, #tpu.memory_space<semaphore_mem>>)
    %dma_start3A_2462 = arith.constant 3 : i32
    %dma_start3A_2463 = arith.constant 3 : i32
    %dma_start3A_2464 = arith.constant 0 : i32
    %dma_start3A_2465 = tpu.memref_slice %arg7[%dma_start3A_2463, %dma_start3A_2464] : memref<8x128xf32, #tpu.memory_space<vmem>> -> memref<1x128xf32, #tpu.memory_space<vmem>>
    %dma_start3A_2466 = tpu.memref_squeeze %dma_start3A_2465 : memref<1x128xf32, #tpu.memory_space<vmem>> -> memref<128xf32, #tpu.memory_space<vmem>>
    %dma_start3A_2467 = arith.constant 0 : i32
    %dma_start3A_2468 = tpu.memref_slice %arg6[%dma_start3A_2462, %dma_start3A_2467] : memref<8x128xi32, #tpu.memory_space<vmem>> -> memref<1x128xi32, #tpu.memory_space<vmem>>
    %dma_start3A_2469 = tpu.memref_squeeze %dma_start3A_2468 : memref<1x128xi32, #tpu.memory_space<vmem>> -> memref<128xi32, #tpu.memory_space<vmem>>
    %dma_start3A_2470 = arith.constant 0 : i32
    %dma_start3A_2471 = tpu.memref_slice %arg2[%dma_start3A_2470] : memref<16384000xf32, #tpu.memory_space<hbm>> -> memref<16384000xf32, #tpu.memory_space<hbm>>
    tpu.enqueue_indirect_dma source(%dma_start3A_2471 : memref<16384000xf32, #tpu.memory_space<hbm>>) target(%dma_start3A_2466 : memref<128xf32, #tpu.memory_space<vmem>>) offsets(%dma_start3A_2469 : memref<128xi32, #tpu.memory_space<vmem>>) semaphore(%arg11 : memref<!tpu.dma_semaphore, #tpu.memory_space<semaphore_mem>>)
    %dma_start3A_2472 = arith.constant 4 : i32
    %dma_start3A_2473 = arith.constant 4 : i32
    %dma_start3A_2474 = arith.constant 0 : i32
    %dma_start3A_2475 = tpu.memref_slice %arg7[%dma_start3A_2473, %dma_start3A_2474] : memref<8x128xf32, #tpu.memory_space<vmem>> -> memref<1x128xf32, #tpu.memory_space<vmem>>
    %dma_start3A_2476 = tpu.memref_squeeze %dma_start3A_2475 : memref<1x128xf32, #tpu.memory_space<vmem>> -> memref<128xf32, #tpu.memory_space<vmem>>
    %dma_start3A_2477 = arith.constant 0 : i32
    %dma_start3A_2478 = tpu.memref_slice %arg6[%dma_start3A_2472, %dma_start3A_2477] : memref<8x128xi32, #tpu.memory_space<vmem>> -> memref<1x128xi32, #tpu.memory_space<vmem>>
    %dma_start3A_2479 = tpu.memref_squeeze %dma_start3A_2478 : memref<1x128xi32, #tpu.memory_space<vmem>> -> memref<128xi32, #tpu.memory_space<vmem>>
    %dma_start3A_2480 = arith.constant 0 : i32
    %dma_start3A_2481 = tpu.memref_slice %arg2[%dma_start3A_2480] : memref<16384000xf32, #tpu.memory_space<hbm>> -> memref<16384000xf32, #tpu.memory_space<hbm>>
    tpu.enqueue_indirect_dma source(%dma_start3A_2481 : memref<16384000xf32, #tpu.memory_space<hbm>>) target(%dma_start3A_2476 : memref<128xf32, #tpu.memory_space<vmem>>) offsets(%dma_start3A_2479 : memref<128xi32, #tpu.memory_space<vmem>>) semaphore(%arg11 : memref<!tpu.dma_semaphore, #tpu.memory_space<semaphore_mem>>)
    %dma_start3A_2482 = arith.constant 5 : i32
    %dma_start3A_2483 = arith.constant 5 : i32
    %dma_start3A_2484 = arith.constant 0 : i32
    %dma_start3A_2485 = tpu.memref_slice %arg7[%dma_start3A_2483, %dma_start3A_2484] : memref<8x128xf32, #tpu.memory_space<vmem>> -> memref<1x128xf32, #tpu.memory_space<vmem>>
    %dma_start3A_2486 = tpu.memref_squeeze %dma_start3A_2485 : memref<1x128xf32, #tpu.memory_space<vmem>> -> memref<128xf32, #tpu.memory_space<vmem>>
    %dma_start3A_2487 = arith.constant 0 : i32
    %dma_start3A_2488 = tpu.memref_slice %arg6[%dma_start3A_2482, %dma_start3A_2487] : memref<8x128xi32, #tpu.memory_space<vmem>> -> memref<1x128xi32, #tpu.memory_space<vmem>>
    %dma_start3A_2489 = tpu.memref_squeeze %dma_start3A_2488 : memref<1x128xi32, #tpu.memory_space<vmem>> -> memref<128xi32, #tpu.memory_space<vmem>>
    %dma_start3A_2490 = arith.constant 0 : i32
    %dma_start3A_2491 = tpu.memref_slice %arg2[%dma_start3A_2490] : memref<16384000xf32, #tpu.memory_space<hbm>> -> memref<16384000xf32, #tpu.memory_space<hbm>>
    tpu.enqueue_indirect_dma source(%dma_start3A_2491 : memref<16384000xf32, #tpu.memory_space<hbm>>) target(%dma_start3A_2486 : memref<128xf32, #tpu.memory_space<vmem>>) offsets(%dma_start3A_2489 : memref<128xi32, #tpu.memory_space<vmem>>) semaphore(%arg11 : memref<!tpu.dma_semaphore, #tpu.memory_space<semaphore_mem>>)
    %dma_start3A_2492 = arith.constant 6 : i32
    %dma_start3A_2493 = arith.constant 6 : i32
    %dma_start3A_2494 = arith.constant 0 : i32
    %dma_start3A_2495 = tpu.memref_slice %arg7[%dma_start3A_2493, %dma_start3A_2494] : memref<8x128xf32, #tpu.memory_space<vmem>> -> memref<1x128xf32, #tpu.memory_space<vmem>>
    %dma_start3A_2496 = tpu.memref_squeeze %dma_start3A_2495 : memref<1x128xf32, #tpu.memory_space<vmem>> -> memref<128xf32, #tpu.memory_space<vmem>>
    %dma_start3A_2497 = arith.constant 0 : i32
    %dma_start3A_2498 = tpu.memref_slice %arg6[%dma_start3A_2492, %dma_start3A_2497] : memref<8x128xi32, #tpu.memory_space<vmem>> -> memref<1x128xi32, #tpu.memory_space<vmem>>
    %dma_start3A_2499 = tpu.memref_squeeze %dma_start3A_2498 : memref<1x128xi32, #tpu.memory_space<vmem>> -> memref<128xi32, #tpu.memory_space<vmem>>
    %dma_start3A_2500 = arith.constant 0 : i32
    %dma_start3A_2501 = tpu.memref_slice %arg2[%dma_start3A_2500] : memref<16384000xf32, #tpu.memory_space<hbm>> -> memref<16384000xf32, #tpu.memory_space<hbm>>
    tpu.enqueue_indirect_dma source(%dma_start3A_2501 : memref<16384000xf32, #tpu.memory_space<hbm>>) target(%dma_start3A_2496 : memref<128xf32, #tpu.memory_space<vmem>>) offsets(%dma_start3A_2499 : memref<128xi32, #tpu.memory_space<vmem>>) semaphore(%arg11 : memref<!tpu.dma_semaphore, #tpu.memory_space<semaphore_mem>>)
    %dma_start3A_2502 = arith.constant 7 : i32
    %dma_start3A_2503 = arith.constant 7 : i32
    %dma_start3A_2504 = arith.constant 0 : i32
    %dma_start3A_2505 = tpu.memref_slice %arg7[%dma_start3A_2503, %dma_start3A_2504] : memref<8x128xf32, #tpu.memory_space<vmem>> -> memref<1x128xf32, #tpu.memory_space<vmem>>
    %dma_start3A_2506 = tpu.memref_squeeze %dma_start3A_2505 : memref<1x128xf32, #tpu.memory_space<vmem>> -> memref<128xf32, #tpu.memory_space<vmem>>
    %dma_start3A_2507 = arith.constant 0 : i32
    %dma_start3A_2508 = tpu.memref_slice %arg6[%dma_start3A_2502, %dma_start3A_2507] : memref<8x128xi32, #tpu.memory_space<vmem>> -> memref<1x128xi32, #tpu.memory_space<vmem>>
    %dma_start3A_2509 = tpu.memref_squeeze %dma_start3A_2508 : memref<1x128xi32, #tpu.memory_space<vmem>> -> memref<128xi32, #tpu.memory_space<vmem>>
    %dma_start3A_2510 = arith.constant 0 : i32
    %dma_start3A_2511 = tpu.memref_slice %arg2[%dma_start3A_2510] : memref<16384000xf32, #tpu.memory_space<hbm>> -> memref<16384000xf32, #tpu.memory_space<hbm>>
    tpu.enqueue_indirect_dma source(%dma_start3A_2511 : memref<16384000xf32, #tpu.memory_space<hbm>>) target(%dma_start3A_2506 : memref<128xf32, #tpu.memory_space<vmem>>) offsets(%dma_start3A_2509 : memref<128xi32, #tpu.memory_space<vmem>>) semaphore(%arg11 : memref<!tpu.dma_semaphore, #tpu.memory_space<semaphore_mem>>)
    %dma_wait3A_2512 = arith.constant 0 : i32
    %dma_wait3A_2513 = arith.constant 0 : i32
    %dma_wait3A_2514 = arith.constant 0 : i32
    %dma_wait3A_2515 = tpu.memref_slice %arg7[%dma_wait3A_2513, %dma_wait3A_2514] : memref<8x128xf32, #tpu.memory_space<vmem>> -> memref<1x128xf32, #tpu.memory_space<vmem>>
    %dma_wait3A_2516 = tpu.memref_squeeze %dma_wait3A_2515 : memref<1x128xf32, #tpu.memory_space<vmem>> -> memref<128xf32, #tpu.memory_space<vmem>>
    %dma_wait3A_2517 = arith.constant 0 : i32
    %dma_wait3A_2518 = tpu.memref_slice %arg6[%dma_wait3A_2512, %dma_wait3A_2517] : memref<8x128xi32, #tpu.memory_space<vmem>> -> memref<1x128xi32, #tpu.memory_space<vmem>>
    %dma_wait3A_2519 = tpu.memref_squeeze %dma_wait3A_2518 : memref<1x128xi32, #tpu.memory_space<vmem>> -> memref<128xi32, #tpu.memory_space<vmem>>
    %dma_wait3A_2520 = arith.constant 0 : i32
    %dma_wait3A_2521 = tpu.memref_slice %arg2[%dma_wait3A_2520] : memref<16384000xf32, #tpu.memory_space<hbm>> -> memref<16384000xf32, #tpu.memory_space<hbm>>
    tpu.wait_indirect_dma semaphore(%arg11 : memref<!tpu.dma_semaphore, #tpu.memory_space<semaphore_mem>>) src(%dma_wait3A_2521 : memref<16384000xf32, #tpu.memory_space<hbm>>) dst(%dma_wait3A_2516 : memref<128xf32, #tpu.memory_space<vmem>>)
    %dma_wait3A_2522 = arith.constant 1 : i32
    %dma_wait3A_2523 = arith.constant 1 : i32
    %dma_wait3A_2524 = arith.constant 0 : i32
    %dma_wait3A_2525 = tpu.memref_slice %arg7[%dma_wait3A_2523, %dma_wait3A_2524] : memref<8x128xf32, #tpu.memory_space<vmem>> -> memref<1x128xf32, #tpu.memory_space<vmem>>
    %dma_wait3A_2526 = tpu.memref_squeeze %dma_wait3A_2525 : memref<1x128xf32, #tpu.memory_space<vmem>> -> memref<128xf32, #tpu.memory_space<vmem>>
    %dma_wait3A_2527 = arith.constant 0 : i32
    %dma_wait3A_2528 = tpu.memref_slice %arg6[%dma_wait3A_2522, %dma_wait3A_2527] : memref<8x128xi32, #tpu.memory_space<vmem>> -> memref<1x128xi32, #tpu.memory_space<vmem>>
    %dma_wait3A_2529 = tpu.memref_squeeze %dma_wait3A_2528 : memref<1x128xi32, #tpu.memory_space<vmem>> -> memref<128xi32, #tpu.memory_space<vmem>>
    %dma_wait3A_2530 = arith.constant 0 : i32
    %dma_wait3A_2531 = tpu.memref_slice %arg2[%dma_wait3A_2530] : memref<16384000xf32, #tpu.memory_space<hbm>> -> memref<16384000xf32, #tpu.memory_space<hbm>>
    tpu.wait_indirect_dma semaphore(%arg11 : memref<!tpu.dma_semaphore, #tpu.memory_space<semaphore_mem>>) src(%dma_wait3A_2531 : memref<16384000xf32, #tpu.memory_space<hbm>>) dst(%dma_wait3A_2526 : memref<128xf32, #tpu.memory_space<vmem>>)
    %dma_wait3A_2532 = arith.constant 2 : i32
    %dma_wait3A_2533 = arith.constant 2 : i32
    %dma_wait3A_2534 = arith.constant 0 : i32
    %dma_wait3A_2535 = tpu.memref_slice %arg7[%dma_wait3A_2533, %dma_wait3A_2534] : memref<8x128xf32, #tpu.memory_space<vmem>> -> memref<1x128xf32, #tpu.memory_space<vmem>>
    %dma_wait3A_2536 = tpu.memref_squeeze %dma_wait3A_2535 : memref<1x128xf32, #tpu.memory_space<vmem>> -> memref<128xf32, #tpu.memory_space<vmem>>
    %dma_wait3A_2537 = arith.constant 0 : i32
    %dma_wait3A_2538 = tpu.memref_slice %arg6[%dma_wait3A_2532, %dma_wait3A_2537] : memref<8x128xi32, #tpu.memory_space<vmem>> -> memref<1x128xi32, #tpu.memory_space<vmem>>
    %dma_wait3A_2539 = tpu.memref_squeeze %dma_wait3A_2538 : memref<1x128xi32, #tpu.memory_space<vmem>> -> memref<128xi32, #tpu.memory_space<vmem>>
    %dma_wait3A_2540 = arith.constant 0 : i32
    %dma_wait3A_2541 = tpu.memref_slice %arg2[%dma_wait3A_2540] : memref<16384000xf32, #tpu.memory_space<hbm>> -> memref<16384000xf32, #tpu.memory_space<hbm>>
    tpu.wait_indirect_dma semaphore(%arg11 : memref<!tpu.dma_semaphore, #tpu.memory_space<semaphore_mem>>) src(%dma_wait3A_2541 : memref<16384000xf32, #tpu.memory_space<hbm>>) dst(%dma_wait3A_2536 : memref<128xf32, #tpu.memory_space<vmem>>)
    %dma_wait3A_2542 = arith.constant 3 : i32
    %dma_wait3A_2543 = arith.constant 3 : i32
    %dma_wait3A_2544 = arith.constant 0 : i32
    %dma_wait3A_2545 = tpu.memref_slice %arg7[%dma_wait3A_2543, %dma_wait3A_2544] : memref<8x128xf32, #tpu.memory_space<vmem>> -> memref<1x128xf32, #tpu.memory_space<vmem>>
    %dma_wait3A_2546 = tpu.memref_squeeze %dma_wait3A_2545 : memref<1x128xf32, #tpu.memory_space<vmem>> -> memref<128xf32, #tpu.memory_space<vmem>>
    %dma_wait3A_2547 = arith.constant 0 : i32
    %dma_wait3A_2548 = tpu.memref_slice %arg6[%dma_wait3A_2542, %dma_wait3A_2547] : memref<8x128xi32, #tpu.memory_space<vmem>> -> memref<1x128xi32, #tpu.memory_space<vmem>>
    %dma_wait3A_2549 = tpu.memref_squeeze %dma_wait3A_2548 : memref<1x128xi32, #tpu.memory_space<vmem>> -> memref<128xi32, #tpu.memory_space<vmem>>
    %dma_wait3A_2550 = arith.constant 0 : i32
    %dma_wait3A_2551 = tpu.memref_slice %arg2[%dma_wait3A_2550] : memref<16384000xf32, #tpu.memory_space<hbm>> -> memref<16384000xf32, #tpu.memory_space<hbm>>
    tpu.wait_indirect_dma semaphore(%arg11 : memref<!tpu.dma_semaphore, #tpu.memory_space<semaphore_mem>>) src(%dma_wait3A_2551 : memref<16384000xf32, #tpu.memory_space<hbm>>) dst(%dma_wait3A_2546 : memref<128xf32, #tpu.memory_space<vmem>>)
    %dma_wait3A_2552 = arith.constant 4 : i32
    %dma_wait3A_2553 = arith.constant 4 : i32
    %dma_wait3A_2554 = arith.constant 0 : i32
    %dma_wait3A_2555 = tpu.memref_slice %arg7[%dma_wait3A_2553, %dma_wait3A_2554] : memref<8x128xf32, #tpu.memory_space<vmem>> -> memref<1x128xf32, #tpu.memory_space<vmem>>
    %dma_wait3A_2556 = tpu.memref_squeeze %dma_wait3A_2555 : memref<1x128xf32, #tpu.memory_space<vmem>> -> memref<128xf32, #tpu.memory_space<vmem>>
    %dma_wait3A_2557 = arith.constant 0 : i32
    %dma_wait3A_2558 = tpu.memref_slice %arg6[%dma_wait3A_2552, %dma_wait3A_2557] : memref<8x128xi32, #tpu.memory_space<vmem>> -> memref<1x128xi32, #tpu.memory_space<vmem>>
    %dma_wait3A_2559 = tpu.memref_squeeze %dma_wait3A_2558 : memref<1x128xi32, #tpu.memory_space<vmem>> -> memref<128xi32, #tpu.memory_space<vmem>>
    %dma_wait3A_2560 = arith.constant 0 : i32
    %dma_wait3A_2561 = tpu.memref_slice %arg2[%dma_wait3A_2560] : memref<16384000xf32, #tpu.memory_space<hbm>> -> memref<16384000xf32, #tpu.memory_space<hbm>>
    tpu.wait_indirect_dma semaphore(%arg11 : memref<!tpu.dma_semaphore, #tpu.memory_space<semaphore_mem>>) src(%dma_wait3A_2561 : memref<16384000xf32, #tpu.memory_space<hbm>>) dst(%dma_wait3A_2556 : memref<128xf32, #tpu.memory_space<vmem>>)
    %dma_wait3A_2562 = arith.constant 5 : i32
    %dma_wait3A_2563 = arith.constant 5 : i32
    %dma_wait3A_2564 = arith.constant 0 : i32
    %dma_wait3A_2565 = tpu.memref_slice %arg7[%dma_wait3A_2563, %dma_wait3A_2564] : memref<8x128xf32, #tpu.memory_space<vmem>> -> memref<1x128xf32, #tpu.memory_space<vmem>>
    %dma_wait3A_2566 = tpu.memref_squeeze %dma_wait3A_2565 : memref<1x128xf32, #tpu.memory_space<vmem>> -> memref<128xf32, #tpu.memory_space<vmem>>
    %dma_wait3A_2567 = arith.constant 0 : i32
    %dma_wait3A_2568 = tpu.memref_slice %arg6[%dma_wait3A_2562, %dma_wait3A_2567] : memref<8x128xi32, #tpu.memory_space<vmem>> -> memref<1x128xi32, #tpu.memory_space<vmem>>
    %dma_wait3A_2569 = tpu.memref_squeeze %dma_wait3A_2568 : memref<1x128xi32, #tpu.memory_space<vmem>> -> memref<128xi32, #tpu.memory_space<vmem>>
    %dma_wait3A_2570 = arith.constant 0 : i32
    %dma_wait3A_2571 = tpu.memref_slice %arg2[%dma_wait3A_2570] : memref<16384000xf32, #tpu.memory_space<hbm>> -> memref<16384000xf32, #tpu.memory_space<hbm>>
    tpu.wait_indirect_dma semaphore(%arg11 : memref<!tpu.dma_semaphore, #tpu.memory_space<semaphore_mem>>) src(%dma_wait3A_2571 : memref<16384000xf32, #tpu.memory_space<hbm>>) dst(%dma_wait3A_2566 : memref<128xf32, #tpu.memory_space<vmem>>)
    %dma_wait3A_2572 = arith.constant 6 : i32
    %dma_wait3A_2573 = arith.constant 6 : i32
    %dma_wait3A_2574 = arith.constant 0 : i32
    %dma_wait3A_2575 = tpu.memref_slice %arg7[%dma_wait3A_2573, %dma_wait3A_2574] : memref<8x128xf32, #tpu.memory_space<vmem>> -> memref<1x128xf32, #tpu.memory_space<vmem>>
    %dma_wait3A_2576 = tpu.memref_squeeze %dma_wait3A_2575 : memref<1x128xf32, #tpu.memory_space<vmem>> -> memref<128xf32, #tpu.memory_space<vmem>>
    %dma_wait3A_2577 = arith.constant 0 : i32
    %dma_wait3A_2578 = tpu.memref_slice %arg6[%dma_wait3A_2572, %dma_wait3A_2577] : memref<8x128xi32, #tpu.memory_space<vmem>> -> memref<1x128xi32, #tpu.memory_space<vmem>>
    %dma_wait3A_2579 = tpu.memref_squeeze %dma_wait3A_2578 : memref<1x128xi32, #tpu.memory_space<vmem>> -> memref<128xi32, #tpu.memory_space<vmem>>
    %dma_wait3A_2580 = arith.constant 0 : i32
    %dma_wait3A_2581 = tpu.memref_slice %arg2[%dma_wait3A_2580] : memref<16384000xf32, #tpu.memory_space<hbm>> -> memref<16384000xf32, #tpu.memory_space<hbm>>
    tpu.wait_indirect_dma semaphore(%arg11 : memref<!tpu.dma_semaphore, #tpu.memory_space<semaphore_mem>>) src(%dma_wait3A_2581 : memref<16384000xf32, #tpu.memory_space<hbm>>) dst(%dma_wait3A_2576 : memref<128xf32, #tpu.memory_space<vmem>>)
    %dma_wait3A_2582 = arith.constant 7 : i32
    %dma_wait3A_2583 = arith.constant 7 : i32
    %dma_wait3A_2584 = arith.constant 0 : i32
    %dma_wait3A_2585 = tpu.memref_slice %arg7[%dma_wait3A_2583, %dma_wait3A_2584] : memref<8x128xf32, #tpu.memory_space<vmem>> -> memref<1x128xf32, #tpu.memory_space<vmem>>
    %dma_wait3A_2586 = tpu.memref_squeeze %dma_wait3A_2585 : memref<1x128xf32, #tpu.memory_space<vmem>> -> memref<128xf32, #tpu.memory_space<vmem>>
    %dma_wait3A_2587 = arith.constant 0 : i32
    %dma_wait3A_2588 = tpu.memref_slice %arg6[%dma_wait3A_2582, %dma_wait3A_2587] : memref<8x128xi32, #tpu.memory_space<vmem>> -> memref<1x128xi32, #tpu.memory_space<vmem>>
    %dma_wait3A_2589 = tpu.memref_squeeze %dma_wait3A_2588 : memref<1x128xi32, #tpu.memory_space<vmem>> -> memref<128xi32, #tpu.memory_space<vmem>>
    %dma_wait3A_2590 = arith.constant 0 : i32
    %dma_wait3A_2591 = tpu.memref_slice %arg2[%dma_wait3A_2590] : memref<16384000xf32, #tpu.memory_space<hbm>> -> memref<16384000xf32, #tpu.memory_space<hbm>>
    tpu.wait_indirect_dma semaphore(%arg11 : memref<!tpu.dma_semaphore, #tpu.memory_space<semaphore_mem>>) src(%dma_wait3A_2591 : memref<16384000xf32, #tpu.memory_space<hbm>>) dst(%dma_wait3A_2586 : memref<128xf32, #tpu.memory_space<vmem>>)
    %broadcast_in_dim3A = arith.constant 0.000000e+00 : f32
    %broadcast_in_dim3A_2592 = vector.broadcast %broadcast_in_dim3A : f32 to vector<16xf32>
    %get3A_2593 = arith.constant 0 : i32
    %get3A_2594 = arith.index_cast %get3A_2593 : i32 to index
    %get3A_2595 = arith.constant 0 : index
    %get3A_2596 = tpu.vector_load %arg7[%get3A_2594, %get3A_2595] {strides = array<i32>} : memref<8x128xf32, #tpu.memory_space<vmem>>, vector<1x16xf32>,
    %get3A_2597 = vector.shape_cast %get3A_2596 : vector<1x16xf32> to vector<16xf32>
    %get3A_2598 = arith.constant 0 : index
    %get3A_2599 = tpu.vector_load %arg9[%get3A_2598] {strides = array<i32>} : memref<1024xf32, #tpu.memory_space<vmem>>, vector<16xf32>,
    %get3A_2600 = vector.shape_cast %get3A_2599 : vector<16xf32> to vector<16xf32>
    %mul3A_2601 = arith.mulf %get3A_2597, %get3A_2600 : vector<16xf32>
    %add3A_2602 = arith.addf %broadcast_in_dim3A_2592, %mul3A_2601 : vector<16xf32>
    %get3A_2603 = arith.constant 0 : i32
    %get3A_2604 = arith.index_cast %get3A_2603 : i32 to index
    %get3A_2605 = arith.constant 16 : index
    %get3A_2606 = tpu.vector_load %arg7[%get3A_2604, %get3A_2605] {strides = array<i32>} : memref<8x128xf32, #tpu.memory_space<vmem>>, vector<1x16xf32>,
    %get3A_2607 = vector.shape_cast %get3A_2606 : vector<1x16xf32> to vector<16xf32>
    %get3A_2608 = arith.constant 16 : index
    %get3A_2609 = tpu.vector_load %arg9[%get3A_2608] {strides = array<i32>} : memref<1024xf32, #tpu.memory_space<vmem>>, vector<16xf32>,
    %get3A_2610 = vector.shape_cast %get3A_2609 : vector<16xf32> to vector<16xf32>
    %mul3A_2611 = arith.mulf %get3A_2607, %get3A_2610 : vector<16xf32>
    %add3A_2612 = arith.addf %add3A_2602, %mul3A_2611 : vector<16xf32>
    %get3A_2613 = arith.constant 0 : i32
    %get3A_2614 = arith.index_cast %get3A_2613 : i32 to index
    %get3A_2615 = arith.constant 32 : index
    %get3A_2616 = tpu.vector_load %arg7[%get3A_2614, %get3A_2615] {strides = array<i32>} : memref<8x128xf32, #tpu.memory_space<vmem>>, vector<1x16xf32>,
    %get3A_2617 = vector.shape_cast %get3A_2616 : vector<1x16xf32> to vector<16xf32>
    %get3A_2618 = arith.constant 32 : index
    %get3A_2619 = tpu.vector_load %arg9[%get3A_2618] {strides = array<i32>} : memref<1024xf32, #tpu.memory_space<vmem>>, vector<16xf32>,
    %get3A_2620 = vector.shape_cast %get3A_2619 : vector<16xf32> to vector<16xf32>
    %mul3A_2621 = arith.mulf %get3A_2617, %get3A_2620 : vector<16xf32>
    %add3A_2622 = arith.addf %add3A_2612, %mul3A_2621 : vector<16xf32>
    %get3A_2623 = arith.constant 0 : i32
    %get3A_2624 = arith.index_cast %get3A_2623 : i32 to index
    %get3A_2625 = arith.constant 48 : index
    %get3A_2626 = tpu.vector_load %arg7[%get3A_2624, %get3A_2625] {strides = array<i32>} : memref<8x128xf32, #tpu.memory_space<vmem>>, vector<1x16xf32>,
    %get3A_2627 = vector.shape_cast %get3A_2626 : vector<1x16xf32> to vector<16xf32>
    %get3A_2628 = arith.constant 48 : index
    %get3A_2629 = tpu.vector_load %arg9[%get3A_2628] {strides = array<i32>} : memref<1024xf32, #tpu.memory_space<vmem>>, vector<16xf32>,
    %get3A_2630 = vector.shape_cast %get3A_2629 : vector<16xf32> to vector<16xf32>
    %mul3A_2631 = arith.mulf %get3A_2627, %get3A_2630 : vector<16xf32>
    %add3A_2632 = arith.addf %add3A_2622, %mul3A_2631 : vector<16xf32>
    %get3A_2633 = arith.constant 0 : i32
    %get3A_2634 = arith.index_cast %get3A_2633 : i32 to index
    %get3A_2635 = arith.constant 64 : index
    %get3A_2636 = tpu.vector_load %arg7[%get3A_2634, %get3A_2635] {strides = array<i32>} : memref<8x128xf32, #tpu.memory_space<vmem>>, vector<1x16xf32>,
    %get3A_2637 = vector.shape_cast %get3A_2636 : vector<1x16xf32> to vector<16xf32>
    %get3A_2638 = arith.constant 64 : index
    %get3A_2639 = tpu.vector_load %arg9[%get3A_2638] {strides = array<i32>} : memref<1024xf32, #tpu.memory_space<vmem>>, vector<16xf32>,
    %get3A_2640 = vector.shape_cast %get3A_2639 : vector<16xf32> to vector<16xf32>
    %mul3A_2641 = arith.mulf %get3A_2637, %get3A_2640 : vector<16xf32>
    %add3A_2642 = arith.addf %add3A_2632, %mul3A_2641 : vector<16xf32>
    %get3A_2643 = arith.constant 0 : i32
    %get3A_2644 = arith.index_cast %get3A_2643 : i32 to index
    %get3A_2645 = arith.constant 80 : index
    %get3A_2646 = tpu.vector_load %arg7[%get3A_2644, %get3A_2645] {strides = array<i32>} : memref<8x128xf32, #tpu.memory_space<vmem>>, vector<1x16xf32>,
    %get3A_2647 = vector.shape_cast %get3A_2646 : vector<1x16xf32> to vector<16xf32>
    %get3A_2648 = arith.constant 80 : index
    %get3A_2649 = tpu.vector_load %arg9[%get3A_2648] {strides = array<i32>} : memref<1024xf32, #tpu.memory_space<vmem>>, vector<16xf32>,
    %get3A_2650 = vector.shape_cast %get3A_2649 : vector<16xf32> to vector<16xf32>
    %mul3A_2651 = arith.mulf %get3A_2647, %get3A_2650 : vector<16xf32>
    %add3A_2652 = arith.addf %add3A_2642, %mul3A_2651 : vector<16xf32>
    %get3A_2653 = arith.constant 0 : i32
    %get3A_2654 = arith.index_cast %get3A_2653 : i32 to index
    %get3A_2655 = arith.constant 96 : index
    %get3A_2656 = tpu.vector_load %arg7[%get3A_2654, %get3A_2655] {strides = array<i32>} : memref<8x128xf32, #tpu.memory_space<vmem>>, vector<1x16xf32>,
    %get3A_2657 = vector.shape_cast %get3A_2656 : vector<1x16xf32> to vector<16xf32>
    %get3A_2658 = arith.constant 96 : index
    %get3A_2659 = tpu.vector_load %arg9[%get3A_2658] {strides = array<i32>} : memref<1024xf32, #tpu.memory_space<vmem>>, vector<16xf32>,
    %get3A_2660 = vector.shape_cast %get3A_2659 : vector<16xf32> to vector<16xf32>
    %mul3A_2661 = arith.mulf %get3A_2657, %get3A_2660 : vector<16xf32>
    %add3A_2662 = arith.addf %add3A_2652, %mul3A_2661 : vector<16xf32>
    %get3A_2663 = arith.constant 0 : i32
    %get3A_2664 = arith.index_cast %get3A_2663 : i32 to index
    %get3A_2665 = arith.constant 112 : index
    %get3A_2666 = tpu.vector_load %arg7[%get3A_2664, %get3A_2665] {strides = array<i32>} : memref<8x128xf32, #tpu.memory_space<vmem>>, vector<1x16xf32>,
    %get3A_2667 = vector.shape_cast %get3A_2666 : vector<1x16xf32> to vector<16xf32>
    %get3A_2668 = arith.constant 112 : index
    %get3A_2669 = tpu.vector_load %arg9[%get3A_2668] {strides = array<i32>} : memref<1024xf32, #tpu.memory_space<vmem>>, vector<16xf32>,
    %get3A_2670 = vector.shape_cast %get3A_2669 : vector<16xf32> to vector<16xf32>
    %mul3A_2671 = arith.mulf %get3A_2667, %get3A_2670 : vector<16xf32>
    %add3A_2672 = arith.addf %add3A_2662, %mul3A_2671 : vector<16xf32>
    %get3A_2673 = arith.constant 1 : i32
    %get3A_2674 = arith.index_cast %get3A_2673 : i32 to index
    %get3A_2675 = arith.constant 0 : index
    %get3A_2676 = tpu.vector_load %arg7[%get3A_2674, %get3A_2675] {strides = array<i32>} : memref<8x128xf32, #tpu.memory_space<vmem>>, vector<1x16xf32>,
    %get3A_2677 = vector.shape_cast %get3A_2676 : vector<1x16xf32> to vector<16xf32>
    %get3A_2678 = arith.constant 128 : index
    %get3A_2679 = tpu.vector_load %arg9[%get3A_2678] {strides = array<i32>} : memref<1024xf32, #tpu.memory_space<vmem>>, vector<16xf32>,
    %get3A_2680 = vector.shape_cast %get3A_2679 : vector<16xf32> to vector<16xf32>
    %mul3A_2681 = arith.mulf %get3A_2677, %get3A_2680 : vector<16xf32>
    %add3A_2682 = arith.addf %add3A_2672, %mul3A_2681 : vector<16xf32>
    %get3A_2683 = arith.constant 1 : i32
    %get3A_2684 = arith.index_cast %get3A_2683 : i32 to index
    %get3A_2685 = arith.constant 16 : index
    %get3A_2686 = tpu.vector_load %arg7[%get3A_2684, %get3A_2685] {strides = array<i32>} : memref<8x128xf32, #tpu.memory_space<vmem>>, vector<1x16xf32>,
    %get3A_2687 = vector.shape_cast %get3A_2686 : vector<1x16xf32> to vector<16xf32>
    %get3A_2688 = arith.constant 144 : index
    %get3A_2689 = tpu.vector_load %arg9[%get3A_2688] {strides = array<i32>} : memref<1024xf32, #tpu.memory_space<vmem>>, vector<16xf32>,
    %get3A_2690 = vector.shape_cast %get3A_2689 : vector<16xf32> to vector<16xf32>
    %mul3A_2691 = arith.mulf %get3A_2687, %get3A_2690 : vector<16xf32>
    %add3A_2692 = arith.addf %add3A_2682, %mul3A_2691 : vector<16xf32>
    %get3A_2693 = arith.constant 1 : i32
    %get3A_2694 = arith.index_cast %get3A_2693 : i32 to index
    %get3A_2695 = arith.constant 32 : index
    %get3A_2696 = tpu.vector_load %arg7[%get3A_2694, %get3A_2695] {strides = array<i32>} : memref<8x128xf32, #tpu.memory_space<vmem>>, vector<1x16xf32>,
    %get3A_2697 = vector.shape_cast %get3A_2696 : vector<1x16xf32> to vector<16xf32>
    %get3A_2698 = arith.constant 160 : index
    %get3A_2699 = tpu.vector_load %arg9[%get3A_2698] {strides = array<i32>} : memref<1024xf32, #tpu.memory_space<vmem>>, vector<16xf32>,
    %get3A_2700 = vector.shape_cast %get3A_2699 : vector<16xf32> to vector<16xf32>
    %mul3A_2701 = arith.mulf %get3A_2697, %get3A_2700 : vector<16xf32>
    %add3A_2702 = arith.addf %add3A_2692, %mul3A_2701 : vector<16xf32>
    %get3A_2703 = arith.constant 1 : i32
    %get3A_2704 = arith.index_cast %get3A_2703 : i32 to index
    %get3A_2705 = arith.constant 48 : index
    %get3A_2706 = tpu.vector_load %arg7[%get3A_2704, %get3A_2705] {strides = array<i32>} : memref<8x128xf32, #tpu.memory_space<vmem>>, vector<1x16xf32>,
    %get3A_2707 = vector.shape_cast %get3A_2706 : vector<1x16xf32> to vector<16xf32>
    %get3A_2708 = arith.constant 176 : index
    %get3A_2709 = tpu.vector_load %arg9[%get3A_2708] {strides = array<i32>} : memref<1024xf32, #tpu.memory_space<vmem>>, vector<16xf32>,
    %get3A_2710 = vector.shape_cast %get3A_2709 : vector<16xf32> to vector<16xf32>
    %mul3A_2711 = arith.mulf %get3A_2707, %get3A_2710 : vector<16xf32>
    %add3A_2712 = arith.addf %add3A_2702, %mul3A_2711 : vector<16xf32>
    %get3A_2713 = arith.constant 1 : i32
    %get3A_2714 = arith.index_cast %get3A_2713 : i32 to index
    %get3A_2715 = arith.constant 64 : index
    %get3A_2716 = tpu.vector_load %arg7[%get3A_2714, %get3A_2715] {strides = array<i32>} : memref<8x128xf32, #tpu.memory_space<vmem>>, vector<1x16xf32>,
    %get3A_2717 = vector.shape_cast %get3A_2716 : vector<1x16xf32> to vector<16xf32>
    %get3A_2718 = arith.constant 192 : index
    %get3A_2719 = tpu.vector_load %arg9[%get3A_2718] {strides = array<i32>} : memref<1024xf32, #tpu.memory_space<vmem>>, vector<16xf32>,
    %get3A_2720 = vector.shape_cast %get3A_2719 : vector<16xf32> to vector<16xf32>
    %mul3A_2721 = arith.mulf %get3A_2717, %get3A_2720 : vector<16xf32>
    %add3A_2722 = arith.addf %add3A_2712, %mul3A_2721 : vector<16xf32>
    %get3A_2723 = arith.constant 1 : i32
    %get3A_2724 = arith.index_cast %get3A_2723 : i32 to index
    %get3A_2725 = arith.constant 80 : index
    %get3A_2726 = tpu.vector_load %arg7[%get3A_2724, %get3A_2725] {strides = array<i32>} : memref<8x128xf32, #tpu.memory_space<vmem>>, vector<1x16xf32>,
    %get3A_2727 = vector.shape_cast %get3A_2726 : vector<1x16xf32> to vector<16xf32>
    %get3A_2728 = arith.constant 208 : index
    %get3A_2729 = tpu.vector_load %arg9[%get3A_2728] {strides = array<i32>} : memref<1024xf32, #tpu.memory_space<vmem>>, vector<16xf32>,
    %get3A_2730 = vector.shape_cast %get3A_2729 : vector<16xf32> to vector<16xf32>
    %mul3A_2731 = arith.mulf %get3A_2727, %get3A_2730 : vector<16xf32>
    %add3A_2732 = arith.addf %add3A_2722, %mul3A_2731 : vector<16xf32>
    %get3A_2733 = arith.constant 1 : i32
    %get3A_2734 = arith.index_cast %get3A_2733 : i32 to index
    %get3A_2735 = arith.constant 96 : index
    %get3A_2736 = tpu.vector_load %arg7[%get3A_2734, %get3A_2735] {strides = array<i32>} : memref<8x128xf32, #tpu.memory_space<vmem>>, vector<1x16xf32>,
    %get3A_2737 = vector.shape_cast %get3A_2736 : vector<1x16xf32> to vector<16xf32>
    %get3A_2738 = arith.constant 224 : index
    %get3A_2739 = tpu.vector_load %arg9[%get3A_2738] {strides = array<i32>} : memref<1024xf32, #tpu.memory_space<vmem>>, vector<16xf32>,
    %get3A_2740 = vector.shape_cast %get3A_2739 : vector<16xf32> to vector<16xf32>
    %mul3A_2741 = arith.mulf %get3A_2737, %get3A_2740 : vector<16xf32>
    %add3A_2742 = arith.addf %add3A_2732, %mul3A_2741 : vector<16xf32>
    %get3A_2743 = arith.constant 1 : i32
    %get3A_2744 = arith.index_cast %get3A_2743 : i32 to index
    %get3A_2745 = arith.constant 112 : index
    %get3A_2746 = tpu.vector_load %arg7[%get3A_2744, %get3A_2745] {strides = array<i32>} : memref<8x128xf32, #tpu.memory_space<vmem>>, vector<1x16xf32>,
    %get3A_2747 = vector.shape_cast %get3A_2746 : vector<1x16xf32> to vector<16xf32>
    %get3A_2748 = arith.constant 240 : index
    %get3A_2749 = tpu.vector_load %arg9[%get3A_2748] {strides = array<i32>} : memref<1024xf32, #tpu.memory_space<vmem>>, vector<16xf32>,
    %get3A_2750 = vector.shape_cast %get3A_2749 : vector<16xf32> to vector<16xf32>
    %mul3A_2751 = arith.mulf %get3A_2747, %get3A_2750 : vector<16xf32>
    %add3A_2752 = arith.addf %add3A_2742, %mul3A_2751 : vector<16xf32>
    %get3A_2753 = arith.constant 2 : i32
    %get3A_2754 = arith.index_cast %get3A_2753 : i32 to index
    %get3A_2755 = arith.constant 0 : index
    %get3A_2756 = tpu.vector_load %arg7[%get3A_2754, %get3A_2755] {strides = array<i32>} : memref<8x128xf32, #tpu.memory_space<vmem>>, vector<1x16xf32>,
    %get3A_2757 = vector.shape_cast %get3A_2756 : vector<1x16xf32> to vector<16xf32>
    %get3A_2758 = arith.constant 256 : index
    %get3A_2759 = tpu.vector_load %arg9[%get3A_2758] {strides = array<i32>} : memref<1024xf32, #tpu.memory_space<vmem>>, vector<16xf32>,
    %get3A_2760 = vector.shape_cast %get3A_2759 : vector<16xf32> to vector<16xf32>
    %mul3A_2761 = arith.mulf %get3A_2757, %get3A_2760 : vector<16xf32>
    %add3A_2762 = arith.addf %add3A_2752, %mul3A_2761 : vector<16xf32>
    %get3A_2763 = arith.constant 2 : i32
    %get3A_2764 = arith.index_cast %get3A_2763 : i32 to index
    %get3A_2765 = arith.constant 16 : index
    %get3A_2766 = tpu.vector_load %arg7[%get3A_2764, %get3A_2765] {strides = array<i32>} : memref<8x128xf32, #tpu.memory_space<vmem>>, vector<1x16xf32>,
    %get3A_2767 = vector.shape_cast %get3A_2766 : vector<1x16xf32> to vector<16xf32>
    %get3A_2768 = arith.constant 272 : index
    %get3A_2769 = tpu.vector_load %arg9[%get3A_2768] {strides = array<i32>} : memref<1024xf32, #tpu.memory_space<vmem>>, vector<16xf32>,
    %get3A_2770 = vector.shape_cast %get3A_2769 : vector<16xf32> to vector<16xf32>
    %mul3A_2771 = arith.mulf %get3A_2767, %get3A_2770 : vector<16xf32>
    %add3A_2772 = arith.addf %add3A_2762, %mul3A_2771 : vector<16xf32>
    %get3A_2773 = arith.constant 2 : i32
    %get3A_2774 = arith.index_cast %get3A_2773 : i32 to index
    %get3A_2775 = arith.constant 32 : index
    %get3A_2776 = tpu.vector_load %arg7[%get3A_2774, %get3A_2775] {strides = array<i32>} : memref<8x128xf32, #tpu.memory_space<vmem>>, vector<1x16xf32>,
    %get3A_2777 = vector.shape_cast %get3A_2776 : vector<1x16xf32> to vector<16xf32>
    %get3A_2778 = arith.constant 288 : index
    %get3A_2779 = tpu.vector_load %arg9[%get3A_2778] {strides = array<i32>} : memref<1024xf32, #tpu.memory_space<vmem>>, vector<16xf32>,
    %get3A_2780 = vector.shape_cast %get3A_2779 : vector<16xf32> to vector<16xf32>
    %mul3A_2781 = arith.mulf %get3A_2777, %get3A_2780 : vector<16xf32>
    %add3A_2782 = arith.addf %add3A_2772, %mul3A_2781 : vector<16xf32>
    %get3A_2783 = arith.constant 2 : i32
    %get3A_2784 = arith.index_cast %get3A_2783 : i32 to index
    %get3A_2785 = arith.constant 48 : index
    %get3A_2786 = tpu.vector_load %arg7[%get3A_2784, %get3A_2785] {strides = array<i32>} : memref<8x128xf32, #tpu.memory_space<vmem>>, vector<1x16xf32>,
    %get3A_2787 = vector.shape_cast %get3A_2786 : vector<1x16xf32> to vector<16xf32>
    %get3A_2788 = arith.constant 304 : index
    %get3A_2789 = tpu.vector_load %arg9[%get3A_2788] {strides = array<i32>} : memref<1024xf32, #tpu.memory_space<vmem>>, vector<16xf32>,
    %get3A_2790 = vector.shape_cast %get3A_2789 : vector<16xf32> to vector<16xf32>
    %mul3A_2791 = arith.mulf %get3A_2787, %get3A_2790 : vector<16xf32>
    %add3A_2792 = arith.addf %add3A_2782, %mul3A_2791 : vector<16xf32>
    %get3A_2793 = arith.constant 2 : i32
    %get3A_2794 = arith.index_cast %get3A_2793 : i32 to index
    %get3A_2795 = arith.constant 64 : index
    %get3A_2796 = tpu.vector_load %arg7[%get3A_2794, %get3A_2795] {strides = array<i32>} : memref<8x128xf32, #tpu.memory_space<vmem>>, vector<1x16xf32>,
    %get3A_2797 = vector.shape_cast %get3A_2796 : vector<1x16xf32> to vector<16xf32>
    %get3A_2798 = arith.constant 320 : index
    %get3A_2799 = tpu.vector_load %arg9[%get3A_2798] {strides = array<i32>} : memref<1024xf32, #tpu.memory_space<vmem>>, vector<16xf32>,
    %get3A_2800 = vector.shape_cast %get3A_2799 : vector<16xf32> to vector<16xf32>
    %mul3A_2801 = arith.mulf %get3A_2797, %get3A_2800 : vector<16xf32>
    %add3A_2802 = arith.addf %add3A_2792, %mul3A_2801 : vector<16xf32>
    %get3A_2803 = arith.constant 2 : i32
    %get3A_2804 = arith.index_cast %get3A_2803 : i32 to index
    %get3A_2805 = arith.constant 80 : index
    %get3A_2806 = tpu.vector_load %arg7[%get3A_2804, %get3A_2805] {strides = array<i32>} : memref<8x128xf32, #tpu.memory_space<vmem>>, vector<1x16xf32>,
    %get3A_2807 = vector.shape_cast %get3A_2806 : vector<1x16xf32> to vector<16xf32>
    %get3A_2808 = arith.constant 336 : index
    %get3A_2809 = tpu.vector_load %arg9[%get3A_2808] {strides = array<i32>} : memref<1024xf32, #tpu.memory_space<vmem>>, vector<16xf32>,
    %get3A_2810 = vector.shape_cast %get3A_2809 : vector<16xf32> to vector<16xf32>
    %mul3A_2811 = arith.mulf %get3A_2807, %get3A_2810 : vector<16xf32>
    %add3A_2812 = arith.addf %add3A_2802, %mul3A_2811 : vector<16xf32>
    %get3A_2813 = arith.constant 2 : i32
    %get3A_2814 = arith.index_cast %get3A_2813 : i32 to index
    %get3A_2815 = arith.constant 96 : index
    %get3A_2816 = tpu.vector_load %arg7[%get3A_2814, %get3A_2815] {strides = array<i32>} : memref<8x128xf32, #tpu.memory_space<vmem>>, vector<1x16xf32>,
    %get3A_2817 = vector.shape_cast %get3A_2816 : vector<1x16xf32> to vector<16xf32>
    %get3A_2818 = arith.constant 352 : index
    %get3A_2819 = tpu.vector_load %arg9[%get3A_2818] {strides = array<i32>} : memref<1024xf32, #tpu.memory_space<vmem>>, vector<16xf32>,
    %get3A_2820 = vector.shape_cast %get3A_2819 : vector<16xf32> to vector<16xf32>
    %mul3A_2821 = arith.mulf %get3A_2817, %get3A_2820 : vector<16xf32>
    %add3A_2822 = arith.addf %add3A_2812, %mul3A_2821 : vector<16xf32>
    %get3A_2823 = arith.constant 2 : i32
    %get3A_2824 = arith.index_cast %get3A_2823 : i32 to index
    %get3A_2825 = arith.constant 112 : index
    %get3A_2826 = tpu.vector_load %arg7[%get3A_2824, %get3A_2825] {strides = array<i32>} : memref<8x128xf32, #tpu.memory_space<vmem>>, vector<1x16xf32>,
    %get3A_2827 = vector.shape_cast %get3A_2826 : vector<1x16xf32> to vector<16xf32>
    %get3A_2828 = arith.constant 368 : index
    %get3A_2829 = tpu.vector_load %arg9[%get3A_2828] {strides = array<i32>} : memref<1024xf32, #tpu.memory_space<vmem>>, vector<16xf32>,
    %get3A_2830 = vector.shape_cast %get3A_2829 : vector<16xf32> to vector<16xf32>
    %mul3A_2831 = arith.mulf %get3A_2827, %get3A_2830 : vector<16xf32>
    %add3A_2832 = arith.addf %add3A_2822, %mul3A_2831 : vector<16xf32>
    %get3A_2833 = arith.constant 3 : i32
    %get3A_2834 = arith.index_cast %get3A_2833 : i32 to index
    %get3A_2835 = arith.constant 0 : index
    %get3A_2836 = tpu.vector_load %arg7[%get3A_2834, %get3A_2835] {strides = array<i32>} : memref<8x128xf32, #tpu.memory_space<vmem>>, vector<1x16xf32>,
    %get3A_2837 = vector.shape_cast %get3A_2836 : vector<1x16xf32> to vector<16xf32>
    %get3A_2838 = arith.constant 384 : index
    %get3A_2839 = tpu.vector_load %arg9[%get3A_2838] {strides = array<i32>} : memref<1024xf32, #tpu.memory_space<vmem>>, vector<16xf32>,
    %get3A_2840 = vector.shape_cast %get3A_2839 : vector<16xf32> to vector<16xf32>
    %mul3A_2841 = arith.mulf %get3A_2837, %get3A_2840 : vector<16xf32>
    %add3A_2842 = arith.addf %add3A_2832, %mul3A_2841 : vector<16xf32>
    %get3A_2843 = arith.constant 3 : i32
    %get3A_2844 = arith.index_cast %get3A_2843 : i32 to index
    %get3A_2845 = arith.constant 16 : index
    %get3A_2846 = tpu.vector_load %arg7[%get3A_2844, %get3A_2845] {strides = array<i32>} : memref<8x128xf32, #tpu.memory_space<vmem>>, vector<1x16xf32>,
    %get3A_2847 = vector.shape_cast %get3A_2846 : vector<1x16xf32> to vector<16xf32>
    %get3A_2848 = arith.constant 400 : index
    %get3A_2849 = tpu.vector_load %arg9[%get3A_2848] {strides = array<i32>} : memref<1024xf32, #tpu.memory_space<vmem>>, vector<16xf32>,
    %get3A_2850 = vector.shape_cast %get3A_2849 : vector<16xf32> to vector<16xf32>
    %mul3A_2851 = arith.mulf %get3A_2847, %get3A_2850 : vector<16xf32>
    %add3A_2852 = arith.addf %add3A_2842, %mul3A_2851 : vector<16xf32>
    %get3A_2853 = arith.constant 3 : i32
    %get3A_2854 = arith.index_cast %get3A_2853 : i32 to index
    %get3A_2855 = arith.constant 32 : index
    %get3A_2856 = tpu.vector_load %arg7[%get3A_2854, %get3A_2855] {strides = array<i32>} : memref<8x128xf32, #tpu.memory_space<vmem>>, vector<1x16xf32>,
    %get3A_2857 = vector.shape_cast %get3A_2856 : vector<1x16xf32> to vector<16xf32>
    %get3A_2858 = arith.constant 416 : index
    %get3A_2859 = tpu.vector_load %arg9[%get3A_2858] {strides = array<i32>} : memref<1024xf32, #tpu.memory_space<vmem>>, vector<16xf32>,
    %get3A_2860 = vector.shape_cast %get3A_2859 : vector<16xf32> to vector<16xf32>
    %mul3A_2861 = arith.mulf %get3A_2857, %get3A_2860 : vector<16xf32>
    %add3A_2862 = arith.addf %add3A_2852, %mul3A_2861 : vector<16xf32>
    %get3A_2863 = arith.constant 3 : i32
    %get3A_2864 = arith.index_cast %get3A_2863 : i32 to index
    %get3A_2865 = arith.constant 48 : index
    %get3A_2866 = tpu.vector_load %arg7[%get3A_2864, %get3A_2865] {strides = array<i32>} : memref<8x128xf32, #tpu.memory_space<vmem>>, vector<1x16xf32>,
    %get3A_2867 = vector.shape_cast %get3A_2866 : vector<1x16xf32> to vector<16xf32>
    %get3A_2868 = arith.constant 432 : index
    %get3A_2869 = tpu.vector_load %arg9[%get3A_2868] {strides = array<i32>} : memref<1024xf32, #tpu.memory_space<vmem>>, vector<16xf32>,
    %get3A_2870 = vector.shape_cast %get3A_2869 : vector<16xf32> to vector<16xf32>
    %mul3A_2871 = arith.mulf %get3A_2867, %get3A_2870 : vector<16xf32>
    %add3A_2872 = arith.addf %add3A_2862, %mul3A_2871 : vector<16xf32>
    %get3A_2873 = arith.constant 3 : i32
    %get3A_2874 = arith.index_cast %get3A_2873 : i32 to index
    %get3A_2875 = arith.constant 64 : index
    %get3A_2876 = tpu.vector_load %arg7[%get3A_2874, %get3A_2875] {strides = array<i32>} : memref<8x128xf32, #tpu.memory_space<vmem>>, vector<1x16xf32>,
    %get3A_2877 = vector.shape_cast %get3A_2876 : vector<1x16xf32> to vector<16xf32>
    %get3A_2878 = arith.constant 448 : index
    %get3A_2879 = tpu.vector_load %arg9[%get3A_2878] {strides = array<i32>} : memref<1024xf32, #tpu.memory_space<vmem>>, vector<16xf32>,
    %get3A_2880 = vector.shape_cast %get3A_2879 : vector<16xf32> to vector<16xf32>
    %mul3A_2881 = arith.mulf %get3A_2877, %get3A_2880 : vector<16xf32>
    %add3A_2882 = arith.addf %add3A_2872, %mul3A_2881 : vector<16xf32>
    %get3A_2883 = arith.constant 3 : i32
    %get3A_2884 = arith.index_cast %get3A_2883 : i32 to index
    %get3A_2885 = arith.constant 80 : index
    %get3A_2886 = tpu.vector_load %arg7[%get3A_2884, %get3A_2885] {strides = array<i32>} : memref<8x128xf32, #tpu.memory_space<vmem>>, vector<1x16xf32>,
    %get3A_2887 = vector.shape_cast %get3A_2886 : vector<1x16xf32> to vector<16xf32>
    %get3A_2888 = arith.constant 464 : index
    %get3A_2889 = tpu.vector_load %arg9[%get3A_2888] {strides = array<i32>} : memref<1024xf32, #tpu.memory_space<vmem>>, vector<16xf32>,
    %get3A_2890 = vector.shape_cast %get3A_2889 : vector<16xf32> to vector<16xf32>
    %mul3A_2891 = arith.mulf %get3A_2887, %get3A_2890 : vector<16xf32>
    %add3A_2892 = arith.addf %add3A_2882, %mul3A_2891 : vector<16xf32>
    %get3A_2893 = arith.constant 3 : i32
    %get3A_2894 = arith.index_cast %get3A_2893 : i32 to index
    %get3A_2895 = arith.constant 96 : index
    %get3A_2896 = tpu.vector_load %arg7[%get3A_2894, %get3A_2895] {strides = array<i32>} : memref<8x128xf32, #tpu.memory_space<vmem>>, vector<1x16xf32>,
    %get3A_2897 = vector.shape_cast %get3A_2896 : vector<1x16xf32> to vector<16xf32>
    %get3A_2898 = arith.constant 480 : index
    %get3A_2899 = tpu.vector_load %arg9[%get3A_2898] {strides = array<i32>} : memref<1024xf32, #tpu.memory_space<vmem>>, vector<16xf32>,
    %get3A_2900 = vector.shape_cast %get3A_2899 : vector<16xf32> to vector<16xf32>
    %mul3A_2901 = arith.mulf %get3A_2897, %get3A_2900 : vector<16xf32>
    %add3A_2902 = arith.addf %add3A_2892, %mul3A_2901 : vector<16xf32>
    %get3A_2903 = arith.constant 3 : i32
    %get3A_2904 = arith.index_cast %get3A_2903 : i32 to index
    %get3A_2905 = arith.constant 112 : index
    %get3A_2906 = tpu.vector_load %arg7[%get3A_2904, %get3A_2905] {strides = array<i32>} : memref<8x128xf32, #tpu.memory_space<vmem>>, vector<1x16xf32>,
    %get3A_2907 = vector.shape_cast %get3A_2906 : vector<1x16xf32> to vector<16xf32>
    %get3A_2908 = arith.constant 496 : index
    %get3A_2909 = tpu.vector_load %arg9[%get3A_2908] {strides = array<i32>} : memref<1024xf32, #tpu.memory_space<vmem>>, vector<16xf32>,
    %get3A_2910 = vector.shape_cast %get3A_2909 : vector<16xf32> to vector<16xf32>
    %mul3A_2911 = arith.mulf %get3A_2907, %get3A_2910 : vector<16xf32>
    %add3A_2912 = arith.addf %add3A_2902, %mul3A_2911 : vector<16xf32>
    %get3A_2913 = arith.constant 4 : i32
    %get3A_2914 = arith.index_cast %get3A_2913 : i32 to index
    %get3A_2915 = arith.constant 0 : index
    %get3A_2916 = tpu.vector_load %arg7[%get3A_2914, %get3A_2915] {strides = array<i32>} : memref<8x128xf32, #tpu.memory_space<vmem>>, vector<1x16xf32>,
    %get3A_2917 = vector.shape_cast %get3A_2916 : vector<1x16xf32> to vector<16xf32>
    %get3A_2918 = arith.constant 512 : index
    %get3A_2919 = tpu.vector_load %arg9[%get3A_2918] {strides = array<i32>} : memref<1024xf32, #tpu.memory_space<vmem>>, vector<16xf32>,
    %get3A_2920 = vector.shape_cast %get3A_2919 : vector<16xf32> to vector<16xf32>
    %mul3A_2921 = arith.mulf %get3A_2917, %get3A_2920 : vector<16xf32>
    %add3A_2922 = arith.addf %add3A_2912, %mul3A_2921 : vector<16xf32>
    %get3A_2923 = arith.constant 4 : i32
    %get3A_2924 = arith.index_cast %get3A_2923 : i32 to index
    %get3A_2925 = arith.constant 16 : index
    %get3A_2926 = tpu.vector_load %arg7[%get3A_2924, %get3A_2925] {strides = array<i32>} : memref<8x128xf32, #tpu.memory_space<vmem>>, vector<1x16xf32>,
    %get3A_2927 = vector.shape_cast %get3A_2926 : vector<1x16xf32> to vector<16xf32>
    %get3A_2928 = arith.constant 528 : index
    %get3A_2929 = tpu.vector_load %arg9[%get3A_2928] {strides = array<i32>} : memref<1024xf32, #tpu.memory_space<vmem>>, vector<16xf32>,
    %get3A_2930 = vector.shape_cast %get3A_2929 : vector<16xf32> to vector<16xf32>
    %mul3A_2931 = arith.mulf %get3A_2927, %get3A_2930 : vector<16xf32>
    %add3A_2932 = arith.addf %add3A_2922, %mul3A_2931 : vector<16xf32>
    %get3A_2933 = arith.constant 4 : i32
    %get3A_2934 = arith.index_cast %get3A_2933 : i32 to index
    %get3A_2935 = arith.constant 32 : index
    %get3A_2936 = tpu.vector_load %arg7[%get3A_2934, %get3A_2935] {strides = array<i32>} : memref<8x128xf32, #tpu.memory_space<vmem>>, vector<1x16xf32>,
    %get3A_2937 = vector.shape_cast %get3A_2936 : vector<1x16xf32> to vector<16xf32>
    %get3A_2938 = arith.constant 544 : index
    %get3A_2939 = tpu.vector_load %arg9[%get3A_2938] {strides = array<i32>} : memref<1024xf32, #tpu.memory_space<vmem>>, vector<16xf32>,
    %get3A_2940 = vector.shape_cast %get3A_2939 : vector<16xf32> to vector<16xf32>
    %mul3A_2941 = arith.mulf %get3A_2937, %get3A_2940 : vector<16xf32>
    %add3A_2942 = arith.addf %add3A_2932, %mul3A_2941 : vector<16xf32>
    %get3A_2943 = arith.constant 4 : i32
    %get3A_2944 = arith.index_cast %get3A_2943 : i32 to index
    %get3A_2945 = arith.constant 48 : index
    %get3A_2946 = tpu.vector_load %arg7[%get3A_2944, %get3A_2945] {strides = array<i32>} : memref<8x128xf32, #tpu.memory_space<vmem>>, vector<1x16xf32>,
    %get3A_2947 = vector.shape_cast %get3A_2946 : vector<1x16xf32> to vector<16xf32>
    %get3A_2948 = arith.constant 560 : index
    %get3A_2949 = tpu.vector_load %arg9[%get3A_2948] {strides = array<i32>} : memref<1024xf32, #tpu.memory_space<vmem>>, vector<16xf32>,
    %get3A_2950 = vector.shape_cast %get3A_2949 : vector<16xf32> to vector<16xf32>
    %mul3A_2951 = arith.mulf %get3A_2947, %get3A_2950 : vector<16xf32>
    %add3A_2952 = arith.addf %add3A_2942, %mul3A_2951 : vector<16xf32>
    %get3A_2953 = arith.constant 4 : i32
    %get3A_2954 = arith.index_cast %get3A_2953 : i32 to index
    %get3A_2955 = arith.constant 64 : index
    %get3A_2956 = tpu.vector_load %arg7[%get3A_2954, %get3A_2955] {strides = array<i32>} : memref<8x128xf32, #tpu.memory_space<vmem>>, vector<1x16xf32>,
    %get3A_2957 = vector.shape_cast %get3A_2956 : vector<1x16xf32> to vector<16xf32>
    %get3A_2958 = arith.constant 576 : index
    %get3A_2959 = tpu.vector_load %arg9[%get3A_2958] {strides = array<i32>} : memref<1024xf32, #tpu.memory_space<vmem>>, vector<16xf32>,
    %get3A_2960 = vector.shape_cast %get3A_2959 : vector<16xf32> to vector<16xf32>
    %mul3A_2961 = arith.mulf %get3A_2957, %get3A_2960 : vector<16xf32>
    %add3A_2962 = arith.addf %add3A_2952, %mul3A_2961 : vector<16xf32>
    %get3A_2963 = arith.constant 4 : i32
    %get3A_2964 = arith.index_cast %get3A_2963 : i32 to index
    %get3A_2965 = arith.constant 80 : index
    %get3A_2966 = tpu.vector_load %arg7[%get3A_2964, %get3A_2965] {strides = array<i32>} : memref<8x128xf32, #tpu.memory_space<vmem>>, vector<1x16xf32>,
    %get3A_2967 = vector.shape_cast %get3A_2966 : vector<1x16xf32> to vector<16xf32>
    %get3A_2968 = arith.constant 592 : index
    %get3A_2969 = tpu.vector_load %arg9[%get3A_2968] {strides = array<i32>} : memref<1024xf32, #tpu.memory_space<vmem>>, vector<16xf32>,
    %get3A_2970 = vector.shape_cast %get3A_2969 : vector<16xf32> to vector<16xf32>
    %mul3A_2971 = arith.mulf %get3A_2967, %get3A_2970 : vector<16xf32>
    %add3A_2972 = arith.addf %add3A_2962, %mul3A_2971 : vector<16xf32>
    %get3A_2973 = arith.constant 4 : i32
    %get3A_2974 = arith.index_cast %get3A_2973 : i32 to index
    %get3A_2975 = arith.constant 96 : index
    %get3A_2976 = tpu.vector_load %arg7[%get3A_2974, %get3A_2975] {strides = array<i32>} : memref<8x128xf32, #tpu.memory_space<vmem>>, vector<1x16xf32>,
    %get3A_2977 = vector.shape_cast %get3A_2976 : vector<1x16xf32> to vector<16xf32>
    %get3A_2978 = arith.constant 608 : index
    %get3A_2979 = tpu.vector_load %arg9[%get3A_2978] {strides = array<i32>} : memref<1024xf32, #tpu.memory_space<vmem>>, vector<16xf32>,
    %get3A_2980 = vector.shape_cast %get3A_2979 : vector<16xf32> to vector<16xf32>
    %mul3A_2981 = arith.mulf %get3A_2977, %get3A_2980 : vector<16xf32>
    %add3A_2982 = arith.addf %add3A_2972, %mul3A_2981 : vector<16xf32>
    %get3A_2983 = arith.constant 4 : i32
    %get3A_2984 = arith.index_cast %get3A_2983 : i32 to index
    %get3A_2985 = arith.constant 112 : index
    %get3A_2986 = tpu.vector_load %arg7[%get3A_2984, %get3A_2985] {strides = array<i32>} : memref<8x128xf32, #tpu.memory_space<vmem>>, vector<1x16xf32>,
    %get3A_2987 = vector.shape_cast %get3A_2986 : vector<1x16xf32> to vector<16xf32>
    %get3A_2988 = arith.constant 624 : index
    %get3A_2989 = tpu.vector_load %arg9[%get3A_2988] {strides = array<i32>} : memref<1024xf32, #tpu.memory_space<vmem>>, vector<16xf32>,
    %get3A_2990 = vector.shape_cast %get3A_2989 : vector<16xf32> to vector<16xf32>
    %mul3A_2991 = arith.mulf %get3A_2987, %get3A_2990 : vector<16xf32>
    %add3A_2992 = arith.addf %add3A_2982, %mul3A_2991 : vector<16xf32>
    %get3A_2993 = arith.constant 5 : i32
    %get3A_2994 = arith.index_cast %get3A_2993 : i32 to index
    %get3A_2995 = arith.constant 0 : index
    %get3A_2996 = tpu.vector_load %arg7[%get3A_2994, %get3A_2995] {strides = array<i32>} : memref<8x128xf32, #tpu.memory_space<vmem>>, vector<1x16xf32>,
    %get3A_2997 = vector.shape_cast %get3A_2996 : vector<1x16xf32> to vector<16xf32>
    %get3A_2998 = arith.constant 640 : index
    %get3A_2999 = tpu.vector_load %arg9[%get3A_2998] {strides = array<i32>} : memref<1024xf32, #tpu.memory_space<vmem>>, vector<16xf32>,
    %get3A_3000 = vector.shape_cast %get3A_2999 : vector<16xf32> to vector<16xf32>
    %mul3A_3001 = arith.mulf %get3A_2997, %get3A_3000 : vector<16xf32>
    %add3A_3002 = arith.addf %add3A_2992, %mul3A_3001 : vector<16xf32>
    %get3A_3003 = arith.constant 5 : i32
    %get3A_3004 = arith.index_cast %get3A_3003 : i32 to index
    %get3A_3005 = arith.constant 16 : index
    %get3A_3006 = tpu.vector_load %arg7[%get3A_3004, %get3A_3005] {strides = array<i32>} : memref<8x128xf32, #tpu.memory_space<vmem>>, vector<1x16xf32>,
    %get3A_3007 = vector.shape_cast %get3A_3006 : vector<1x16xf32> to vector<16xf32>
    %get3A_3008 = arith.constant 656 : index
    %get3A_3009 = tpu.vector_load %arg9[%get3A_3008] {strides = array<i32>} : memref<1024xf32, #tpu.memory_space<vmem>>, vector<16xf32>,
    %get3A_3010 = vector.shape_cast %get3A_3009 : vector<16xf32> to vector<16xf32>
    %mul3A_3011 = arith.mulf %get3A_3007, %get3A_3010 : vector<16xf32>
    %add3A_3012 = arith.addf %add3A_3002, %mul3A_3011 : vector<16xf32>
    %get3A_3013 = arith.constant 5 : i32
    %get3A_3014 = arith.index_cast %get3A_3013 : i32 to index
    %get3A_3015 = arith.constant 32 : index
    %get3A_3016 = tpu.vector_load %arg7[%get3A_3014, %get3A_3015] {strides = array<i32>} : memref<8x128xf32, #tpu.memory_space<vmem>>, vector<1x16xf32>,
    %get3A_3017 = vector.shape_cast %get3A_3016 : vector<1x16xf32> to vector<16xf32>
    %get3A_3018 = arith.constant 672 : index
    %get3A_3019 = tpu.vector_load %arg9[%get3A_3018] {strides = array<i32>} : memref<1024xf32, #tpu.memory_space<vmem>>, vector<16xf32>,
    %get3A_3020 = vector.shape_cast %get3A_3019 : vector<16xf32> to vector<16xf32>
    %mul3A_3021 = arith.mulf %get3A_3017, %get3A_3020 : vector<16xf32>
    %add3A_3022 = arith.addf %add3A_3012, %mul3A_3021 : vector<16xf32>
    %get3A_3023 = arith.constant 5 : i32
    %get3A_3024 = arith.index_cast %get3A_3023 : i32 to index
    %get3A_3025 = arith.constant 48 : index
    %get3A_3026 = tpu.vector_load %arg7[%get3A_3024, %get3A_3025] {strides = array<i32>} : memref<8x128xf32, #tpu.memory_space<vmem>>, vector<1x16xf32>,
    %get3A_3027 = vector.shape_cast %get3A_3026 : vector<1x16xf32> to vector<16xf32>
    %get3A_3028 = arith.constant 688 : index
    %get3A_3029 = tpu.vector_load %arg9[%get3A_3028] {strides = array<i32>} : memref<1024xf32, #tpu.memory_space<vmem>>, vector<16xf32>,
    %get3A_3030 = vector.shape_cast %get3A_3029 : vector<16xf32> to vector<16xf32>
    %mul3A_3031 = arith.mulf %get3A_3027, %get3A_3030 : vector<16xf32>
    %add3A_3032 = arith.addf %add3A_3022, %mul3A_3031 : vector<16xf32>
    %get3A_3033 = arith.constant 5 : i32
    %get3A_3034 = arith.index_cast %get3A_3033 : i32 to index
    %get3A_3035 = arith.constant 64 : index
    %get3A_3036 = tpu.vector_load %arg7[%get3A_3034, %get3A_3035] {strides = array<i32>} : memref<8x128xf32, #tpu.memory_space<vmem>>, vector<1x16xf32>,
    %get3A_3037 = vector.shape_cast %get3A_3036 : vector<1x16xf32> to vector<16xf32>
    %get3A_3038 = arith.constant 704 : index
    %get3A_3039 = tpu.vector_load %arg9[%get3A_3038] {strides = array<i32>} : memref<1024xf32, #tpu.memory_space<vmem>>, vector<16xf32>,
    %get3A_3040 = vector.shape_cast %get3A_3039 : vector<16xf32> to vector<16xf32>
    %mul3A_3041 = arith.mulf %get3A_3037, %get3A_3040 : vector<16xf32>
    %add3A_3042 = arith.addf %add3A_3032, %mul3A_3041 : vector<16xf32>
    %get3A_3043 = arith.constant 5 : i32
    %get3A_3044 = arith.index_cast %get3A_3043 : i32 to index
    %get3A_3045 = arith.constant 80 : index
    %get3A_3046 = tpu.vector_load %arg7[%get3A_3044, %get3A_3045] {strides = array<i32>} : memref<8x128xf32, #tpu.memory_space<vmem>>, vector<1x16xf32>,
    %get3A_3047 = vector.shape_cast %get3A_3046 : vector<1x16xf32> to vector<16xf32>
    %get3A_3048 = arith.constant 720 : index
    %get3A_3049 = tpu.vector_load %arg9[%get3A_3048] {strides = array<i32>} : memref<1024xf32, #tpu.memory_space<vmem>>, vector<16xf32>,
    %get3A_3050 = vector.shape_cast %get3A_3049 : vector<16xf32> to vector<16xf32>
    %mul3A_3051 = arith.mulf %get3A_3047, %get3A_3050 : vector<16xf32>
    %add3A_3052 = arith.addf %add3A_3042, %mul3A_3051 : vector<16xf32>
    %get3A_3053 = arith.constant 5 : i32
    %get3A_3054 = arith.index_cast %get3A_3053 : i32 to index
    %get3A_3055 = arith.constant 96 : index
    %get3A_3056 = tpu.vector_load %arg7[%get3A_3054, %get3A_3055] {strides = array<i32>} : memref<8x128xf32, #tpu.memory_space<vmem>>, vector<1x16xf32>,
    %get3A_3057 = vector.shape_cast %get3A_3056 : vector<1x16xf32> to vector<16xf32>
    %get3A_3058 = arith.constant 736 : index
    %get3A_3059 = tpu.vector_load %arg9[%get3A_3058] {strides = array<i32>} : memref<1024xf32, #tpu.memory_space<vmem>>, vector<16xf32>,
    %get3A_3060 = vector.shape_cast %get3A_3059 : vector<16xf32> to vector<16xf32>
    %mul3A_3061 = arith.mulf %get3A_3057, %get3A_3060 : vector<16xf32>
    %add3A_3062 = arith.addf %add3A_3052, %mul3A_3061 : vector<16xf32>
    %get3A_3063 = arith.constant 5 : i32
    %get3A_3064 = arith.index_cast %get3A_3063 : i32 to index
    %get3A_3065 = arith.constant 112 : index
    %get3A_3066 = tpu.vector_load %arg7[%get3A_3064, %get3A_3065] {strides = array<i32>} : memref<8x128xf32, #tpu.memory_space<vmem>>, vector<1x16xf32>,
    %get3A_3067 = vector.shape_cast %get3A_3066 : vector<1x16xf32> to vector<16xf32>
    %get3A_3068 = arith.constant 752 : index
    %get3A_3069 = tpu.vector_load %arg9[%get3A_3068] {strides = array<i32>} : memref<1024xf32, #tpu.memory_space<vmem>>, vector<16xf32>,
    %get3A_3070 = vector.shape_cast %get3A_3069 : vector<16xf32> to vector<16xf32>
    %mul3A_3071 = arith.mulf %get3A_3067, %get3A_3070 : vector<16xf32>
    %add3A_3072 = arith.addf %add3A_3062, %mul3A_3071 : vector<16xf32>
    %get3A_3073 = arith.constant 6 : i32
    %get3A_3074 = arith.index_cast %get3A_3073 : i32 to index
    %get3A_3075 = arith.constant 0 : index
    %get3A_3076 = tpu.vector_load %arg7[%get3A_3074, %get3A_3075] {strides = array<i32>} : memref<8x128xf32, #tpu.memory_space<vmem>>, vector<1x16xf32>,
    %get3A_3077 = vector.shape_cast %get3A_3076 : vector<1x16xf32> to vector<16xf32>
    %get3A_3078 = arith.constant 768 : index
    %get3A_3079 = tpu.vector_load %arg9[%get3A_3078] {strides = array<i32>} : memref<1024xf32, #tpu.memory_space<vmem>>, vector<16xf32>,
    %get3A_3080 = vector.shape_cast %get3A_3079 : vector<16xf32> to vector<16xf32>
    %mul3A_3081 = arith.mulf %get3A_3077, %get3A_3080 : vector<16xf32>
    %add3A_3082 = arith.addf %add3A_3072, %mul3A_3081 : vector<16xf32>
    %get3A_3083 = arith.constant 6 : i32
    %get3A_3084 = arith.index_cast %get3A_3083 : i32 to index
    %get3A_3085 = arith.constant 16 : index
    %get3A_3086 = tpu.vector_load %arg7[%get3A_3084, %get3A_3085] {strides = array<i32>} : memref<8x128xf32, #tpu.memory_space<vmem>>, vector<1x16xf32>,
    %get3A_3087 = vector.shape_cast %get3A_3086 : vector<1x16xf32> to vector<16xf32>
    %get3A_3088 = arith.constant 784 : index
    %get3A_3089 = tpu.vector_load %arg9[%get3A_3088] {strides = array<i32>} : memref<1024xf32, #tpu.memory_space<vmem>>, vector<16xf32>,
    %get3A_3090 = vector.shape_cast %get3A_3089 : vector<16xf32> to vector<16xf32>
    %mul3A_3091 = arith.mulf %get3A_3087, %get3A_3090 : vector<16xf32>
    %add3A_3092 = arith.addf %add3A_3082, %mul3A_3091 : vector<16xf32>
    %get3A_3093 = arith.constant 6 : i32
    %get3A_3094 = arith.index_cast %get3A_3093 : i32 to index
    %get3A_3095 = arith.constant 32 : index
    %get3A_3096 = tpu.vector_load %arg7[%get3A_3094, %get3A_3095] {strides = array<i32>} : memref<8x128xf32, #tpu.memory_space<vmem>>, vector<1x16xf32>,
    %get3A_3097 = vector.shape_cast %get3A_3096 : vector<1x16xf32> to vector<16xf32>
    %get3A_3098 = arith.constant 800 : index
    %get3A_3099 = tpu.vector_load %arg9[%get3A_3098] {strides = array<i32>} : memref<1024xf32, #tpu.memory_space<vmem>>, vector<16xf32>,
    %get3A_3100 = vector.shape_cast %get3A_3099 : vector<16xf32> to vector<16xf32>
    %mul3A_3101 = arith.mulf %get3A_3097, %get3A_3100 : vector<16xf32>
    %add3A_3102 = arith.addf %add3A_3092, %mul3A_3101 : vector<16xf32>
    %get3A_3103 = arith.constant 6 : i32
    %get3A_3104 = arith.index_cast %get3A_3103 : i32 to index
    %get3A_3105 = arith.constant 48 : index
    %get3A_3106 = tpu.vector_load %arg7[%get3A_3104, %get3A_3105] {strides = array<i32>} : memref<8x128xf32, #tpu.memory_space<vmem>>, vector<1x16xf32>,
    %get3A_3107 = vector.shape_cast %get3A_3106 : vector<1x16xf32> to vector<16xf32>
    %get3A_3108 = arith.constant 816 : index
    %get3A_3109 = tpu.vector_load %arg9[%get3A_3108] {strides = array<i32>} : memref<1024xf32, #tpu.memory_space<vmem>>, vector<16xf32>,
    %get3A_3110 = vector.shape_cast %get3A_3109 : vector<16xf32> to vector<16xf32>
    %mul3A_3111 = arith.mulf %get3A_3107, %get3A_3110 : vector<16xf32>
    %add3A_3112 = arith.addf %add3A_3102, %mul3A_3111 : vector<16xf32>
    %get3A_3113 = arith.constant 6 : i32
    %get3A_3114 = arith.index_cast %get3A_3113 : i32 to index
    %get3A_3115 = arith.constant 64 : index
    %get3A_3116 = tpu.vector_load %arg7[%get3A_3114, %get3A_3115] {strides = array<i32>} : memref<8x128xf32, #tpu.memory_space<vmem>>, vector<1x16xf32>,
    %get3A_3117 = vector.shape_cast %get3A_3116 : vector<1x16xf32> to vector<16xf32>
    %get3A_3118 = arith.constant 832 : index
    %get3A_3119 = tpu.vector_load %arg9[%get3A_3118] {strides = array<i32>} : memref<1024xf32, #tpu.memory_space<vmem>>, vector<16xf32>,
    %get3A_3120 = vector.shape_cast %get3A_3119 : vector<16xf32> to vector<16xf32>
    %mul3A_3121 = arith.mulf %get3A_3117, %get3A_3120 : vector<16xf32>
    %add3A_3122 = arith.addf %add3A_3112, %mul3A_3121 : vector<16xf32>
    %get3A_3123 = arith.constant 6 : i32
    %get3A_3124 = arith.index_cast %get3A_3123 : i32 to index
    %get3A_3125 = arith.constant 80 : index
    %get3A_3126 = tpu.vector_load %arg7[%get3A_3124, %get3A_3125] {strides = array<i32>} : memref<8x128xf32, #tpu.memory_space<vmem>>, vector<1x16xf32>,
    %get3A_3127 = vector.shape_cast %get3A_3126 : vector<1x16xf32> to vector<16xf32>
    %get3A_3128 = arith.constant 848 : index
    %get3A_3129 = tpu.vector_load %arg9[%get3A_3128] {strides = array<i32>} : memref<1024xf32, #tpu.memory_space<vmem>>, vector<16xf32>,
    %get3A_3130 = vector.shape_cast %get3A_3129 : vector<16xf32> to vector<16xf32>
    %mul3A_3131 = arith.mulf %get3A_3127, %get3A_3130 : vector<16xf32>
    %add3A_3132 = arith.addf %add3A_3122, %mul3A_3131 : vector<16xf32>
    %get3A_3133 = arith.constant 6 : i32
    %get3A_3134 = arith.index_cast %get3A_3133 : i32 to index
    %get3A_3135 = arith.constant 96 : index
    %get3A_3136 = tpu.vector_load %arg7[%get3A_3134, %get3A_3135] {strides = array<i32>} : memref<8x128xf32, #tpu.memory_space<vmem>>, vector<1x16xf32>,
    %get3A_3137 = vector.shape_cast %get3A_3136 : vector<1x16xf32> to vector<16xf32>
    %get3A_3138 = arith.constant 864 : index
    %get3A_3139 = tpu.vector_load %arg9[%get3A_3138] {strides = array<i32>} : memref<1024xf32, #tpu.memory_space<vmem>>, vector<16xf32>,
    %get3A_3140 = vector.shape_cast %get3A_3139 : vector<16xf32> to vector<16xf32>
    %mul3A_3141 = arith.mulf %get3A_3137, %get3A_3140 : vector<16xf32>
    %add3A_3142 = arith.addf %add3A_3132, %mul3A_3141 : vector<16xf32>
    %get3A_3143 = arith.constant 6 : i32
    %get3A_3144 = arith.index_cast %get3A_3143 : i32 to index
    %get3A_3145 = arith.constant 112 : index
    %get3A_3146 = tpu.vector_load %arg7[%get3A_3144, %get3A_3145] {strides = array<i32>} : memref<8x128xf32, #tpu.memory_space<vmem>>, vector<1x16xf32>,
    %get3A_3147 = vector.shape_cast %get3A_3146 : vector<1x16xf32> to vector<16xf32>
    %get3A_3148 = arith.constant 880 : index
    %get3A_3149 = tpu.vector_load %arg9[%get3A_3148] {strides = array<i32>} : memref<1024xf32, #tpu.memory_space<vmem>>, vector<16xf32>,
    %get3A_3150 = vector.shape_cast %get3A_3149 : vector<16xf32> to vector<16xf32>
    %mul3A_3151 = arith.mulf %get3A_3147, %get3A_3150 : vector<16xf32>
    %add3A_3152 = arith.addf %add3A_3142, %mul3A_3151 : vector<16xf32>
    %get3A_3153 = arith.constant 7 : i32
    %get3A_3154 = arith.index_cast %get3A_3153 : i32 to index
    %get3A_3155 = arith.constant 0 : index
    %get3A_3156 = tpu.vector_load %arg7[%get3A_3154, %get3A_3155] {strides = array<i32>} : memref<8x128xf32, #tpu.memory_space<vmem>>, vector<1x16xf32>,
    %get3A_3157 = vector.shape_cast %get3A_3156 : vector<1x16xf32> to vector<16xf32>
    %get3A_3158 = arith.constant 896 : index
    %get3A_3159 = tpu.vector_load %arg9[%get3A_3158] {strides = array<i32>} : memref<1024xf32, #tpu.memory_space<vmem>>, vector<16xf32>,
    %get3A_3160 = vector.shape_cast %get3A_3159 : vector<16xf32> to vector<16xf32>
    %mul3A_3161 = arith.mulf %get3A_3157, %get3A_3160 : vector<16xf32>
    %add3A_3162 = arith.addf %add3A_3152, %mul3A_3161 : vector<16xf32>
    %get3A_3163 = arith.constant 7 : i32
    %get3A_3164 = arith.index_cast %get3A_3163 : i32 to index
    %get3A_3165 = arith.constant 16 : index
    %get3A_3166 = tpu.vector_load %arg7[%get3A_3164, %get3A_3165] {strides = array<i32>} : memref<8x128xf32, #tpu.memory_space<vmem>>, vector<1x16xf32>,
    %get3A_3167 = vector.shape_cast %get3A_3166 : vector<1x16xf32> to vector<16xf32>
    %get3A_3168 = arith.constant 912 : index
    %get3A_3169 = tpu.vector_load %arg9[%get3A_3168] {strides = array<i32>} : memref<1024xf32, #tpu.memory_space<vmem>>, vector<16xf32>,
    %get3A_3170 = vector.shape_cast %get3A_3169 : vector<16xf32> to vector<16xf32>
    %mul3A_3171 = arith.mulf %get3A_3167, %get3A_3170 : vector<16xf32>
    %add3A_3172 = arith.addf %add3A_3162, %mul3A_3171 : vector<16xf32>
    %get3A_3173 = arith.constant 7 : i32
    %get3A_3174 = arith.index_cast %get3A_3173 : i32 to index
    %get3A_3175 = arith.constant 32 : index
    %get3A_3176 = tpu.vector_load %arg7[%get3A_3174, %get3A_3175] {strides = array<i32>} : memref<8x128xf32, #tpu.memory_space<vmem>>, vector<1x16xf32>,
    %get3A_3177 = vector.shape_cast %get3A_3176 : vector<1x16xf32> to vector<16xf32>
    %get3A_3178 = arith.constant 928 : index
    %get3A_3179 = tpu.vector_load %arg9[%get3A_3178] {strides = array<i32>} : memref<1024xf32, #tpu.memory_space<vmem>>, vector<16xf32>,
    %get3A_3180 = vector.shape_cast %get3A_3179 : vector<16xf32> to vector<16xf32>
    %mul3A_3181 = arith.mulf %get3A_3177, %get3A_3180 : vector<16xf32>
    %add3A_3182 = arith.addf %add3A_3172, %mul3A_3181 : vector<16xf32>
    %get3A_3183 = arith.constant 7 : i32
    %get3A_3184 = arith.index_cast %get3A_3183 : i32 to index
    %get3A_3185 = arith.constant 48 : index
    %get3A_3186 = tpu.vector_load %arg7[%get3A_3184, %get3A_3185] {strides = array<i32>} : memref<8x128xf32, #tpu.memory_space<vmem>>, vector<1x16xf32>,
    %get3A_3187 = vector.shape_cast %get3A_3186 : vector<1x16xf32> to vector<16xf32>
    %get3A_3188 = arith.constant 944 : index
    %get3A_3189 = tpu.vector_load %arg9[%get3A_3188] {strides = array<i32>} : memref<1024xf32, #tpu.memory_space<vmem>>, vector<16xf32>,
    %get3A_3190 = vector.shape_cast %get3A_3189 : vector<16xf32> to vector<16xf32>
    %mul3A_3191 = arith.mulf %get3A_3187, %get3A_3190 : vector<16xf32>
    %add3A_3192 = arith.addf %add3A_3182, %mul3A_3191 : vector<16xf32>
    %get3A_3193 = arith.constant 7 : i32
    %get3A_3194 = arith.index_cast %get3A_3193 : i32 to index
    %get3A_3195 = arith.constant 64 : index
    %get3A_3196 = tpu.vector_load %arg7[%get3A_3194, %get3A_3195] {strides = array<i32>} : memref<8x128xf32, #tpu.memory_space<vmem>>, vector<1x16xf32>,
    %get3A_3197 = vector.shape_cast %get3A_3196 : vector<1x16xf32> to vector<16xf32>
    %get3A_3198 = arith.constant 960 : index
    %get3A_3199 = tpu.vector_load %arg9[%get3A_3198] {strides = array<i32>} : memref<1024xf32, #tpu.memory_space<vmem>>, vector<16xf32>,
    %get3A_3200 = vector.shape_cast %get3A_3199 : vector<16xf32> to vector<16xf32>
    %mul3A_3201 = arith.mulf %get3A_3197, %get3A_3200 : vector<16xf32>
    %add3A_3202 = arith.addf %add3A_3192, %mul3A_3201 : vector<16xf32>
    %get3A_3203 = arith.constant 7 : i32
    %get3A_3204 = arith.index_cast %get3A_3203 : i32 to index
    %get3A_3205 = arith.constant 80 : index
    %get3A_3206 = tpu.vector_load %arg7[%get3A_3204, %get3A_3205] {strides = array<i32>} : memref<8x128xf32, #tpu.memory_space<vmem>>, vector<1x16xf32>,
    %get3A_3207 = vector.shape_cast %get3A_3206 : vector<1x16xf32> to vector<16xf32>
    %get3A_3208 = arith.constant 976 : index
    %get3A_3209 = tpu.vector_load %arg9[%get3A_3208] {strides = array<i32>} : memref<1024xf32, #tpu.memory_space<vmem>>, vector<16xf32>,
    %get3A_3210 = vector.shape_cast %get3A_3209 : vector<16xf32> to vector<16xf32>
    %mul3A_3211 = arith.mulf %get3A_3207, %get3A_3210 : vector<16xf32>
    %add3A_3212 = arith.addf %add3A_3202, %mul3A_3211 : vector<16xf32>
    %get3A_3213 = arith.constant 7 : i32
    %get3A_3214 = arith.index_cast %get3A_3213 : i32 to index
    %get3A_3215 = arith.constant 96 : index
    %get3A_3216 = tpu.vector_load %arg7[%get3A_3214, %get3A_3215] {strides = array<i32>} : memref<8x128xf32, #tpu.memory_space<vmem>>, vector<1x16xf32>,
    %get3A_3217 = vector.shape_cast %get3A_3216 : vector<1x16xf32> to vector<16xf32>
    %get3A_3218 = arith.constant 992 : index
    %get3A_3219 = tpu.vector_load %arg9[%get3A_3218] {strides = array<i32>} : memref<1024xf32, #tpu.memory_space<vmem>>, vector<16xf32>,
    %get3A_3220 = vector.shape_cast %get3A_3219 : vector<16xf32> to vector<16xf32>
    %mul3A_3221 = arith.mulf %get3A_3217, %get3A_3220 : vector<16xf32>
    %add3A_3222 = arith.addf %add3A_3212, %mul3A_3221 : vector<16xf32>
    %get3A_3223 = arith.constant 7 : i32
    %get3A_3224 = arith.index_cast %get3A_3223 : i32 to index
    %get3A_3225 = arith.constant 112 : index
    %get3A_3226 = tpu.vector_load %arg7[%get3A_3224, %get3A_3225] {strides = array<i32>} : memref<8x128xf32, #tpu.memory_space<vmem>>, vector<1x16xf32>,
    %get3A_3227 = vector.shape_cast %get3A_3226 : vector<1x16xf32> to vector<16xf32>
    %get3A_3228 = arith.constant 1008 : index
    %get3A_3229 = tpu.vector_load %arg9[%get3A_3228] {strides = array<i32>} : memref<1024xf32, #tpu.memory_space<vmem>>, vector<16xf32>,
    %get3A_3230 = vector.shape_cast %get3A_3229 : vector<16xf32> to vector<16xf32>
    %mul3A_3231 = arith.mulf %get3A_3227, %get3A_3230 : vector<16xf32>
    %add3A_3232 = arith.addf %add3A_3222, %mul3A_3231 : vector<16xf32>
    %swap3A_3233 = arith.constant 0 : index
    %swap3A_3234 = tpu.vector_load %arg10[%swap3A_3233] {strides = array<i32>} : memref<16xf32, #tpu.memory_space<vmem>>, vector<16xf32>,
    %swap3A_3235 = vector.shape_cast %swap3A_3234 : vector<16xf32> to vector<16xf32>
    %swap3A_3236 = vector.shape_cast %add3A_3232 : vector<16xf32> to vector<16xf32>
    tpu.vector_store %arg10[%swap3A_3233], %swap3A_3236 {strides = array<i32>} : memref<16xf32, #tpu.memory_space<vmem>>, vector<16xf32>,
    "tpu.region"() ({
      %run_scoped3A = tpu.sem_alloc : memref<!tpu.dma_semaphore, #tpu.memory_space<semaphore_mem>>
      %dma_start3A_3237 = arith.constant 0 : i32
      %dma_start3A_3238 = tpu.memref_slice %arg5[%arg1, %dma_start3A_3237] : memref<16x16xf32, #tpu.memory_space<hbm>> -> memref<1x16xf32, #tpu.memory_space<hbm>>
      %dma_start3A_3239 = tpu.memref_squeeze %dma_start3A_3238 : memref<1x16xf32, #tpu.memory_space<hbm>> -> memref<16xf32, #tpu.memory_space<hbm>>
      %dma_start3A_3240 = arith.constant 0 : i32
      %dma_start3A_3241 = tpu.memref_slice %arg5[%arg1, %dma_start3A_3240] : memref<16x16xf32, #tpu.memory_space<hbm>> -> memref<1x16xf32, #tpu.memory_space<hbm>>
      %dma_start3A_3242 = tpu.memref_squeeze %dma_start3A_3241 : memref<1x16xf32, #tpu.memory_space<hbm>> -> memref<16xf32, #tpu.memory_space<hbm>>
      tpu.enqueue_dma source(%arg10 : memref<16xf32, #tpu.memory_space<vmem>>) target(%dma_start3A_3242 : memref<16xf32, #tpu.memory_space<hbm>>) target_semaphore(%run_scoped3A : memref<!tpu.dma_semaphore, #tpu.memory_space<semaphore_mem>>)
      %dma_wait3A_3243 = arith.constant 0 : i32
      %dma_wait3A_3244 = tpu.memref_slice %arg5[%arg1, %dma_wait3A_3243] : memref<16x16xf32, #tpu.memory_space<hbm>> -> memref<1x16xf32, #tpu.memory_space<hbm>>
      %dma_wait3A_3245 = tpu.memref_squeeze %dma_wait3A_3244 : memref<1x16xf32, #tpu.memory_space<hbm>> -> memref<16xf32, #tpu.memory_space<hbm>>
      %dma_wait3A_3246 = arith.constant 0 : i32
      %dma_wait3A_3247 = tpu.memref_slice %arg5[%arg1, %dma_wait3A_3246] : memref<16x16xf32, #tpu.memory_space<hbm>> -> memref<1x16xf32, #tpu.memory_space<hbm>>
      %dma_wait3A_3248 = tpu.memref_squeeze %dma_wait3A_3247 : memref<1x16xf32, #tpu.memory_space<hbm>> -> memref<16xf32, #tpu.memory_space<hbm>>
      tpu.wait_dma2 semaphore(%run_scoped3A : memref<!tpu.dma_semaphore, #tpu.memory_space<semaphore_mem>>) src(%arg10 : memref<16xf32, #tpu.memory_space<vmem>>) dst(%dma_wait3A_3248 : memref<16xf32, #tpu.memory_space<hbm>>)
      tpu.yield
    }) : () -> ()
    return
  }
}

module attributes {stable_mosaic.version = 14 : i64} {
  func.func @_reduce_tc_body(%arg0: memref<16x16xf32, #tpu.memory_space<any>>, %arg1: memref<1x1xf32, #tpu.memory_space<smem>>, %arg2: memref<16x16xf32, #tpu.memory_space<vmem>>, %arg3: memref<!tpu.dma_semaphore, #tpu.memory_space<semaphore_mem>>) attributes {dimension_semantics = [], scalar_prefetch = 0 : i64, scratch_operands = 2 : i64, tpu.core_type = #tpu.core_type<tc>} {
    tpu.enqueue_dma source(%arg0 : memref<16x16xf32, #tpu.memory_space<any>>) target(%arg2 : memref<16x16xf32, #tpu.memory_space<vmem>>) target_semaphore(%arg3 : memref<!tpu.dma_semaphore, #tpu.memory_space<semaphore_mem>>)
    tpu.wait_dma2 semaphore(%arg3 : memref<!tpu.dma_semaphore, #tpu.memory_space<semaphore_mem>>) src(%arg0 : memref<16x16xf32, #tpu.memory_space<any>>) dst(%arg2 : memref<16x16xf32, #tpu.memory_space<vmem>>)
    %get3A = arith.constant 0 : index
    %get3A_0 = arith.constant 0 : index
    %get3A_1 = vector.load %arg2[%get3A, %get3A_0] : memref<16x16xf32, #tpu.memory_space<vmem>>, vector<16x16xf32>
    %reduce_sum3A = vector.shape_cast %get3A_1 : vector<16x16xf32> to vector<1x16x16xf32>
    %reduce_sum3A_2 = arith.constant dense<0.000000e+00> : vector<1xf32>
    %reduce_sum3A_3 = vector.multi_reduction <add>, %reduce_sum3A, %reduce_sum3A_2 [1, 2] : vector<1x16x16xf32> to vector<1xf32>
    %reduce_sum3A_4 = vector.shape_cast %reduce_sum3A_3 : vector<1xf32> to vector<1x1x1xf32>
    %reduce_sum3A_5 = vector.extract %reduce_sum3A_4[0, 0, 0] : f32 from vector<1x1x1xf32>
    %neg3A = arith.constant 0.000000e+00 : f32
    %neg3A_6 = arith.subf %neg3A, %reduce_sum3A_5 : f32
    %swap3A = arith.constant 0 : index
    %swap3A_7 = arith.constant 0 : index
    %swap3A_8 = memref.load %arg1[%swap3A, %swap3A_7] : memref<1x1xf32, #tpu.memory_space<smem>>
    memref.store %neg3A_6, %arg1[%swap3A, %swap3A_7] : memref<1x1xf32, #tpu.memory_space<smem>>
    return
  }
}

</mosaic_0001>

<sc_bundles>
// kernel: kernel.4.cloned.1.call-start
scs
__scs_entry_jumppad:
0x0: {  	(pc) =	sbr.rel $0x88, $3  }
0x1: {  	(tag) =	ssettag $0x0;
	lr =	simm.s32 $0x1  }
0x2: {  	[smem:$0x3F9E] =	sst lr;
	_ =	strace $0xD0000000  }
0x3: {  	_ = 	snop  }
0x4: {  	_ = 	snop  }
0x5: {  	_ = 	snop  }
0x6: {  	_ = 	snop  }
0x7: {  	_ = 	snop  }
__scs_overlays_trampoline_lowered:
0x8: {  	[smem:$0x3FAD] =	sst s0  }
0x9: {  	[smem:$0x3FAE] =	sst s1  }
0xa: {  	[smem:$0x3FAF] =	sst s2  }
0xb: {  	[smem:$0x3FB0] =	sst s3  }
0xc: {  	[smem:$0x3FB1] =	sst s4  }
0xd: {  	[smem:$0x3FB2] =	sst s5  }
0xe: {  	[smem:$0x3FB3] =	sst s6  }
0xf: {  	[smem:$0x3FB4] =	sst s7  }
0x10: {  	[smem:$0x3FB5] =	sst s8  }
0x11: {  	[smem:$0x3FB6] =	sst s9;
	s0 =	simm.s32 @!p0 $0x0  }
0x12: {  	s1 =	sld [smem:$0x3F9C];
	s0 =	simm.s32 @p0 $0x1  }
0x13: {  	[smem:$0x3FB7] =	sst s0;
	s0 =	simm.s32 @!p1 $0x0  }
0x14: {  	s2 =	sld [smem:$0x3F9B];
	s0 =	simm.s32 @p1 $0x1  }
0x15: {  	[smem:$0x3FB8] =	sst s0;
	s0 =	simm.s32 @!p2 $0x0  }
0x16: {  	s3 =	sld [smem:$0x3FDB];
	s0 =	simm.s32 @p2 $0x1  }
0x17: {  	s4 =	simm.s32 $0x1BF5;
	[smem:$0x3FBA] =	sst s0  }
0x18: {  	s0 =	sld [smem:$0x3F9D];
	_ =	swait.ge [sflag:s4], $0x0  }
0x19: {  	s7 =	sld [smem:$0x3F9E]  }
0x1a: {  	s8 =	sadd.s32 $0xFFFFE003, lr  }
0x1b: {  	s9 =	sadd.s32 $0xFFFFFEF7, lr;
	s5 =	simm.s32 $0xFFFFFFFF;
	p2 =	slt.u32 s8, $0xFFFFF086  }
0x1c: {  	p1 =	slt.u32 s9, $0xF7A;
	s5 =	simm.s32 @!p2 $0x0  }
0x1d: {  	s5 =	simm.s32 @p1 $0x1;
	p0 =	seq.s32 s7, s2  }
0x1e: {  	s7 =	smul.u32 @!p0 $0xF7A, s2;
	p2 =	seq.s32 @!p0 s5, $0x0  }
0x1f: {  	s9 =	smul.u32 $0xF7A, s1;
	s8 =	simm.s32 @!p0 $0x1BF5;
	p2 =	por !p2, p0  }
0x20: {  	[sflag:s8] =	ssyncset.s32 @!p0 $0xFFFFF086;
	s6 =	sadd.s32 @!p0 s3, s7;
	s7 =	simm.s32 @!p0 $0x108  }
0x21: {  	s3 =	sadd.s32 s3, s9;
	s6 =	sadd.s32 @!p0 $0x88, s6;
	s7 =	simm.s32 @p2 $0x1082  }
0x22: {  	[simem:s7], [sflag:s8] =	dma.local @!p0 [hbm:s6], $0xF7A  }
0x23: {  	s9 =	sor.u32 $0xD0000000, s2;
	s6 =	simm.s32 $0x108;
	_ =	swait.ge @!p0 [sflag:s8], $0x0  }
0x24: {  	s3 =	sadd.s32 $0x88, s3;
	s6 =	simm.s32 @!p1 $0x1082;
	[sflag:s4] =	ssyncset.s32 $0xFFFFF086  }
0x25: {  	[simem:s6], [sflag:s4] =	dma.local [hbm:s3], $0xF7A  }
0x26: {  	[smem:$0x3F9E] =	sst s1;
	(tag) =	ssettag s2;
	_ =	strace s9  }
0x27: {  	s1 =	sld [smem:$0x3FAE]  }
0x28: {  	s2 =	sld [smem:$0x3FAF]  }
0x29: {  	s4 =	sld [smem:$0x3FB1]  }
0x2a: {  	p0 =	seq.s32 s5, $0x0;
	s5 =	sld [smem:$0x3FB2]  }
0x2b: {  	s6 =	sld [smem:$0x3FB3]  }
0x2c: {  	s7 =	sld [smem:$0x3FB4]  }
0x2d: {  	s3 =	simm.s32 $0x108;
	s8 =	sld [smem:$0x3FB5]  }
0x2e: {  	s3 =	simm.s32 @!p0 $0x1082;
	s9 =	sld [smem:$0x3FB6]  }
0x2f: {  	lr =	sadd.s32 s0, s3;
	s0 =	sld [smem:$0x3FAD]  }
0x30: {  	s3 =	sld [smem:$0x3FB0]  }
0x31: {  	[smem:$0x3FB9] =	sst s10  }
0x32: {  	s10 =	sld [smem:$0x3FB7];
	_ =	sdelay $0x3  }
0x33: {  	p0 =	seq.s32 s10, $0x1;
	s10 =	sld [smem:$0x3FB9];
	_ =	sdelay $0x3  }
0x34: {  	[smem:$0x3FB9] =	sst s10  }
0x35: {  	s10 =	sld [smem:$0x3FB8];
	_ =	sdelay $0x3  }
0x36: {  	p1 =	seq.s32 s10, $0x1;
	s10 =	sld [smem:$0x3FB9];
	_ =	sdelay $0x3  }
0x37: {  	[smem:$0x3FB9] =	sst s10  }
0x38: {  	s10 =	sld [smem:$0x3FBA]  }
0x39: {  	_ = 	snop;
	(pc) =	sbr.ind lr, $3  }
0x3a: {  	_ = 	snop  }
0x3b: {  	_ = 	snop  }
0x3c: {  	p2 =	seq.s32 s10, $0x1;
	s10 =	sld [smem:$0x3FB9]  }
0x3d: {  	_ =	shalt  }
0x3e: {  	_ =	shalt  }
0x3f: {  	_ =	shalt  }
0x40: {  	_ =	shalt  }
0x41: {  	_ =	shalt  }
0x42: {  	_ =	shalt  }
0x43: {  	_ =	shalt  }
0x44: {  	_ =	shalt  }
0x45: {  	_ =	shalt  }
0x46: {  	_ =	shalt  }
0x47: {  	_ =	shalt  }
0x48: {  	_ =	shalt  }
0x49: {  	_ =	shalt  }
0x4a: {  	_ =	shalt  }
0x4b: {  	_ =	shalt  }
0x4c: {  	_ =	shalt  }
0x4d: {  	_ =	shalt  }
0x4e: {  	_ =	shalt  }
0x4f: {  	_ =	shalt  }
0x50: {  	_ =	shalt  }
0x51: {  	_ =	shalt  }
0x52: {  	_ =	shalt  }
0x53: {  	_ =	shalt  }
0x54: {  	_ =	shalt  }
0x55: {  	_ =	shalt  }
0x56: {  	_ =	shalt  }
0x57: {  	_ =	shalt  }
0x58: {  	_ =	shalt  }
0x59: {  	_ =	shalt  }
0x5a: {  	_ =	shalt  }
0x5b: {  	_ =	shalt  }
0x5c: {  	_ =	shalt  }
0x5d: {  	_ =	shalt  }
0x5e: {  	_ =	shalt  }
0x5f: {  	_ =	shalt  }
0x60: {  	_ =	shalt  }
0x61: {  	_ =	shalt  }
0x62: {  	_ =	shalt  }
0x63: {  	_ =	shalt  }
0x64: {  	_ =	shalt  }
0x65: {  	_ =	shalt  }
0x66: {  	_ =	shalt  }
0x67: {  	_ =	shalt  }
0x68: {  	_ =	shalt  }
0x69: {  	_ =	shalt  }
0x6a: {  	_ =	shalt  }
0x6b: {  	_ =	shalt  }
0x6c: {  	_ =	shalt  }
0x6d: {  	_ =	shalt  }
0x6e: {  	_ =	shalt  }
0x6f: {  	_ =	shalt  }
0x70: {  	_ =	shalt  }
0x71: {  	_ =	shalt  }
0x72: {  	_ =	shalt  }
0x73: {  	_ =	shalt  }
0x74: {  	_ =	shalt  }
0x75: {  	_ =	shalt  }
0x76: {  	_ =	shalt  }
0x77: {  	_ =	shalt  }
0x78: {  	_ =	shalt  }
0x79: {  	_ =	shalt  }
0x7a: {  	_ =	shalt  }
0x7b: {  	_ =	shalt  }
0x7c: {  	_ =	shalt  }
0x7d: {  	_ =	shalt  }
0x7e: {  	_ =	shalt  }
0x7f: {  	_ =	shalt  }
0x80: {  	_ =	shalt  }
0x81: {  	_ =	shalt  }
0x82: {  	_ =	shalt  }
0x83: {  	_ =	shalt  }
0x84: {  	_ =	shalt  }
0x85: {  	_ =	shalt  }
0x86: {  	_ =	shalt  }
0x87: {  	_ =	shalt  }
.Lfunc_end0:
.L_simem_size_0:
called_computation_lowered:
.L_overlay_start_0:
0x88: {  	s0 =	sld [smem:$0x3FD9]  }
0x89: {  	s1 =	sld [smem:$0x3FFE];
	_ =	sdelay $0x3  }
0x8a: {  	s0 =	sadd.s32 s1, s0  }
0x8b: {  	[smem:$0x3FC5] =	sst s0  }
0x8c: {  	_ = 	snop  }
0x8d: {  	s0 =	sld [smem:$0x3FC9]  }
0x8e: {  	s16 =	sld [smem:$0x3FC8]  }
0x8f: {  	s2 =	sld [smem:$0x3FC7];
	(tm) =	ssettm $0x1  }
0x90: {  	s3 =	sld [smem:$0x3FFB];
	_ =	sdelay $0x3  }
0x91: {  	_ =	strace s3  }
0x92: {  	s3 =	sld [smem:$0x3FFC];
	_ =	sdelay $0x3  }
0x93: {  	_ =	strace s3  }
0x94: {  	s3 =	sld [smem:$0x3FFD];
	_ =	sdelay $0x3  }
0x95: {  	_ =	strace s3  }
0x96: {  	_ =	strace $0x8FFFFFFF  }
0x97: {  	s17 =	sld [smem:$0x3FDB];
	_ =	sdelay $0x1  }
0x98: {  	s4 =	simm.s32 $_scs_section_size  }
0x99: {  	s5 =	simm.s32 $_size__tile_overlayer_lowered;
	s6 =	simm.s32 $_tile_overlayer_lowered  }
0x9a: {  	s20 =	simm.s32 $0x1BFF;
	s19 =	sshll.u32 s6, $0x1;
	s3 =	sadd.s32 s4, s17  }
0x9b: {  	s7 =	simm.s32 $0x0;
	s18 =	sshll.u32 s5, $0x1;
	s5 =	sadd.s32 s19, s3  }
0x9c: {  	[timem:s7], [sflag:s20] =	dma.local [hbm:s5], s18  }
0x9d: {  	_ =	swait.ge [sflag:s20], s18  }
0x9e: {  	s4 =	ssub.s32 $0x0, s18;
	[sflag:s20] =	ssyncset.done $0x0  }
0x9f: {  	[sflag:s20] =	ssyncadd.s32 s4;
	_ =	sdelay $0x1  }
0xa0: {  	s21 =	simm.s32 $0x1B8B  }
0xa1: {  	_ =	swait.ge [sflag:s21], $0x1  }
0xa2: {  	[sflag:s21] =	ssyncset.done $0x0  }
0xa3: {  	s23 =	simm.s32 $0x1B8E;
	s22 =	sld [smem:$0x3FFE];
	[sflag:s21] =	ssyncadd.s32 $0xFFFFFFFF  }
0xa4: {  	s24 =	simm.s32 $execute0_lowered;
	[smem:$0x3FD2] =	sst s23  }
0xa5: {  	s5 =	sshll.u32 s24, $0x1;
	_ =	strace $0x80000046;
	[dreg:$0x1] =	wrdreg $0xFFFFFFFF  }
0xa6: {  	s25 =	simm.s32 $_size_execute0_lowered;
	s3 =	sadd.s32 s3, s5;
	[dreg:$0x0] =	wrdreg $0x0  }
0xa7: {  	s5 =	sshll.u32 s25, $0x1;
	[dreg:$0x2] =	wrdreg s3  }
0xa8: {  	[dreg:$0x3] =	wrdreg s5  }
0xa9: {  	[dreg:$0x4] =	wrdreg $0xC0  }
0xaa: {  	_ =	task [dreg:s7], $0x5FFFF  }
0xab: {  	[dreg:$0x1] =	wrdreg $0xFFFFFFFF  }
0xac: {  	[dreg:$0x0] =	wrdreg $0x60  }
0xad: {  	[dreg:$0x2] =	wrdreg s0  }
0xae: {  	[dreg:$0x3] =	wrdreg s16  }
0xaf: {  	[dreg:$0x4] =	wrdreg s2  }
0xb0: {  	[dreg:$0x5] =	wrdreg s22  }
0xb1: {  	[dreg:$0x6] =	wrdreg $0x9  }
0xb2: {  	_ =	task.clear_ibuf [dreg:s7], $0x7FFFF;
	_ =	strace $0x90000046  }
0xb3: {  	s26 =	simm.s32 $0x9;
	_ =	strace $0x80000048  }
0xb4: {  	_ =	swait.ge [sflag:s26], $0x1  }
0xb5: {  	[sflag:s26] =	ssyncadd.s32 $0xFFFFFFFF  }
0xb6: {  	_ =	strace $0x90000048  }
0xb7: {  	_ =	sfence  }
0xb8: {  	s28 =	sld [smem:$0x0];
	_ =	sdelay $0x1  }
0xb9: {  	s29 =	srdreg.scid  }
0xba: {  	s30 =	sshll.u32 s29, $0xD;
	s31 =	sshrl.u32 s29, $0x2  }
0xbb: {  	s1 =	sand.u32 $0x1, s29;
	s2 =	sand.u32 $0x4000, s30;
	s0 =	sadd.s32 s31, s28  }
0xbc: {  	s1 =	sor.u32 s2, s1;
	s0 =	sshll.u32 s0, $0x11  }
0xbd: {  	s0 =	sor.u32 s0, s1  }
0xbe: {  	s0 =	sadd.s32 $0x8F2B, s0  }
0xbf: {  	[sflag:s0] =	ssyncadd.remote.s32 $0x1  }
0xc0: {  	_ =	sfence.sel $0xFFFF  }
0xc1: {  	[dreg:$0x0] =	wrdreg $0xFFFFFFFF;
	(pc) =	sbr.abs _section_cstart, $3  }
0xc2: {  	[dreg:$0x1] =	wrdreg $0xFFFFFFFF  }
0xc3: {  	_ =	task.clear_ibuf [dreg:s7], $0x2FFFF;
	_ =	strace $0x9FFFFFFF  }
0xc4: {  	(tm) =	ssettm $0x7FFFFFFF  }
0xc5: {  	_ =	shalt  }
tec
execute0_lowered:
.L_overlay_start_1:
0x0: {  	(tag) =	ssettag $0x1  }
0x1: {  	s5 =	rddreg [dreg:$0x0]  }
0x2: {  	s4 =	rddreg [dreg:$0x1]  }
0x3: {  	s6 =	rddreg [dreg:$0x2]  }
0x4: {  	s3 =	rddreg [dreg:$0x3]  }
0x5: {  	s0 =	rddreg [dreg:$0x4];
	s2 =	simm.s32 $0x0  }
0x6: {  	s1 =	stileid.u32;
	[smem:$0x7FF] =	sst s2  }
0x7: {  	s8 =	simm.s32 $0x800;
	s7 =	sshll.u32 s1, $0x7;
	_ =	strace $0x80000047  }
0x8: {  	s4 =	sadd.s32 s4, s7;
	s24 =	sadd.s32 s6, s7;
	s6 =	sshll.u32 s1, $0xA  }
0x9: {  	[tilespmem:s8], [sflag:$0x1] =	stream.linear.gather [hbm4b:s4+s2], $0x400, $0x38;
	[tilespmem:$0x1080] =	vst v63  }
0xa: {  	v0 =	vmov s6;
	s26 =	sor.u32 $0x80, s6  }
0xb: {  	v7 =	vlaneseq.u32;
	s28 =	sor.u32 $0x90, s6;
	s29 =	sor.u32 $0xA0, s6;
	s30 =	sor.u32 $0xB0, s6;
	v0 =	vshll.u32 v0, $0x3;
	v3 =	vmov s26  }
0xc: {  	s31 =	sor.u32 $0xC0, s6;
	s8 =	sor.u32 $0xD0, s6;
	s9 =	sor.u32 $0xE0, s6;
	v4 =	vmov s28;
	v34 =	vmov s29;
	v35 =	vmov s30  }
0xd: {  	s10 =	sor.u32 $0xF0, s6;
	s11 =	sor.u32 $0x100, s6;
	s12 =	sor.u32 $0x110, s6;
	v5 =	vmov s31;
	v37 =	vmov s8;
	v38 =	vmov s9  }
0xe: {  	s13 =	sor.u32 $0x120, s6;
	s14 =	sor.u32 $0x130, s6;
	s15 =	sor.u32 $0x140, s6;
	v39 =	vmov s10;
	v41 =	vmov s11;
	v42 =	vmov s12  }
0xf: {  	s16 =	sor.u32 $0x150, s6;
	s18 =	sor.u32 $0x170, s6;
	s19 =	sor.u32 $0x180, s6;
	v43 =	vmov s13;
	v53 =	vmov s14;
	v59 =	vmov s15  }
0x10: {  	s20 =	sor.u32 $0x190, s6;
	s21 =	sor.u32 $0x1A0, s6;
	s22 =	sor.u32 $0x1B0, s6;
	v60 =	vmov s16;
	v9 =	vmov s18;
	v10 =	vmov s19  }
0x11: {  	s23 =	sor.u32 $0x1C0, s6;
	v13 =	vmov s20;
	v14 =	vmov s21;
	v15 =	vmov s22  }
0x12: {  	v18 =	vmov s23;
	v45 =	vbroadcast v0, $0x0;
	v3 =	vshll.u32 v3, $0x3  }
0x13: {  	v4 =	vshll.u32 v4, $0x3;
	v5 =	vshll.u32 v5, $0x3;
	v48 =	vshll.u32 v43, $0x3  }
0x14: {  	s26 =	sor.u32 $0x1F0, s6;
	s28 =	sor.u32 $0x200, s6;
	s29 =	sor.u32 $0x210, s6;
	v55 =	vshll.u32 v53, $0x3;
	v62 =	vshll.u32 v60, $0x3;
	v12 =	vshll.u32 v10, $0x3  }
0x15: {  	s30 =	sor.u32 $0x220, s6;
	s31 =	sor.u32 $0x230, s6;
	s11 =	sor.u32 $0x260, s6;
	v23 =	vmov s26;
	v24 =	vmov s28;
	v25 =	vmov s29  }
0x16: {  	s13 =	sor.u32 $0x280, s6;
	s16 =	sor.u32 $0x2B0, s6;
	v28 =	vmov s30;
	v30 =	vmov s31;
	v53 =	vmov s11  }
0x17: {  	s25 =	simm.s32 $0xC00;
	v60 =	vmov s13;
	v10 =	vmov s16;
	v57 =	vbroadcast v3, $0x0  }
0x18: {  	[tilespmem:s25], [sflag:$0x1] =	stream.linear.gather [hbm4b:s24+s2], $0x400, $0x38;
	v33 =	vand.u32 $0xFFFFE400, v4;
	v3 =	vshll.u32 v34, $0x3;
	v4 =	vshll.u32 v35, $0x3;
	[tilespmem:$0x1080] =	vst v63  }
0x19: {  	s24 =	sor.u32 $0x1D0, s6;
	v36 =	vand.u32 $0xFFFFE400, v5;
	v5 =	vshll.u32 v39, $0x3;
	v51 =	vand.u32 $0xFFFFE800, v48  }
0x1a: {  	s15 =	sor.u32 $0x2A0, s6;
	s25 =	sor.u32 $0x1E0, s6;
	v63 =	vand.u32 $0xFFFFE800, v62;
	v34 =	vbroadcast v12, $0x0;
	v19 =	vmov s24  }
0x1b: {  	v20 =	vmov s25;
	v62 =	vmov s15;
	v49 =	vbroadcast v33, $0x0  }
0x1c: {  	v3 =	vand.u32 $0xFFFFE400, v3;
	v4 =	vand.u32 $0xFFFFE400, v4;
	v54 =	vbroadcast v36, $0x0  }
0x1d: {  	v40 =	vand.u32 $0xFFFFE400, v5;
	v5 =	vshll.u32 v15, $0x3;
	v58 =	vbroadcast v3, $0x0  }
0x1e: {  	v52 =	vbroadcast v4, $0x0;
	v3 =	vshll.u32 v37, $0x3;
	v4 =	vshll.u32 v38, $0x3  }
0x1f: {  	v46 =	vbroadcast v40, $0x0;
	v38 =	vbroadcast v63, $0x0;
	v17 =	vand.u32 $0xFFFFEC00, v5  }
0x20: {  	v5 =	vshll.u32 v20, $0x3;
	v3 =	vand.u32 $0xFFFFE400, v3;
	v4 =	vand.u32 $0xFFFFE400, v4  }
0x21: {  	v31 =	vbroadcast v17, $0x0;
	v22 =	vand.u32 $0xFFFFEC00, v5;
	v5 =	vshll.u32 v25, $0x3  }
0x22: {  	s4 =	simm.s32 $0x1;
	v56 =	vbroadcast v3, $0x0;
	v50 =	vbroadcast v4, $0x0;
	v3 =	vshll.u32 v41, $0x3  }
0x23: {  	s10 =	sor.u32 $0x250, s6;
	_ =	swait.ge [sflag:s4], $0x400;
	v4 =	vshll.u32 v42, $0x3;
	v41 =	vbroadcast v51, $0x0;
	v27 =	vbroadcast v22, $0x0  }
0x24: {  	[sflag:s4] =	ssyncset.done $0x0;
	v26 =	vand.u32 $0xFFFFF000, v5;
	v51 =	vmov s10;
	v47 =	vbroadcast v3, $0x0  }
0x25: {  	s12 =	sor.u32 $0x270, s6;
	[sflag:s4] =	ssyncadd.s32 $0xFFFFFC00;
	v44 =	vand.u32 $0xFFFFE800, v4;
	v3 =	vand.u32 $0xFFFFE800, v55;
	v4 =	vshll.u32 v59, $0x3  }
0x26: {  	s9 =	sor.u32 $0x240, s6;
	_ =	swait.ge [sflag:s4], $0x400;
	v55 =	vmov s12;
	v43 =	vbroadcast v44, $0x0;
	v42 =	vbroadcast v3, $0x0  }
0x27: {  	[sflag:s4] =	ssyncset.done $0x0;
	v61 =	vand.u32 $0xFFFFE800, v4;
	v4 =	vshll.u32 v9, $0x3;
	v44 =	vmov s9  }
0x28: {  	s14 =	sor.u32 $0x290, s6;
	s19 =	sor.u32 $0x2E0, s6;
	[sflag:s4] =	ssyncadd.s32 $0xFFFFFC00;
	v40 =	vbroadcast v61, $0x0;
	v11 =	vand.u32 $0xFFFFE800, v4;
	v4 =	vshll.u32 v14, $0x3  }
0x29: {  	v1 =	vld [tilespmem:$0x800];
	v5 =	vshll.u32 v44, $0x3;
	v61 =	vmov s14;
	v44 =	vmov s19  }
0x2a: {  	v37 =	vbroadcast v11, $0x0;
	v16 =	vand.u32 $0xFFFFEC00, v4;
	v4 =	vshll.u32 v19, $0x3  }
0x2b: {  	v48 =	vand.u32 $0xFFFFF000, v5;
	v5 =	vshll.u32 v55, $0x3;
	v11 =	vshll.u32 v10, $0x3  }
0x2c: {  	v35 =	vbroadcast v16, $0x0;
	v21 =	vand.u32 $0xFFFFEC00, v4;
	v4 =	vshll.u32 v24, $0x3  }
0x2d: {  	v24 =	vbroadcast v26, $0x0;
	v25 =	vbroadcast v4, $0x0;
	v4 =	vshll.u32 v30, $0x3  }
0x2e: {  	v59 =	vand.u32 $0xFFFFF000, v5;
	v32 =	vshll.u32 v1, $0xE;
	v4 =	vand.u32 $0xFFFFF000, v4  }
0x2f: {  	v1 =	vshll.u32 v1, $0x7;
	v0 =	vand.u32 $0xFFFE0000, v32;
	v32 =	vbroadcast v21, $0x0  }
0x30: {  	s21 =	sor.u32 $0x300, s6;
	s28 =	sor.u32 $0x360, s6;
	v22 =	vbroadcast v4, $0x0;
	v21 =	vbroadcast v48, $0x0;
	v4 =	vshll.u32 v53, $0x3  }
0x31: {  	s17 =	sor.u32 $0x160, s6;
	v48 =	vshll.u32 v44, $0x3;
	v53 =	vmov s21;
	v44 =	vmov s28  }
0x32: {  	v2 =	vor.u32 v0, v45;
	v0 =	vmov s17;
	v4 =	vand.u32 $0xFFFFF000, v4  }
0x33: {  	s23 =	sor.u32 $0x320, s6;
	v1 =	vand.u32 $0x380, v1;
	s17 =	sor.u32 $0x2C0, s6;
	v8 =	vshll.u32 v0, $0x3;
	v20 =	vbroadcast v4, $0x0  }
0x34: {  	v4 =	vshll.u32 v61, $0x3;
	v12 =	vmov s17;
	v61 =	vmov s23  }
0x35: {  	v1 =	vor.u32 v1, v2;
	v2 =	vor.u32 $0x10, v7;
	v3 =	vand.u32 $0xFFFFE800, v8  }
0x36: {  	s24 =	sor.u32 $0x330, s6;
	v63 =	vand.u32 $0xFFFFF400, v4;
	v8 =	vshll.u32 v62, $0x3;
	v4 =	vshll.u32 v12, $0x3  }
0x37: {  	s18 =	sor.u32 $0x2D0, s6;
	v62 =	vmov s24;
	v39 =	vbroadcast v3, $0x0;
	v3 =	vshll.u32 v13, $0x3  }
0x38: {  	v17 =	vbroadcast v63, $0x0;
	v9 =	vand.u32 $0xFFFFF400, v8;
	v13 =	vmov s18  }
0x39: {  	v14 =	vand.u32 $0xFFFFF400, v4;
	v5 =	vshll.u32 v62, $0x3;
	v3 =	vand.u32 $0xFFFFEC00, v3  }
0x3a: {  	v15 =	vbroadcast v9, $0x0;
	v36 =	vbroadcast v3, $0x0;
	v3 =	vshll.u32 v18, $0x3  }
0x3b: {  	v14 =	vbroadcast v14, $0x0;
	v0 =	vand.u32 $0xFFFFF800, v5;
	v3 =	vand.u32 $0xFFFFEC00, v3  }
0x3c: {  	v18 =	vbroadcast v59, $0x0;
	v33 =	vbroadcast v3, $0x0;
	v3 =	vshll.u32 v23, $0x3  }
0x3d: {  	s29 =	sor.u32 $0x370, s6;
	v59 =	vshll.u32 v53, $0x3;
	v6 =	vbroadcast v0, $0x0;
	v3 =	vand.u32 $0xFFFFEC00, v3  }
0x3e: {  	v53 =	vmov s29;
	v29 =	vbroadcast v3, $0x0;
	v3 =	vshll.u32 v28, $0x3  }
0x3f: {  	s25 =	sor.u32 $0x340, s6;
	v10 =	vbroadcast v59, $0x0;
	v28 =	vshll.u32 v13, $0x3;
	v3 =	vand.u32 $0xFFFFF000, v3  }
0x40: {  	s20 =	sor.u32 $0x2F0, s6;
	v30 =	vand.u32 $0xFFFFF400, v28;
	v28 =	vmov s25;
	v26 =	vbroadcast v3, $0x0  }
0x41: {  	s26 =	sor.u32 $0x350, s6;
	v3 =	vshll.u32 v51, $0x3;
	v13 =	vbroadcast v30, $0x0;
	v51 =	vmov s20  }
0x42: {  	v30 =	vmov s26;
	v3 =	vand.u32 $0xFFFFF000, v3;
	v4 =	vshll.u32 v51, $0x3  }
0x43: {  	s22 =	sor.u32 $0x310, s6;
	v23 =	vbroadcast v3, $0x0;
	v3 =	vshll.u32 v60, $0x3;
	v55 =	vand.u32 $0xFFFFF400, v4  }
0x44: {  	v60 =	vmov s22;
	v4 =	vshll.u32 v61, $0x3;
	v19 =	vbroadcast v3, $0x0  }
0x45: {  	[tilespmem:$0x1FFE0] =	vst v6;
	v6 =	vld [tilespmem:$0x810];
	v3 =	vand.u32 $0xFFFFF400, v11;
	v11 =	vbroadcast v55, $0x0;
	v63 =	vand.u32 $0xFFFFF800, v4  }
0x46: {  	v4 =	vshll.u32 v30, $0x3;
	v16 =	vbroadcast v3, $0x0;
	v3 =	vand.u32 $0xFFFFF400, v48  }
0x47: {  	v48 =	vand.u32 $0xFFFFF800, v4;
	v12 =	vbroadcast v3, $0x0;
	v3 =	vshll.u32 v60, $0x3  }
0x48: {  	v30 =	vld [tilespmem:$0x820];
	v8 =	vbroadcast v63, $0x0;
	v4 =	vbroadcast v48, $0x0;
	v3 =	vand.u32 $0xFFFFF800, v3  }
0x49: {  	v9 =	vbroadcast v3, $0x0;
	v3 =	vshll.u32 v28, $0x3;
	v28 =	vshll.u32 v44, $0x3  }
0x4a: {  	v48 =	vld [tilespmem:$0x830];
	v44 =	vshll.u32 v6, $0xE;
	v6 =	vshll.u32 v6, $0x7;
	v3 =	vand.u32 $0xFFFFF800, v3  }
0x4b: {  	v28 =	vand.u32 $0xFFFFF800, v28;
	v44 =	vand.u32 $0xFFFE0000, v44;
	v6 =	vand.u32 $0x380, v6  }
0x4c: {  	v5 =	vbroadcast v3, $0x0;
	v51 =	vbroadcast v28, $0x0;
	v28 =	vshll.u32 v53, $0x3  }
0x4d: {  	v55 =	vor.u32 v6, v44;
	v44 =	vld [tilespmem:$0x840];
	v53 =	vshll.u32 v30, $0x7;
	v3 =	vor.u32 $0x20, v7  }
0x4e: {  	v6 =	vand.u32 $0xFFFFF800, v28;
	v28 =	vor.u32 v7, v1;
	v59 =	vor.u32 v45, v55  }
0x4f: {  	v61 =	vand.u32 $0x380, v53;
	v53 =	vld [tilespmem:$0x850];
	v62 =	vshll.u32 v48, $0xE;
	[tilespmem:$0x1FFF0] =	vst v51;
	v51 =	vshll.u32 v30, $0xE  }
0x50: {  	v48 =	vshll.u32 v48, $0x7;
	v30 =	vor.u32 v2, v59;
	v60 =	vand.u32 $0xFFFE0000, v51  }
0x51: {  	v48 =	vand.u32 $0x380, v48;
	v51 =	vand.u32 $0xFFFE0000, v62;
	v1 =	vor.u32 v61, v60;
	v60 =	vld [tilespmem:$0x860]  }
0x52: {  	v48 =	vor.u32 v48, v51;
	v51 =	vld [tilespmem:$0x870];
	v59 =	vor.u32 v45, v1;
	v63 =	vshll.u32 v44, $0xE  }
0x53: {  	v55 =	vor.u32 v45, v48;
	v44 =	vshll.u32 v44, $0x7;
	v0 =	vand.u32 $0xFFFE0000, v63  }
0x54: {  	v44 =	vand.u32 $0x380, v44;
	v61 =	vshll.u32 v53, $0xE;
	v53 =	vshll.u32 v53, $0x7  }
0x55: {  	v44 =	vor.u32 v44, v0;
	v1 =	vand.u32 $0xFFFE0000, v61;
	v53 =	vand.u32 $0x380, v53;
	v61 =	vld [tilespmem:$0x880]  }
0x56: {  	v44 =	vor.u32 v45, v44;
	v48 =	vor.u32 v53, v1;
	v0 =	vshll.u32 v60, $0xE  }
0x57: {  	v62 =	vld [tilespmem:$0x890];
	v48 =	vor.u32 v45, v48;
	v60 =	vshll.u32 v60, $0x7;
	v63 =	vshll.u32 v51, $0xE  }
0x58: {  	v51 =	vshll.u32 v51, $0x7;
	v53 =	vand.u32 $0xFFFE0000, v0;
	v60 =	vand.u32 $0x380, v60  }
0x59: {  	v53 =	vor.u32 v60, v53;
	v60 =	vand.u32 $0xFFFE0000, v63;
	v63 =	vand.u32 $0x380, v51  }
0x5a: {  	v0 =	vld [tilespmem:$0x8A0];
	v51 =	vor.u32 v45, v53;
	v53 =	vor.u32 v63, v60;
	v1 =	vshll.u32 v61, $0xE  }
0x5b: {  	v53 =	vor.u32 v45, v53;
	v45 =	vand.u32 $0xFFFE0000, v1;
	v1 =	vshll.u32 v61, $0x7  }
0x5c: {  	v61 =	vld [tilespmem:$0x8B0];
	v45 =	vor.u32 v45, v57;
	v57 =	vand.u32 $0x380, v1;
	v1 =	vshll.u32 v62, $0xE  }
0x5d: {  	v6 =	vbroadcast v6, $0x0;
	v57 =	vor.u32 v45, v57;
	v45 =	vand.u32 $0xFFFE0000, v1  }
0x5e: {  	v59 =	vor.u32 v3, v59;
	v1 =	vshll.u32 v62, $0x7;
	v62 =	vld [tilespmem:$0x8C0];
	v45 =	vadd.s32 v49, v45  }
0x5f: {  	v49 =	vand.u32 $0x380, v1;
	v1 =	vshll.u32 v0, $0xE;
	v0 =	vshll.u32 v0, $0x7  }
0x60: {  	v60 =	vld [tilespmem:$0x8D0];
	v45 =	vor.u32 v49, v45;
	v49 =	vand.u32 $0xFFFE0000, v1;
	v0 =	vand.u32 $0x380, v0  }
0x61: {  	v49 =	vadd.s32 v58, v49;
	v1 =	vshll.u32 v61, $0xE;
	v58 =	vshll.u32 v61, $0x7  }
0x62: {  	v61 =	vld [tilespmem:$0x8E0];
	v49 =	vor.u32 v0, v49;
	v0 =	vand.u32 $0xFFFE0000, v1;
	v63 =	vand.u32 $0x380, v58  }
0x63: {  	v0 =	vadd.s32 v52, v0;
	v1 =	vshll.u32 v62, $0xE;
	v58 =	vshll.u32 v62, $0x7  }
0x64: {  	v62 =	vld [tilespmem:$0x8F0];
	v52 =	vor.u32 v63, v0;
	v0 =	vand.u32 $0xFFFE0000, v1;
	v63 =	vand.u32 $0x380, v58  }
0x65: {  	v1 =	vshll.u32 v60, $0xE;
	v58 =	vshll.u32 v60, $0x7;
	v0 =	vadd.s32 v54, v0  }
0x66: {  	v60 =	vld [tilespmem:$0x900];
	v54 =	vor.u32 v63, v0;
	v0 =	vand.u32 $0xFFFE0000, v1;
	v63 =	vand.u32 $0x380, v58  }
0x67: {  	v1 =	vshll.u32 v61, $0xE;
	v58 =	vshll.u32 v61, $0x7;
	v0 =	vadd.s32 v56, v0  }
0x68: {  	v61 =	vld [tilespmem:$0x910];
	v58 =	vand.u32 $0x380, v58;
	v56 =	vor.u32 v63, v0;
	v0 =	vand.u32 $0xFFFE0000, v1  }
0x69: {  	v1 =	vshll.u32 v62, $0xE;
	v0 =	vadd.s32 v50, v0;
	v50 =	vshll.u32 v62, $0x7  }
0x6a: {  	v62 =	vld [tilespmem:$0x920];
	v58 =	vor.u32 v58, v0;
	v0 =	vand.u32 $0xFFFE0000, v1;
	v50 =	vand.u32 $0x380, v50  }
0x6b: {  	v1 =	vshll.u32 v60, $0xE;
	v0 =	vadd.s32 v46, v0;
	v46 =	vshll.u32 v60, $0x7  }
0x6c: {  	v60 =	vld [tilespmem:$0x930];
	v50 =	vor.u32 v50, v0;
	v0 =	vand.u32 $0xFFFE0000, v1;
	v46 =	vand.u32 $0x380, v46  }
0x6d: {  	v1 =	vshll.u32 v61, $0xE;
	v0 =	vor.u32 v0, v47;
	v47 =	vshll.u32 v61, $0x7  }
0x6e: {  	v61 =	vld [tilespmem:$0x940];
	v46 =	vor.u32 v0, v46;
	v0 =	vand.u32 $0xFFFE0000, v1;
	v63 =	vand.u32 $0x380, v47  }
0x6f: {  	v1 =	vshll.u32 v62, $0xE;
	v47 =	vshll.u32 v62, $0x7;
	v0 =	vadd.s32 v43, v0  }
0x70: {  	v62 =	vld [tilespmem:$0x950];
	v43 =	vor.u32 v63, v0;
	v0 =	vand.u32 $0xFFFE0000, v1;
	v63 =	vand.u32 $0x380, v47  }
0x71: {  	v1 =	vshll.u32 v60, $0xE;
	v47 =	vshll.u32 v60, $0x7;
	v0 =	vadd.s32 v41, v0  }
0x72: {  	v60 =	vld [tilespmem:$0x960];
	v41 =	vor.u32 v63, v0;
	v0 =	vand.u32 $0xFFFE0000, v1;
	v63 =	vand.u32 $0x380, v47  }
0x73: {  	v1 =	vshll.u32 v61, $0xE;
	v47 =	vshll.u32 v61, $0x7;
	v0 =	vadd.s32 v42, v0  }
0x74: {  	v61 =	vld [tilespmem:$0x970];
	v41 =	vor.u32 v3, v41;
	v42 =	vor.u32 v63, v0;
	v0 =	vand.u32 $0xFFFE0000, v1  }
0x75: {  	v63 =	vand.u32 $0x380, v47;
	v1 =	vshll.u32 v62, $0xE;
	v0 =	vadd.s32 v40, v0  }
0x76: {  	v47 =	vshll.u32 v62, $0x7;
	v62 =	vld [tilespmem:$0x980];
	v40 =	vor.u32 v63, v0;
	v0 =	vand.u32 $0xFFFE0000, v1  }
0x77: {  	v63 =	vand.u32 $0x380, v47;
	v1 =	vshll.u32 v60, $0xE;
	v0 =	vadd.s32 v38, v0  }
0x78: {  	v47 =	vshll.u32 v60, $0x7;
	v60 =	vld [tilespmem:$0x990];
	v38 =	vor.u32 v63, v0;
	v0 =	vand.u32 $0xFFFE0000, v1  }
0x79: {  	v63 =	vand.u32 $0x380, v47;
	v1 =	vshll.u32 v61, $0xE;
	v0 =	vadd.s32 v39, v0  }
0x7a: {  	v47 =	vshll.u32 v61, $0x7;
	v61 =	vld [tilespmem:$0x9A0];
	v39 =	vor.u32 v63, v0;
	v0 =	vand.u32 $0xFFFE0000, v1  }
0x7b: {  	v63 =	vand.u32 $0x380, v47;
	v1 =	vshll.u32 v62, $0xE;
	v0 =	vadd.s32 v37, v0  }
0x7c: {  	v47 =	vshll.u32 v62, $0x7;
	v37 =	vor.u32 v63, v0;
	v0 =	vand.u32 $0xFFFE0000, v1  }
0x7d: {  	v62 =	vld [tilespmem:$0x9B0];
	v63 =	vand.u32 $0x380, v47;
	v1 =	vshll.u32 v60, $0xE;
	v0 =	vor.u32 v0, v34  }
0x7e: {  	v47 =	vshll.u32 v60, $0x7;
	v60 =	vld [tilespmem:$0x9C0];
	v34 =	vor.u32 v0, v63;
	v0 =	vand.u32 $0xFFFE0000, v1  }
0x7f: {  	v63 =	vand.u32 $0x380, v47;
	v1 =	vshll.u32 v61, $0xE;
	v0 =	vadd.s32 v36, v0  }
0x80: {  	v47 =	vshll.u32 v61, $0x7;
	v36 =	vor.u32 v63, v0;
	v0 =	vand.u32 $0xFFFE0000, v1  }
0x81: {  	v61 =	vld [tilespmem:$0x9D0];
	v34 =	vor.u32 v7, v34;
	v63 =	vand.u32 $0x380, v47;
	v0 =	vadd.s32 v35, v0  }
0x82: {  	v1 =	vshll.u32 v62, $0xE;
	v47 =	vshll.u32 v62, $0x7;
	v35 =	vor.u32 v63, v0  }
0x83: {  	v62 =	vld [tilespmem:$0x9E0];
	v0 =	vand.u32 $0xFFFE0000, v1;
	v63 =	vand.u32 $0x380, v47;
	v1 =	vshll.u32 v60, $0xE  }
0x84: {  	v47 =	vshll.u32 v60, $0x7;
	v0 =	vadd.s32 v31, v0;
	v35 =	vor.u32 v3, v35  }
0x85: {  	v60 =	vld [tilespmem:$0x9F0];
	v31 =	vor.u32 v63, v0;
	v0 =	vand.u32 $0xFFFE0000, v1;
	v63 =	vand.u32 $0x380, v47  }
0x86: {  	v1 =	vshll.u32 v61, $0xE;
	v47 =	vshll.u32 v61, $0x7;
	v0 =	vadd.s32 v33, v0  }
0x87: {  	v61 =	vld [tilespmem:$0xA00];
	v33 =	vor.u32 v63, v0;
	v0 =	vand.u32 $0xFFFE0000, v1;
	v63 =	vand.u32 $0x380, v47  }
0x88: {  	v1 =	vshll.u32 v62, $0xE;
	v47 =	vshll.u32 v62, $0x7;
	v0 =	vadd.s32 v32, v0  }
0x89: {  	v62 =	vld [tilespmem:$0xA10];
	v32 =	vor.u32 v63, v0;
	v0 =	vand.u32 $0xFFFE0000, v1;
	v63 =	vand.u32 $0x380, v47  }
0x8a: {  	v1 =	vshll.u32 v60, $0xE;
	v47 =	vshll.u32 v60, $0x7;
	v0 =	vadd.s32 v27, v0  }
0x8b: {  	v60 =	vld [tilespmem:$0xA20];
	v27 =	vor.u32 v63, v0;
	v0 =	vand.u32 $0xFFFE0000, v1;
	v63 =	vand.u32 $0x380, v47  }
0x8c: {  	v1 =	vshll.u32 v61, $0xE;
	v47 =	vshll.u32 v61, $0x7;
	v0 =	vadd.s32 v29, v0  }
0x8d: {  	v61 =	vld [tilespmem:$0xA30];
	v29 =	vor.u32 v63, v0;
	v0 =	vand.u32 $0xFFFE0000, v1;
	v63 =	vand.u32 $0x380, v47  }
0x8e: {  	v1 =	vshll.u32 v62, $0xE;
	v47 =	vshll.u32 v62, $0x7;
	v0 =	vor.u32 v0, v25  }
0x8f: {  	v62 =	vld [tilespmem:$0xA40];
	v25 =	vor.u32 v0, v63;
	v0 =	vand.u32 $0xFFFE0000, v1;
	v63 =	vand.u32 $0x380, v47  }
0x90: {  	v1 =	vshll.u32 v60, $0xE;
	v47 =	vshll.u32 v60, $0x7;
	v0 =	vadd.s32 v24, v0  }
0x91: {  	v60 =	vld [tilespmem:$0xA50];
	v25 =	vor.u32 v7, v25;
	v24 =	vor.u32 v63, v0;
	v0 =	vand.u32 $0xFFFE0000, v1  }
0x92: {  	v63 =	vand.u32 $0x380, v47;
	v1 =	vshll.u32 v61, $0xE;
	v0 =	vadd.s32 v26, v0  }
0x93: {  	v47 =	vshll.u32 v61, $0x7;
	v61 =	vld [tilespmem:$0xA60];
	v26 =	vor.u32 v63, v0;
	v0 =	vand.u32 $0xFFFE0000, v1  }
0x94: {  	v63 =	vand.u32 $0x380, v47;
	v1 =	vshll.u32 v62, $0xE;
	v0 =	vadd.s32 v22, v0  }
0x95: {  	v47 =	vshll.u32 v62, $0x7;
	v62 =	vld [tilespmem:$0xA70];
	v22 =	vor.u32 v63, v0;
	v0 =	vand.u32 $0xFFFE0000, v1  }
0x96: {  	v63 =	vand.u32 $0x380, v47;
	v1 =	vshll.u32 v60, $0xE;
	v0 =	vadd.s32 v21, v0  }
0x97: {  	v47 =	vshll.u32 v60, $0x7;
	v60 =	vld [tilespmem:$0xA80];
	v21 =	vor.u32 v63, v0;
	v0 =	vand.u32 $0xFFFE0000, v1  }
0x98: {  	v63 =	vand.u32 $0x380, v47;
	v1 =	vshll.u32 v61, $0xE;
	v0 =	vadd.s32 v23, v0  }
0x99: {  	v47 =	vshll.u32 v61, $0x7;
	v23 =	vor.u32 v63, v0;
	v0 =	vand.u32 $0xFFFE0000, v1  }
0x9a: {  	v61 =	vld [tilespmem:$0xA90];
	v63 =	vand.u32 $0x380, v47;
	v1 =	vshll.u32 v62, $0xE;
	v0 =	vadd.s32 v20, v0  }
0x9b: {  	v47 =	vshll.u32 v62, $0x7;
	v62 =	vld [tilespmem:$0xAA0];
	v20 =	vor.u32 v63, v0;
	v0 =	vand.u32 $0xFFFE0000, v1  }
0x9c: {  	v63 =	vand.u32 $0x380, v47;
	v1 =	vshll.u32 v60, $0xE;
	v0 =	vadd.s32 v18, v0  }
0x9d: {  	v47 =	vshll.u32 v60, $0x7;
	v18 =	vor.u32 v63, v0;
	v0 =	vand.u32 $0xFFFE0000, v1  }
0x9e: {  	v24 =	vor.u32 v2, v24;
	v60 =	vld [tilespmem:$0xAB0];
	v63 =	vand.u32 $0x380, v47;
	v0 =	vor.u32 v0, v19  }
0x9f: {  	v1 =	vshll.u32 v61, $0xE;
	v47 =	vshll.u32 v61, $0x7;
	v19 =	vor.u32 v0, v63  }
0xa0: {  	v61 =	vld [tilespmem:$0xAC0];
	v0 =	vand.u32 $0xFFFE0000, v1;
	v63 =	vand.u32 $0x380, v47;
	v1 =	vshll.u32 v62, $0xE  }
0xa1: {  	v47 =	vshll.u32 v62, $0x7;
	v62 =	vld [tilespmem:$0xAD0];
	v0 =	vadd.s32 v17, v0;
	v19 =	vor.u32 v7, v19  }
0xa2: {  	v17 =	vor.u32 v63, v0;
	v0 =	vand.u32 $0xFFFE0000, v1;
	v63 =	vand.u32 $0x380, v47  }
0xa3: {  	v1 =	vshll.u32 v60, $0xE;
	v0 =	vadd.s32 v15, v0;
	v17 =	vor.u32 v2, v17  }
0xa4: {  	v15 =	vor.u32 v63, v0;
	v0 =	vand.u32 $0xFFFE0000, v1;
	v63 =	vshll.u32 v60, $0x7  }
0xa5: {  	v1 =	vshll.u32 v61, $0xE;
	v0 =	vadd.s32 v16, v0;
	v16 =	vand.u32 $0x380, v63  }
0xa6: {  	v60 =	vand.u32 $0xFFFE0000, v1;
	v1 =	vshll.u32 v62, $0xE;
	v16 =	vor.u32 v16, v0  }
0xa7: {  	v63 =	vld [tilespmem:$0xAE0];
	v0 =	vadd.s32 v14, v60;
	v14 =	vshll.u32 v61, $0x7;
	v60 =	vshll.u32 v62, $0x7  }
0xa8: {  	v61 =	vld [tilespmem:$0xAF0];
	v47 =	vand.u32 $0xFFFE0000, v1;
	v14 =	vand.u32 $0x380, v14;
	v1 =	vand.u32 $0x380, v60  }
0xa9: {  	v62 =	vor.u32 v14, v0;
	v0 =	vadd.s32 v13, v47;
	v13 =	vor.u32 $0x30, v7  }
0xaa: {  	v15 =	vor.u32 v3, v15;
	v60 =	vor.u32 v1, v0;
	v55 =	vor.u32 v13, v55  }
0xab: {  	v31 =	vor.u32 v13, v31;
	v22 =	vor.u32 v13, v22;
	v16 =	vor.u32 v13, v16  }
0xac: {  	v47 =	vld [tilespmem:$0xB00];
	v14 =	vshll.u32 v63, $0xE;
	v63 =	vshll.u32 v63, $0x7;
	[tilespmem:$0x30] =	vst v55;
	v55 =	vor.u32 v7, v57  }
0xad: {  	v0 =	vand.u32 $0xFFFE0000, v14;
	v63 =	vand.u32 $0x380, v63;
	v1 =	vshll.u32 v61, $0xE  }
0xae: {  	v61 =	vshll.u32 v61, $0x7;
	v14 =	vor.u32 $0x40, v7;
	v0 =	vadd.s32 v12, v0  }
0xaf: {  	[tilespmem:$0x80] =	vst v55;
	v61 =	vand.u32 $0x380, v61;
	v44 =	vor.u32 v14, v44;
	v55 =	vor.u32 v14, v54  }
0xb0: {  	[tilespmem:$0x0] =	vst v28;
	v40 =	vor.u32 v14, v40;
	v33 =	vor.u32 v14, v33;
	v21 =	vor.u32 v14, v21  }
0xb1: {  	[tilespmem:$0x10] =	vst v30;
	v63 =	vor.u32 v63, v0;
	v0 =	vand.u32 $0xFFFE0000, v1;
	v12 =	vshll.u32 v47, $0xE  }
0xb2: {  	[tilespmem:$0x40] =	vst v44;
	v44 =	vor.u32 v2, v45;
	v0 =	vadd.s32 v11, v0;
	v12 =	vand.u32 $0xFFFE0000, v12  }
0xb3: {  	[tilespmem:$0x20] =	vst v59;
	v1 =	vld [tilespmem:$0xB10];
	v11 =	vor.u32 $0x60, v7;
	v61 =	vor.u32 v61, v0;
	v0 =	vor.u32 v12, v10  }
0xb4: {  	[tilespmem:$0x120] =	vst v41;
	v12 =	vor.u32 $0x50, v7;
	v10 =	vshll.u32 v47, $0x7;
	v30 =	vor.u32 v11, v51  }
0xb5: {  	[tilespmem:$0x180] =	vst v34;
	v47 =	vld [tilespmem:$0xB20];
	v27 =	vor.u32 v11, v27;
	v20 =	vor.u32 v11, v20;
	v48 =	vor.u32 v12, v48  }
0xb6: {  	[tilespmem:$0x1A0] =	vst v35;
	v10 =	vand.u32 $0x380, v10;
	v56 =	vor.u32 v12, v56;
	v38 =	vor.u32 v12, v38  }
0xb7: {  	[tilespmem:$0x200] =	vst v25;
	v32 =	vor.u32 v12, v32;
	v28 =	vor.u32 v0, v10;
	v10 =	vor.u32 $0x70, v7  }
0xb8: {  	[tilespmem:$0x210] =	vst v24;
	v51 =	vor.u32 v10, v53;
	v59 =	vshll.u32 v1, $0xE;
	v1 =	vshll.u32 v1, $0x7  }
0xb9: {  	[tilespmem:$0xC0] =	vst v55;
	v0 =	vld [tilespmem:$0xB30];
	v55 =	vor.u32 v10, v50;
	v50 =	vor.u32 v13, v42;
	v37 =	vor.u32 v10, v37  }
0xba: {  	v25 =	vld [tilespmem:$0xBF0];
	[tilespmem:$0x280] =	vst v19;
	v53 =	vand.u32 $0xFFFE0000, v59;
	v1 =	vand.u32 $0x380, v1;
	v59 =	vshll.u32 v47, $0xE  }
0xbb: {  	[tilespmem:$0x60] =	vst v30;
	v9 =	vadd.s32 v9, v53;
	v57 =	vshll.u32 v47, $0x7;
	v53 =	vand.u32 $0xFFFE0000, v59  }
0xbc: {  	[tilespmem:$0x50] =	vst v48;
	v47 =	vld [tilespmem:$0xB40];
	v9 =	vor.u32 v1, v9;
	v59 =	vand.u32 $0x380, v57;
	v1 =	vadd.s32 v8, v53  }
0xbd: {  	s9 =	sor.u32 $0x3B0, s6;
	v29 =	vor.u32 v10, v29;
	v18 =	vor.u32 v10, v18;
	[tilespmem:$0x130] =	vst v50;
	v8 =	vor.u32 v59, v1;
	v59 =	vld [tilespmem:$0x1FFE0]  }
0xbe: {  	v30 =	vld [tilespmem:$0xB50];
	[tilespmem:$0x170] =	vst v37;
	v50 =	vmov s9;
	v37 =	vor.u32 v12, v23;
	v48 =	vshll.u32 v0, $0xE  }
0xbf: {  	[tilespmem:$0x250] =	vst v37;
	v37 =	vshll.u32 v25, $0x7;
	v57 =	vor.u32 v3, v49;
	v53 =	vand.u32 $0xFFFE0000, v48;
	v48 =	vld [tilespmem:$0xB60]  }
0xc0: {  	[tilespmem:$0x290] =	vst v17;
	v49 =	vor.u32 v2, v43;
	v0 =	vshll.u32 v0, $0x7;
	v9 =	vor.u32 v2, v9  }
0xc1: {  	[tilespmem:$0xA0] =	vst v57;
	v0 =	vand.u32 $0x380, v0;
	v57 =	vshll.u32 v47, $0xE;
	v47 =	vshll.u32 v47, $0x7  }
0xc2: {  	[tilespmem:$0x70] =	vst v51;
	v8 =	vor.u32 v3, v8;
	v51 =	vand.u32 $0x380, v47;
	v1 =	vadd.s32 v59, v53  }
0xc3: {  	[tilespmem:$0x2A0] =	vst v15;
	v45 =	vld [tilespmem:$0xB70];
	v53 =	vor.u32 v13, v52;
	v59 =	vor.u32 v11, v58;
	v52 =	vshll.u32 v30, $0xE  }
0xc4: {  	s8 =	sor.u32 $0x3A0, s6;
	[tilespmem:$0xD0] =	vst v56;
	v54 =	vshll.u32 v48, $0xE;
	v58 =	vor.u32 v7, v46;
	v30 =	vshll.u32 v30, $0x7  }
0xc5: {  	s30 =	sor.u32 $0x380, s6;
	v46 =	vmov s8;
	v0 =	vor.u32 v0, v1;
	[tilespmem:$0xB0] =	vst v53;
	v1 =	vand.u32 $0xFFFE0000, v57  }
0xc6: {  	s31 =	sor.u32 $0x390, s6;
	v53 =	vand.u32 $0xFFFE0000, v52;
	[tilespmem:$0xE0] =	vst v59;
	v56 =	vand.u32 $0xFFFE0000, v54;
	v59 =	vmov s30  }
0xc7: {  	[tilespmem:$0x100] =	vst v58;
	v30 =	vand.u32 $0x380, v30;
	v58 =	vmov s31;
	v34 =	vshll.u32 v46, $0x3  }
0xc8: {  	s11 =	sor.u32 $0x3D0, s6;
	[tilespmem:$0xF0] =	vst v55;
	v47 =	vld [tilespmem:$0xB90];
	v1 =	vadd.s32 v5, v1;
	v55 =	vshll.u32 v59, $0x3;
	v59 =	vshll.u32 v45, $0x7  }
0xc9: {  	s10 =	sor.u32 $0x3C0, s6;
	s12 =	sor.u32 $0x3E0, s6;
	s6 =	sor.u32 $0x3F0, s6;
	[tilespmem:$0x1B0] =	vst v31;
	v42 =	vshll.u32 v58, $0x3;
	v34 =	vand.u32 $0xFFFFFC00, v34;
	v58 =	vor.u32 v3, v26  }
0xca: {  	[tilespmem:$0x230] =	vst v22;
	v0 =	vor.u32 v13, v0;
	v26 =	vmov s6;
	v5 =	vor.u32 v51, v1  }
0xcb: {  	[tilespmem:$0x2B0] =	vst v16;
	v1 =	vadd.s32 v4, v53;
	v51 =	vshll.u32 v48, $0x7;
	v53 =	vshll.u32 v45, $0xE  }
0xcc: {  	[tilespmem:$0x110] =	vst v49;
	v57 =	vld [tilespmem:$0x1FFF0];
	v43 =	vand.u32 $0x380, v59;
	v48 =	vand.u32 $0xFFFFFC00, v42;
	v49 =	vbroadcast v34, $0x0  }
0xcd: {  	[tilespmem:$0x150] =	vst v38;
	v54 =	vld [tilespmem:$0xB80];
	v38 =	vshll.u32 v47, $0x7;
	v52 =	vand.u32 $0x380, v51;
	v4 =	vor.u32 v30, v1  }
0xce: {  	[tilespmem:$0x240] =	vst v21;
	v30 =	vand.u32 $0xFFFE0000, v53;
	v31 =	vbroadcast v48, $0x0;
	v21 =	vand.u32 $0x380, v38  }
0xcf: {  	[tilespmem:$0x140] =	vst v40;
	v48 =	vor.u32 v14, v62;
	v62 =	vmov s12;
	v5 =	vor.u32 v14, v5  }
0xd0: {  	[tilespmem:$0x1C0] =	vst v33;
	v38 =	vand.u32 $0x380, v37;
	v6 =	vadd.s32 v6, v30;
	v4 =	vor.u32 v12, v4  }
0xd1: {  	[tilespmem:$0x90] =	vst v44;
	v34 =	vld [tilespmem:$0xBA0];
	v44 =	vadd.s32 v57, v56;
	v56 =	vbroadcast v55, $0x0;
	v57 =	vor.u32 v11, v39  }
0xd2: {  	[tilespmem:$0x1E0] =	vst v27;
	v42 =	vld [tilespmem:$0xBB0];
	v6 =	vor.u32 v43, v6;
	v45 =	vshll.u32 v54, $0xE;
	v51 =	vshll.u32 v54, $0x7  }
0xd3: {  	[tilespmem:$0x260] =	vst v20;
	v55 =	vshll.u32 v47, $0xE;
	v39 =	vor.u32 v7, v28;
	v1 =	vor.u32 v52, v44  }
0xd4: {  	[tilespmem:$0x1D0] =	vst v32;
	v44 =	vor.u32 v2, v36;
	v36 =	vand.u32 $0xFFFE0000, v45;
	v52 =	vshll.u32 v50, $0x3  }
0xd5: {  	[tilespmem:$0x1F0] =	vst v29;
	v53 =	vand.u32 $0x380, v51;
	v6 =	vor.u32 v10, v6;
	v30 =	vor.u32 v36, v56  }
0xd6: {  	[tilespmem:$0x270] =	vst v18;
	v56 =	vmov s10;
	v36 =	vand.u32 $0xFFFFFC00, v52;
	v41 =	vshll.u32 v34, $0xE  }
0xd7: {  	[tilespmem:$0x220] =	vst v58;
	v47 =	vshll.u32 v34, $0x7;
	v51 =	vshll.u32 v42, $0xE;
	v58 =	vshll.u32 v42, $0x7  }
0xd8: {  	[tilespmem:$0x310] =	vst v9;
	v1 =	vor.u32 v11, v1;
	v34 =	vshll.u32 v25, $0xE;
	v54 =	vor.u32 v30, v53  }
0xd9: {  	[tilespmem:$0x160] =	vst v57;
	v30 =	vand.u32 $0xFFFE0000, v55;
	v57 =	vshll.u32 v56, $0x3;
	v43 =	vand.u32 $0xFFFE0000, v41  }
0xda: {  	[tilespmem:$0x190] =	vst v44;
	v45 =	vbroadcast v36, $0x0;
	v17 =	vand.u32 $0x380, v47;
	v52 =	vand.u32 $0xFFFE0000, v51  }
0xdb: {  	v44 =	vld [tilespmem:$0xBC0];
	v55 =	vmov s11;
	v56 =	vor.u32 v10, v61;
	[tilespmem:$0x360] =	vst v1;
	v1 =	vshll.u32 v26, $0x3  }
0xdc: {  	[tilespmem:$0x320] =	vst v8;
	v36 =	vand.u32 $0xFFFE0000, v34;
	v59 =	vadd.s32 v31, v30;
	v24 =	vand.u32 $0xFFFFFC00, v57  }
0xdd: {  	[tilespmem:$0x330] =	vst v0;
	v7 =	vor.u32 v7, v54;
	v18 =	vadd.s32 v49, v43;
	v49 =	vor.u32 v12, v60  }
0xde: {  	[tilespmem:$0x2C0] =	vst v48;
	v54 =	vor.u32 v11, v63;
	v1 =	vand.u32 $0xFFFFFC00, v1;
	v40 =	vor.u32 v21, v59  }
0xdf: {  	[tilespmem:$0x340] =	vst v5;
	v46 =	vbroadcast v24, $0x0;
	v50 =	vor.u32 v17, v18;
	v15 =	vadd.s32 v45, v52  }
0xe0: {  	[tilespmem:$0x350] =	vst v4;
	v17 =	vshll.u32 v55, $0x3;
	v18 =	vand.u32 $0x380, v58;
	v53 =	vshll.u32 v44, $0xE  }
0xe1: {  	[tilespmem:$0x300] =	vst v39;
	v57 =	vld [tilespmem:$0xBD0];
	v21 =	vshll.u32 v62, $0x3;
	v20 =	vshll.u32 v44, $0x7;
	v16 =	vand.u32 $0xFFFE0000, v53  }
0xe2: {  	[tilespmem:$0x370] =	vst v6;
	v1 =	vbroadcast v1, $0x0;
	v20 =	vand.u32 $0x380, v20;
	v16 =	vadd.s32 v46, v16  }
0xe3: {  	[tilespmem:$0x2F0] =	vst v56;
	v2 =	vor.u32 v2, v40;
	v3 =	vor.u32 v3, v50;
	v60 =	vor.u32 v20, v16;
	v20 =	vld [tilespmem:$0xBE0]  }
0xe4: {  	[tilespmem:$0x2D0] =	vst v49;
	v17 =	vand.u32 $0xFFFFFC00, v17;
	v59 =	vor.u32 v18, v15;
	v23 =	vand.u32 $0xFFFFFC00, v21  }
0xe5: {  	[tilespmem:$0x2E0] =	vst v54;
	v61 =	vbroadcast v17, $0x0;
	v63 =	vor.u32 v13, v59;
	v1 =	vadd.s32 v1, v36  }
0xe6: {  	[tilespmem:$0x380] =	vst v7;
	v4 =	vbroadcast v23, $0x0;
	v1 =	vor.u32 v38, v1;
	v18 =	vshll.u32 v57, $0xE  }
0xe7: {  	[tilespmem:$0x390] =	vst v2;
	v27 =	vshll.u32 v57, $0x7;
	v39 =	vor.u32 v10, v1;
	v22 =	vand.u32 $0xFFFE0000, v18  }
0xe8: {  	[tilespmem:$0x3A0] =	vst v3;
	v28 =	vand.u32 $0x380, v27;
	v17 =	vor.u32 v14, v60;
	v29 =	vshll.u32 v20, $0xE  }
0xe9: {  	[tilespmem:$0x3B0] =	vst v63;
	v24 =	vadd.s32 v61, v22;
	v33 =	vshll.u32 v20, $0x7;
	v31 =	vand.u32 $0xFFFE0000, v29  }
0xea: {  	[tilespmem:$0x3F0] =	vst v39;
	v5 =	vor.u32 v28, v24;
	v35 =	vand.u32 $0x380, v33;
	v32 =	vadd.s32 v4, v31  }
0xeb: {  	[tilespmem:$0x3C0] =	vst v17;
	v30 =	vor.u32 v12, v5;
	v0 =	vor.u32 v35, v32  }
0xec: {  	[tilespmem:$0x3D0] =	vst v30;
	v0 =	vor.u32 v11, v0  }
0xed: {  	s13 =	simm.s32 $0x80;
	s14 =	simm.s32 $0x400;
	[tilespmem:$0x3E0] =	vst v0  }
0xee: {  	[tilespmem:s14], [sflag:$0x1] =	stream.indirect.gather [hbm4b:s5+s13], $0x1, s2, s13, $0xb8;
	[tilespmem:$0x1080] =	vst v63  }
0xef: {  	s15 =	simm.s32 $0x480  }
0xf0: {  	[tilespmem:s15], [sflag:$0x1] =	stream.indirect.gather [hbm4b:s5+s13], $0x1, s13, s13, $0xb8;
	[tilespmem:$0x1080] =	vst v63  }
0xf1: {  	s16 =	simm.s32 $0x100;
	s17 =	simm.s32 $0x500  }
0xf2: {  	[tilespmem:s17], [sflag:$0x1] =	stream.indirect.gather [hbm4b:s5+s13], $0x1, s16, s13, $0xb8;
	[tilespmem:$0x1080] =	vst v63  }
0xf3: {  	s19 =	simm.s32 $0x580;
	s18 =	simm.s32 $0x180  }
0xf4: {  	[tilespmem:s19], [sflag:$0x1] =	stream.indirect.gather [hbm4b:s5+s13], $0x1, s18, s13, $0xb8;
	[tilespmem:$0x1080] =	vst v63  }
0xf5: {  	s21 =	simm.s32 $0x600;
	s20 =	simm.s32 $0x200  }
0xf6: {  	[tilespmem:s21], [sflag:$0x1] =	stream.indirect.gather [hbm4b:s5+s13], $0x1, s20, s13, $0xb8;
	[tilespmem:$0x1080] =	vst v63  }
0xf7: {  	s23 =	simm.s32 $0x680;
	s22 =	simm.s32 $0x280  }
0xf8: {  	[tilespmem:s23], [sflag:$0x1] =	stream.indirect.gather [hbm4b:s5+s13], $0x1, s22, s13, $0xb8;
	[tilespmem:$0x1080] =	vst v63  }
0xf9: {  	s24 =	simm.s32 $0x300;
	s25 =	simm.s32 $0x700  }
0xfa: {  	[tilespmem:s25], [sflag:$0x1] =	stream.indirect.gather [hbm4b:s5+s13], $0x1, s24, s13, $0xb8;
	[tilespmem:$0x1080] =	vst v63  }
0xfb: {  	s28 =	simm.s32 $0x780;
	s26 =	simm.s32 $0x380  }
0xfc: {  	[tilespmem:s28], [sflag:$0x1] =	stream.indirect.gather [hbm4b:s5+s13], $0x1, s26, s13, $0xb8;
	[tilespmem:$0x1080] =	vst v63  }
0xfd: {  	_ =	swait.ge [sflag:s4], $0x80  }
0xfe: {  	[sflag:s4] =	ssyncset.done $0x0  }
0xff: {  	[sflag:s4] =	ssyncadd.s32 $0xFFFFFF80  }
0x100: {  	_ =	swait.ge [sflag:s4], $0x80  }
0x101: {  	[sflag:s4] =	ssyncset.done $0x0  }
0x102: {  	[sflag:s4] =	ssyncadd.s32 $0xFFFFFF80  }
0x103: {  	_ =	swait.ge [sflag:s4], $0x80  }
0x104: {  	[sflag:s4] =	ssyncset.done $0x0  }
0x105: {  	[sflag:s4] =	ssyncadd.s32 $0xFFFFFF80  }
0x106: {  	_ =	swait.ge [sflag:s4], $0x80  }
0x107: {  	[sflag:s4] =	ssyncset.done $0x0  }
0x108: {  	[sflag:s4] =	ssyncadd.s32 $0xFFFFFF80  }
0x109: {  	_ =	swait.ge [sflag:s4], $0x80  }
0x10a: {  	[sflag:s4] =	ssyncset.done $0x0  }
0x10b: {  	[sflag:s4] =	ssyncadd.s32 $0xFFFFFF80  }
0x10c: {  	_ =	swait.ge [sflag:s4], $0x80  }
0x10d: {  	[sflag:s4] =	ssyncset.done $0x0  }
0x10e: {  	[sflag:s4] =	ssyncadd.s32 $0xFFFFFF80  }
0x10f: {  	_ =	swait.ge [sflag:s4], $0x80  }
0x110: {  	[sflag:s4] =	ssyncset.done $0x0  }
0x111: {  	[sflag:s4] =	ssyncadd.s32 $0xFFFFFF80  }
0x112: {  	_ =	swait.ge [sflag:s4], $0x80  }
0x113: {  	[sflag:s4] =	ssyncset.done $0x0  }
0x114: {  	[sflag:s4] =	ssyncadd.s32 $0xFFFFFF80  }
0x115: {  	v40 =	vld [tilespmem:$0x400]  }
0x116: {  	v41 =	vld [tilespmem:$0xC00]  }
0x117: {  	v42 =	vld [tilespmem:$0x410]  }
0x118: {  	v43 =	vld [tilespmem:$0xC10]  }
0x119: {  	v44 =	vld [tilespmem:$0x420]  }
0x11a: {  	v45 =	vld [tilespmem:$0xC20]  }
0x11b: {  	v46 =	vld [tilespmem:$0x430];
	v0 =	vmul.f32 v41, v40  }
0x11c: {  	v47 =	vld [tilespmem:$0xC30]  }
0x11d: {  	v48 =	vld [tilespmem:$0x440];
	v2 =	vmul.f32 v43, v42;
	v0 =	vadd.f32 $0.0e+00, v0  }
0x11e: {  	v49 =	vld [tilespmem:$0xC40]  }
0x11f: {  	v51 =	vld [tilespmem:$0x450];
	v50 =	vmul.f32 v45, v44;
	v0 =	vadd.f32 v2, v0  }
0x120: {  	v52 =	vld [tilespmem:$0xC50]  }
0x121: {  	v53 =	vld [tilespmem:$0x460];
	v1 =	vmul.f32 v47, v46;
	v0 =	vadd.f32 v50, v0  }
0x122: {  	v54 =	vld [tilespmem:$0xC60]  }
0x123: {  	v56 =	vld [tilespmem:$0x470];
	v55 =	vmul.f32 v49, v48;
	v0 =	vadd.f32 v1, v0  }
0x124: {  	v57 =	vld [tilespmem:$0xC70]  }
0x125: {  	v59 =	vld [tilespmem:$0x480];
	v58 =	vmul.f32 v52, v51;
	v0 =	vadd.f32 v55, v0  }
0x126: {  	v60 =	vld [tilespmem:$0xC80]  }
0x127: {  	v62 =	vld [tilespmem:$0x490];
	v61 =	vmul.f32 v54, v53;
	v0 =	vadd.f32 v58, v0  }
0x128: {  	v63 =	vld [tilespmem:$0xC90]  }
0x129: {  	v10 =	vld [tilespmem:$0x4A0];
	v9 =	vmul.f32 v57, v56;
	v0 =	vadd.f32 v61, v0  }
0x12a: {  	v11 =	vld [tilespmem:$0xCA0]  }
0x12b: {  	v13 =	vld [tilespmem:$0x4B0];
	v12 =	vmul.f32 v60, v59;
	v0 =	vadd.f32 v9, v0  }
0x12c: {  	v14 =	vld [tilespmem:$0xCB0]  }
0x12d: {  	v16 =	vld [tilespmem:$0x4C0];
	v15 =	vmul.f32 v63, v62;
	v0 =	vadd.f32 v12, v0  }
0x12e: {  	v17 =	vld [tilespmem:$0xCC0]  }
0x12f: {  	v19 =	vld [tilespmem:$0x4D0];
	v18 =	vmul.f32 v11, v10;
	v0 =	vadd.f32 v15, v0  }
0x130: {  	v20 =	vld [tilespmem:$0xCD0]  }
0x131: {  	v22 =	vld [tilespmem:$0x4E0];
	v21 =	vmul.f32 v14, v13;
	v0 =	vadd.f32 v18, v0  }
0x132: {  	v23 =	vld [tilespmem:$0xCE0]  }
0x133: {  	v25 =	vld [tilespmem:$0x4F0];
	v24 =	vmul.f32 v17, v16;
	v0 =	vadd.f32 v21, v0  }
0x134: {  	v26 =	vld [tilespmem:$0xCF0]  }
0x135: {  	v28 =	vld [tilespmem:$0x500];
	v27 =	vmul.f32 v20, v19;
	v0 =	vadd.f32 v24, v0  }
0x136: {  	v29 =	vld [tilespmem:$0xD00]  }
0x137: {  	v31 =	vld [tilespmem:$0x510];
	v30 =	vmul.f32 v23, v22;
	v0 =	vadd.f32 v27, v0  }
0x138: {  	v32 =	vld [tilespmem:$0xD10]  }
0x139: {  	v34 =	vld [tilespmem:$0x520];
	v33 =	vmul.f32 v26, v25;
	v0 =	vadd.f32 v30, v0  }
0x13a: {  	v35 =	vld [tilespmem:$0xD20]  }
0x13b: {  	v37 =	vld [tilespmem:$0x530];
	v36 =	vmul.f32 v29, v28;
	v0 =	vadd.f32 v33, v0  }
0x13c: {  	v38 =	vld [tilespmem:$0xD30]  }
0x13d: {  	v39 =	vmul.f32 v32, v31;
	v40 =	vld [tilespmem:$0x540];
	v0 =	vadd.f32 v36, v0  }
0x13e: {  	v41 =	vld [tilespmem:$0xD40]  }
0x13f: {  	v42 =	vmul.f32 v35, v34;
	v43 =	vld [tilespmem:$0x550];
	v0 =	vadd.f32 v39, v0  }
0x140: {  	v44 =	vld [tilespmem:$0xD50]  }
0x141: {  	v45 =	vmul.f32 v38, v37;
	v46 =	vld [tilespmem:$0x560];
	v0 =	vadd.f32 v42, v0  }
0x142: {  	v47 =	vld [tilespmem:$0xD60]  }
0x143: {  	v49 =	vld [tilespmem:$0x570];
	v48 =	vmul.f32 v41, v40;
	v0 =	vadd.f32 v45, v0  }
0x144: {  	v50 =	vld [tilespmem:$0xD70]  }
0x145: {  	v52 =	vld [tilespmem:$0x580];
	v51 =	vmul.f32 v44, v43;
	v0 =	vadd.f32 v48, v0  }
0x146: {  	v53 =	vld [tilespmem:$0xD80]  }
0x147: {  	v56 =	vld [tilespmem:$0xD90];
	v54 =	vmul.f32 v47, v46;
	v0 =	vadd.f32 v51, v0  }
0x148: {  	v55 =	vld [tilespmem:$0x590]  }
0x149: {  	v59 =	vld [tilespmem:$0xDA0];
	v57 =	vmul.f32 v50, v49;
	v0 =	vadd.f32 v54, v0  }
0x14a: {  	v58 =	vld [tilespmem:$0x5A0]  }
0x14b: {  	v62 =	vld [tilespmem:$0xDB0];
	v60 =	vmul.f32 v53, v52;
	v0 =	vadd.f32 v57, v0  }
0x14c: {  	v61 =	vld [tilespmem:$0x5B0]  }
0x14d: {  	v10 =	vld [tilespmem:$0xDC0];
	v63 =	vmul.f32 v56, v55;
	v0 =	vadd.f32 v60, v0  }
0x14e: {  	v9 =	vld [tilespmem:$0x5C0]  }
0x14f: {  	v13 =	vld [tilespmem:$0xDD0];
	v11 =	vmul.f32 v59, v58;
	v0 =	vadd.f32 v63, v0  }
0x150: {  	v12 =	vld [tilespmem:$0x5D0]  }
0x151: {  	v16 =	vld [tilespmem:$0xDE0];
	v14 =	vmul.f32 v62, v61;
	v0 =	vadd.f32 v11, v0  }
0x152: {  	v15 =	vld [tilespmem:$0x5E0]  }
0x153: {  	v19 =	vld [tilespmem:$0xDF0];
	v17 =	vmul.f32 v10, v9;
	v0 =	vadd.f32 v14, v0  }
0x154: {  	v18 =	vld [tilespmem:$0x5F0]  }
0x155: {  	v22 =	vld [tilespmem:$0xE00];
	v20 =	vmul.f32 v13, v12;
	v0 =	vadd.f32 v17, v0  }
0x156: {  	v21 =	vld [tilespmem:$0x600]  }
0x157: {  	v25 =	vld [tilespmem:$0xE10];
	v23 =	vmul.f32 v16, v15;
	v0 =	vadd.f32 v20, v0  }
0x158: {  	v24 =	vld [tilespmem:$0x610]  }
0x159: {  	v28 =	vld [tilespmem:$0xE20];
	v26 =	vmul.f32 v19, v18;
	v0 =	vadd.f32 v23, v0  }
0x15a: {  	v27 =	vld [tilespmem:$0x620]  }
0x15b: {  	v31 =	vld [tilespmem:$0xE30];
	v29 =	vmul.f32 v22, v21;
	v0 =	vadd.f32 v26, v0  }
0x15c: {  	v30 =	vld [tilespmem:$0x630]  }
0x15d: {  	v34 =	vld [tilespmem:$0xE40];
	v32 =	vmul.f32 v25, v24;
	v0 =	vadd.f32 v29, v0  }
0x15e: {  	v33 =	vld [tilespmem:$0x640]  }
0x15f: {  	v37 =	vld [tilespmem:$0xE50];
	v35 =	vmul.f32 v28, v27;
	v0 =	vadd.f32 v32, v0  }
0x160: {  	v36 =	vld [tilespmem:$0x650]  }
0x161: {  	v40 =	vld [tilespmem:$0xE60];
	v38 =	vmul.f32 v31, v30;
	v0 =	vadd.f32 v35, v0  }
0x162: {  	v39 =	vld [tilespmem:$0x660]  }
0x163: {  	v43 =	vld [tilespmem:$0xE70];
	v41 =	vmul.f32 v34, v33;
	v0 =	vadd.f32 v38, v0  }
0x164: {  	v42 =	vld [tilespmem:$0x670]  }
0x165: {  	v46 =	vld [tilespmem:$0xE80];
	v44 =	vmul.f32 v37, v36;
	v0 =	vadd.f32 v41, v0  }
0x166: {  	v45 =	vld [tilespmem:$0x680]  }
0x167: {  	v49 =	vld [tilespmem:$0xE90];
	v47 =	vmul.f32 v40, v39;
	v0 =	vadd.f32 v44, v0  }
0x168: {  	v48 =	vld [tilespmem:$0x690]  }
0x169: {  	v52 =	vld [tilespmem:$0xEA0];
	v50 =	vmul.f32 v43, v42;
	v0 =	vadd.f32 v47, v0  }
0x16a: {  	v51 =	vld [tilespmem:$0x6A0]  }
0x16b: {  	v55 =	vld [tilespmem:$0xEB0];
	v53 =	vmul.f32 v46, v45;
	v0 =	vadd.f32 v50, v0  }
0x16c: {  	v54 =	vld [tilespmem:$0x6B0]  }
0x16d: {  	v58 =	vld [tilespmem:$0xEC0];
	v56 =	vmul.f32 v49, v48;
	v0 =	vadd.f32 v53, v0  }
0x16e: {  	v57 =	vld [tilespmem:$0x6C0]  }
0x16f: {  	v61 =	vld [tilespmem:$0xED0];
	v59 =	vmul.f32 v52, v51;
	v0 =	vadd.f32 v56, v0  }
0x170: {  	v60 =	vld [tilespmem:$0x6D0]  }
0x171: {  	v9 =	vld [tilespmem:$0xEE0];
	v62 =	vmul.f32 v55, v54;
	v0 =	vadd.f32 v59, v0  }
0x172: {  	v63 =	vld [tilespmem:$0x6E0]  }
0x173: {  	v12 =	vld [tilespmem:$0xEF0];
	v10 =	vmul.f32 v58, v57;
	v0 =	vadd.f32 v62, v0  }
0x174: {  	v11 =	vld [tilespmem:$0x6F0]  }
0x175: {  	v15 =	vld [tilespmem:$0xF00];
	v13 =	vmul.f32 v61, v60;
	v0 =	vadd.f32 v10, v0  }
0x176: {  	v14 =	vld [tilespmem:$0x700]  }
0x177: {  	v18 =	vld [tilespmem:$0xF10];
	v16 =	vmul.f32 v9, v63;
	v0 =	vadd.f32 v13, v0  }
0x178: {  	v17 =	vld [tilespmem:$0x710]  }
0x179: {  	v21 =	vld [tilespmem:$0xF20];
	v19 =	vmul.f32 v12, v11;
	v0 =	vadd.f32 v16, v0  }
0x17a: {  	v20 =	vld [tilespmem:$0x720]  }
0x17b: {  	v24 =	vld [tilespmem:$0xF30];
	v22 =	vmul.f32 v15, v14;
	v0 =	vadd.f32 v19, v0  }
0x17c: {  	v23 =	vld [tilespmem:$0x730]  }
0x17d: {  	v27 =	vld [tilespmem:$0xF40];
	v25 =	vmul.f32 v18, v17;
	v0 =	vadd.f32 v22, v0  }
0x17e: {  	v26 =	vld [tilespmem:$0x740]  }
0x17f: {  	v30 =	vld [tilespmem:$0xF50];
	v28 =	vmul.f32 v21, v20;
	v0 =	vadd.f32 v25, v0  }
0x180: {  	v29 =	vld [tilespmem:$0x750]  }
0x181: {  	v33 =	vld [tilespmem:$0xF60];
	v31 =	vmul.f32 v24, v23;
	v0 =	vadd.f32 v28, v0  }
0x182: {  	v32 =	vld [tilespmem:$0x760]  }
0x183: {  	v36 =	vld [tilespmem:$0xF70];
	v34 =	vmul.f32 v27, v26;
	v0 =	vadd.f32 v31, v0  }
0x184: {  	v35 =	vld [tilespmem:$0x770]  }
0x185: {  	v39 =	vld [tilespmem:$0xF80];
	v37 =	vmul.f32 v30, v29;
	v0 =	vadd.f32 v34, v0  }
0x186: {  	v38 =	vld [tilespmem:$0x780]  }
0x187: {  	v42 =	vld [tilespmem:$0xF90];
	v40 =	vmul.f32 v33, v32;
	v0 =	vadd.f32 v37, v0  }
0x188: {  	v41 =	vld [tilespmem:$0x790]  }
0x189: {  	v45 =	vld [tilespmem:$0xFA0];
	v43 =	vmul.f32 v36, v35;
	v0 =	vadd.f32 v40, v0  }
0x18a: {  	v44 =	vld [tilespmem:$0x7A0]  }
0x18b: {  	v48 =	vld [tilespmem:$0xFB0];
	v46 =	vmul.f32 v39, v38;
	v0 =	vadd.f32 v43, v0  }
0x18c: {  	v47 =	vld [tilespmem:$0x7B0]  }
0x18d: {  	v51 =	vld [tilespmem:$0xFC0];
	v49 =	vmul.f32 v42, v41;
	v0 =	vadd.f32 v46, v0  }
0x18e: {  	v50 =	vld [tilespmem:$0x7C0]  }
0x18f: {  	v54 =	vld [tilespmem:$0xFD0];
	v52 =	vmul.f32 v45, v44;
	v0 =	vadd.f32 v49, v0  }
0x190: {  	v53 =	vld [tilespmem:$0x7D0]  }
0x191: {  	v57 =	vld [tilespmem:$0xFE0];
	v55 =	vmul.f32 v48, v47;
	v0 =	vadd.f32 v52, v0  }
0x192: {  	v56 =	vld [tilespmem:$0x7E0]  }
0x193: {  	v60 =	vld [tilespmem:$0xFF0];
	v58 =	vmul.f32 v51, v50;
	v0 =	vadd.f32 v55, v0  }
0x194: {  	v59 =	vld [tilespmem:$0x7F0]  }
0x195: {  	v61 =	vmul.f32 v54, v53;
	v0 =	vadd.f32 v58, v0;
	_ =	sdelay $0x1  }
0x196: {  	v62 =	vmul.f32 v57, v56;
	v0 =	vadd.f32 v61, v0;
	_ =	sdelay $0x1  }
0x197: {  	v63 =	vmul.f32 v60, v59;
	v0 =	vadd.f32 v62, v0;
	_ =	sdelay $0x1  }
0x198: {  	s29 =	sshll.u32 s1, $0x4;
	v0 =	vadd.f32 v63, v0  }
0x199: {  	s3 =	sadd.s32 s29, s3  }
0x19a: {  	s3 =	sadd.s32 $0x600, s3;
	s30 =	simm.s32 $0x1000;
	s31 =	simm.s32 $0x2;
	[tilespmem:$0x1000] =	vst v0  }
0x19b: {  	[hbm4b:s3+s2] =	stream.linear.scatter [tilespmem:s30], [sflag:$0x2], $0x80, $0x38;
	[tilespmem:$0x1080] =	vst v63  }
0x19c: {  	_ =	swait.ge [sflag:s31], $0x80  }
0x19d: {  	[sflag:s31] =	ssyncset.done $0x0  }
0x19e: {  	[sflag:s31] =	ssyncadd.s32 $0xFFFFFF80  }
0x19f: {  	_ =	sfence.sel $0x180000  }
0x1a0: {  	[bflag:$0x0] =	sbarrier.arrive $0xFFFF  }
0x1a1: {  	p0 =	sne.s32 s1, $0x0;
	_ =	strace $0x90000047  }
0x1a2: {  	s0 =	sadd.s32 @!p0 $0x100000, s0;
	[bflag:$0x2] =	sbarrier.arrive $0xFFFF  }
0x1a3: {  	[sflag:s0] =	ssyncadd.tile.s32 @!p0 $0x1;
	_ =	shalt  }
.Lfunc_end2:
_tile_overlayer_lowered:
.L_overlay_start_2:
0x1a4: {  	(tag) =	ssettag $0x2  }
0x1a5: {  	s0 =	rddreg [dreg:$0x0];
	s2 =	stileid.u32  }
0x1a6: {  	s1 =	rddreg [dreg:$0x1];
	p0 =	sne.s32 s2, $0x0  }
0x1a7: {  	s3 =	rddreg [dreg:$0x2];
	[bflag:$0x3] =	sbarrier.arrive $0xFFFF;
	s2 =	simm.s32 @!p0 $0x1C02  }
0x1a8: {  	[timem:s3], [sflag:s2] =	dma.local @!p0 [hbm:s0], s1  }
0x1a9: {  	s0 =	simm.s32 @!p0 $0x2  }
0x1aa: {  	_ =	swait.ge @!p0 [sflag:s0], s1  }
0x1ab: {  	s1 =	ssub.s32 @!p0 $0x0, s1;
	[sflag:s0] =	ssyncset.done @!p0 $0x0  }
0x1ac: {  	[sflag:s0] =	ssyncadd.s32 @!p0 s1  }
0x1ad: {  	[bflag:$0x3] =	sbarrier.arrive $0xFFFF  }
0x1ae: {  	_ =	shalt  }

</sc_bundles>
